<compile_context>
chip_gen: v7x
topology: tpu7x:2x2x1
jax: 0.10.2.dev20260603
libtpu: 0.0.44.dev20260713+nightly
codegen_flags: <defaults>
</compile_context>

<pallas_src>
import functools
import jax
import jax.numpy as jnp
from jax import lax
from jax.experimental import pallas as pl
from jax.experimental.pallas import tpu as pltpu
from jax.experimental.pallas import tpu_sc as plsc

_N = 20000
_K = 300
_OSZ = 384
_CH = 2000
_NCH = _N // _CH
_TH = 0.7
_L = 16
_BIG = 2 ** 30


def _tree_max_pick(rm, ri):
    m = rm[0]
    p = ri[0]
    for t in range(1, _L):
        v = rm[t]
        idx = ri[t]
        b = (v > m) | ((v == m) & (idx < p))
        m = jnp.where(b, v, m)
        p = jnp.where(b, idx, p)
    return m, p


def _tree_sum(acc):
    s = acc[0]
    for t in range(1, _L):
        s = s + acc[t]
    return s


def _lane_select(vec, off):
    x = vec[0]
    for t in range(1, _L):
        x = jnp.where(off == t, vec[t], x)
    return x


def _sc_body(s_hbm, at_hbm, rt_hbm,
             keep_o, sel_o,
             s0_v, s_v, ab0, ab1, ab2, ab3, rb0, rb1, rb2, rb3,
             pa_v, pr_v, keep_b, sel_b, si, sf, dsem):
    cid = lax.axis_index("c")
    sid = lax.axis_index("s")
    img = sid * 2 + cid

    @pl.when(sid < 2)
    def _():
        iota = lax.broadcasted_iota(jnp.int32, (_L,), 0)
        neg = jnp.float32(-jnp.inf)
        negv = jnp.full((_L,), neg, jnp.float32)
        bigv = jnp.full((_L,), jnp.int32(_BIG), jnp.int32)
        zf = jnp.float32(0.0)

        sbase = pl.multiple_of(img * _N, 8)
        pltpu.sync_copy(s_hbm.at[pl.ds(sbase, _N)], s0_v)

        nck = _N // _L
        qk = nck // 4

        def upd(k, rm, ri):
            v = s0_v[pl.ds(k * _L, _L)]
            idx = k * _L + iota
            better = (v > rm) | ((v == rm) & (idx < ri))
            return (jnp.where(better, v, rm), jnp.where(better, idx, ri))

        def mgroup(g, carry):
            r0, i0, r1, i1, r2, i2, r3, i3 = carry
            r0, i0 = upd(g, r0, i0)
            r1, i1 = upd(qk + g, r1, i1)
            r2, i2 = upd(2 * qk + g, r2, i2)
            r3, i3 = upd(3 * qk + g, r3, i3)
            return (r0, i0, r1, i1, r2, i2, r3, i3)

        ch = lax.fori_loop(0, qk, mgroup,
                           (negv, bigv) * 4, unroll=4)
        r0, i0 = upd(4 * qk, ch[0], ch[1])
        r0, i0 = upd(4 * qk + 1, r0, i0)
        bet1 = (ch[2] > r0) | ((ch[2] == r0) & (ch[3] < i0))
        r0 = jnp.where(bet1, ch[2], r0)
        i0 = jnp.where(bet1, ch[3], i0)
        bet2 = (ch[4] > ch[6]) | ((ch[4] == ch[6]) & (ch[5] < ch[7]))
        r2 = jnp.where(bet2, ch[4], ch[6])
        i2 = jnp.where(bet2, ch[5], ch[7])
        bet3 = (r2 > r0) | ((r2 == r0) & (i2 < i0))
        rm = jnp.where(bet3, r2, r0)
        ri = jnp.where(bet3, i2, i0)
        m0, pick0 = _tree_max_pick(rm, ri)

        si[0] = jnp.int32(0)
        si[1] = pick0
        si[2] = jnp.int32(0)
        sf[0] = m0

        def fetch_decode(pick):
            base = pl.multiple_of(pick & ~jnp.int32(7), 8)
            off = pick - base
            i4 = img * 4
            abufs = (ab0, ab1, ab2, ab3)
            rbufs = (rb0, rb1, rb2, rb3)
            handles = []
            for p in range(4):
                handles.append(pltpu.async_copy(
                    at_hbm.at[pl.ds(
                        pl.multiple_of((i4 + p) * _N + base, 8), _L)],
                    abufs[p].at[pl.ds(0, _L)], dsem))
                handles.append(pltpu.async_copy(
                    rt_hbm.at[pl.ds(
                        pl.multiple_of((i4 + p) * _N + base, 8), _L)],
                    rbufs[p].at[pl.ds(0, _L)], dsem))
            for h in handles:
                h.wait()
            planes = [(abufs[p][pl.ds(0, _L)], rbufs[p][pl.ds(0, _L)])
                      for p in range(4)]
            (vxa, vox), (vya, voy), (vwa, vow), (vha, voh) = planes
            vx = vwa * vox + vxa
            vy = vha * voy + vya
            vw = vwa * jnp.exp(vow)
            vh = vha * jnp.exp(voh)
            px = _lane_select(vx, off)
            py = _lane_select(vy, off)
            pw = _lane_select(vw, off)
            ph = _lane_select(vh, off)
            pa = (pw - px) * (ph - py)
            sint = jnp.maximum(pw - px, zf) * jnp.maximum(ph - py, zf)
            pa_v[...] = jnp.full((_L,), sint, jnp.float32)
            pr_v[...] = jnp.full((_L,), pa + pa - sint + jnp.float32(1e-9),
                                 jnp.float32)
            q = pa_v[...] / pr_v[...]
            return px, py, pw, ph, pa, q[0]

        def step(i, carry):
            stopv = si[0]
            mv = sf[0]

            @pl.when((stopv == 0) & (mv > neg))
            def _():
                pick = si[1]

                def rchunk(k, acc):
                    v0 = s0_v[pl.ds(k * _L, _L)]
                    idx = k * _L + iota
                    c = (v0 > mv) | ((v0 == mv) & (idx < pick))
                    return acc + jnp.where(c, jnp.int32(1), jnp.int32(0))

                ntrip = jnp.where(i == 0, 0, _N // (_L * 10))

                def rgroup(g, acc):
                    for u in range(10):
                        acc = rchunk(g * 10 + u, acc)
                    return acc

                acc = lax.fori_loop(0, ntrip, rgroup,
                                    jnp.zeros((_L,), jnp.int32))
                rank = _tree_sum(acc)

                px, py, pw, ph, pa, siou = fetch_decode(pick)
                stuck = jnp.logical_not(siou > _TH)

                row = (i // _L) * _L
                lane = i % _L
                sl = pl.ds(row, _L)
                keep_b[sl] = jnp.where(iota == lane,
                                       jnp.full((_L,), rank, jnp.int32),
                                       keep_b[sl])
                sb = i * 4
                srow = (sb // _L) * _L
                soff = sb - srow
                ssl = pl.ds(srow, _L)
                sval = jnp.where(iota == soff, px,
                                 jnp.where(iota == soff + 1, py,
                                           jnp.where(iota == soff + 2, pw,
                                                     ph)))
                smask = (iota >= soff) & (iota < soff + 4)
                sel_b[ssl] = jnp.where(smask, sval, sel_b[ssl])

                si[3] = rank
                sf[1] = px
                sf[2] = py
                sf[3] = pw
                sf[4] = ph

                @pl.when(i == 0)
                def _():
                    si[4] = rank
                    sf[5] = px
                    sf[6] = py
                    sf[7] = pw
                    sf[8] = ph

                @pl.when(stuck)
                def _():
                    si[0] = jnp.int32(1)

                @pl.when(jnp.logical_not(stuck))
                def _():
                    first = i == 0

                    def big(j, carry2):
                        ebase = j * _CH
                        i4 = img * 4
                        handles = []
                        for p, buf in ((0, ab0), (1, ab1), (2, ab2),
                                       (3, ab3)):
                            handles.append(pltpu.async_copy(
                                at_hbm.at[pl.ds(pl.multiple_of(
                                    (i4 + p) * _N + ebase, 8), _CH)],
                                buf, dsem))
                        for p, buf in ((0, rb0), (1, rb1), (2, rb2),
                                       (3, rb3)):
                            handles.append(pltpu.async_copy(
                                rt_hbm.at[pl.ds(pl.multiple_of(
                                    (i4 + p) * _N + ebase, 8), _CH)],
                                buf, dsem))
                        for h in handles:
                            h.wait()

                        def inner(t, c2):
                            rm2, ri2 = c2
                            csl = pl.ds(t * _L, _L)
                            xa = ab0[csl]
                            ya = ab1[csl]
                            wa = ab2[csl]
                            ha = ab3[csl]
                            ox = rb0[csl]
                            oy = rb1[csl]
                            ow = rb2[csl]
                            oh = rb3[csl]
                            bx = wa * ox + xa
                            by = ha * oy + ya
                            bwv = wa * jnp.exp(ow)
                            bhv = ha * jnp.exp(oh)
                            ar = (bwv - bx) * (bhv - by)
                            xx1 = jnp.maximum(px, bx)
                            yy1 = jnp.maximum(py, by)
                            xx2 = jnp.minimum(pw, bwv)
                            yy2 = jnp.minimum(ph, bhv)
                            iw = jnp.maximum(xx2 - xx1, zf)
                            ih = jnp.maximum(yy2 - yy1, zf)
                            inter = iw * ih
                            iou = inter / (pa + ar - inter
                                           + jnp.float32(1e-9))
                            gsl = pl.ds(ebase + t * _L, _L)
                            sv = jnp.where(first, s0_v[gsl], s_v[gsl])
                            ns = jnp.where(iou > _TH, neg, sv)
                            s_v[gsl] = ns
                            gidx = ebase + t * _L + iota
                            better = ((ns > rm2)
                                      | ((ns == rm2) & (gidx < ri2)))
                            return (jnp.where(better, ns, rm2),
                                    jnp.where(better, gidx, ri2))

                        return lax.fori_loop(0, _CH // _L, inner, carry2,
                                             unroll=5)

                    rm2, ri2 = lax.fori_loop(0, _NCH, big, (negv, bigv))
                    m2, pick2 = _tree_max_pick(rm2, ri2)
                    sf[0] = m2
                    si[1] = pick2

                    @pl.when(m2 <= neg)
                    def _():
                        si[0] = jnp.int32(2)

                si[2] = i + 1

            return carry

        def stepblk(b, carry):
            @pl.when(si[0] == 0)
            def _():
                def inner10(u, c2):
                    return step(b * 10 + u, c2)
                lax.fori_loop(0, 10, inner10, jnp.int32(0))
            return carry

        lax.fori_loop(0, _K // 10, stepblk, jnp.int32(0))

        stopv = si[0]
        use_f0 = stopv == 2
        itf = si[2]
        vr = jnp.full((_L,), jnp.where(use_f0, si[4], si[3]), jnp.int32)
        fx = jnp.where(use_f0, sf[5], sf[1])
        fy = jnp.where(use_f0, sf[6], sf[2])
        fw = jnp.where(use_f0, sf[7], sf[3])
        fh = jnp.where(use_f0, sf[8], sf[4])
        lane4 = iota & 3
        fpat = jnp.where(lane4 == 0, fx,
                         jnp.where(lane4 == 1, fy,
                                   jnp.where(lane4 == 2, fw, fh)))

        def fchunk(k, carry):
            sl = pl.ds(k * _L, _L)
            ge = (k * _L + iota) >= itf
            keep_b[sl] = jnp.where(ge, vr, keep_b[sl])
            return carry

        lax.fori_loop(itf >> 4, _OSZ // _L, fchunk, jnp.int32(0))

        def fschunk(k, carry):
            sl = pl.ds(k * _L, _L)
            ge = ((k * _L + iota) >> 2) >= itf
            sel_b[sl] = jnp.where(ge, fpat, sel_b[sl])
            return carry

        lax.fori_loop(itf >> 2, _OSZ * 4 // _L, fschunk, jnp.int32(0))

        obase = pl.multiple_of(img * _OSZ, 8)
        osbase = pl.multiple_of(img * _OSZ * 4, 8)
        h1 = pltpu.async_copy(keep_b, keep_o.at[pl.ds(obase, _OSZ)], dsem)
        h2 = pltpu.async_copy(sel_b, sel_o.at[pl.ds(osbase, _OSZ * 4)], dsem)
        h1.wait()
        h2.wait()


def kernel(fg_scores, reg_scores, anchors, img_size):
    del img_size
    B = fg_scores.shape[0]
    s_p = fg_scores.reshape(B * _N)
    at_p = jnp.transpose(anchors, (0, 2, 1)).reshape(B * 4 * _N)
    rt_p = jnp.transpose(reg_scores, (0, 2, 1)).reshape(B * 4 * _N)

    mesh = plsc.VectorSubcoreMesh(core_axis_name="c", subcore_axis_name="s")
    f32 = jnp.float32
    sck = functools.partial(
        pl.kernel,
        mesh=mesh,
        out_type=[jax.ShapeDtypeStruct((B * _OSZ,), jnp.int32),
                  jax.ShapeDtypeStruct((B * _OSZ * 4,), f32)],
        scratch_types=[
            pltpu.VMEM((_N,), f32),
            pltpu.VMEM((_N,), f32),
            pltpu.VMEM((_CH,), f32),
            pltpu.VMEM((_CH,), f32),
            pltpu.VMEM((_CH,), f32),
            pltpu.VMEM((_CH,), f32),
            pltpu.VMEM((_CH,), f32),
            pltpu.VMEM((_CH,), f32),
            pltpu.VMEM((_CH,), f32),
            pltpu.VMEM((_CH,), f32),
            pltpu.VMEM((_L,), f32),
            pltpu.VMEM((_L,), f32),
            pltpu.VMEM((_OSZ,), jnp.int32),
            pltpu.VMEM((_OSZ * 4,), f32),
            pltpu.SMEM((8,), jnp.int32),
            pltpu.SMEM((16,), f32),
            pltpu.SemaphoreType.DMA,
        ],
    )(_sc_body)
    kr, ks = sck(s_p, at_p, rt_p)
    keep = kr.reshape(B, _OSZ)[:, :_K]
    sel = ks.reshape(B, _OSZ, 4)[:, :_K, :]
    return sel, keep

# --- scband reference (transcript-rebuilt; emitter-appended) ---
"""Pipeline reference for scband-proposal-47141561040897 (READ-ONLY COPY).

The authoritative reference and input builder live on the scoring server;
editing this copy changes nothing except your own understanding.
"""

import jax, jax.numpy as jnp
import numpy as np

PRE_NMS_TEST = 6000
POST_NMS_TEST = 300
NMS_THRESHOLD = 0.7


def get_roi(src_box, offset):
    src_x = src_box[..., 0]
    src_y = src_box[..., 1]
    src_w = src_box[..., 2]
    src_h = src_box[..., 3]
    off_x = offset[..., 0]
    off_y = offset[..., 1]
    off_w = offset[..., 2]
    off_h = offset[..., 3]
    return jnp.stack([
        src_w * off_x + src_x,
        src_h * off_y + src_y,
        src_w * jnp.exp(off_w),
        src_h * jnp.exp(off_h),
    ], axis=-1)


def center2corner(b):
    x = b[..., 0]
    y = b[..., 1]
    w = b[..., 2]
    h = b[..., 3]
    return jnp.stack([x - w / 2.0, y - h / 2.0, x + w / 2.0, y + h / 2.0], axis=-1)


def nms_topk(boxes, scores, thresh, k):
    # greedy NMS on score-sorted boxes; returns indices of first k kept boxes
    x1 = boxes[:, 0]
    y1 = boxes[:, 1]
    x2 = boxes[:, 2]
    y2 = boxes[:, 3]
    areas = (x2 - x1) * (y2 - y1)

    def body(i, state):
        s, keep = state
        idx = jnp.argmax(s)
        keep = keep.at[i].set(idx.astype(jnp.int32))
        xx1 = jnp.maximum(x1[idx], x1)
        yy1 = jnp.maximum(y1[idx], y1)
        xx2 = jnp.minimum(x2[idx], x2)
        yy2 = jnp.minimum(y2[idx], y2)
        w = jnp.maximum(xx2 - xx1, 0.0)
        h = jnp.maximum(yy2 - yy1, 0.0)
        inter = w * h
        iou = inter / (areas[idx] + areas - inter + 1e-9)
        s = jnp.where(iou > thresh, -jnp.inf, s)
        return (s, keep)

    keep0 = jnp.zeros((k,), dtype=jnp.int32)
    _, keep = jax.lax.fori_loop(0, k, body, (scores, keep0))
    return keep


def proposal_forward(fg_scores, reg_scores, anchors, img_size):
    rois = get_roi(anchors, reg_scores)
    corners = center2corner(rois)
    W = img_size[1].astype(jnp.float32)
    H = img_size[0].astype(jnp.float32)
    xs = jnp.clip(corners[..., 0::2], 0.0, W - 1.0)
    ys = jnp.clip(corners[..., 1::2], 0.0, H - 1.0)
    _clipped = jnp.stack([xs[..., 0], ys[..., 0], xs[..., 1], ys[..., 1]], axis=-1)
    # NOTE: the source module overwrites the clipped corners with the UNCLIPPED
    # center-format rois reordered by score (a bug in the original); replicate it.
    order = jnp.argsort(-fg_scores, axis=1)
    rois_sorted = jnp.take_along_axis(rois, order[..., None], axis=1)
    scores_sorted = jnp.take_along_axis(fg_scores, order, axis=1)
    keep = jax.vmap(lambda b, s: nms_topk(b, s, NMS_THRESHOLD, POST_NMS_TEST))(rois_sorted, scores_sorted)
    sel = jax.vmap(lambda b, kk: jnp.take(b, kk, axis=0))(rois_sorted, keep)
    return sel, keep


def setup_inputs(seed: int = 0):
    key = jax.random.key(seed)
    k1, k2, k3 = jax.random.split(key, 3)
    B, N = 4, 20000
    fg_scores = jax.random.normal(k1, (B, N), dtype=jnp.float32)
    reg_scores = jax.random.normal(k2, (B, N, 4), dtype=jnp.float32) * 0.5
    anchors = jax.random.uniform(k3, (B, N, 4), dtype=jnp.float32)
    anchors = anchors * jnp.array([1333.0, 800.0, 256.0, 256.0], dtype=jnp.float32) + jnp.array([0.0, 0.0, 16.0, 16.0], dtype=jnp.float32)
    img_size = jnp.array([800, 1333], dtype=jnp.int32)
    return {"fg_scores": fg_scores, "reg_scores": reg_scores, "anchors": anchors, "img_size": img_size}


def reference(fg_scores, reg_scores, anchors, img_size):
    return proposal_forward(fg_scores, reg_scores, anchors, img_size)

if __name__ == "__main__":
    import jax
    _d = setup_inputs()
    print(jax.jit(kernel)(*tuple(_d.values())))

</pallas_src>

<mosaic_0001>
#map = affine_map<(d0, d1) -> (0)>
module attributes {stable_mosaic.version = 14 : i64} {
  func.func @_sc_body(%arg0: i32, %arg1: i32, %arg2: memref<80000xf32, #tpu.memory_space<hbm>>, %arg3: memref<320000xf32, #tpu.memory_space<hbm>>, %arg4: memref<320000xf32, #tpu.memory_space<hbm>>, %arg5: memref<1536xi32, #tpu.memory_space<hbm>>, %arg6: memref<6144xf32, #tpu.memory_space<hbm>>, %arg7: memref<20000xf32, #tpu.memory_space<vmem>>, %arg8: memref<20000xf32, #tpu.memory_space<vmem>>, %arg9: memref<2000xf32, #tpu.memory_space<vmem>>, %arg10: memref<2000xf32, #tpu.memory_space<vmem>>, %arg11: memref<2000xf32, #tpu.memory_space<vmem>>, %arg12: memref<2000xf32, #tpu.memory_space<vmem>>, %arg13: memref<2000xf32, #tpu.memory_space<vmem>>, %arg14: memref<2000xf32, #tpu.memory_space<vmem>>, %arg15: memref<2000xf32, #tpu.memory_space<vmem>>, %arg16: memref<2000xf32, #tpu.memory_space<vmem>>, %arg17: memref<16xf32, #tpu.memory_space<vmem>>, %arg18: memref<16xf32, #tpu.memory_space<vmem>>, %arg19: memref<384xi32, #tpu.memory_space<vmem>>, %arg20: memref<1536xf32, #tpu.memory_space<vmem>>, %arg21: memref<8xi32, #tpu.memory_space<smem>>, %arg22: memref<16xf32, #tpu.memory_space<smem>>, %arg23: memref<!tpu.dma_semaphore, #tpu.memory_space<semaphore_mem>>) attributes {dimension_semantics = [#tpu.dimension_semantics<core_parallel>, #tpu.dimension_semantics<subcore_parallel>], iteration_bounds = array<i64: 2, 16>, scalar_prefetch = 0 : i64, scratch_operands = 17 : i64, tpu.core_type = #tpu.core_type<sc_vector_subcore>, window_params = [{transform_indices = #map}, {transform_indices = #map}, {transform_indices = #map}, {transform_indices = #map}, {transform_indices = #map}]} {
    %mul3A = arith.constant 2 : i32
    %mul3A_0 = arith.muli %arg1, %mul3A : i32
    %add3A = arith.addi %mul3A_0, %arg0 : i32
    %lt3A = arith.constant 2 : i32
    %lt3A_1 = arith.cmpi slt, %arg1, %lt3A : i32
    %convert_element_type3A = arith.extui %lt3A_1 : i1 to i32
    %cond3A = arith.constant 0 : i32
    %cond3A_2 = arith.cmpi ne, %convert_element_type3A, %cond3A : i32
    scf.if %cond3A_2 {
      %iota3A = tpu.iota {dimensions = array<i32: 0>} : vector<16xi32>
      %broadcast_in_dim3A = arith.constant 0xFF800000 : f32
      %broadcast_in_dim3A_3 = vector.broadcast %broadcast_in_dim3A : f32 to vector<16xf32>
      %broadcast_in_dim3A_4 = arith.constant 1073741824 : i32
      %broadcast_in_dim3A_5 = vector.broadcast %broadcast_in_dim3A_4 : i32 to vector<16xi32>
      %mul3A_6 = arith.constant 20000 : i32
      %mul3A_7 = arith.muli %add3A, %mul3A_6 : i32
      %multiple_of3A = tpu.assume_multiple %mul3A_7, 8 : i32
      "tpu.region"() ({
        %run_scoped3A = tpu.sem_alloc : memref<!tpu.dma_semaphore, #tpu.memory_space<semaphore_mem>>
        %dma_start3A_341 = tpu.memref_slice %arg2[%multiple_of3A] : memref<80000xf32, #tpu.memory_space<hbm>> -> memref<20000xf32, #tpu.memory_space<hbm>>
        %dma_start3A_342 = tpu.memref_slice %arg2[%multiple_of3A] : memref<80000xf32, #tpu.memory_space<hbm>> -> memref<20000xf32, #tpu.memory_space<hbm>>
        tpu.enqueue_dma source(%dma_start3A_342 : memref<20000xf32, #tpu.memory_space<hbm>>) target(%arg7 : memref<20000xf32, #tpu.memory_space<vmem>>) target_semaphore(%run_scoped3A : memref<!tpu.dma_semaphore, #tpu.memory_space<semaphore_mem>>)
        %dma_wait3A_343 = tpu.memref_slice %arg2[%multiple_of3A] : memref<80000xf32, #tpu.memory_space<hbm>> -> memref<20000xf32, #tpu.memory_space<hbm>>
        %dma_wait3A_344 = tpu.memref_slice %arg2[%multiple_of3A] : memref<80000xf32, #tpu.memory_space<hbm>> -> memref<20000xf32, #tpu.memory_space<hbm>>
        tpu.wait_dma2 semaphore(%run_scoped3A : memref<!tpu.dma_semaphore, #tpu.memory_space<semaphore_mem>>) src(%dma_wait3A_344 : memref<20000xf32, #tpu.memory_space<hbm>>) dst(%arg7 : memref<20000xf32, #tpu.memory_space<vmem>>)
        tpu.yield
      }) : () -> ()
      %scan3A = arith.constant 0 : i32
      %scan3A_8 = arith.constant 312 : i32
      %scan3A_9 = arith.addi %scan3A, %scan3A_8 : i32
      %scan3A_10 = arith.constant 4 : i32
      %scan3A_11:8 = scf.for %scan3A_341 = %scan3A to %scan3A_9 step %scan3A_10 iter_args(%scan3A_342 = %broadcast_in_dim3A_3, %scan3A_343 = %broadcast_in_dim3A_5, %scan3A_344 = %broadcast_in_dim3A_3, %scan3A_345 = %broadcast_in_dim3A_5, %scan3A_346 = %broadcast_in_dim3A_3, %scan3A_347 = %broadcast_in_dim3A_5, %scan3A_348 = %broadcast_in_dim3A_3, %scan3A_349 = %broadcast_in_dim3A_5) -> (vector<16xf32>, vector<16xi32>, vector<16xf32>, vector<16xi32>, vector<16xf32>, vector<16xi32>, vector<16xf32>, vector<16xi32>)  : i32 {
        %mul3A_350 = arith.constant 16 : i32
        %mul3A_351 = arith.muli %scan3A_341, %mul3A_350 : i32
        %get3A_352 = arith.index_cast %mul3A_351 : i32 to index
        %get3A_353 = tpu.vector_load %arg7[%get3A_352] {strides = array<i32>} : memref<20000xf32, #tpu.memory_space<vmem>>, vector<16xf32>,
        %get3A_354 = vector.shape_cast %get3A_353 : vector<16xf32> to vector<16xf32>
        %mul3A_355 = arith.constant 16 : i32
        %mul3A_356 = arith.muli %scan3A_341, %mul3A_355 : i32
        %add3A_357 = vector.broadcast %mul3A_356 : i32 to vector<16xi32>
        %add3A_358 = arith.addi %add3A_357, %iota3A : vector<16xi32>
        %gt3A_359 = arith.cmpf ogt, %get3A_354, %scan3A_342 : vector<16xf32>
        %eq3A_360 = arith.cmpf oeq, %get3A_354, %scan3A_342 : vector<16xf32>
        %lt3A_361 = arith.cmpi slt, %add3A_358, %scan3A_343 : vector<16xi32>
        %and3A_362 = arith.andi %eq3A_360, %lt3A_361 : vector<16xi1>
        %or3A_363 = arith.ori %gt3A_359, %and3A_362 : vector<16xi1>
        %select_n3A_364 = arith.select %or3A_363, %get3A_354, %scan3A_342 : vector<16xi1>, vector<16xf32>
        %select_n3A_365 = arith.select %or3A_363, %add3A_358, %scan3A_343 : vector<16xi1>, vector<16xi32>
        %add3A_366 = arith.constant 312 : i32
        %add3A_367 = arith.addi %add3A_366, %scan3A_341 : i32
        %mul3A_368 = arith.constant 16 : i32
        %mul3A_369 = arith.muli %add3A_367, %mul3A_368 : i32
        %get3A_370 = arith.index_cast %mul3A_369 : i32 to index
        %get3A_371 = tpu.vector_load %arg7[%get3A_370] {strides = array<i32>} : memref<20000xf32, #tpu.memory_space<vmem>>, vector<16xf32>,
        %get3A_372 = vector.shape_cast %get3A_371 : vector<16xf32> to vector<16xf32>
        %mul3A_373 = arith.constant 16 : i32
        %mul3A_374 = arith.muli %add3A_367, %mul3A_373 : i32
        %add3A_375 = vector.broadcast %mul3A_374 : i32 to vector<16xi32>
        %add3A_376 = arith.addi %add3A_375, %iota3A : vector<16xi32>
        %gt3A_377 = arith.cmpf ogt, %get3A_372, %scan3A_344 : vector<16xf32>
        %eq3A_378 = arith.cmpf oeq, %get3A_372, %scan3A_344 : vector<16xf32>
        %lt3A_379 = arith.cmpi slt, %add3A_376, %scan3A_345 : vector<16xi32>
        %and3A_380 = arith.andi %eq3A_378, %lt3A_379 : vector<16xi1>
        %or3A_381 = arith.ori %gt3A_377, %and3A_380 : vector<16xi1>
        %select_n3A_382 = arith.select %or3A_381, %get3A_372, %scan3A_344 : vector<16xi1>, vector<16xf32>
        %select_n3A_383 = arith.select %or3A_381, %add3A_376, %scan3A_345 : vector<16xi1>, vector<16xi32>
        %add3A_384 = arith.constant 624 : i32
        %add3A_385 = arith.addi %add3A_384, %scan3A_341 : i32
        %mul3A_386 = arith.constant 16 : i32
        %mul3A_387 = arith.muli %add3A_385, %mul3A_386 : i32
        %get3A_388 = arith.index_cast %mul3A_387 : i32 to index
        %get3A_389 = tpu.vector_load %arg7[%get3A_388] {strides = array<i32>} : memref<20000xf32, #tpu.memory_space<vmem>>, vector<16xf32>,
        %get3A_390 = vector.shape_cast %get3A_389 : vector<16xf32> to vector<16xf32>
        %mul3A_391 = arith.constant 16 : i32
        %mul3A_392 = arith.muli %add3A_385, %mul3A_391 : i32
        %add3A_393 = vector.broadcast %mul3A_392 : i32 to vector<16xi32>
        %add3A_394 = arith.addi %add3A_393, %iota3A : vector<16xi32>
        %gt3A_395 = arith.cmpf ogt, %get3A_390, %scan3A_346 : vector<16xf32>
        %eq3A_396 = arith.cmpf oeq, %get3A_390, %scan3A_346 : vector<16xf32>
        %lt3A_397 = arith.cmpi slt, %add3A_394, %scan3A_347 : vector<16xi32>
        %and3A_398 = arith.andi %eq3A_396, %lt3A_397 : vector<16xi1>
        %or3A_399 = arith.ori %gt3A_395, %and3A_398 : vector<16xi1>
        %select_n3A_400 = arith.select %or3A_399, %get3A_390, %scan3A_346 : vector<16xi1>, vector<16xf32>
        %select_n3A_401 = arith.select %or3A_399, %add3A_394, %scan3A_347 : vector<16xi1>, vector<16xi32>
        %add3A_402 = arith.constant 936 : i32
        %add3A_403 = arith.addi %add3A_402, %scan3A_341 : i32
        %mul3A_404 = arith.constant 16 : i32
        %mul3A_405 = arith.muli %add3A_403, %mul3A_404 : i32
        %get3A_406 = arith.index_cast %mul3A_405 : i32 to index
        %get3A_407 = tpu.vector_load %arg7[%get3A_406] {strides = array<i32>} : memref<20000xf32, #tpu.memory_space<vmem>>, vector<16xf32>,
        %get3A_408 = vector.shape_cast %get3A_407 : vector<16xf32> to vector<16xf32>
        %mul3A_409 = arith.constant 16 : i32
        %mul3A_410 = arith.muli %add3A_403, %mul3A_409 : i32
        %add3A_411 = vector.broadcast %mul3A_410 : i32 to vector<16xi32>
        %add3A_412 = arith.addi %add3A_411, %iota3A : vector<16xi32>
        %gt3A_413 = arith.cmpf ogt, %get3A_408, %scan3A_348 : vector<16xf32>
        %eq3A_414 = arith.cmpf oeq, %get3A_408, %scan3A_348 : vector<16xf32>
        %lt3A_415 = arith.cmpi slt, %add3A_412, %scan3A_349 : vector<16xi32>
        %and3A_416 = arith.andi %eq3A_414, %lt3A_415 : vector<16xi1>
        %or3A_417 = arith.ori %gt3A_413, %and3A_416 : vector<16xi1>
        %select_n3A_418 = arith.select %or3A_417, %get3A_408, %scan3A_348 : vector<16xi1>, vector<16xf32>
        %select_n3A_419 = arith.select %or3A_417, %add3A_412, %scan3A_349 : vector<16xi1>, vector<16xi32>
        %scan3A_420 = arith.constant 1 : i32
        %scan3A_421 = arith.addi %scan3A_341, %scan3A_420 : i32
        %mul3A_422 = arith.constant 16 : i32
        %mul3A_423 = arith.muli %scan3A_421, %mul3A_422 : i32
        %get3A_424 = arith.index_cast %mul3A_423 : i32 to index
        %get3A_425 = tpu.vector_load %arg7[%get3A_424] {strides = array<i32>} : memref<20000xf32, #tpu.memory_space<vmem>>, vector<16xf32>,
        %get3A_426 = vector.shape_cast %get3A_425 : vector<16xf32> to vector<16xf32>
        %mul3A_427 = arith.constant 16 : i32
        %mul3A_428 = arith.muli %scan3A_421, %mul3A_427 : i32
        %add3A_429 = vector.broadcast %mul3A_428 : i32 to vector<16xi32>
        %add3A_430 = arith.addi %add3A_429, %iota3A : vector<16xi32>
        %gt3A_431 = arith.cmpf ogt, %get3A_426, %select_n3A_364 : vector<16xf32>
        %eq3A_432 = arith.cmpf oeq, %get3A_426, %select_n3A_364 : vector<16xf32>
        %lt3A_433 = arith.cmpi slt, %add3A_430, %select_n3A_365 : vector<16xi32>
        %and3A_434 = arith.andi %eq3A_432, %lt3A_433 : vector<16xi1>
        %or3A_435 = arith.ori %gt3A_431, %and3A_434 : vector<16xi1>
        %select_n3A_436 = arith.select %or3A_435, %get3A_426, %select_n3A_364 : vector<16xi1>, vector<16xf32>
        %select_n3A_437 = arith.select %or3A_435, %add3A_430, %select_n3A_365 : vector<16xi1>, vector<16xi32>
        %add3A_438 = arith.constant 312 : i32
        %add3A_439 = arith.addi %add3A_438, %scan3A_421 : i32
        %mul3A_440 = arith.constant 16 : i32
        %mul3A_441 = arith.muli %add3A_439, %mul3A_440 : i32
        %get3A_442 = arith.index_cast %mul3A_441 : i32 to index
        %get3A_443 = tpu.vector_load %arg7[%get3A_442] {strides = array<i32>} : memref<20000xf32, #tpu.memory_space<vmem>>, vector<16xf32>,
        %get3A_444 = vector.shape_cast %get3A_443 : vector<16xf32> to vector<16xf32>
        %mul3A_445 = arith.constant 16 : i32
        %mul3A_446 = arith.muli %add3A_439, %mul3A_445 : i32
        %add3A_447 = vector.broadcast %mul3A_446 : i32 to vector<16xi32>
        %add3A_448 = arith.addi %add3A_447, %iota3A : vector<16xi32>
        %gt3A_449 = arith.cmpf ogt, %get3A_444, %select_n3A_382 : vector<16xf32>
        %eq3A_450 = arith.cmpf oeq, %get3A_444, %select_n3A_382 : vector<16xf32>
        %lt3A_451 = arith.cmpi slt, %add3A_448, %select_n3A_383 : vector<16xi32>
        %and3A_452 = arith.andi %eq3A_450, %lt3A_451 : vector<16xi1>
        %or3A_453 = arith.ori %gt3A_449, %and3A_452 : vector<16xi1>
        %select_n3A_454 = arith.select %or3A_453, %get3A_444, %select_n3A_382 : vector<16xi1>, vector<16xf32>
        %select_n3A_455 = arith.select %or3A_453, %add3A_448, %select_n3A_383 : vector<16xi1>, vector<16xi32>
        %add3A_456 = arith.constant 624 : i32
        %add3A_457 = arith.addi %add3A_456, %scan3A_421 : i32
        %mul3A_458 = arith.constant 16 : i32
        %mul3A_459 = arith.muli %add3A_457, %mul3A_458 : i32
        %get3A_460 = arith.index_cast %mul3A_459 : i32 to index
        %get3A_461 = tpu.vector_load %arg7[%get3A_460] {strides = array<i32>} : memref<20000xf32, #tpu.memory_space<vmem>>, vector<16xf32>,
        %get3A_462 = vector.shape_cast %get3A_461 : vector<16xf32> to vector<16xf32>
        %mul3A_463 = arith.constant 16 : i32
        %mul3A_464 = arith.muli %add3A_457, %mul3A_463 : i32
        %add3A_465 = vector.broadcast %mul3A_464 : i32 to vector<16xi32>
        %add3A_466 = arith.addi %add3A_465, %iota3A : vector<16xi32>
        %gt3A_467 = arith.cmpf ogt, %get3A_462, %select_n3A_400 : vector<16xf32>
        %eq3A_468 = arith.cmpf oeq, %get3A_462, %select_n3A_400 : vector<16xf32>
        %lt3A_469 = arith.cmpi slt, %add3A_466, %select_n3A_401 : vector<16xi32>
        %and3A_470 = arith.andi %eq3A_468, %lt3A_469 : vector<16xi1>
        %or3A_471 = arith.ori %gt3A_467, %and3A_470 : vector<16xi1>
        %select_n3A_472 = arith.select %or3A_471, %get3A_462, %select_n3A_400 : vector<16xi1>, vector<16xf32>
        %select_n3A_473 = arith.select %or3A_471, %add3A_466, %select_n3A_401 : vector<16xi1>, vector<16xi32>
        %add3A_474 = arith.constant 936 : i32
        %add3A_475 = arith.addi %add3A_474, %scan3A_421 : i32
        %mul3A_476 = arith.constant 16 : i32
        %mul3A_477 = arith.muli %add3A_475, %mul3A_476 : i32
        %get3A_478 = arith.index_cast %mul3A_477 : i32 to index
        %get3A_479 = tpu.vector_load %arg7[%get3A_478] {strides = array<i32>} : memref<20000xf32, #tpu.memory_space<vmem>>, vector<16xf32>,
        %get3A_480 = vector.shape_cast %get3A_479 : vector<16xf32> to vector<16xf32>
        %mul3A_481 = arith.constant 16 : i32
        %mul3A_482 = arith.muli %add3A_475, %mul3A_481 : i32
        %add3A_483 = vector.broadcast %mul3A_482 : i32 to vector<16xi32>
        %add3A_484 = arith.addi %add3A_483, %iota3A : vector<16xi32>
        %gt3A_485 = arith.cmpf ogt, %get3A_480, %select_n3A_418 : vector<16xf32>
        %eq3A_486 = arith.cmpf oeq, %get3A_480, %select_n3A_418 : vector<16xf32>
        %lt3A_487 = arith.cmpi slt, %add3A_484, %select_n3A_419 : vector<16xi32>
        %and3A_488 = arith.andi %eq3A_486, %lt3A_487 : vector<16xi1>
        %or3A_489 = arith.ori %gt3A_485, %and3A_488 : vector<16xi1>
        %select_n3A_490 = arith.select %or3A_489, %get3A_480, %select_n3A_418 : vector<16xi1>, vector<16xf32>
        %select_n3A_491 = arith.select %or3A_489, %add3A_484, %select_n3A_419 : vector<16xi1>, vector<16xi32>
        %scan3A_492 = arith.constant 2 : i32
        %scan3A_493 = arith.addi %scan3A_341, %scan3A_492 : i32
        %mul3A_494 = arith.constant 16 : i32
        %mul3A_495 = arith.muli %scan3A_493, %mul3A_494 : i32
        %get3A_496 = arith.index_cast %mul3A_495 : i32 to index
        %get3A_497 = tpu.vector_load %arg7[%get3A_496] {strides = array<i32>} : memref<20000xf32, #tpu.memory_space<vmem>>, vector<16xf32>,
        %get3A_498 = vector.shape_cast %get3A_497 : vector<16xf32> to vector<16xf32>
        %mul3A_499 = arith.constant 16 : i32
        %mul3A_500 = arith.muli %scan3A_493, %mul3A_499 : i32
        %add3A_501 = vector.broadcast %mul3A_500 : i32 to vector<16xi32>
        %add3A_502 = arith.addi %add3A_501, %iota3A : vector<16xi32>
        %gt3A_503 = arith.cmpf ogt, %get3A_498, %select_n3A_436 : vector<16xf32>
        %eq3A_504 = arith.cmpf oeq, %get3A_498, %select_n3A_436 : vector<16xf32>
        %lt3A_505 = arith.cmpi slt, %add3A_502, %select_n3A_437 : vector<16xi32>
        %and3A_506 = arith.andi %eq3A_504, %lt3A_505 : vector<16xi1>
        %or3A_507 = arith.ori %gt3A_503, %and3A_506 : vector<16xi1>
        %select_n3A_508 = arith.select %or3A_507, %get3A_498, %select_n3A_436 : vector<16xi1>, vector<16xf32>
        %select_n3A_509 = arith.select %or3A_507, %add3A_502, %select_n3A_437 : vector<16xi1>, vector<16xi32>
        %add3A_510 = arith.constant 312 : i32
        %add3A_511 = arith.addi %add3A_510, %scan3A_493 : i32
        %mul3A_512 = arith.constant 16 : i32
        %mul3A_513 = arith.muli %add3A_511, %mul3A_512 : i32
        %get3A_514 = arith.index_cast %mul3A_513 : i32 to index
        %get3A_515 = tpu.vector_load %arg7[%get3A_514] {strides = array<i32>} : memref<20000xf32, #tpu.memory_space<vmem>>, vector<16xf32>,
        %get3A_516 = vector.shape_cast %get3A_515 : vector<16xf32> to vector<16xf32>
        %mul3A_517 = arith.constant 16 : i32
        %mul3A_518 = arith.muli %add3A_511, %mul3A_517 : i32
        %add3A_519 = vector.broadcast %mul3A_518 : i32 to vector<16xi32>
        %add3A_520 = arith.addi %add3A_519, %iota3A : vector<16xi32>
        %gt3A_521 = arith.cmpf ogt, %get3A_516, %select_n3A_454 : vector<16xf32>
        %eq3A_522 = arith.cmpf oeq, %get3A_516, %select_n3A_454 : vector<16xf32>
        %lt3A_523 = arith.cmpi slt, %add3A_520, %select_n3A_455 : vector<16xi32>
        %and3A_524 = arith.andi %eq3A_522, %lt3A_523 : vector<16xi1>
        %or3A_525 = arith.ori %gt3A_521, %and3A_524 : vector<16xi1>
        %select_n3A_526 = arith.select %or3A_525, %get3A_516, %select_n3A_454 : vector<16xi1>, vector<16xf32>
        %select_n3A_527 = arith.select %or3A_525, %add3A_520, %select_n3A_455 : vector<16xi1>, vector<16xi32>
        %add3A_528 = arith.constant 624 : i32
        %add3A_529 = arith.addi %add3A_528, %scan3A_493 : i32
        %mul3A_530 = arith.constant 16 : i32
        %mul3A_531 = arith.muli %add3A_529, %mul3A_530 : i32
        %get3A_532 = arith.index_cast %mul3A_531 : i32 to index
        %get3A_533 = tpu.vector_load %arg7[%get3A_532] {strides = array<i32>} : memref<20000xf32, #tpu.memory_space<vmem>>, vector<16xf32>,
        %get3A_534 = vector.shape_cast %get3A_533 : vector<16xf32> to vector<16xf32>
        %mul3A_535 = arith.constant 16 : i32
        %mul3A_536 = arith.muli %add3A_529, %mul3A_535 : i32
        %add3A_537 = vector.broadcast %mul3A_536 : i32 to vector<16xi32>
        %add3A_538 = arith.addi %add3A_537, %iota3A : vector<16xi32>
        %gt3A_539 = arith.cmpf ogt, %get3A_534, %select_n3A_472 : vector<16xf32>
        %eq3A_540 = arith.cmpf oeq, %get3A_534, %select_n3A_472 : vector<16xf32>
        %lt3A_541 = arith.cmpi slt, %add3A_538, %select_n3A_473 : vector<16xi32>
        %and3A_542 = arith.andi %eq3A_540, %lt3A_541 : vector<16xi1>
        %or3A_543 = arith.ori %gt3A_539, %and3A_542 : vector<16xi1>
        %select_n3A_544 = arith.select %or3A_543, %get3A_534, %select_n3A_472 : vector<16xi1>, vector<16xf32>
        %select_n3A_545 = arith.select %or3A_543, %add3A_538, %select_n3A_473 : vector<16xi1>, vector<16xi32>
        %add3A_546 = arith.constant 936 : i32
        %add3A_547 = arith.addi %add3A_546, %scan3A_493 : i32
        %mul3A_548 = arith.constant 16 : i32
        %mul3A_549 = arith.muli %add3A_547, %mul3A_548 : i32
        %get3A_550 = arith.index_cast %mul3A_549 : i32 to index
        %get3A_551 = tpu.vector_load %arg7[%get3A_550] {strides = array<i32>} : memref<20000xf32, #tpu.memory_space<vmem>>, vector<16xf32>,
        %get3A_552 = vector.shape_cast %get3A_551 : vector<16xf32> to vector<16xf32>
        %mul3A_553 = arith.constant 16 : i32
        %mul3A_554 = arith.muli %add3A_547, %mul3A_553 : i32
        %add3A_555 = vector.broadcast %mul3A_554 : i32 to vector<16xi32>
        %add3A_556 = arith.addi %add3A_555, %iota3A : vector<16xi32>
        %gt3A_557 = arith.cmpf ogt, %get3A_552, %select_n3A_490 : vector<16xf32>
        %eq3A_558 = arith.cmpf oeq, %get3A_552, %select_n3A_490 : vector<16xf32>
        %lt3A_559 = arith.cmpi slt, %add3A_556, %select_n3A_491 : vector<16xi32>
        %and3A_560 = arith.andi %eq3A_558, %lt3A_559 : vector<16xi1>
        %or3A_561 = arith.ori %gt3A_557, %and3A_560 : vector<16xi1>
        %select_n3A_562 = arith.select %or3A_561, %get3A_552, %select_n3A_490 : vector<16xi1>, vector<16xf32>
        %select_n3A_563 = arith.select %or3A_561, %add3A_556, %select_n3A_491 : vector<16xi1>, vector<16xi32>
        %scan3A_564 = arith.constant 3 : i32
        %scan3A_565 = arith.addi %scan3A_341, %scan3A_564 : i32
        %mul3A_566 = arith.constant 16 : i32
        %mul3A_567 = arith.muli %scan3A_565, %mul3A_566 : i32
        %get3A_568 = arith.index_cast %mul3A_567 : i32 to index
        %get3A_569 = tpu.vector_load %arg7[%get3A_568] {strides = array<i32>} : memref<20000xf32, #tpu.memory_space<vmem>>, vector<16xf32>,
        %get3A_570 = vector.shape_cast %get3A_569 : vector<16xf32> to vector<16xf32>
        %mul3A_571 = arith.constant 16 : i32
        %mul3A_572 = arith.muli %scan3A_565, %mul3A_571 : i32
        %add3A_573 = vector.broadcast %mul3A_572 : i32 to vector<16xi32>
        %add3A_574 = arith.addi %add3A_573, %iota3A : vector<16xi32>
        %gt3A_575 = arith.cmpf ogt, %get3A_570, %select_n3A_508 : vector<16xf32>
        %eq3A_576 = arith.cmpf oeq, %get3A_570, %select_n3A_508 : vector<16xf32>
        %lt3A_577 = arith.cmpi slt, %add3A_574, %select_n3A_509 : vector<16xi32>
        %and3A_578 = arith.andi %eq3A_576, %lt3A_577 : vector<16xi1>
        %or3A_579 = arith.ori %gt3A_575, %and3A_578 : vector<16xi1>
        %select_n3A_580 = arith.select %or3A_579, %get3A_570, %select_n3A_508 : vector<16xi1>, vector<16xf32>
        %select_n3A_581 = arith.select %or3A_579, %add3A_574, %select_n3A_509 : vector<16xi1>, vector<16xi32>
        %add3A_582 = arith.constant 312 : i32
        %add3A_583 = arith.addi %add3A_582, %scan3A_565 : i32
        %mul3A_584 = arith.constant 16 : i32
        %mul3A_585 = arith.muli %add3A_583, %mul3A_584 : i32
        %get3A_586 = arith.index_cast %mul3A_585 : i32 to index
        %get3A_587 = tpu.vector_load %arg7[%get3A_586] {strides = array<i32>} : memref<20000xf32, #tpu.memory_space<vmem>>, vector<16xf32>,
        %get3A_588 = vector.shape_cast %get3A_587 : vector<16xf32> to vector<16xf32>
        %mul3A_589 = arith.constant 16 : i32
        %mul3A_590 = arith.muli %add3A_583, %mul3A_589 : i32
        %add3A_591 = vector.broadcast %mul3A_590 : i32 to vector<16xi32>
        %add3A_592 = arith.addi %add3A_591, %iota3A : vector<16xi32>
        %gt3A_593 = arith.cmpf ogt, %get3A_588, %select_n3A_526 : vector<16xf32>
        %eq3A_594 = arith.cmpf oeq, %get3A_588, %select_n3A_526 : vector<16xf32>
        %lt3A_595 = arith.cmpi slt, %add3A_592, %select_n3A_527 : vector<16xi32>
        %and3A_596 = arith.andi %eq3A_594, %lt3A_595 : vector<16xi1>
        %or3A_597 = arith.ori %gt3A_593, %and3A_596 : vector<16xi1>
        %select_n3A_598 = arith.select %or3A_597, %get3A_588, %select_n3A_526 : vector<16xi1>, vector<16xf32>
        %select_n3A_599 = arith.select %or3A_597, %add3A_592, %select_n3A_527 : vector<16xi1>, vector<16xi32>
        %add3A_600 = arith.constant 624 : i32
        %add3A_601 = arith.addi %add3A_600, %scan3A_565 : i32
        %mul3A_602 = arith.constant 16 : i32
        %mul3A_603 = arith.muli %add3A_601, %mul3A_602 : i32
        %get3A_604 = arith.index_cast %mul3A_603 : i32 to index
        %get3A_605 = tpu.vector_load %arg7[%get3A_604] {strides = array<i32>} : memref<20000xf32, #tpu.memory_space<vmem>>, vector<16xf32>,
        %get3A_606 = vector.shape_cast %get3A_605 : vector<16xf32> to vector<16xf32>
        %mul3A_607 = arith.constant 16 : i32
        %mul3A_608 = arith.muli %add3A_601, %mul3A_607 : i32
        %add3A_609 = vector.broadcast %mul3A_608 : i32 to vector<16xi32>
        %add3A_610 = arith.addi %add3A_609, %iota3A : vector<16xi32>
        %gt3A_611 = arith.cmpf ogt, %get3A_606, %select_n3A_544 : vector<16xf32>
        %eq3A_612 = arith.cmpf oeq, %get3A_606, %select_n3A_544 : vector<16xf32>
        %lt3A_613 = arith.cmpi slt, %add3A_610, %select_n3A_545 : vector<16xi32>
        %and3A_614 = arith.andi %eq3A_612, %lt3A_613 : vector<16xi1>
        %or3A_615 = arith.ori %gt3A_611, %and3A_614 : vector<16xi1>
        %select_n3A_616 = arith.select %or3A_615, %get3A_606, %select_n3A_544 : vector<16xi1>, vector<16xf32>
        %select_n3A_617 = arith.select %or3A_615, %add3A_610, %select_n3A_545 : vector<16xi1>, vector<16xi32>
        %add3A_618 = arith.constant 936 : i32
        %add3A_619 = arith.addi %add3A_618, %scan3A_565 : i32
        %mul3A_620 = arith.constant 16 : i32
        %mul3A_621 = arith.muli %add3A_619, %mul3A_620 : i32
        %get3A_622 = arith.index_cast %mul3A_621 : i32 to index
        %get3A_623 = tpu.vector_load %arg7[%get3A_622] {strides = array<i32>} : memref<20000xf32, #tpu.memory_space<vmem>>, vector<16xf32>,
        %get3A_624 = vector.shape_cast %get3A_623 : vector<16xf32> to vector<16xf32>
        %mul3A_625 = arith.constant 16 : i32
        %mul3A_626 = arith.muli %add3A_619, %mul3A_625 : i32
        %add3A_627 = vector.broadcast %mul3A_626 : i32 to vector<16xi32>
        %add3A_628 = arith.addi %add3A_627, %iota3A : vector<16xi32>
        %gt3A_629 = arith.cmpf ogt, %get3A_624, %select_n3A_562 : vector<16xf32>
        %eq3A_630 = arith.cmpf oeq, %get3A_624, %select_n3A_562 : vector<16xf32>
        %lt3A_631 = arith.cmpi slt, %add3A_628, %select_n3A_563 : vector<16xi32>
        %and3A_632 = arith.andi %eq3A_630, %lt3A_631 : vector<16xi1>
        %or3A_633 = arith.ori %gt3A_629, %and3A_632 : vector<16xi1>
        %select_n3A_634 = arith.select %or3A_633, %get3A_624, %select_n3A_562 : vector<16xi1>, vector<16xf32>
        %select_n3A_635 = arith.select %or3A_633, %add3A_628, %select_n3A_563 : vector<16xi1>, vector<16xi32>
        scf.yield %select_n3A_580, %select_n3A_581, %select_n3A_598, %select_n3A_599, %select_n3A_616, %select_n3A_617, %select_n3A_634, %select_n3A_635 : vector<16xf32>, vector<16xi32>, vector<16xf32>, vector<16xi32>, vector<16xf32>, vector<16xi32>, vector<16xf32>, vector<16xi32>
      }
      %scan3A_12 = arith.constant 312 : i32
      %get3A = arith.constant 19968 : index
      %get3A_13 = tpu.vector_load %arg7[%get3A] {strides = array<i32>} : memref<20000xf32, #tpu.memory_space<vmem>>, vector<16xf32>,
      %get3A_14 = vector.shape_cast %get3A_13 : vector<16xf32> to vector<16xf32>
      %add3A_15 = arith.constant 19968 : i32
      %add3A_16 = vector.broadcast %add3A_15 : i32 to vector<16xi32>
      %add3A_17 = arith.addi %add3A_16, %iota3A : vector<16xi32>
      %gt3A = arith.cmpf ogt, %get3A_14, %scan3A_11#0 : vector<16xf32>
      %eq3A = arith.cmpf oeq, %get3A_14, %scan3A_11#0 : vector<16xf32>
      %lt3A_18 = arith.cmpi slt, %add3A_17, %scan3A_11#1 : vector<16xi32>
      %and3A = arith.andi %eq3A, %lt3A_18 : vector<16xi1>
      %or3A = arith.ori %gt3A, %and3A : vector<16xi1>
      %select_n3A = arith.select %or3A, %get3A_14, %scan3A_11#0 : vector<16xi1>, vector<16xf32>
      %select_n3A_19 = arith.select %or3A, %add3A_17, %scan3A_11#1 : vector<16xi1>, vector<16xi32>
      %get3A_20 = arith.constant 19984 : index
      %get3A_21 = tpu.vector_load %arg7[%get3A_20] {strides = array<i32>} : memref<20000xf32, #tpu.memory_space<vmem>>, vector<16xf32>,
      %get3A_22 = vector.shape_cast %get3A_21 : vector<16xf32> to vector<16xf32>
      %add3A_23 = arith.constant 19984 : i32
      %add3A_24 = vector.broadcast %add3A_23 : i32 to vector<16xi32>
      %add3A_25 = arith.addi %add3A_24, %iota3A : vector<16xi32>
      %gt3A_26 = arith.cmpf ogt, %get3A_22, %select_n3A : vector<16xf32>
      %eq3A_27 = arith.cmpf oeq, %get3A_22, %select_n3A : vector<16xf32>
      %lt3A_28 = arith.cmpi slt, %add3A_25, %select_n3A_19 : vector<16xi32>
      %and3A_29 = arith.andi %eq3A_27, %lt3A_28 : vector<16xi1>
      %or3A_30 = arith.ori %gt3A_26, %and3A_29 : vector<16xi1>
      %select_n3A_31 = arith.select %or3A_30, %get3A_22, %select_n3A : vector<16xi1>, vector<16xf32>
      %select_n3A_32 = arith.select %or3A_30, %add3A_25, %select_n3A_19 : vector<16xi1>, vector<16xi32>
      %gt3A_33 = arith.cmpf ogt, %scan3A_11#2, %select_n3A_31 : vector<16xf32>
      %eq3A_34 = arith.cmpf oeq, %scan3A_11#2, %select_n3A_31 : vector<16xf32>
      %lt3A_35 = arith.cmpi slt, %scan3A_11#3, %select_n3A_32 : vector<16xi32>
      %and3A_36 = arith.andi %eq3A_34, %lt3A_35 : vector<16xi1>
      %or3A_37 = arith.ori %gt3A_33, %and3A_36 : vector<16xi1>
      %select_n3A_38 = arith.select %or3A_37, %scan3A_11#2, %select_n3A_31 : vector<16xi1>, vector<16xf32>
      %select_n3A_39 = arith.select %or3A_37, %scan3A_11#3, %select_n3A_32 : vector<16xi1>, vector<16xi32>
      %gt3A_40 = arith.cmpf ogt, %scan3A_11#4, %scan3A_11#6 : vector<16xf32>
      %eq3A_41 = arith.cmpf oeq, %scan3A_11#4, %scan3A_11#6 : vector<16xf32>
      %lt3A_42 = arith.cmpi slt, %scan3A_11#5, %scan3A_11#7 : vector<16xi32>
      %and3A_43 = arith.andi %eq3A_41, %lt3A_42 : vector<16xi1>
      %or3A_44 = arith.ori %gt3A_40, %and3A_43 : vector<16xi1>
      %select_n3A_45 = arith.select %or3A_44, %scan3A_11#4, %scan3A_11#6 : vector<16xi1>, vector<16xf32>
      %select_n3A_46 = arith.select %or3A_44, %scan3A_11#5, %scan3A_11#7 : vector<16xi1>, vector<16xi32>
      %gt3A_47 = arith.cmpf ogt, %select_n3A_45, %select_n3A_38 : vector<16xf32>
      %eq3A_48 = arith.cmpf oeq, %select_n3A_45, %select_n3A_38 : vector<16xf32>
      %lt3A_49 = arith.cmpi slt, %select_n3A_46, %select_n3A_39 : vector<16xi32>
      %and3A_50 = arith.andi %eq3A_48, %lt3A_49 : vector<16xi1>
      %or3A_51 = arith.ori %gt3A_47, %and3A_50 : vector<16xi1>
      %select_n3A_52 = arith.select %or3A_51, %select_n3A_45, %select_n3A_38 : vector<16xi1>, vector<16xf32>
      %select_n3A_53 = arith.select %or3A_51, %select_n3A_46, %select_n3A_39 : vector<16xi1>, vector<16xi32>
      %slice3A = vector.extract_strided_slice %select_n3A_52 {offsets = [0], sizes = [1], strides = [1]} : vector<16xf32> to vector<1xf32>
      %squeeze3A = vector.extract %slice3A[0] : f32 from vector<1xf32>
      %slice3A_54 = vector.extract_strided_slice %select_n3A_53 {offsets = [0], sizes = [1], strides = [1]} : vector<16xi32> to vector<1xi32>
      %squeeze3A_55 = vector.extract %slice3A_54[0] : i32 from vector<1xi32>
      %slice3A_56 = vector.extract_strided_slice %select_n3A_52 {offsets = [1], sizes = [1], strides = [1]} : vector<16xf32> to vector<1xf32>
      %squeeze3A_57 = vector.extract %slice3A_56[0] : f32 from vector<1xf32>
      %slice3A_58 = vector.extract_strided_slice %select_n3A_53 {offsets = [1], sizes = [1], strides = [1]} : vector<16xi32> to vector<1xi32>
      %squeeze3A_59 = vector.extract %slice3A_58[0] : i32 from vector<1xi32>
      %gt3A_60 = arith.cmpf ogt, %squeeze3A_57, %squeeze3A : f32
      %eq3A_61 = arith.cmpf oeq, %squeeze3A_57, %squeeze3A : f32
      %lt3A_62 = arith.cmpi slt, %squeeze3A_59, %squeeze3A_55 : i32
      %and3A_63 = arith.andi %eq3A_61, %lt3A_62 : i1
      %or3A_64 = arith.ori %gt3A_60, %and3A_63 : i1
      %select_n3A_65 = arith.select %or3A_64, %squeeze3A_57, %squeeze3A : f32
      %select_n3A_66 = arith.select %or3A_64, %squeeze3A_59, %squeeze3A_55 : i32
      %slice3A_67 = vector.extract_strided_slice %select_n3A_52 {offsets = [2], sizes = [1], strides = [1]} : vector<16xf32> to vector<1xf32>
      %squeeze3A_68 = vector.extract %slice3A_67[0] : f32 from vector<1xf32>
      %slice3A_69 = vector.extract_strided_slice %select_n3A_53 {offsets = [2], sizes = [1], strides = [1]} : vector<16xi32> to vector<1xi32>
      %squeeze3A_70 = vector.extract %slice3A_69[0] : i32 from vector<1xi32>
      %gt3A_71 = arith.cmpf ogt, %squeeze3A_68, %select_n3A_65 : f32
      %eq3A_72 = arith.cmpf oeq, %squeeze3A_68, %select_n3A_65 : f32
      %lt3A_73 = arith.cmpi slt, %squeeze3A_70, %select_n3A_66 : i32
      %and3A_74 = arith.andi %eq3A_72, %lt3A_73 : i1
      %or3A_75 = arith.ori %gt3A_71, %and3A_74 : i1
      %select_n3A_76 = arith.select %or3A_75, %squeeze3A_68, %select_n3A_65 : f32
      %select_n3A_77 = arith.select %or3A_75, %squeeze3A_70, %select_n3A_66 : i32
      %slice3A_78 = vector.extract_strided_slice %select_n3A_52 {offsets = [3], sizes = [1], strides = [1]} : vector<16xf32> to vector<1xf32>
      %squeeze3A_79 = vector.extract %slice3A_78[0] : f32 from vector<1xf32>
      %slice3A_80 = vector.extract_strided_slice %select_n3A_53 {offsets = [3], sizes = [1], strides = [1]} : vector<16xi32> to vector<1xi32>
      %squeeze3A_81 = vector.extract %slice3A_80[0] : i32 from vector<1xi32>
      %gt3A_82 = arith.cmpf ogt, %squeeze3A_79, %select_n3A_76 : f32
      %eq3A_83 = arith.cmpf oeq, %squeeze3A_79, %select_n3A_76 : f32
      %lt3A_84 = arith.cmpi slt, %squeeze3A_81, %select_n3A_77 : i32
      %and3A_85 = arith.andi %eq3A_83, %lt3A_84 : i1
      %or3A_86 = arith.ori %gt3A_82, %and3A_85 : i1
      %select_n3A_87 = arith.select %or3A_86, %squeeze3A_79, %select_n3A_76 : f32
      %select_n3A_88 = arith.select %or3A_86, %squeeze3A_81, %select_n3A_77 : i32
      %slice3A_89 = vector.extract_strided_slice %select_n3A_52 {offsets = [4], sizes = [1], strides = [1]} : vector<16xf32> to vector<1xf32>
      %squeeze3A_90 = vector.extract %slice3A_89[0] : f32 from vector<1xf32>
      %slice3A_91 = vector.extract_strided_slice %select_n3A_53 {offsets = [4], sizes = [1], strides = [1]} : vector<16xi32> to vector<1xi32>
      %squeeze3A_92 = vector.extract %slice3A_91[0] : i32 from vector<1xi32>
      %gt3A_93 = arith.cmpf ogt, %squeeze3A_90, %select_n3A_87 : f32
      %eq3A_94 = arith.cmpf oeq, %squeeze3A_90, %select_n3A_87 : f32
      %lt3A_95 = arith.cmpi slt, %squeeze3A_92, %select_n3A_88 : i32
      %and3A_96 = arith.andi %eq3A_94, %lt3A_95 : i1
      %or3A_97 = arith.ori %gt3A_93, %and3A_96 : i1
      %select_n3A_98 = arith.select %or3A_97, %squeeze3A_90, %select_n3A_87 : f32
      %select_n3A_99 = arith.select %or3A_97, %squeeze3A_92, %select_n3A_88 : i32
      %slice3A_100 = vector.extract_strided_slice %select_n3A_52 {offsets = [5], sizes = [1], strides = [1]} : vector<16xf32> to vector<1xf32>
      %squeeze3A_101 = vector.extract %slice3A_100[0] : f32 from vector<1xf32>
      %slice3A_102 = vector.extract_strided_slice %select_n3A_53 {offsets = [5], sizes = [1], strides = [1]} : vector<16xi32> to vector<1xi32>
      %squeeze3A_103 = vector.extract %slice3A_102[0] : i32 from vector<1xi32>
      %gt3A_104 = arith.cmpf ogt, %squeeze3A_101, %select_n3A_98 : f32
      %eq3A_105 = arith.cmpf oeq, %squeeze3A_101, %select_n3A_98 : f32
      %lt3A_106 = arith.cmpi slt, %squeeze3A_103, %select_n3A_99 : i32
      %and3A_107 = arith.andi %eq3A_105, %lt3A_106 : i1
      %or3A_108 = arith.ori %gt3A_104, %and3A_107 : i1
      %select_n3A_109 = arith.select %or3A_108, %squeeze3A_101, %select_n3A_98 : f32
      %select_n3A_110 = arith.select %or3A_108, %squeeze3A_103, %select_n3A_99 : i32
      %slice3A_111 = vector.extract_strided_slice %select_n3A_52 {offsets = [6], sizes = [1], strides = [1]} : vector<16xf32> to vector<1xf32>
      %squeeze3A_112 = vector.extract %slice3A_111[0] : f32 from vector<1xf32>
      %slice3A_113 = vector.extract_strided_slice %select_n3A_53 {offsets = [6], sizes = [1], strides = [1]} : vector<16xi32> to vector<1xi32>
      %squeeze3A_114 = vector.extract %slice3A_113[0] : i32 from vector<1xi32>
      %gt3A_115 = arith.cmpf ogt, %squeeze3A_112, %select_n3A_109 : f32
      %eq3A_116 = arith.cmpf oeq, %squeeze3A_112, %select_n3A_109 : f32
      %lt3A_117 = arith.cmpi slt, %squeeze3A_114, %select_n3A_110 : i32
      %and3A_118 = arith.andi %eq3A_116, %lt3A_117 : i1
      %or3A_119 = arith.ori %gt3A_115, %and3A_118 : i1
      %select_n3A_120 = arith.select %or3A_119, %squeeze3A_112, %select_n3A_109 : f32
      %select_n3A_121 = arith.select %or3A_119, %squeeze3A_114, %select_n3A_110 : i32
      %slice3A_122 = vector.extract_strided_slice %select_n3A_52 {offsets = [7], sizes = [1], strides = [1]} : vector<16xf32> to vector<1xf32>
      %squeeze3A_123 = vector.extract %slice3A_122[0] : f32 from vector<1xf32>
      %slice3A_124 = vector.extract_strided_slice %select_n3A_53 {offsets = [7], sizes = [1], strides = [1]} : vector<16xi32> to vector<1xi32>
      %squeeze3A_125 = vector.extract %slice3A_124[0] : i32 from vector<1xi32>
      %gt3A_126 = arith.cmpf ogt, %squeeze3A_123, %select_n3A_120 : f32
      %eq3A_127 = arith.cmpf oeq, %squeeze3A_123, %select_n3A_120 : f32
      %lt3A_128 = arith.cmpi slt, %squeeze3A_125, %select_n3A_121 : i32
      %and3A_129 = arith.andi %eq3A_127, %lt3A_128 : i1
      %or3A_130 = arith.ori %gt3A_126, %and3A_129 : i1
      %select_n3A_131 = arith.select %or3A_130, %squeeze3A_123, %select_n3A_120 : f32
      %select_n3A_132 = arith.select %or3A_130, %squeeze3A_125, %select_n3A_121 : i32
      %slice3A_133 = vector.extract_strided_slice %select_n3A_52 {offsets = [8], sizes = [1], strides = [1]} : vector<16xf32> to vector<1xf32>
      %squeeze3A_134 = vector.extract %slice3A_133[0] : f32 from vector<1xf32>
      %slice3A_135 = vector.extract_strided_slice %select_n3A_53 {offsets = [8], sizes = [1], strides = [1]} : vector<16xi32> to vector<1xi32>
      %squeeze3A_136 = vector.extract %slice3A_135[0] : i32 from vector<1xi32>
      %gt3A_137 = arith.cmpf ogt, %squeeze3A_134, %select_n3A_131 : f32
      %eq3A_138 = arith.cmpf oeq, %squeeze3A_134, %select_n3A_131 : f32
      %lt3A_139 = arith.cmpi slt, %squeeze3A_136, %select_n3A_132 : i32
      %and3A_140 = arith.andi %eq3A_138, %lt3A_139 : i1
      %or3A_141 = arith.ori %gt3A_137, %and3A_140 : i1
      %select_n3A_142 = arith.select %or3A_141, %squeeze3A_134, %select_n3A_131 : f32
      %select_n3A_143 = arith.select %or3A_141, %squeeze3A_136, %select_n3A_132 : i32
      %slice3A_144 = vector.extract_strided_slice %select_n3A_52 {offsets = [9], sizes = [1], strides = [1]} : vector<16xf32> to vector<1xf32>
      %squeeze3A_145 = vector.extract %slice3A_144[0] : f32 from vector<1xf32>
      %slice3A_146 = vector.extract_strided_slice %select_n3A_53 {offsets = [9], sizes = [1], strides = [1]} : vector<16xi32> to vector<1xi32>
      %squeeze3A_147 = vector.extract %slice3A_146[0] : i32 from vector<1xi32>
      %gt3A_148 = arith.cmpf ogt, %squeeze3A_145, %select_n3A_142 : f32
      %eq3A_149 = arith.cmpf oeq, %squeeze3A_145, %select_n3A_142 : f32
      %lt3A_150 = arith.cmpi slt, %squeeze3A_147, %select_n3A_143 : i32
      %and3A_151 = arith.andi %eq3A_149, %lt3A_150 : i1
      %or3A_152 = arith.ori %gt3A_148, %and3A_151 : i1
      %select_n3A_153 = arith.select %or3A_152, %squeeze3A_145, %select_n3A_142 : f32
      %select_n3A_154 = arith.select %or3A_152, %squeeze3A_147, %select_n3A_143 : i32
      %slice3A_155 = vector.extract_strided_slice %select_n3A_52 {offsets = [10], sizes = [1], strides = [1]} : vector<16xf32> to vector<1xf32>
      %squeeze3A_156 = vector.extract %slice3A_155[0] : f32 from vector<1xf32>
      %slice3A_157 = vector.extract_strided_slice %select_n3A_53 {offsets = [10], sizes = [1], strides = [1]} : vector<16xi32> to vector<1xi32>
      %squeeze3A_158 = vector.extract %slice3A_157[0] : i32 from vector<1xi32>
      %gt3A_159 = arith.cmpf ogt, %squeeze3A_156, %select_n3A_153 : f32
      %eq3A_160 = arith.cmpf oeq, %squeeze3A_156, %select_n3A_153 : f32
      %lt3A_161 = arith.cmpi slt, %squeeze3A_158, %select_n3A_154 : i32
      %and3A_162 = arith.andi %eq3A_160, %lt3A_161 : i1
      %or3A_163 = arith.ori %gt3A_159, %and3A_162 : i1
      %select_n3A_164 = arith.select %or3A_163, %squeeze3A_156, %select_n3A_153 : f32
      %select_n3A_165 = arith.select %or3A_163, %squeeze3A_158, %select_n3A_154 : i32
      %slice3A_166 = vector.extract_strided_slice %select_n3A_52 {offsets = [11], sizes = [1], strides = [1]} : vector<16xf32> to vector<1xf32>
      %squeeze3A_167 = vector.extract %slice3A_166[0] : f32 from vector<1xf32>
      %slice3A_168 = vector.extract_strided_slice %select_n3A_53 {offsets = [11], sizes = [1], strides = [1]} : vector<16xi32> to vector<1xi32>
      %squeeze3A_169 = vector.extract %slice3A_168[0] : i32 from vector<1xi32>
      %gt3A_170 = arith.cmpf ogt, %squeeze3A_167, %select_n3A_164 : f32
      %eq3A_171 = arith.cmpf oeq, %squeeze3A_167, %select_n3A_164 : f32
      %lt3A_172 = arith.cmpi slt, %squeeze3A_169, %select_n3A_165 : i32
      %and3A_173 = arith.andi %eq3A_171, %lt3A_172 : i1
      %or3A_174 = arith.ori %gt3A_170, %and3A_173 : i1
      %select_n3A_175 = arith.select %or3A_174, %squeeze3A_167, %select_n3A_164 : f32
      %select_n3A_176 = arith.select %or3A_174, %squeeze3A_169, %select_n3A_165 : i32
      %slice3A_177 = vector.extract_strided_slice %select_n3A_52 {offsets = [12], sizes = [1], strides = [1]} : vector<16xf32> to vector<1xf32>
      %squeeze3A_178 = vector.extract %slice3A_177[0] : f32 from vector<1xf32>
      %slice3A_179 = vector.extract_strided_slice %select_n3A_53 {offsets = [12], sizes = [1], strides = [1]} : vector<16xi32> to vector<1xi32>
      %squeeze3A_180 = vector.extract %slice3A_179[0] : i32 from vector<1xi32>
      %gt3A_181 = arith.cmpf ogt, %squeeze3A_178, %select_n3A_175 : f32
      %eq3A_182 = arith.cmpf oeq, %squeeze3A_178, %select_n3A_175 : f32
      %lt3A_183 = arith.cmpi slt, %squeeze3A_180, %select_n3A_176 : i32
      %and3A_184 = arith.andi %eq3A_182, %lt3A_183 : i1
      %or3A_185 = arith.ori %gt3A_181, %and3A_184 : i1
      %select_n3A_186 = arith.select %or3A_185, %squeeze3A_178, %select_n3A_175 : f32
      %select_n3A_187 = arith.select %or3A_185, %squeeze3A_180, %select_n3A_176 : i32
      %slice3A_188 = vector.extract_strided_slice %select_n3A_52 {offsets = [13], sizes = [1], strides = [1]} : vector<16xf32> to vector<1xf32>
      %squeeze3A_189 = vector.extract %slice3A_188[0] : f32 from vector<1xf32>
      %slice3A_190 = vector.extract_strided_slice %select_n3A_53 {offsets = [13], sizes = [1], strides = [1]} : vector<16xi32> to vector<1xi32>
      %squeeze3A_191 = vector.extract %slice3A_190[0] : i32 from vector<1xi32>
      %gt3A_192 = arith.cmpf ogt, %squeeze3A_189, %select_n3A_186 : f32
      %eq3A_193 = arith.cmpf oeq, %squeeze3A_189, %select_n3A_186 : f32
      %lt3A_194 = arith.cmpi slt, %squeeze3A_191, %select_n3A_187 : i32
      %and3A_195 = arith.andi %eq3A_193, %lt3A_194 : i1
      %or3A_196 = arith.ori %gt3A_192, %and3A_195 : i1
      %select_n3A_197 = arith.select %or3A_196, %squeeze3A_189, %select_n3A_186 : f32
      %select_n3A_198 = arith.select %or3A_196, %squeeze3A_191, %select_n3A_187 : i32
      %slice3A_199 = vector.extract_strided_slice %select_n3A_52 {offsets = [14], sizes = [1], strides = [1]} : vector<16xf32> to vector<1xf32>
      %squeeze3A_200 = vector.extract %slice3A_199[0] : f32 from vector<1xf32>
      %slice3A_201 = vector.extract_strided_slice %select_n3A_53 {offsets = [14], sizes = [1], strides = [1]} : vector<16xi32> to vector<1xi32>
      %squeeze3A_202 = vector.extract %slice3A_201[0] : i32 from vector<1xi32>
      %gt3A_203 = arith.cmpf ogt, %squeeze3A_200, %select_n3A_197 : f32
      %eq3A_204 = arith.cmpf oeq, %squeeze3A_200, %select_n3A_197 : f32
      %lt3A_205 = arith.cmpi slt, %squeeze3A_202, %select_n3A_198 : i32
      %and3A_206 = arith.andi %eq3A_204, %lt3A_205 : i1
      %or3A_207 = arith.ori %gt3A_203, %and3A_206 : i1
      %select_n3A_208 = arith.select %or3A_207, %squeeze3A_200, %select_n3A_197 : f32
      %select_n3A_209 = arith.select %or3A_207, %squeeze3A_202, %select_n3A_198 : i32
      %slice3A_210 = vector.extract_strided_slice %select_n3A_52 {offsets = [15], sizes = [1], strides = [1]} : vector<16xf32> to vector<1xf32>
      %squeeze3A_211 = vector.extract %slice3A_210[0] : f32 from vector<1xf32>
      %slice3A_212 = vector.extract_strided_slice %select_n3A_53 {offsets = [15], sizes = [1], strides = [1]} : vector<16xi32> to vector<1xi32>
      %squeeze3A_213 = vector.extract %slice3A_212[0] : i32 from vector<1xi32>
      %gt3A_214 = arith.cmpf ogt, %squeeze3A_211, %select_n3A_208 : f32
      %eq3A_215 = arith.cmpf oeq, %squeeze3A_211, %select_n3A_208 : f32
      %lt3A_216 = arith.cmpi slt, %squeeze3A_213, %select_n3A_209 : i32
      %and3A_217 = arith.andi %eq3A_215, %lt3A_216 : i1
      %or3A_218 = arith.ori %gt3A_214, %and3A_217 : i1
      %select_n3A_219 = arith.select %or3A_218, %squeeze3A_211, %select_n3A_208 : f32
      %select_n3A_220 = arith.select %or3A_218, %squeeze3A_213, %select_n3A_209 : i32
      %swap3A = arith.constant 0 : i32
      %swap3A_221 = arith.constant 0 : i32
      %swap3A_222 = arith.index_cast %swap3A_221 : i32 to index
      %swap3A_223 = memref.load %arg21[%swap3A_222] : memref<8xi32, #tpu.memory_space<smem>>
      memref.store %swap3A, %arg21[%swap3A_222] : memref<8xi32, #tpu.memory_space<smem>>
      %swap3A_224 = arith.constant 1 : i32
      %swap3A_225 = arith.index_cast %swap3A_224 : i32 to index
      %swap3A_226 = memref.load %arg21[%swap3A_225] : memref<8xi32, #tpu.memory_space<smem>>
      memref.store %select_n3A_220, %arg21[%swap3A_225] : memref<8xi32, #tpu.memory_space<smem>>
      %swap3A_227 = arith.constant 0 : i32
      %swap3A_228 = arith.constant 2 : i32
      %swap3A_229 = arith.index_cast %swap3A_228 : i32 to index
      %swap3A_230 = memref.load %arg21[%swap3A_229] : memref<8xi32, #tpu.memory_space<smem>>
      memref.store %swap3A_227, %arg21[%swap3A_229] : memref<8xi32, #tpu.memory_space<smem>>
      %swap3A_231 = arith.constant 0 : i32
      %swap3A_232 = arith.index_cast %swap3A_231 : i32 to index
      %swap3A_233 = memref.load %arg22[%swap3A_232] : memref<16xf32, #tpu.memory_space<smem>>
      memref.store %select_n3A_219, %arg22[%swap3A_232] : memref<16xf32, #tpu.memory_space<smem>>
      %scan3A_234 = arith.constant 0 : i32
      %scan3A_235 = arith.constant 0xFF800000 : f32
      %scan3A_236 = arith.constant 0.000000e+00 : f32
      %scan3A_237 = arith.constant 0 : i32
      %scan3A_238 = arith.constant 30 : i32
      %scan3A_239 = arith.addi %scan3A_237, %scan3A_238 : i32
      %scan3A_240 = arith.constant 1 : i32
      scf.for %scan3A_341 = %scan3A_237 to %scan3A_239 step %scan3A_240  : i32 {
        %get3A_342 = arith.constant 0 : i32
        %get3A_343 = arith.index_cast %get3A_342 : i32 to index
        %get3A_344 = memref.load %arg21[%get3A_343] : memref<8xi32, #tpu.memory_space<smem>>
        %eq3A_345 = arith.constant 0 : i32
        %eq3A_346 = arith.cmpi eq, %get3A_344, %eq3A_345 : i32
        %convert_element_type3A_347 = arith.extui %eq3A_346 : i1 to i32
        %cond3A_348 = arith.constant 0 : i32
        %cond3A_349 = arith.cmpi ne, %convert_element_type3A_347, %cond3A_348 : i32
        scf.if %cond3A_349 {
          %scan3A_350 = arith.constant 0 : i32
          %scan3A_351 = arith.constant 0 : i32
          %scan3A_352 = arith.constant 10 : i32
          %scan3A_353 = arith.addi %scan3A_351, %scan3A_352 : i32
          %scan3A_354 = arith.constant 1 : i32
          scf.for %scan3A_356 = %scan3A_351 to %scan3A_353 step %scan3A_354  : i32 {
            %mul3A_357 = arith.constant 10 : i32
            %mul3A_358 = arith.muli %scan3A_341, %mul3A_357 : i32
            %add3A_359 = arith.addi %mul3A_358, %scan3A_356 : i32
            %get3A_360 = arith.constant 0 : i32
            %get3A_361 = arith.index_cast %get3A_360 : i32 to index
            %get3A_362 = memref.load %arg21[%get3A_361] : memref<8xi32, #tpu.memory_space<smem>>
            %get3A_363 = arith.constant 0 : i32
            %get3A_364 = arith.index_cast %get3A_363 : i32 to index
            %get3A_365 = memref.load %arg22[%get3A_364] : memref<16xf32, #tpu.memory_space<smem>>
            %eq3A_366 = arith.constant 0 : i32
            %eq3A_367 = arith.cmpi eq, %get3A_362, %eq3A_366 : i32
            %gt3A_368 = arith.cmpf ogt, %get3A_365, %scan3A_235 : f32
            %and3A_369 = arith.andi %eq3A_367, %gt3A_368 : i1
            %convert_element_type3A_370 = arith.extui %and3A_369 : i1 to i32
            %cond3A_371 = arith.constant 0 : i32
            %cond3A_372 = arith.cmpi ne, %convert_element_type3A_370, %cond3A_371 : i32
            scf.if %cond3A_372 {
              %get3A_373 = arith.constant 1 : i32
              %get3A_374 = arith.index_cast %get3A_373 : i32 to index
              %get3A_375 = memref.load %arg21[%get3A_374] : memref<8xi32, #tpu.memory_space<smem>>
              %eq3A_376 = arith.constant 0 : i32
              %eq3A_377 = arith.cmpi eq, %add3A_359, %eq3A_376 : i32
              %jit3A = arith.constant 0 : i32
              %jit3A_378 = arith.constant 125 : i32
              %select_n3A_379 = arith.select %eq3A_377, %jit3A, %jit3A_378 : i32
              %broadcast_in_dim3A_380 = arith.constant 0 : i32
              %broadcast_in_dim3A_381 = vector.broadcast %broadcast_in_dim3A_380 : i32 to vector<16xi32>
              %while3A_382 = arith.constant 0 : i32
              %while3A_383 = arith.subi %select_n3A_379, %while3A_382 : i32
              %while3A_384 = arith.addi %while3A_382, %while3A_383 : i32
              %while3A_385 = arith.constant 1 : i32
              %while3A_386 = arith.divsi %while3A_383, %while3A_385 : i32
              %while3A_387 = arith.muli %while3A_386, %while3A_385 : i32
              %while3A_388 = arith.addi %while3A_382, %while3A_387 : i32
              %while3A_389 = arith.constant 1 : i32
              %while3A_390 = scf.for %while3A_1105 = %while3A_382 to %while3A_388 step %while3A_389 iter_args(%while3A_1106 = %broadcast_in_dim3A_381) -> (vector<16xi32>)  : i32 {
                %mul3A_1107 = arith.constant 10 : i32
                %mul3A_1108 = arith.muli %while3A_1105, %mul3A_1107 : i32
                %add3A_1109 = arith.constant 0 : i32
                %add3A_1110 = arith.addi %mul3A_1108, %add3A_1109 : i32
                %mul3A_1111 = arith.constant 16 : i32
                %mul3A_1112 = arith.muli %add3A_1110, %mul3A_1111 : i32
                %get3A_1113 = arith.index_cast %mul3A_1112 : i32 to index
                %get3A_1114 = tpu.vector_load %arg7[%get3A_1113] {strides = array<i32>} : memref<20000xf32, #tpu.memory_space<vmem>>, vector<16xf32>,
                %get3A_1115 = vector.shape_cast %get3A_1114 : vector<16xf32> to vector<16xf32>
                %mul3A_1116 = arith.constant 16 : i32
                %mul3A_1117 = arith.muli %add3A_1110, %mul3A_1116 : i32
                %add3A_1118 = vector.broadcast %mul3A_1117 : i32 to vector<16xi32>
                %add3A_1119 = arith.addi %add3A_1118, %iota3A : vector<16xi32>
                %gt3A_1120 = vector.broadcast %get3A_365 : f32 to vector<16xf32>
                %gt3A_1121 = arith.cmpf ogt, %get3A_1115, %gt3A_1120 : vector<16xf32>
                %eq3A_1122 = vector.broadcast %get3A_365 : f32 to vector<16xf32>
                %eq3A_1123 = arith.cmpf oeq, %get3A_1115, %eq3A_1122 : vector<16xf32>
                %lt3A_1124 = vector.broadcast %get3A_375 : i32 to vector<16xi32>
                %lt3A_1125 = arith.cmpi slt, %add3A_1119, %lt3A_1124 : vector<16xi32>
                %and3A_1126 = arith.andi %eq3A_1123, %lt3A_1125 : vector<16xi1>
                %or3A_1127 = arith.ori %gt3A_1121, %and3A_1126 : vector<16xi1>
                %jit3A_1128 = arith.constant 1 : i32
                %jit3A_1129 = arith.constant 0 : i32
                %broadcast_in_dim3A_1130 = vector.broadcast %jit3A_1128 : i32 to vector<16xi32>
                %broadcast_in_dim3A_1131 = vector.broadcast %jit3A_1129 : i32 to vector<16xi32>
                %select_n3A_1132 = arith.select %or3A_1127, %broadcast_in_dim3A_1130, %broadcast_in_dim3A_1131 : vector<16xi1>, vector<16xi32>
                %add3A_1133 = arith.addi %while3A_1106, %select_n3A_1132 : vector<16xi32>
                %mul3A_1134 = arith.constant 10 : i32
                %mul3A_1135 = arith.muli %while3A_1105, %mul3A_1134 : i32
                %add3A_1136 = arith.constant 1 : i32
                %add3A_1137 = arith.addi %mul3A_1135, %add3A_1136 : i32
                %mul3A_1138 = arith.constant 16 : i32
                %mul3A_1139 = arith.muli %add3A_1137, %mul3A_1138 : i32
                %get3A_1140 = arith.index_cast %mul3A_1139 : i32 to index
                %get3A_1141 = tpu.vector_load %arg7[%get3A_1140] {strides = array<i32>} : memref<20000xf32, #tpu.memory_space<vmem>>, vector<16xf32>,
                %get3A_1142 = vector.shape_cast %get3A_1141 : vector<16xf32> to vector<16xf32>
                %mul3A_1143 = arith.constant 16 : i32
                %mul3A_1144 = arith.muli %add3A_1137, %mul3A_1143 : i32
                %add3A_1145 = vector.broadcast %mul3A_1144 : i32 to vector<16xi32>
                %add3A_1146 = arith.addi %add3A_1145, %iota3A : vector<16xi32>
                %gt3A_1147 = vector.broadcast %get3A_365 : f32 to vector<16xf32>
                %gt3A_1148 = arith.cmpf ogt, %get3A_1142, %gt3A_1147 : vector<16xf32>
                %eq3A_1149 = vector.broadcast %get3A_365 : f32 to vector<16xf32>
                %eq3A_1150 = arith.cmpf oeq, %get3A_1142, %eq3A_1149 : vector<16xf32>
                %lt3A_1151 = vector.broadcast %get3A_375 : i32 to vector<16xi32>
                %lt3A_1152 = arith.cmpi slt, %add3A_1146, %lt3A_1151 : vector<16xi32>
                %and3A_1153 = arith.andi %eq3A_1150, %lt3A_1152 : vector<16xi1>
                %or3A_1154 = arith.ori %gt3A_1148, %and3A_1153 : vector<16xi1>
                %jit3A_1155 = arith.constant 1 : i32
                %jit3A_1156 = arith.constant 0 : i32
                %broadcast_in_dim3A_1157 = vector.broadcast %jit3A_1155 : i32 to vector<16xi32>
                %broadcast_in_dim3A_1158 = vector.broadcast %jit3A_1156 : i32 to vector<16xi32>
                %select_n3A_1159 = arith.select %or3A_1154, %broadcast_in_dim3A_1157, %broadcast_in_dim3A_1158 : vector<16xi1>, vector<16xi32>
                %add3A_1160 = arith.addi %add3A_1133, %select_n3A_1159 : vector<16xi32>
                %mul3A_1161 = arith.constant 10 : i32
                %mul3A_1162 = arith.muli %while3A_1105, %mul3A_1161 : i32
                %add3A_1163 = arith.constant 2 : i32
                %add3A_1164 = arith.addi %mul3A_1162, %add3A_1163 : i32
                %mul3A_1165 = arith.constant 16 : i32
                %mul3A_1166 = arith.muli %add3A_1164, %mul3A_1165 : i32
                %get3A_1167 = arith.index_cast %mul3A_1166 : i32 to index
                %get3A_1168 = tpu.vector_load %arg7[%get3A_1167] {strides = array<i32>} : memref<20000xf32, #tpu.memory_space<vmem>>, vector<16xf32>,
                %get3A_1169 = vector.shape_cast %get3A_1168 : vector<16xf32> to vector<16xf32>
                %mul3A_1170 = arith.constant 16 : i32
                %mul3A_1171 = arith.muli %add3A_1164, %mul3A_1170 : i32
                %add3A_1172 = vector.broadcast %mul3A_1171 : i32 to vector<16xi32>
                %add3A_1173 = arith.addi %add3A_1172, %iota3A : vector<16xi32>
                %gt3A_1174 = vector.broadcast %get3A_365 : f32 to vector<16xf32>
                %gt3A_1175 = arith.cmpf ogt, %get3A_1169, %gt3A_1174 : vector<16xf32>
                %eq3A_1176 = vector.broadcast %get3A_365 : f32 to vector<16xf32>
                %eq3A_1177 = arith.cmpf oeq, %get3A_1169, %eq3A_1176 : vector<16xf32>
                %lt3A_1178 = vector.broadcast %get3A_375 : i32 to vector<16xi32>
                %lt3A_1179 = arith.cmpi slt, %add3A_1173, %lt3A_1178 : vector<16xi32>
                %and3A_1180 = arith.andi %eq3A_1177, %lt3A_1179 : vector<16xi1>
                %or3A_1181 = arith.ori %gt3A_1175, %and3A_1180 : vector<16xi1>
                %jit3A_1182 = arith.constant 1 : i32
                %jit3A_1183 = arith.constant 0 : i32
                %broadcast_in_dim3A_1184 = vector.broadcast %jit3A_1182 : i32 to vector<16xi32>
                %broadcast_in_dim3A_1185 = vector.broadcast %jit3A_1183 : i32 to vector<16xi32>
                %select_n3A_1186 = arith.select %or3A_1181, %broadcast_in_dim3A_1184, %broadcast_in_dim3A_1185 : vector<16xi1>, vector<16xi32>
                %add3A_1187 = arith.addi %add3A_1160, %select_n3A_1186 : vector<16xi32>
                %mul3A_1188 = arith.constant 10 : i32
                %mul3A_1189 = arith.muli %while3A_1105, %mul3A_1188 : i32
                %add3A_1190 = arith.constant 3 : i32
                %add3A_1191 = arith.addi %mul3A_1189, %add3A_1190 : i32
                %mul3A_1192 = arith.constant 16 : i32
                %mul3A_1193 = arith.muli %add3A_1191, %mul3A_1192 : i32
                %get3A_1194 = arith.index_cast %mul3A_1193 : i32 to index
                %get3A_1195 = tpu.vector_load %arg7[%get3A_1194] {strides = array<i32>} : memref<20000xf32, #tpu.memory_space<vmem>>, vector<16xf32>,
                %get3A_1196 = vector.shape_cast %get3A_1195 : vector<16xf32> to vector<16xf32>
                %mul3A_1197 = arith.constant 16 : i32
                %mul3A_1198 = arith.muli %add3A_1191, %mul3A_1197 : i32
                %add3A_1199 = vector.broadcast %mul3A_1198 : i32 to vector<16xi32>
                %add3A_1200 = arith.addi %add3A_1199, %iota3A : vector<16xi32>
                %gt3A_1201 = vector.broadcast %get3A_365 : f32 to vector<16xf32>
                %gt3A_1202 = arith.cmpf ogt, %get3A_1196, %gt3A_1201 : vector<16xf32>
                %eq3A_1203 = vector.broadcast %get3A_365 : f32 to vector<16xf32>
                %eq3A_1204 = arith.cmpf oeq, %get3A_1196, %eq3A_1203 : vector<16xf32>
                %lt3A_1205 = vector.broadcast %get3A_375 : i32 to vector<16xi32>
                %lt3A_1206 = arith.cmpi slt, %add3A_1200, %lt3A_1205 : vector<16xi32>
                %and3A_1207 = arith.andi %eq3A_1204, %lt3A_1206 : vector<16xi1>
                %or3A_1208 = arith.ori %gt3A_1202, %and3A_1207 : vector<16xi1>
                %jit3A_1209 = arith.constant 1 : i32
                %jit3A_1210 = arith.constant 0 : i32
                %broadcast_in_dim3A_1211 = vector.broadcast %jit3A_1209 : i32 to vector<16xi32>
                %broadcast_in_dim3A_1212 = vector.broadcast %jit3A_1210 : i32 to vector<16xi32>
                %select_n3A_1213 = arith.select %or3A_1208, %broadcast_in_dim3A_1211, %broadcast_in_dim3A_1212 : vector<16xi1>, vector<16xi32>
                %add3A_1214 = arith.addi %add3A_1187, %select_n3A_1213 : vector<16xi32>
                %mul3A_1215 = arith.constant 10 : i32
                %mul3A_1216 = arith.muli %while3A_1105, %mul3A_1215 : i32
                %add3A_1217 = arith.constant 4 : i32
                %add3A_1218 = arith.addi %mul3A_1216, %add3A_1217 : i32
                %mul3A_1219 = arith.constant 16 : i32
                %mul3A_1220 = arith.muli %add3A_1218, %mul3A_1219 : i32
                %get3A_1221 = arith.index_cast %mul3A_1220 : i32 to index
                %get3A_1222 = tpu.vector_load %arg7[%get3A_1221] {strides = array<i32>} : memref<20000xf32, #tpu.memory_space<vmem>>, vector<16xf32>,
                %get3A_1223 = vector.shape_cast %get3A_1222 : vector<16xf32> to vector<16xf32>
                %mul3A_1224 = arith.constant 16 : i32
                %mul3A_1225 = arith.muli %add3A_1218, %mul3A_1224 : i32
                %add3A_1226 = vector.broadcast %mul3A_1225 : i32 to vector<16xi32>
                %add3A_1227 = arith.addi %add3A_1226, %iota3A : vector<16xi32>
                %gt3A_1228 = vector.broadcast %get3A_365 : f32 to vector<16xf32>
                %gt3A_1229 = arith.cmpf ogt, %get3A_1223, %gt3A_1228 : vector<16xf32>
                %eq3A_1230 = vector.broadcast %get3A_365 : f32 to vector<16xf32>
                %eq3A_1231 = arith.cmpf oeq, %get3A_1223, %eq3A_1230 : vector<16xf32>
                %lt3A_1232 = vector.broadcast %get3A_375 : i32 to vector<16xi32>
                %lt3A_1233 = arith.cmpi slt, %add3A_1227, %lt3A_1232 : vector<16xi32>
                %and3A_1234 = arith.andi %eq3A_1231, %lt3A_1233 : vector<16xi1>
                %or3A_1235 = arith.ori %gt3A_1229, %and3A_1234 : vector<16xi1>
                %jit3A_1236 = arith.constant 1 : i32
                %jit3A_1237 = arith.constant 0 : i32
                %broadcast_in_dim3A_1238 = vector.broadcast %jit3A_1236 : i32 to vector<16xi32>
                %broadcast_in_dim3A_1239 = vector.broadcast %jit3A_1237 : i32 to vector<16xi32>
                %select_n3A_1240 = arith.select %or3A_1235, %broadcast_in_dim3A_1238, %broadcast_in_dim3A_1239 : vector<16xi1>, vector<16xi32>
                %add3A_1241 = arith.addi %add3A_1214, %select_n3A_1240 : vector<16xi32>
                %mul3A_1242 = arith.constant 10 : i32
                %mul3A_1243 = arith.muli %while3A_1105, %mul3A_1242 : i32
                %add3A_1244 = arith.constant 5 : i32
                %add3A_1245 = arith.addi %mul3A_1243, %add3A_1244 : i32
                %mul3A_1246 = arith.constant 16 : i32
                %mul3A_1247 = arith.muli %add3A_1245, %mul3A_1246 : i32
                %get3A_1248 = arith.index_cast %mul3A_1247 : i32 to index
                %get3A_1249 = tpu.vector_load %arg7[%get3A_1248] {strides = array<i32>} : memref<20000xf32, #tpu.memory_space<vmem>>, vector<16xf32>,
                %get3A_1250 = vector.shape_cast %get3A_1249 : vector<16xf32> to vector<16xf32>
                %mul3A_1251 = arith.constant 16 : i32
                %mul3A_1252 = arith.muli %add3A_1245, %mul3A_1251 : i32
                %add3A_1253 = vector.broadcast %mul3A_1252 : i32 to vector<16xi32>
                %add3A_1254 = arith.addi %add3A_1253, %iota3A : vector<16xi32>
                %gt3A_1255 = vector.broadcast %get3A_365 : f32 to vector<16xf32>
                %gt3A_1256 = arith.cmpf ogt, %get3A_1250, %gt3A_1255 : vector<16xf32>
                %eq3A_1257 = vector.broadcast %get3A_365 : f32 to vector<16xf32>
                %eq3A_1258 = arith.cmpf oeq, %get3A_1250, %eq3A_1257 : vector<16xf32>
                %lt3A_1259 = vector.broadcast %get3A_375 : i32 to vector<16xi32>
                %lt3A_1260 = arith.cmpi slt, %add3A_1254, %lt3A_1259 : vector<16xi32>
                %and3A_1261 = arith.andi %eq3A_1258, %lt3A_1260 : vector<16xi1>
                %or3A_1262 = arith.ori %gt3A_1256, %and3A_1261 : vector<16xi1>
                %jit3A_1263 = arith.constant 1 : i32
                %jit3A_1264 = arith.constant 0 : i32
                %broadcast_in_dim3A_1265 = vector.broadcast %jit3A_1263 : i32 to vector<16xi32>
                %broadcast_in_dim3A_1266 = vector.broadcast %jit3A_1264 : i32 to vector<16xi32>
                %select_n3A_1267 = arith.select %or3A_1262, %broadcast_in_dim3A_1265, %broadcast_in_dim3A_1266 : vector<16xi1>, vector<16xi32>
                %add3A_1268 = arith.addi %add3A_1241, %select_n3A_1267 : vector<16xi32>
                %mul3A_1269 = arith.constant 10 : i32
                %mul3A_1270 = arith.muli %while3A_1105, %mul3A_1269 : i32
                %add3A_1271 = arith.constant 6 : i32
                %add3A_1272 = arith.addi %mul3A_1270, %add3A_1271 : i32
                %mul3A_1273 = arith.constant 16 : i32
                %mul3A_1274 = arith.muli %add3A_1272, %mul3A_1273 : i32
                %get3A_1275 = arith.index_cast %mul3A_1274 : i32 to index
                %get3A_1276 = tpu.vector_load %arg7[%get3A_1275] {strides = array<i32>} : memref<20000xf32, #tpu.memory_space<vmem>>, vector<16xf32>,
                %get3A_1277 = vector.shape_cast %get3A_1276 : vector<16xf32> to vector<16xf32>
                %mul3A_1278 = arith.constant 16 : i32
                %mul3A_1279 = arith.muli %add3A_1272, %mul3A_1278 : i32
                %add3A_1280 = vector.broadcast %mul3A_1279 : i32 to vector<16xi32>
                %add3A_1281 = arith.addi %add3A_1280, %iota3A : vector<16xi32>
                %gt3A_1282 = vector.broadcast %get3A_365 : f32 to vector<16xf32>
                %gt3A_1283 = arith.cmpf ogt, %get3A_1277, %gt3A_1282 : vector<16xf32>
                %eq3A_1284 = vector.broadcast %get3A_365 : f32 to vector<16xf32>
                %eq3A_1285 = arith.cmpf oeq, %get3A_1277, %eq3A_1284 : vector<16xf32>
                %lt3A_1286 = vector.broadcast %get3A_375 : i32 to vector<16xi32>
                %lt3A_1287 = arith.cmpi slt, %add3A_1281, %lt3A_1286 : vector<16xi32>
                %and3A_1288 = arith.andi %eq3A_1285, %lt3A_1287 : vector<16xi1>
                %or3A_1289 = arith.ori %gt3A_1283, %and3A_1288 : vector<16xi1>
                %jit3A_1290 = arith.constant 1 : i32
                %jit3A_1291 = arith.constant 0 : i32
                %broadcast_in_dim3A_1292 = vector.broadcast %jit3A_1290 : i32 to vector<16xi32>
                %broadcast_in_dim3A_1293 = vector.broadcast %jit3A_1291 : i32 to vector<16xi32>
                %select_n3A_1294 = arith.select %or3A_1289, %broadcast_in_dim3A_1292, %broadcast_in_dim3A_1293 : vector<16xi1>, vector<16xi32>
                %add3A_1295 = arith.addi %add3A_1268, %select_n3A_1294 : vector<16xi32>
                %mul3A_1296 = arith.constant 10 : i32
                %mul3A_1297 = arith.muli %while3A_1105, %mul3A_1296 : i32
                %add3A_1298 = arith.constant 7 : i32
                %add3A_1299 = arith.addi %mul3A_1297, %add3A_1298 : i32
                %mul3A_1300 = arith.constant 16 : i32
                %mul3A_1301 = arith.muli %add3A_1299, %mul3A_1300 : i32
                %get3A_1302 = arith.index_cast %mul3A_1301 : i32 to index
                %get3A_1303 = tpu.vector_load %arg7[%get3A_1302] {strides = array<i32>} : memref<20000xf32, #tpu.memory_space<vmem>>, vector<16xf32>,
                %get3A_1304 = vector.shape_cast %get3A_1303 : vector<16xf32> to vector<16xf32>
                %mul3A_1305 = arith.constant 16 : i32
                %mul3A_1306 = arith.muli %add3A_1299, %mul3A_1305 : i32
                %add3A_1307 = vector.broadcast %mul3A_1306 : i32 to vector<16xi32>
                %add3A_1308 = arith.addi %add3A_1307, %iota3A : vector<16xi32>
                %gt3A_1309 = vector.broadcast %get3A_365 : f32 to vector<16xf32>
                %gt3A_1310 = arith.cmpf ogt, %get3A_1304, %gt3A_1309 : vector<16xf32>
                %eq3A_1311 = vector.broadcast %get3A_365 : f32 to vector<16xf32>
                %eq3A_1312 = arith.cmpf oeq, %get3A_1304, %eq3A_1311 : vector<16xf32>
                %lt3A_1313 = vector.broadcast %get3A_375 : i32 to vector<16xi32>
                %lt3A_1314 = arith.cmpi slt, %add3A_1308, %lt3A_1313 : vector<16xi32>
                %and3A_1315 = arith.andi %eq3A_1312, %lt3A_1314 : vector<16xi1>
                %or3A_1316 = arith.ori %gt3A_1310, %and3A_1315 : vector<16xi1>
                %jit3A_1317 = arith.constant 1 : i32
                %jit3A_1318 = arith.constant 0 : i32
                %broadcast_in_dim3A_1319 = vector.broadcast %jit3A_1317 : i32 to vector<16xi32>
                %broadcast_in_dim3A_1320 = vector.broadcast %jit3A_1318 : i32 to vector<16xi32>
                %select_n3A_1321 = arith.select %or3A_1316, %broadcast_in_dim3A_1319, %broadcast_in_dim3A_1320 : vector<16xi1>, vector<16xi32>
                %add3A_1322 = arith.addi %add3A_1295, %select_n3A_1321 : vector<16xi32>
                %mul3A_1323 = arith.constant 10 : i32
                %mul3A_1324 = arith.muli %while3A_1105, %mul3A_1323 : i32
                %add3A_1325 = arith.constant 8 : i32
                %add3A_1326 = arith.addi %mul3A_1324, %add3A_1325 : i32
                %mul3A_1327 = arith.constant 16 : i32
                %mul3A_1328 = arith.muli %add3A_1326, %mul3A_1327 : i32
                %get3A_1329 = arith.index_cast %mul3A_1328 : i32 to index
                %get3A_1330 = tpu.vector_load %arg7[%get3A_1329] {strides = array<i32>} : memref<20000xf32, #tpu.memory_space<vmem>>, vector<16xf32>,
                %get3A_1331 = vector.shape_cast %get3A_1330 : vector<16xf32> to vector<16xf32>
                %mul3A_1332 = arith.constant 16 : i32
                %mul3A_1333 = arith.muli %add3A_1326, %mul3A_1332 : i32
                %add3A_1334 = vector.broadcast %mul3A_1333 : i32 to vector<16xi32>
                %add3A_1335 = arith.addi %add3A_1334, %iota3A : vector<16xi32>
                %gt3A_1336 = vector.broadcast %get3A_365 : f32 to vector<16xf32>
                %gt3A_1337 = arith.cmpf ogt, %get3A_1331, %gt3A_1336 : vector<16xf32>
                %eq3A_1338 = vector.broadcast %get3A_365 : f32 to vector<16xf32>
                %eq3A_1339 = arith.cmpf oeq, %get3A_1331, %eq3A_1338 : vector<16xf32>
                %lt3A_1340 = vector.broadcast %get3A_375 : i32 to vector<16xi32>
                %lt3A_1341 = arith.cmpi slt, %add3A_1335, %lt3A_1340 : vector<16xi32>
                %and3A_1342 = arith.andi %eq3A_1339, %lt3A_1341 : vector<16xi1>
                %or3A_1343 = arith.ori %gt3A_1337, %and3A_1342 : vector<16xi1>
                %jit3A_1344 = arith.constant 1 : i32
                %jit3A_1345 = arith.constant 0 : i32
                %broadcast_in_dim3A_1346 = vector.broadcast %jit3A_1344 : i32 to vector<16xi32>
                %broadcast_in_dim3A_1347 = vector.broadcast %jit3A_1345 : i32 to vector<16xi32>
                %select_n3A_1348 = arith.select %or3A_1343, %broadcast_in_dim3A_1346, %broadcast_in_dim3A_1347 : vector<16xi1>, vector<16xi32>
                %add3A_1349 = arith.addi %add3A_1322, %select_n3A_1348 : vector<16xi32>
                %mul3A_1350 = arith.constant 10 : i32
                %mul3A_1351 = arith.muli %while3A_1105, %mul3A_1350 : i32
                %add3A_1352 = arith.constant 9 : i32
                %add3A_1353 = arith.addi %mul3A_1351, %add3A_1352 : i32
                %mul3A_1354 = arith.constant 16 : i32
                %mul3A_1355 = arith.muli %add3A_1353, %mul3A_1354 : i32
                %get3A_1356 = arith.index_cast %mul3A_1355 : i32 to index
                %get3A_1357 = tpu.vector_load %arg7[%get3A_1356] {strides = array<i32>} : memref<20000xf32, #tpu.memory_space<vmem>>, vector<16xf32>,
                %get3A_1358 = vector.shape_cast %get3A_1357 : vector<16xf32> to vector<16xf32>
                %mul3A_1359 = arith.constant 16 : i32
                %mul3A_1360 = arith.muli %add3A_1353, %mul3A_1359 : i32
                %add3A_1361 = vector.broadcast %mul3A_1360 : i32 to vector<16xi32>
                %add3A_1362 = arith.addi %add3A_1361, %iota3A : vector<16xi32>
                %gt3A_1363 = vector.broadcast %get3A_365 : f32 to vector<16xf32>
                %gt3A_1364 = arith.cmpf ogt, %get3A_1358, %gt3A_1363 : vector<16xf32>
                %eq3A_1365 = vector.broadcast %get3A_365 : f32 to vector<16xf32>
                %eq3A_1366 = arith.cmpf oeq, %get3A_1358, %eq3A_1365 : vector<16xf32>
                %lt3A_1367 = vector.broadcast %get3A_375 : i32 to vector<16xi32>
                %lt3A_1368 = arith.cmpi slt, %add3A_1362, %lt3A_1367 : vector<16xi32>
                %and3A_1369 = arith.andi %eq3A_1366, %lt3A_1368 : vector<16xi1>
                %or3A_1370 = arith.ori %gt3A_1364, %and3A_1369 : vector<16xi1>
                %jit3A_1371 = arith.constant 1 : i32
                %jit3A_1372 = arith.constant 0 : i32
                %broadcast_in_dim3A_1373 = vector.broadcast %jit3A_1371 : i32 to vector<16xi32>
                %broadcast_in_dim3A_1374 = vector.broadcast %jit3A_1372 : i32 to vector<16xi32>
                %select_n3A_1375 = arith.select %or3A_1370, %broadcast_in_dim3A_1373, %broadcast_in_dim3A_1374 : vector<16xi1>, vector<16xi32>
                %add3A_1376 = arith.addi %add3A_1349, %select_n3A_1375 : vector<16xi32>
                scf.yield %add3A_1376 : vector<16xi32>
              }
              %while3A_391 = arith.constant 1 : i32
              %while3A_392 = scf.for %while3A_1105 = %while3A_388 to %while3A_384 step %while3A_391 iter_args(%while3A_1106 = %while3A_390) -> (vector<16xi32>)  : i32 {
                %mul3A_1107 = arith.constant 10 : i32
                %mul3A_1108 = arith.muli %while3A_1105, %mul3A_1107 : i32
                %add3A_1109 = arith.constant 0 : i32
                %add3A_1110 = arith.addi %mul3A_1108, %add3A_1109 : i32
                %mul3A_1111 = arith.constant 16 : i32
                %mul3A_1112 = arith.muli %add3A_1110, %mul3A_1111 : i32
                %get3A_1113 = arith.index_cast %mul3A_1112 : i32 to index
                %get3A_1114 = tpu.vector_load %arg7[%get3A_1113] {strides = array<i32>} : memref<20000xf32, #tpu.memory_space<vmem>>, vector<16xf32>,
                %get3A_1115 = vector.shape_cast %get3A_1114 : vector<16xf32> to vector<16xf32>
                %mul3A_1116 = arith.constant 16 : i32
                %mul3A_1117 = arith.muli %add3A_1110, %mul3A_1116 : i32
                %add3A_1118 = vector.broadcast %mul3A_1117 : i32 to vector<16xi32>
                %add3A_1119 = arith.addi %add3A_1118, %iota3A : vector<16xi32>
                %gt3A_1120 = vector.broadcast %get3A_365 : f32 to vector<16xf32>
                %gt3A_1121 = arith.cmpf ogt, %get3A_1115, %gt3A_1120 : vector<16xf32>
                %eq3A_1122 = vector.broadcast %get3A_365 : f32 to vector<16xf32>
                %eq3A_1123 = arith.cmpf oeq, %get3A_1115, %eq3A_1122 : vector<16xf32>
                %lt3A_1124 = vector.broadcast %get3A_375 : i32 to vector<16xi32>
                %lt3A_1125 = arith.cmpi slt, %add3A_1119, %lt3A_1124 : vector<16xi32>
                %and3A_1126 = arith.andi %eq3A_1123, %lt3A_1125 : vector<16xi1>
                %or3A_1127 = arith.ori %gt3A_1121, %and3A_1126 : vector<16xi1>
                %jit3A_1128 = arith.constant 1 : i32
                %jit3A_1129 = arith.constant 0 : i32
                %broadcast_in_dim3A_1130 = vector.broadcast %jit3A_1128 : i32 to vector<16xi32>
                %broadcast_in_dim3A_1131 = vector.broadcast %jit3A_1129 : i32 to vector<16xi32>
                %select_n3A_1132 = arith.select %or3A_1127, %broadcast_in_dim3A_1130, %broadcast_in_dim3A_1131 : vector<16xi1>, vector<16xi32>
                %add3A_1133 = arith.addi %while3A_1106, %select_n3A_1132 : vector<16xi32>
                %mul3A_1134 = arith.constant 10 : i32
                %mul3A_1135 = arith.muli %while3A_1105, %mul3A_1134 : i32
                %add3A_1136 = arith.constant 1 : i32
                %add3A_1137 = arith.addi %mul3A_1135, %add3A_1136 : i32
                %mul3A_1138 = arith.constant 16 : i32
                %mul3A_1139 = arith.muli %add3A_1137, %mul3A_1138 : i32
                %get3A_1140 = arith.index_cast %mul3A_1139 : i32 to index
                %get3A_1141 = tpu.vector_load %arg7[%get3A_1140] {strides = array<i32>} : memref<20000xf32, #tpu.memory_space<vmem>>, vector<16xf32>,
                %get3A_1142 = vector.shape_cast %get3A_1141 : vector<16xf32> to vector<16xf32>
                %mul3A_1143 = arith.constant 16 : i32
                %mul3A_1144 = arith.muli %add3A_1137, %mul3A_1143 : i32
                %add3A_1145 = vector.broadcast %mul3A_1144 : i32 to vector<16xi32>
                %add3A_1146 = arith.addi %add3A_1145, %iota3A : vector<16xi32>
                %gt3A_1147 = vector.broadcast %get3A_365 : f32 to vector<16xf32>
                %gt3A_1148 = arith.cmpf ogt, %get3A_1142, %gt3A_1147 : vector<16xf32>
                %eq3A_1149 = vector.broadcast %get3A_365 : f32 to vector<16xf32>
                %eq3A_1150 = arith.cmpf oeq, %get3A_1142, %eq3A_1149 : vector<16xf32>
                %lt3A_1151 = vector.broadcast %get3A_375 : i32 to vector<16xi32>
                %lt3A_1152 = arith.cmpi slt, %add3A_1146, %lt3A_1151 : vector<16xi32>
                %and3A_1153 = arith.andi %eq3A_1150, %lt3A_1152 : vector<16xi1>
                %or3A_1154 = arith.ori %gt3A_1148, %and3A_1153 : vector<16xi1>
                %jit3A_1155 = arith.constant 1 : i32
                %jit3A_1156 = arith.constant 0 : i32
                %broadcast_in_dim3A_1157 = vector.broadcast %jit3A_1155 : i32 to vector<16xi32>
                %broadcast_in_dim3A_1158 = vector.broadcast %jit3A_1156 : i32 to vector<16xi32>
                %select_n3A_1159 = arith.select %or3A_1154, %broadcast_in_dim3A_1157, %broadcast_in_dim3A_1158 : vector<16xi1>, vector<16xi32>
                %add3A_1160 = arith.addi %add3A_1133, %select_n3A_1159 : vector<16xi32>
                %mul3A_1161 = arith.constant 10 : i32
                %mul3A_1162 = arith.muli %while3A_1105, %mul3A_1161 : i32
                %add3A_1163 = arith.constant 2 : i32
                %add3A_1164 = arith.addi %mul3A_1162, %add3A_1163 : i32
                %mul3A_1165 = arith.constant 16 : i32
                %mul3A_1166 = arith.muli %add3A_1164, %mul3A_1165 : i32
                %get3A_1167 = arith.index_cast %mul3A_1166 : i32 to index
                %get3A_1168 = tpu.vector_load %arg7[%get3A_1167] {strides = array<i32>} : memref<20000xf32, #tpu.memory_space<vmem>>, vector<16xf32>,
                %get3A_1169 = vector.shape_cast %get3A_1168 : vector<16xf32> to vector<16xf32>
                %mul3A_1170 = arith.constant 16 : i32
                %mul3A_1171 = arith.muli %add3A_1164, %mul3A_1170 : i32
                %add3A_1172 = vector.broadcast %mul3A_1171 : i32 to vector<16xi32>
                %add3A_1173 = arith.addi %add3A_1172, %iota3A : vector<16xi32>
                %gt3A_1174 = vector.broadcast %get3A_365 : f32 to vector<16xf32>
                %gt3A_1175 = arith.cmpf ogt, %get3A_1169, %gt3A_1174 : vector<16xf32>
                %eq3A_1176 = vector.broadcast %get3A_365 : f32 to vector<16xf32>
                %eq3A_1177 = arith.cmpf oeq, %get3A_1169, %eq3A_1176 : vector<16xf32>
                %lt3A_1178 = vector.broadcast %get3A_375 : i32 to vector<16xi32>
                %lt3A_1179 = arith.cmpi slt, %add3A_1173, %lt3A_1178 : vector<16xi32>
                %and3A_1180 = arith.andi %eq3A_1177, %lt3A_1179 : vector<16xi1>
                %or3A_1181 = arith.ori %gt3A_1175, %and3A_1180 : vector<16xi1>
                %jit3A_1182 = arith.constant 1 : i32
                %jit3A_1183 = arith.constant 0 : i32
                %broadcast_in_dim3A_1184 = vector.broadcast %jit3A_1182 : i32 to vector<16xi32>
                %broadcast_in_dim3A_1185 = vector.broadcast %jit3A_1183 : i32 to vector<16xi32>
                %select_n3A_1186 = arith.select %or3A_1181, %broadcast_in_dim3A_1184, %broadcast_in_dim3A_1185 : vector<16xi1>, vector<16xi32>
                %add3A_1187 = arith.addi %add3A_1160, %select_n3A_1186 : vector<16xi32>
                %mul3A_1188 = arith.constant 10 : i32
                %mul3A_1189 = arith.muli %while3A_1105, %mul3A_1188 : i32
                %add3A_1190 = arith.constant 3 : i32
                %add3A_1191 = arith.addi %mul3A_1189, %add3A_1190 : i32
                %mul3A_1192 = arith.constant 16 : i32
                %mul3A_1193 = arith.muli %add3A_1191, %mul3A_1192 : i32
                %get3A_1194 = arith.index_cast %mul3A_1193 : i32 to index
                %get3A_1195 = tpu.vector_load %arg7[%get3A_1194] {strides = array<i32>} : memref<20000xf32, #tpu.memory_space<vmem>>, vector<16xf32>,
                %get3A_1196 = vector.shape_cast %get3A_1195 : vector<16xf32> to vector<16xf32>
                %mul3A_1197 = arith.constant 16 : i32
                %mul3A_1198 = arith.muli %add3A_1191, %mul3A_1197 : i32
                %add3A_1199 = vector.broadcast %mul3A_1198 : i32 to vector<16xi32>
                %add3A_1200 = arith.addi %add3A_1199, %iota3A : vector<16xi32>
                %gt3A_1201 = vector.broadcast %get3A_365 : f32 to vector<16xf32>
                %gt3A_1202 = arith.cmpf ogt, %get3A_1196, %gt3A_1201 : vector<16xf32>
                %eq3A_1203 = vector.broadcast %get3A_365 : f32 to vector<16xf32>
                %eq3A_1204 = arith.cmpf oeq, %get3A_1196, %eq3A_1203 : vector<16xf32>
                %lt3A_1205 = vector.broadcast %get3A_375 : i32 to vector<16xi32>
                %lt3A_1206 = arith.cmpi slt, %add3A_1200, %lt3A_1205 : vector<16xi32>
                %and3A_1207 = arith.andi %eq3A_1204, %lt3A_1206 : vector<16xi1>
                %or3A_1208 = arith.ori %gt3A_1202, %and3A_1207 : vector<16xi1>
                %jit3A_1209 = arith.constant 1 : i32
                %jit3A_1210 = arith.constant 0 : i32
                %broadcast_in_dim3A_1211 = vector.broadcast %jit3A_1209 : i32 to vector<16xi32>
                %broadcast_in_dim3A_1212 = vector.broadcast %jit3A_1210 : i32 to vector<16xi32>
                %select_n3A_1213 = arith.select %or3A_1208, %broadcast_in_dim3A_1211, %broadcast_in_dim3A_1212 : vector<16xi1>, vector<16xi32>
                %add3A_1214 = arith.addi %add3A_1187, %select_n3A_1213 : vector<16xi32>
                %mul3A_1215 = arith.constant 10 : i32
                %mul3A_1216 = arith.muli %while3A_1105, %mul3A_1215 : i32
                %add3A_1217 = arith.constant 4 : i32
                %add3A_1218 = arith.addi %mul3A_1216, %add3A_1217 : i32
                %mul3A_1219 = arith.constant 16 : i32
                %mul3A_1220 = arith.muli %add3A_1218, %mul3A_1219 : i32
                %get3A_1221 = arith.index_cast %mul3A_1220 : i32 to index
                %get3A_1222 = tpu.vector_load %arg7[%get3A_1221] {strides = array<i32>} : memref<20000xf32, #tpu.memory_space<vmem>>, vector<16xf32>,
                %get3A_1223 = vector.shape_cast %get3A_1222 : vector<16xf32> to vector<16xf32>
                %mul3A_1224 = arith.constant 16 : i32
                %mul3A_1225 = arith.muli %add3A_1218, %mul3A_1224 : i32
                %add3A_1226 = vector.broadcast %mul3A_1225 : i32 to vector<16xi32>
                %add3A_1227 = arith.addi %add3A_1226, %iota3A : vector<16xi32>
                %gt3A_1228 = vector.broadcast %get3A_365 : f32 to vector<16xf32>
                %gt3A_1229 = arith.cmpf ogt, %get3A_1223, %gt3A_1228 : vector<16xf32>
                %eq3A_1230 = vector.broadcast %get3A_365 : f32 to vector<16xf32>
                %eq3A_1231 = arith.cmpf oeq, %get3A_1223, %eq3A_1230 : vector<16xf32>
                %lt3A_1232 = vector.broadcast %get3A_375 : i32 to vector<16xi32>
                %lt3A_1233 = arith.cmpi slt, %add3A_1227, %lt3A_1232 : vector<16xi32>
                %and3A_1234 = arith.andi %eq3A_1231, %lt3A_1233 : vector<16xi1>
                %or3A_1235 = arith.ori %gt3A_1229, %and3A_1234 : vector<16xi1>
                %jit3A_1236 = arith.constant 1 : i32
                %jit3A_1237 = arith.constant 0 : i32
                %broadcast_in_dim3A_1238 = vector.broadcast %jit3A_1236 : i32 to vector<16xi32>
                %broadcast_in_dim3A_1239 = vector.broadcast %jit3A_1237 : i32 to vector<16xi32>
                %select_n3A_1240 = arith.select %or3A_1235, %broadcast_in_dim3A_1238, %broadcast_in_dim3A_1239 : vector<16xi1>, vector<16xi32>
                %add3A_1241 = arith.addi %add3A_1214, %select_n3A_1240 : vector<16xi32>
                %mul3A_1242 = arith.constant 10 : i32
                %mul3A_1243 = arith.muli %while3A_1105, %mul3A_1242 : i32
                %add3A_1244 = arith.constant 5 : i32
                %add3A_1245 = arith.addi %mul3A_1243, %add3A_1244 : i32
                %mul3A_1246 = arith.constant 16 : i32
                %mul3A_1247 = arith.muli %add3A_1245, %mul3A_1246 : i32
                %get3A_1248 = arith.index_cast %mul3A_1247 : i32 to index
                %get3A_1249 = tpu.vector_load %arg7[%get3A_1248] {strides = array<i32>} : memref<20000xf32, #tpu.memory_space<vmem>>, vector<16xf32>,
                %get3A_1250 = vector.shape_cast %get3A_1249 : vector<16xf32> to vector<16xf32>
                %mul3A_1251 = arith.constant 16 : i32
                %mul3A_1252 = arith.muli %add3A_1245, %mul3A_1251 : i32
                %add3A_1253 = vector.broadcast %mul3A_1252 : i32 to vector<16xi32>
                %add3A_1254 = arith.addi %add3A_1253, %iota3A : vector<16xi32>
                %gt3A_1255 = vector.broadcast %get3A_365 : f32 to vector<16xf32>
                %gt3A_1256 = arith.cmpf ogt, %get3A_1250, %gt3A_1255 : vector<16xf32>
                %eq3A_1257 = vector.broadcast %get3A_365 : f32 to vector<16xf32>
                %eq3A_1258 = arith.cmpf oeq, %get3A_1250, %eq3A_1257 : vector<16xf32>
                %lt3A_1259 = vector.broadcast %get3A_375 : i32 to vector<16xi32>
                %lt3A_1260 = arith.cmpi slt, %add3A_1254, %lt3A_1259 : vector<16xi32>
                %and3A_1261 = arith.andi %eq3A_1258, %lt3A_1260 : vector<16xi1>
                %or3A_1262 = arith.ori %gt3A_1256, %and3A_1261 : vector<16xi1>
                %jit3A_1263 = arith.constant 1 : i32
                %jit3A_1264 = arith.constant 0 : i32
                %broadcast_in_dim3A_1265 = vector.broadcast %jit3A_1263 : i32 to vector<16xi32>
                %broadcast_in_dim3A_1266 = vector.broadcast %jit3A_1264 : i32 to vector<16xi32>
                %select_n3A_1267 = arith.select %or3A_1262, %broadcast_in_dim3A_1265, %broadcast_in_dim3A_1266 : vector<16xi1>, vector<16xi32>
                %add3A_1268 = arith.addi %add3A_1241, %select_n3A_1267 : vector<16xi32>
                %mul3A_1269 = arith.constant 10 : i32
                %mul3A_1270 = arith.muli %while3A_1105, %mul3A_1269 : i32
                %add3A_1271 = arith.constant 6 : i32
                %add3A_1272 = arith.addi %mul3A_1270, %add3A_1271 : i32
                %mul3A_1273 = arith.constant 16 : i32
                %mul3A_1274 = arith.muli %add3A_1272, %mul3A_1273 : i32
                %get3A_1275 = arith.index_cast %mul3A_1274 : i32 to index
                %get3A_1276 = tpu.vector_load %arg7[%get3A_1275] {strides = array<i32>} : memref<20000xf32, #tpu.memory_space<vmem>>, vector<16xf32>,
                %get3A_1277 = vector.shape_cast %get3A_1276 : vector<16xf32> to vector<16xf32>
                %mul3A_1278 = arith.constant 16 : i32
                %mul3A_1279 = arith.muli %add3A_1272, %mul3A_1278 : i32
                %add3A_1280 = vector.broadcast %mul3A_1279 : i32 to vector<16xi32>
                %add3A_1281 = arith.addi %add3A_1280, %iota3A : vector<16xi32>
                %gt3A_1282 = vector.broadcast %get3A_365 : f32 to vector<16xf32>
                %gt3A_1283 = arith.cmpf ogt, %get3A_1277, %gt3A_1282 : vector<16xf32>
                %eq3A_1284 = vector.broadcast %get3A_365 : f32 to vector<16xf32>
                %eq3A_1285 = arith.cmpf oeq, %get3A_1277, %eq3A_1284 : vector<16xf32>
                %lt3A_1286 = vector.broadcast %get3A_375 : i32 to vector<16xi32>
                %lt3A_1287 = arith.cmpi slt, %add3A_1281, %lt3A_1286 : vector<16xi32>
                %and3A_1288 = arith.andi %eq3A_1285, %lt3A_1287 : vector<16xi1>
                %or3A_1289 = arith.ori %gt3A_1283, %and3A_1288 : vector<16xi1>
                %jit3A_1290 = arith.constant 1 : i32
                %jit3A_1291 = arith.constant 0 : i32
                %broadcast_in_dim3A_1292 = vector.broadcast %jit3A_1290 : i32 to vector<16xi32>
                %broadcast_in_dim3A_1293 = vector.broadcast %jit3A_1291 : i32 to vector<16xi32>
                %select_n3A_1294 = arith.select %or3A_1289, %broadcast_in_dim3A_1292, %broadcast_in_dim3A_1293 : vector<16xi1>, vector<16xi32>
                %add3A_1295 = arith.addi %add3A_1268, %select_n3A_1294 : vector<16xi32>
                %mul3A_1296 = arith.constant 10 : i32
                %mul3A_1297 = arith.muli %while3A_1105, %mul3A_1296 : i32
                %add3A_1298 = arith.constant 7 : i32
                %add3A_1299 = arith.addi %mul3A_1297, %add3A_1298 : i32
                %mul3A_1300 = arith.constant 16 : i32
                %mul3A_1301 = arith.muli %add3A_1299, %mul3A_1300 : i32
                %get3A_1302 = arith.index_cast %mul3A_1301 : i32 to index
                %get3A_1303 = tpu.vector_load %arg7[%get3A_1302] {strides = array<i32>} : memref<20000xf32, #tpu.memory_space<vmem>>, vector<16xf32>,
                %get3A_1304 = vector.shape_cast %get3A_1303 : vector<16xf32> to vector<16xf32>
                %mul3A_1305 = arith.constant 16 : i32
                %mul3A_1306 = arith.muli %add3A_1299, %mul3A_1305 : i32
                %add3A_1307 = vector.broadcast %mul3A_1306 : i32 to vector<16xi32>
                %add3A_1308 = arith.addi %add3A_1307, %iota3A : vector<16xi32>
                %gt3A_1309 = vector.broadcast %get3A_365 : f32 to vector<16xf32>
                %gt3A_1310 = arith.cmpf ogt, %get3A_1304, %gt3A_1309 : vector<16xf32>
                %eq3A_1311 = vector.broadcast %get3A_365 : f32 to vector<16xf32>
                %eq3A_1312 = arith.cmpf oeq, %get3A_1304, %eq3A_1311 : vector<16xf32>
                %lt3A_1313 = vector.broadcast %get3A_375 : i32 to vector<16xi32>
                %lt3A_1314 = arith.cmpi slt, %add3A_1308, %lt3A_1313 : vector<16xi32>
                %and3A_1315 = arith.andi %eq3A_1312, %lt3A_1314 : vector<16xi1>
                %or3A_1316 = arith.ori %gt3A_1310, %and3A_1315 : vector<16xi1>
                %jit3A_1317 = arith.constant 1 : i32
                %jit3A_1318 = arith.constant 0 : i32
                %broadcast_in_dim3A_1319 = vector.broadcast %jit3A_1317 : i32 to vector<16xi32>
                %broadcast_in_dim3A_1320 = vector.broadcast %jit3A_1318 : i32 to vector<16xi32>
                %select_n3A_1321 = arith.select %or3A_1316, %broadcast_in_dim3A_1319, %broadcast_in_dim3A_1320 : vector<16xi1>, vector<16xi32>
                %add3A_1322 = arith.addi %add3A_1295, %select_n3A_1321 : vector<16xi32>
                %mul3A_1323 = arith.constant 10 : i32
                %mul3A_1324 = arith.muli %while3A_1105, %mul3A_1323 : i32
                %add3A_1325 = arith.constant 8 : i32
                %add3A_1326 = arith.addi %mul3A_1324, %add3A_1325 : i32
                %mul3A_1327 = arith.constant 16 : i32
                %mul3A_1328 = arith.muli %add3A_1326, %mul3A_1327 : i32
                %get3A_1329 = arith.index_cast %mul3A_1328 : i32 to index
                %get3A_1330 = tpu.vector_load %arg7[%get3A_1329] {strides = array<i32>} : memref<20000xf32, #tpu.memory_space<vmem>>, vector<16xf32>,
                %get3A_1331 = vector.shape_cast %get3A_1330 : vector<16xf32> to vector<16xf32>
                %mul3A_1332 = arith.constant 16 : i32
                %mul3A_1333 = arith.muli %add3A_1326, %mul3A_1332 : i32
                %add3A_1334 = vector.broadcast %mul3A_1333 : i32 to vector<16xi32>
                %add3A_1335 = arith.addi %add3A_1334, %iota3A : vector<16xi32>
                %gt3A_1336 = vector.broadcast %get3A_365 : f32 to vector<16xf32>
                %gt3A_1337 = arith.cmpf ogt, %get3A_1331, %gt3A_1336 : vector<16xf32>
                %eq3A_1338 = vector.broadcast %get3A_365 : f32 to vector<16xf32>
                %eq3A_1339 = arith.cmpf oeq, %get3A_1331, %eq3A_1338 : vector<16xf32>
                %lt3A_1340 = vector.broadcast %get3A_375 : i32 to vector<16xi32>
                %lt3A_1341 = arith.cmpi slt, %add3A_1335, %lt3A_1340 : vector<16xi32>
                %and3A_1342 = arith.andi %eq3A_1339, %lt3A_1341 : vector<16xi1>
                %or3A_1343 = arith.ori %gt3A_1337, %and3A_1342 : vector<16xi1>
                %jit3A_1344 = arith.constant 1 : i32
                %jit3A_1345 = arith.constant 0 : i32
                %broadcast_in_dim3A_1346 = vector.broadcast %jit3A_1344 : i32 to vector<16xi32>
                %broadcast_in_dim3A_1347 = vector.broadcast %jit3A_1345 : i32 to vector<16xi32>
                %select_n3A_1348 = arith.select %or3A_1343, %broadcast_in_dim3A_1346, %broadcast_in_dim3A_1347 : vector<16xi1>, vector<16xi32>
                %add3A_1349 = arith.addi %add3A_1322, %select_n3A_1348 : vector<16xi32>
                %mul3A_1350 = arith.constant 10 : i32
                %mul3A_1351 = arith.muli %while3A_1105, %mul3A_1350 : i32
                %add3A_1352 = arith.constant 9 : i32
                %add3A_1353 = arith.addi %mul3A_1351, %add3A_1352 : i32
                %mul3A_1354 = arith.constant 16 : i32
                %mul3A_1355 = arith.muli %add3A_1353, %mul3A_1354 : i32
                %get3A_1356 = arith.index_cast %mul3A_1355 : i32 to index
                %get3A_1357 = tpu.vector_load %arg7[%get3A_1356] {strides = array<i32>} : memref<20000xf32, #tpu.memory_space<vmem>>, vector<16xf32>,
                %get3A_1358 = vector.shape_cast %get3A_1357 : vector<16xf32> to vector<16xf32>
                %mul3A_1359 = arith.constant 16 : i32
                %mul3A_1360 = arith.muli %add3A_1353, %mul3A_1359 : i32
                %add3A_1361 = vector.broadcast %mul3A_1360 : i32 to vector<16xi32>
                %add3A_1362 = arith.addi %add3A_1361, %iota3A : vector<16xi32>
                %gt3A_1363 = vector.broadcast %get3A_365 : f32 to vector<16xf32>
                %gt3A_1364 = arith.cmpf ogt, %get3A_1358, %gt3A_1363 : vector<16xf32>
                %eq3A_1365 = vector.broadcast %get3A_365 : f32 to vector<16xf32>
                %eq3A_1366 = arith.cmpf oeq, %get3A_1358, %eq3A_1365 : vector<16xf32>
                %lt3A_1367 = vector.broadcast %get3A_375 : i32 to vector<16xi32>
                %lt3A_1368 = arith.cmpi slt, %add3A_1362, %lt3A_1367 : vector<16xi32>
                %and3A_1369 = arith.andi %eq3A_1366, %lt3A_1368 : vector<16xi1>
                %or3A_1370 = arith.ori %gt3A_1364, %and3A_1369 : vector<16xi1>
                %jit3A_1371 = arith.constant 1 : i32
                %jit3A_1372 = arith.constant 0 : i32
                %broadcast_in_dim3A_1373 = vector.broadcast %jit3A_1371 : i32 to vector<16xi32>
                %broadcast_in_dim3A_1374 = vector.broadcast %jit3A_1372 : i32 to vector<16xi32>
                %select_n3A_1375 = arith.select %or3A_1370, %broadcast_in_dim3A_1373, %broadcast_in_dim3A_1374 : vector<16xi1>, vector<16xi32>
                %add3A_1376 = arith.addi %add3A_1349, %select_n3A_1375 : vector<16xi32>
                scf.yield %add3A_1376 : vector<16xi32>
              }
              %slice3A_393 = vector.extract_strided_slice %while3A_392 {offsets = [0], sizes = [1], strides = [1]} : vector<16xi32> to vector<1xi32>
              %squeeze3A_394 = vector.extract %slice3A_393[0] : i32 from vector<1xi32>
              %slice3A_395 = vector.extract_strided_slice %while3A_392 {offsets = [1], sizes = [1], strides = [1]} : vector<16xi32> to vector<1xi32>
              %squeeze3A_396 = vector.extract %slice3A_395[0] : i32 from vector<1xi32>
              %add3A_397 = arith.addi %squeeze3A_394, %squeeze3A_396 : i32
              %slice3A_398 = vector.extract_strided_slice %while3A_392 {offsets = [2], sizes = [1], strides = [1]} : vector<16xi32> to vector<1xi32>
              %squeeze3A_399 = vector.extract %slice3A_398[0] : i32 from vector<1xi32>
              %add3A_400 = arith.addi %add3A_397, %squeeze3A_399 : i32
              %slice3A_401 = vector.extract_strided_slice %while3A_392 {offsets = [3], sizes = [1], strides = [1]} : vector<16xi32> to vector<1xi32>
              %squeeze3A_402 = vector.extract %slice3A_401[0] : i32 from vector<1xi32>
              %add3A_403 = arith.addi %add3A_400, %squeeze3A_402 : i32
              %slice3A_404 = vector.extract_strided_slice %while3A_392 {offsets = [4], sizes = [1], strides = [1]} : vector<16xi32> to vector<1xi32>
              %squeeze3A_405 = vector.extract %slice3A_404[0] : i32 from vector<1xi32>
              %add3A_406 = arith.addi %add3A_403, %squeeze3A_405 : i32
              %slice3A_407 = vector.extract_strided_slice %while3A_392 {offsets = [5], sizes = [1], strides = [1]} : vector<16xi32> to vector<1xi32>
              %squeeze3A_408 = vector.extract %slice3A_407[0] : i32 from vector<1xi32>
              %add3A_409 = arith.addi %add3A_406, %squeeze3A_408 : i32
              %slice3A_410 = vector.extract_strided_slice %while3A_392 {offsets = [6], sizes = [1], strides = [1]} : vector<16xi32> to vector<1xi32>
              %squeeze3A_411 = vector.extract %slice3A_410[0] : i32 from vector<1xi32>
              %add3A_412 = arith.addi %add3A_409, %squeeze3A_411 : i32
              %slice3A_413 = vector.extract_strided_slice %while3A_392 {offsets = [7], sizes = [1], strides = [1]} : vector<16xi32> to vector<1xi32>
              %squeeze3A_414 = vector.extract %slice3A_413[0] : i32 from vector<1xi32>
              %add3A_415 = arith.addi %add3A_412, %squeeze3A_414 : i32
              %slice3A_416 = vector.extract_strided_slice %while3A_392 {offsets = [8], sizes = [1], strides = [1]} : vector<16xi32> to vector<1xi32>
              %squeeze3A_417 = vector.extract %slice3A_416[0] : i32 from vector<1xi32>
              %add3A_418 = arith.addi %add3A_415, %squeeze3A_417 : i32
              %slice3A_419 = vector.extract_strided_slice %while3A_392 {offsets = [9], sizes = [1], strides = [1]} : vector<16xi32> to vector<1xi32>
              %squeeze3A_420 = vector.extract %slice3A_419[0] : i32 from vector<1xi32>
              %add3A_421 = arith.addi %add3A_418, %squeeze3A_420 : i32
              %slice3A_422 = vector.extract_strided_slice %while3A_392 {offsets = [10], sizes = [1], strides = [1]} : vector<16xi32> to vector<1xi32>
              %squeeze3A_423 = vector.extract %slice3A_422[0] : i32 from vector<1xi32>
              %add3A_424 = arith.addi %add3A_421, %squeeze3A_423 : i32
              %slice3A_425 = vector.extract_strided_slice %while3A_392 {offsets = [11], sizes = [1], strides = [1]} : vector<16xi32> to vector<1xi32>
              %squeeze3A_426 = vector.extract %slice3A_425[0] : i32 from vector<1xi32>
              %add3A_427 = arith.addi %add3A_424, %squeeze3A_426 : i32
              %slice3A_428 = vector.extract_strided_slice %while3A_392 {offsets = [12], sizes = [1], strides = [1]} : vector<16xi32> to vector<1xi32>
              %squeeze3A_429 = vector.extract %slice3A_428[0] : i32 from vector<1xi32>
              %add3A_430 = arith.addi %add3A_427, %squeeze3A_429 : i32
              %slice3A_431 = vector.extract_strided_slice %while3A_392 {offsets = [13], sizes = [1], strides = [1]} : vector<16xi32> to vector<1xi32>
              %squeeze3A_432 = vector.extract %slice3A_431[0] : i32 from vector<1xi32>
              %add3A_433 = arith.addi %add3A_430, %squeeze3A_432 : i32
              %slice3A_434 = vector.extract_strided_slice %while3A_392 {offsets = [14], sizes = [1], strides = [1]} : vector<16xi32> to vector<1xi32>
              %squeeze3A_435 = vector.extract %slice3A_434[0] : i32 from vector<1xi32>
              %add3A_436 = arith.addi %add3A_433, %squeeze3A_435 : i32
              %slice3A_437 = vector.extract_strided_slice %while3A_392 {offsets = [15], sizes = [1], strides = [1]} : vector<16xi32> to vector<1xi32>
              %squeeze3A_438 = vector.extract %slice3A_437[0] : i32 from vector<1xi32>
              %add3A_439 = arith.addi %add3A_436, %squeeze3A_438 : i32
              %not3A = arith.constant 7 : i32
              %not3A_440 = arith.constant -1 : i32
              %not3A_441 = arith.xori %not3A, %not3A_440 : i32
              %and3A_442 = arith.andi %get3A_375, %not3A_441 : i32
              %multiple_of3A_443 = tpu.assume_multiple %and3A_442, 8 : i32
              %sub3A = arith.subi %get3A_375, %multiple_of3A_443 : i32
              %mul3A_444 = arith.constant 4 : i32
              %mul3A_445 = arith.muli %add3A, %mul3A_444 : i32
              %add3A_446 = arith.constant 0 : i32
              %add3A_447 = arith.addi %mul3A_445, %add3A_446 : i32
              %mul3A_448 = arith.constant 20000 : i32
              %mul3A_449 = arith.muli %add3A_447, %mul3A_448 : i32
              %add3A_450 = arith.addi %mul3A_449, %multiple_of3A_443 : i32
              %multiple_of3A_451 = tpu.assume_multiple %add3A_450, 8 : i32
              %dma_start3A_452 = arith.constant 0 : i32
              %dma_start3A_453 = tpu.memref_slice %arg9[%dma_start3A_452] : memref<2000xf32, #tpu.memory_space<vmem>> -> memref<16xf32, #tpu.memory_space<vmem>>
              %dma_start3A_454 = tpu.memref_slice %arg3[%multiple_of3A_451] : memref<320000xf32, #tpu.memory_space<hbm>> -> memref<16xf32, #tpu.memory_space<hbm>>
              %dma_start3A_455 = arith.constant 0 : i32
              %dma_start3A_456 = tpu.memref_slice %arg9[%dma_start3A_455] : memref<2000xf32, #tpu.memory_space<vmem>> -> memref<16xf32, #tpu.memory_space<vmem>>
              %dma_start3A_457 = tpu.memref_slice %arg3[%multiple_of3A_451] : memref<320000xf32, #tpu.memory_space<hbm>> -> memref<16xf32, #tpu.memory_space<hbm>>
              tpu.enqueue_dma source(%dma_start3A_457 : memref<16xf32, #tpu.memory_space<hbm>>) target(%dma_start3A_456 : memref<16xf32, #tpu.memory_space<vmem>>) target_semaphore(%arg23 : memref<!tpu.dma_semaphore, #tpu.memory_space<semaphore_mem>>)
              %add3A_458 = arith.constant 0 : i32
              %add3A_459 = arith.addi %mul3A_445, %add3A_458 : i32
              %mul3A_460 = arith.constant 20000 : i32
              %mul3A_461 = arith.muli %add3A_459, %mul3A_460 : i32
              %add3A_462 = arith.addi %mul3A_461, %multiple_of3A_443 : i32
              %multiple_of3A_463 = tpu.assume_multiple %add3A_462, 8 : i32
              %dma_start3A_464 = arith.constant 0 : i32
              %dma_start3A_465 = tpu.memref_slice %arg13[%dma_start3A_464] : memref<2000xf32, #tpu.memory_space<vmem>> -> memref<16xf32, #tpu.memory_space<vmem>>
              %dma_start3A_466 = tpu.memref_slice %arg4[%multiple_of3A_463] : memref<320000xf32, #tpu.memory_space<hbm>> -> memref<16xf32, #tpu.memory_space<hbm>>
              %dma_start3A_467 = arith.constant 0 : i32
              %dma_start3A_468 = tpu.memref_slice %arg13[%dma_start3A_467] : memref<2000xf32, #tpu.memory_space<vmem>> -> memref<16xf32, #tpu.memory_space<vmem>>
              %dma_start3A_469 = tpu.memref_slice %arg4[%multiple_of3A_463] : memref<320000xf32, #tpu.memory_space<hbm>> -> memref<16xf32, #tpu.memory_space<hbm>>
              tpu.enqueue_dma source(%dma_start3A_469 : memref<16xf32, #tpu.memory_space<hbm>>) target(%dma_start3A_468 : memref<16xf32, #tpu.memory_space<vmem>>) target_semaphore(%arg23 : memref<!tpu.dma_semaphore, #tpu.memory_space<semaphore_mem>>)
              %add3A_470 = arith.constant 1 : i32
              %add3A_471 = arith.addi %mul3A_445, %add3A_470 : i32
              %mul3A_472 = arith.constant 20000 : i32
              %mul3A_473 = arith.muli %add3A_471, %mul3A_472 : i32
              %add3A_474 = arith.addi %mul3A_473, %multiple_of3A_443 : i32
              %multiple_of3A_475 = tpu.assume_multiple %add3A_474, 8 : i32
              %dma_start3A_476 = arith.constant 0 : i32
              %dma_start3A_477 = tpu.memref_slice %arg10[%dma_start3A_476] : memref<2000xf32, #tpu.memory_space<vmem>> -> memref<16xf32, #tpu.memory_space<vmem>>
              %dma_start3A_478 = tpu.memref_slice %arg3[%multiple_of3A_475] : memref<320000xf32, #tpu.memory_space<hbm>> -> memref<16xf32, #tpu.memory_space<hbm>>
              %dma_start3A_479 = arith.constant 0 : i32
              %dma_start3A_480 = tpu.memref_slice %arg10[%dma_start3A_479] : memref<2000xf32, #tpu.memory_space<vmem>> -> memref<16xf32, #tpu.memory_space<vmem>>
              %dma_start3A_481 = tpu.memref_slice %arg3[%multiple_of3A_475] : memref<320000xf32, #tpu.memory_space<hbm>> -> memref<16xf32, #tpu.memory_space<hbm>>
              tpu.enqueue_dma source(%dma_start3A_481 : memref<16xf32, #tpu.memory_space<hbm>>) target(%dma_start3A_480 : memref<16xf32, #tpu.memory_space<vmem>>) target_semaphore(%arg23 : memref<!tpu.dma_semaphore, #tpu.memory_space<semaphore_mem>>)
              %add3A_482 = arith.constant 1 : i32
              %add3A_483 = arith.addi %mul3A_445, %add3A_482 : i32
              %mul3A_484 = arith.constant 20000 : i32
              %mul3A_485 = arith.muli %add3A_483, %mul3A_484 : i32
              %add3A_486 = arith.addi %mul3A_485, %multiple_of3A_443 : i32
              %multiple_of3A_487 = tpu.assume_multiple %add3A_486, 8 : i32
              %dma_start3A_488 = arith.constant 0 : i32
              %dma_start3A_489 = tpu.memref_slice %arg14[%dma_start3A_488] : memref<2000xf32, #tpu.memory_space<vmem>> -> memref<16xf32, #tpu.memory_space<vmem>>
              %dma_start3A_490 = tpu.memref_slice %arg4[%multiple_of3A_487] : memref<320000xf32, #tpu.memory_space<hbm>> -> memref<16xf32, #tpu.memory_space<hbm>>
              %dma_start3A_491 = arith.constant 0 : i32
              %dma_start3A_492 = tpu.memref_slice %arg14[%dma_start3A_491] : memref<2000xf32, #tpu.memory_space<vmem>> -> memref<16xf32, #tpu.memory_space<vmem>>
              %dma_start3A_493 = tpu.memref_slice %arg4[%multiple_of3A_487] : memref<320000xf32, #tpu.memory_space<hbm>> -> memref<16xf32, #tpu.memory_space<hbm>>
              tpu.enqueue_dma source(%dma_start3A_493 : memref<16xf32, #tpu.memory_space<hbm>>) target(%dma_start3A_492 : memref<16xf32, #tpu.memory_space<vmem>>) target_semaphore(%arg23 : memref<!tpu.dma_semaphore, #tpu.memory_space<semaphore_mem>>)
              %add3A_494 = arith.constant 2 : i32
              %add3A_495 = arith.addi %mul3A_445, %add3A_494 : i32
              %mul3A_496 = arith.constant 20000 : i32
              %mul3A_497 = arith.muli %add3A_495, %mul3A_496 : i32
              %add3A_498 = arith.addi %mul3A_497, %multiple_of3A_443 : i32
              %multiple_of3A_499 = tpu.assume_multiple %add3A_498, 8 : i32
              %dma_start3A_500 = arith.constant 0 : i32
              %dma_start3A_501 = tpu.memref_slice %arg11[%dma_start3A_500] : memref<2000xf32, #tpu.memory_space<vmem>> -> memref<16xf32, #tpu.memory_space<vmem>>
              %dma_start3A_502 = tpu.memref_slice %arg3[%multiple_of3A_499] : memref<320000xf32, #tpu.memory_space<hbm>> -> memref<16xf32, #tpu.memory_space<hbm>>
              %dma_start3A_503 = arith.constant 0 : i32
              %dma_start3A_504 = tpu.memref_slice %arg11[%dma_start3A_503] : memref<2000xf32, #tpu.memory_space<vmem>> -> memref<16xf32, #tpu.memory_space<vmem>>
              %dma_start3A_505 = tpu.memref_slice %arg3[%multiple_of3A_499] : memref<320000xf32, #tpu.memory_space<hbm>> -> memref<16xf32, #tpu.memory_space<hbm>>
              tpu.enqueue_dma source(%dma_start3A_505 : memref<16xf32, #tpu.memory_space<hbm>>) target(%dma_start3A_504 : memref<16xf32, #tpu.memory_space<vmem>>) target_semaphore(%arg23 : memref<!tpu.dma_semaphore, #tpu.memory_space<semaphore_mem>>)
              %add3A_506 = arith.constant 2 : i32
              %add3A_507 = arith.addi %mul3A_445, %add3A_506 : i32
              %mul3A_508 = arith.constant 20000 : i32
              %mul3A_509 = arith.muli %add3A_507, %mul3A_508 : i32
              %add3A_510 = arith.addi %mul3A_509, %multiple_of3A_443 : i32
              %multiple_of3A_511 = tpu.assume_multiple %add3A_510, 8 : i32
              %dma_start3A_512 = arith.constant 0 : i32
              %dma_start3A_513 = tpu.memref_slice %arg15[%dma_start3A_512] : memref<2000xf32, #tpu.memory_space<vmem>> -> memref<16xf32, #tpu.memory_space<vmem>>
              %dma_start3A_514 = tpu.memref_slice %arg4[%multiple_of3A_511] : memref<320000xf32, #tpu.memory_space<hbm>> -> memref<16xf32, #tpu.memory_space<hbm>>
              %dma_start3A_515 = arith.constant 0 : i32
              %dma_start3A_516 = tpu.memref_slice %arg15[%dma_start3A_515] : memref<2000xf32, #tpu.memory_space<vmem>> -> memref<16xf32, #tpu.memory_space<vmem>>
              %dma_start3A_517 = tpu.memref_slice %arg4[%multiple_of3A_511] : memref<320000xf32, #tpu.memory_space<hbm>> -> memref<16xf32, #tpu.memory_space<hbm>>
              tpu.enqueue_dma source(%dma_start3A_517 : memref<16xf32, #tpu.memory_space<hbm>>) target(%dma_start3A_516 : memref<16xf32, #tpu.memory_space<vmem>>) target_semaphore(%arg23 : memref<!tpu.dma_semaphore, #tpu.memory_space<semaphore_mem>>)
              %add3A_518 = arith.constant 3 : i32
              %add3A_519 = arith.addi %mul3A_445, %add3A_518 : i32
              %mul3A_520 = arith.constant 20000 : i32
              %mul3A_521 = arith.muli %add3A_519, %mul3A_520 : i32
              %add3A_522 = arith.addi %mul3A_521, %multiple_of3A_443 : i32
              %multiple_of3A_523 = tpu.assume_multiple %add3A_522, 8 : i32
              %dma_start3A_524 = arith.constant 0 : i32
              %dma_start3A_525 = tpu.memref_slice %arg12[%dma_start3A_524] : memref<2000xf32, #tpu.memory_space<vmem>> -> memref<16xf32, #tpu.memory_space<vmem>>
              %dma_start3A_526 = tpu.memref_slice %arg3[%multiple_of3A_523] : memref<320000xf32, #tpu.memory_space<hbm>> -> memref<16xf32, #tpu.memory_space<hbm>>
              %dma_start3A_527 = arith.constant 0 : i32
              %dma_start3A_528 = tpu.memref_slice %arg12[%dma_start3A_527] : memref<2000xf32, #tpu.memory_space<vmem>> -> memref<16xf32, #tpu.memory_space<vmem>>
              %dma_start3A_529 = tpu.memref_slice %arg3[%multiple_of3A_523] : memref<320000xf32, #tpu.memory_space<hbm>> -> memref<16xf32, #tpu.memory_space<hbm>>
              tpu.enqueue_dma source(%dma_start3A_529 : memref<16xf32, #tpu.memory_space<hbm>>) target(%dma_start3A_528 : memref<16xf32, #tpu.memory_space<vmem>>) target_semaphore(%arg23 : memref<!tpu.dma_semaphore, #tpu.memory_space<semaphore_mem>>)
              %add3A_530 = arith.constant 3 : i32
              %add3A_531 = arith.addi %mul3A_445, %add3A_530 : i32
              %mul3A_532 = arith.constant 20000 : i32
              %mul3A_533 = arith.muli %add3A_531, %mul3A_532 : i32
              %add3A_534 = arith.addi %mul3A_533, %multiple_of3A_443 : i32
              %multiple_of3A_535 = tpu.assume_multiple %add3A_534, 8 : i32
              %dma_start3A_536 = arith.constant 0 : i32
              %dma_start3A_537 = tpu.memref_slice %arg16[%dma_start3A_536] : memref<2000xf32, #tpu.memory_space<vmem>> -> memref<16xf32, #tpu.memory_space<vmem>>
              %dma_start3A_538 = tpu.memref_slice %arg4[%multiple_of3A_535] : memref<320000xf32, #tpu.memory_space<hbm>> -> memref<16xf32, #tpu.memory_space<hbm>>
              %dma_start3A_539 = arith.constant 0 : i32
              %dma_start3A_540 = tpu.memref_slice %arg16[%dma_start3A_539] : memref<2000xf32, #tpu.memory_space<vmem>> -> memref<16xf32, #tpu.memory_space<vmem>>
              %dma_start3A_541 = tpu.memref_slice %arg4[%multiple_of3A_535] : memref<320000xf32, #tpu.memory_space<hbm>> -> memref<16xf32, #tpu.memory_space<hbm>>
              tpu.enqueue_dma source(%dma_start3A_541 : memref<16xf32, #tpu.memory_space<hbm>>) target(%dma_start3A_540 : memref<16xf32, #tpu.memory_space<vmem>>) target_semaphore(%arg23 : memref<!tpu.dma_semaphore, #tpu.memory_space<semaphore_mem>>)
              %dma_wait3A_542 = arith.constant 0 : i32
              %dma_wait3A_543 = tpu.memref_slice %arg9[%dma_wait3A_542] : memref<2000xf32, #tpu.memory_space<vmem>> -> memref<16xf32, #tpu.memory_space<vmem>>
              %dma_wait3A_544 = tpu.memref_slice %arg3[%multiple_of3A_451] : memref<320000xf32, #tpu.memory_space<hbm>> -> memref<16xf32, #tpu.memory_space<hbm>>
              %dma_wait3A_545 = arith.constant 0 : i32
              %dma_wait3A_546 = tpu.memref_slice %arg9[%dma_wait3A_545] : memref<2000xf32, #tpu.memory_space<vmem>> -> memref<16xf32, #tpu.memory_space<vmem>>
              %dma_wait3A_547 = tpu.memref_slice %arg3[%multiple_of3A_451] : memref<320000xf32, #tpu.memory_space<hbm>> -> memref<16xf32, #tpu.memory_space<hbm>>
              tpu.wait_dma2 semaphore(%arg23 : memref<!tpu.dma_semaphore, #tpu.memory_space<semaphore_mem>>) src(%dma_wait3A_547 : memref<16xf32, #tpu.memory_space<hbm>>) dst(%dma_wait3A_546 : memref<16xf32, #tpu.memory_space<vmem>>)
              %dma_wait3A_548 = arith.constant 0 : i32
              %dma_wait3A_549 = tpu.memref_slice %arg13[%dma_wait3A_548] : memref<2000xf32, #tpu.memory_space<vmem>> -> memref<16xf32, #tpu.memory_space<vmem>>
              %dma_wait3A_550 = tpu.memref_slice %arg4[%multiple_of3A_463] : memref<320000xf32, #tpu.memory_space<hbm>> -> memref<16xf32, #tpu.memory_space<hbm>>
              %dma_wait3A_551 = arith.constant 0 : i32
              %dma_wait3A_552 = tpu.memref_slice %arg13[%dma_wait3A_551] : memref<2000xf32, #tpu.memory_space<vmem>> -> memref<16xf32, #tpu.memory_space<vmem>>
              %dma_wait3A_553 = tpu.memref_slice %arg4[%multiple_of3A_463] : memref<320000xf32, #tpu.memory_space<hbm>> -> memref<16xf32, #tpu.memory_space<hbm>>
              tpu.wait_dma2 semaphore(%arg23 : memref<!tpu.dma_semaphore, #tpu.memory_space<semaphore_mem>>) src(%dma_wait3A_553 : memref<16xf32, #tpu.memory_space<hbm>>) dst(%dma_wait3A_552 : memref<16xf32, #tpu.memory_space<vmem>>)
              %dma_wait3A_554 = arith.constant 0 : i32
              %dma_wait3A_555 = tpu.memref_slice %arg10[%dma_wait3A_554] : memref<2000xf32, #tpu.memory_space<vmem>> -> memref<16xf32, #tpu.memory_space<vmem>>
              %dma_wait3A_556 = tpu.memref_slice %arg3[%multiple_of3A_475] : memref<320000xf32, #tpu.memory_space<hbm>> -> memref<16xf32, #tpu.memory_space<hbm>>
              %dma_wait3A_557 = arith.constant 0 : i32
              %dma_wait3A_558 = tpu.memref_slice %arg10[%dma_wait3A_557] : memref<2000xf32, #tpu.memory_space<vmem>> -> memref<16xf32, #tpu.memory_space<vmem>>
              %dma_wait3A_559 = tpu.memref_slice %arg3[%multiple_of3A_475] : memref<320000xf32, #tpu.memory_space<hbm>> -> memref<16xf32, #tpu.memory_space<hbm>>
              tpu.wait_dma2 semaphore(%arg23 : memref<!tpu.dma_semaphore, #tpu.memory_space<semaphore_mem>>) src(%dma_wait3A_559 : memref<16xf32, #tpu.memory_space<hbm>>) dst(%dma_wait3A_558 : memref<16xf32, #tpu.memory_space<vmem>>)
              %dma_wait3A_560 = arith.constant 0 : i32
              %dma_wait3A_561 = tpu.memref_slice %arg14[%dma_wait3A_560] : memref<2000xf32, #tpu.memory_space<vmem>> -> memref<16xf32, #tpu.memory_space<vmem>>
              %dma_wait3A_562 = tpu.memref_slice %arg4[%multiple_of3A_487] : memref<320000xf32, #tpu.memory_space<hbm>> -> memref<16xf32, #tpu.memory_space<hbm>>
              %dma_wait3A_563 = arith.constant 0 : i32
              %dma_wait3A_564 = tpu.memref_slice %arg14[%dma_wait3A_563] : memref<2000xf32, #tpu.memory_space<vmem>> -> memref<16xf32, #tpu.memory_space<vmem>>
              %dma_wait3A_565 = tpu.memref_slice %arg4[%multiple_of3A_487] : memref<320000xf32, #tpu.memory_space<hbm>> -> memref<16xf32, #tpu.memory_space<hbm>>
              tpu.wait_dma2 semaphore(%arg23 : memref<!tpu.dma_semaphore, #tpu.memory_space<semaphore_mem>>) src(%dma_wait3A_565 : memref<16xf32, #tpu.memory_space<hbm>>) dst(%dma_wait3A_564 : memref<16xf32, #tpu.memory_space<vmem>>)
              %dma_wait3A_566 = arith.constant 0 : i32
              %dma_wait3A_567 = tpu.memref_slice %arg11[%dma_wait3A_566] : memref<2000xf32, #tpu.memory_space<vmem>> -> memref<16xf32, #tpu.memory_space<vmem>>
              %dma_wait3A_568 = tpu.memref_slice %arg3[%multiple_of3A_499] : memref<320000xf32, #tpu.memory_space<hbm>> -> memref<16xf32, #tpu.memory_space<hbm>>
              %dma_wait3A_569 = arith.constant 0 : i32
              %dma_wait3A_570 = tpu.memref_slice %arg11[%dma_wait3A_569] : memref<2000xf32, #tpu.memory_space<vmem>> -> memref<16xf32, #tpu.memory_space<vmem>>
              %dma_wait3A_571 = tpu.memref_slice %arg3[%multiple_of3A_499] : memref<320000xf32, #tpu.memory_space<hbm>> -> memref<16xf32, #tpu.memory_space<hbm>>
              tpu.wait_dma2 semaphore(%arg23 : memref<!tpu.dma_semaphore, #tpu.memory_space<semaphore_mem>>) src(%dma_wait3A_571 : memref<16xf32, #tpu.memory_space<hbm>>) dst(%dma_wait3A_570 : memref<16xf32, #tpu.memory_space<vmem>>)
              %dma_wait3A_572 = arith.constant 0 : i32
              %dma_wait3A_573 = tpu.memref_slice %arg15[%dma_wait3A_572] : memref<2000xf32, #tpu.memory_space<vmem>> -> memref<16xf32, #tpu.memory_space<vmem>>
              %dma_wait3A_574 = tpu.memref_slice %arg4[%multiple_of3A_511] : memref<320000xf32, #tpu.memory_space<hbm>> -> memref<16xf32, #tpu.memory_space<hbm>>
              %dma_wait3A_575 = arith.constant 0 : i32
              %dma_wait3A_576 = tpu.memref_slice %arg15[%dma_wait3A_575] : memref<2000xf32, #tpu.memory_space<vmem>> -> memref<16xf32, #tpu.memory_space<vmem>>
              %dma_wait3A_577 = tpu.memref_slice %arg4[%multiple_of3A_511] : memref<320000xf32, #tpu.memory_space<hbm>> -> memref<16xf32, #tpu.memory_space<hbm>>
              tpu.wait_dma2 semaphore(%arg23 : memref<!tpu.dma_semaphore, #tpu.memory_space<semaphore_mem>>) src(%dma_wait3A_577 : memref<16xf32, #tpu.memory_space<hbm>>) dst(%dma_wait3A_576 : memref<16xf32, #tpu.memory_space<vmem>>)
              %dma_wait3A_578 = arith.constant 0 : i32
              %dma_wait3A_579 = tpu.memref_slice %arg12[%dma_wait3A_578] : memref<2000xf32, #tpu.memory_space<vmem>> -> memref<16xf32, #tpu.memory_space<vmem>>
              %dma_wait3A_580 = tpu.memref_slice %arg3[%multiple_of3A_523] : memref<320000xf32, #tpu.memory_space<hbm>> -> memref<16xf32, #tpu.memory_space<hbm>>
              %dma_wait3A_581 = arith.constant 0 : i32
              %dma_wait3A_582 = tpu.memref_slice %arg12[%dma_wait3A_581] : memref<2000xf32, #tpu.memory_space<vmem>> -> memref<16xf32, #tpu.memory_space<vmem>>
              %dma_wait3A_583 = tpu.memref_slice %arg3[%multiple_of3A_523] : memref<320000xf32, #tpu.memory_space<hbm>> -> memref<16xf32, #tpu.memory_space<hbm>>
              tpu.wait_dma2 semaphore(%arg23 : memref<!tpu.dma_semaphore, #tpu.memory_space<semaphore_mem>>) src(%dma_wait3A_583 : memref<16xf32, #tpu.memory_space<hbm>>) dst(%dma_wait3A_582 : memref<16xf32, #tpu.memory_space<vmem>>)
              %dma_wait3A_584 = arith.constant 0 : i32
              %dma_wait3A_585 = tpu.memref_slice %arg16[%dma_wait3A_584] : memref<2000xf32, #tpu.memory_space<vmem>> -> memref<16xf32, #tpu.memory_space<vmem>>
              %dma_wait3A_586 = tpu.memref_slice %arg4[%multiple_of3A_535] : memref<320000xf32, #tpu.memory_space<hbm>> -> memref<16xf32, #tpu.memory_space<hbm>>
              %dma_wait3A_587 = arith.constant 0 : i32
              %dma_wait3A_588 = tpu.memref_slice %arg16[%dma_wait3A_587] : memref<2000xf32, #tpu.memory_space<vmem>> -> memref<16xf32, #tpu.memory_space<vmem>>
              %dma_wait3A_589 = tpu.memref_slice %arg4[%multiple_of3A_535] : memref<320000xf32, #tpu.memory_space<hbm>> -> memref<16xf32, #tpu.memory_space<hbm>>
              tpu.wait_dma2 semaphore(%arg23 : memref<!tpu.dma_semaphore, #tpu.memory_space<semaphore_mem>>) src(%dma_wait3A_589 : memref<16xf32, #tpu.memory_space<hbm>>) dst(%dma_wait3A_588 : memref<16xf32, #tpu.memory_space<vmem>>)
              %get3A_590 = arith.constant 0 : index
              %get3A_591 = tpu.vector_load %arg9[%get3A_590] {strides = array<i32>} : memref<2000xf32, #tpu.memory_space<vmem>>, vector<16xf32>,
              %get3A_592 = vector.shape_cast %get3A_591 : vector<16xf32> to vector<16xf32>
              %get3A_593 = arith.constant 0 : index
              %get3A_594 = tpu.vector_load %arg13[%get3A_593] {strides = array<i32>} : memref<2000xf32, #tpu.memory_space<vmem>>, vector<16xf32>,
              %get3A_595 = vector.shape_cast %get3A_594 : vector<16xf32> to vector<16xf32>
              %get3A_596 = arith.constant 0 : index
              %get3A_597 = tpu.vector_load %arg10[%get3A_596] {strides = array<i32>} : memref<2000xf32, #tpu.memory_space<vmem>>, vector<16xf32>,
              %get3A_598 = vector.shape_cast %get3A_597 : vector<16xf32> to vector<16xf32>
              %get3A_599 = arith.constant 0 : index
              %get3A_600 = tpu.vector_load %arg14[%get3A_599] {strides = array<i32>} : memref<2000xf32, #tpu.memory_space<vmem>>, vector<16xf32>,
              %get3A_601 = vector.shape_cast %get3A_600 : vector<16xf32> to vector<16xf32>
              %get3A_602 = arith.constant 0 : index
              %get3A_603 = tpu.vector_load %arg11[%get3A_602] {strides = array<i32>} : memref<2000xf32, #tpu.memory_space<vmem>>, vector<16xf32>,
              %get3A_604 = vector.shape_cast %get3A_603 : vector<16xf32> to vector<16xf32>
              %get3A_605 = arith.constant 0 : index
              %get3A_606 = tpu.vector_load %arg15[%get3A_605] {strides = array<i32>} : memref<2000xf32, #tpu.memory_space<vmem>>, vector<16xf32>,
              %get3A_607 = vector.shape_cast %get3A_606 : vector<16xf32> to vector<16xf32>
              %get3A_608 = arith.constant 0 : index
              %get3A_609 = tpu.vector_load %arg12[%get3A_608] {strides = array<i32>} : memref<2000xf32, #tpu.memory_space<vmem>>, vector<16xf32>,
              %get3A_610 = vector.shape_cast %get3A_609 : vector<16xf32> to vector<16xf32>
              %get3A_611 = arith.constant 0 : index
              %get3A_612 = tpu.vector_load %arg16[%get3A_611] {strides = array<i32>} : memref<2000xf32, #tpu.memory_space<vmem>>, vector<16xf32>,
              %get3A_613 = vector.shape_cast %get3A_612 : vector<16xf32> to vector<16xf32>
              %mul3A_614 = arith.mulf %get3A_604, %get3A_595 : vector<16xf32>
              %add3A_615 = arith.addf %mul3A_614, %get3A_592 : vector<16xf32>
              %mul3A_616 = arith.mulf %get3A_610, %get3A_601 : vector<16xf32>
              %add3A_617 = arith.addf %mul3A_616, %get3A_598 : vector<16xf32>
              %exp3A = math.exp %get3A_607 : vector<16xf32>
              %mul3A_618 = arith.mulf %get3A_604, %exp3A : vector<16xf32>
              %exp3A_619 = math.exp %get3A_613 : vector<16xf32>
              %mul3A_620 = arith.mulf %get3A_610, %exp3A_619 : vector<16xf32>
              %slice3A_621 = vector.extract_strided_slice %add3A_615 {offsets = [0], sizes = [1], strides = [1]} : vector<16xf32> to vector<1xf32>
              %squeeze3A_622 = vector.extract %slice3A_621[0] : f32 from vector<1xf32>
              %eq3A_623 = arith.constant 1 : i32
              %eq3A_624 = arith.cmpi eq, %sub3A, %eq3A_623 : i32
              %slice3A_625 = vector.extract_strided_slice %add3A_615 {offsets = [1], sizes = [1], strides = [1]} : vector<16xf32> to vector<1xf32>
              %squeeze3A_626 = vector.extract %slice3A_625[0] : f32 from vector<1xf32>
              %select_n3A_627 = arith.select %eq3A_624, %squeeze3A_626, %squeeze3A_622 : f32
              %eq3A_628 = arith.constant 2 : i32
              %eq3A_629 = arith.cmpi eq, %sub3A, %eq3A_628 : i32
              %slice3A_630 = vector.extract_strided_slice %add3A_615 {offsets = [2], sizes = [1], strides = [1]} : vector<16xf32> to vector<1xf32>
              %squeeze3A_631 = vector.extract %slice3A_630[0] : f32 from vector<1xf32>
              %select_n3A_632 = arith.select %eq3A_629, %squeeze3A_631, %select_n3A_627 : f32
              %eq3A_633 = arith.constant 3 : i32
              %eq3A_634 = arith.cmpi eq, %sub3A, %eq3A_633 : i32
              %slice3A_635 = vector.extract_strided_slice %add3A_615 {offsets = [3], sizes = [1], strides = [1]} : vector<16xf32> to vector<1xf32>
              %squeeze3A_636 = vector.extract %slice3A_635[0] : f32 from vector<1xf32>
              %select_n3A_637 = arith.select %eq3A_634, %squeeze3A_636, %select_n3A_632 : f32
              %eq3A_638 = arith.constant 4 : i32
              %eq3A_639 = arith.cmpi eq, %sub3A, %eq3A_638 : i32
              %slice3A_640 = vector.extract_strided_slice %add3A_615 {offsets = [4], sizes = [1], strides = [1]} : vector<16xf32> to vector<1xf32>
              %squeeze3A_641 = vector.extract %slice3A_640[0] : f32 from vector<1xf32>
              %select_n3A_642 = arith.select %eq3A_639, %squeeze3A_641, %select_n3A_637 : f32
              %eq3A_643 = arith.constant 5 : i32
              %eq3A_644 = arith.cmpi eq, %sub3A, %eq3A_643 : i32
              %slice3A_645 = vector.extract_strided_slice %add3A_615 {offsets = [5], sizes = [1], strides = [1]} : vector<16xf32> to vector<1xf32>
              %squeeze3A_646 = vector.extract %slice3A_645[0] : f32 from vector<1xf32>
              %select_n3A_647 = arith.select %eq3A_644, %squeeze3A_646, %select_n3A_642 : f32
              %eq3A_648 = arith.constant 6 : i32
              %eq3A_649 = arith.cmpi eq, %sub3A, %eq3A_648 : i32
              %slice3A_650 = vector.extract_strided_slice %add3A_615 {offsets = [6], sizes = [1], strides = [1]} : vector<16xf32> to vector<1xf32>
              %squeeze3A_651 = vector.extract %slice3A_650[0] : f32 from vector<1xf32>
              %select_n3A_652 = arith.select %eq3A_649, %squeeze3A_651, %select_n3A_647 : f32
              %eq3A_653 = arith.constant 7 : i32
              %eq3A_654 = arith.cmpi eq, %sub3A, %eq3A_653 : i32
              %slice3A_655 = vector.extract_strided_slice %add3A_615 {offsets = [7], sizes = [1], strides = [1]} : vector<16xf32> to vector<1xf32>
              %squeeze3A_656 = vector.extract %slice3A_655[0] : f32 from vector<1xf32>
              %select_n3A_657 = arith.select %eq3A_654, %squeeze3A_656, %select_n3A_652 : f32
              %eq3A_658 = arith.constant 8 : i32
              %eq3A_659 = arith.cmpi eq, %sub3A, %eq3A_658 : i32
              %slice3A_660 = vector.extract_strided_slice %add3A_615 {offsets = [8], sizes = [1], strides = [1]} : vector<16xf32> to vector<1xf32>
              %squeeze3A_661 = vector.extract %slice3A_660[0] : f32 from vector<1xf32>
              %select_n3A_662 = arith.select %eq3A_659, %squeeze3A_661, %select_n3A_657 : f32
              %eq3A_663 = arith.constant 9 : i32
              %eq3A_664 = arith.cmpi eq, %sub3A, %eq3A_663 : i32
              %slice3A_665 = vector.extract_strided_slice %add3A_615 {offsets = [9], sizes = [1], strides = [1]} : vector<16xf32> to vector<1xf32>
              %squeeze3A_666 = vector.extract %slice3A_665[0] : f32 from vector<1xf32>
              %select_n3A_667 = arith.select %eq3A_664, %squeeze3A_666, %select_n3A_662 : f32
              %eq3A_668 = arith.constant 10 : i32
              %eq3A_669 = arith.cmpi eq, %sub3A, %eq3A_668 : i32
              %slice3A_670 = vector.extract_strided_slice %add3A_615 {offsets = [10], sizes = [1], strides = [1]} : vector<16xf32> to vector<1xf32>
              %squeeze3A_671 = vector.extract %slice3A_670[0] : f32 from vector<1xf32>
              %select_n3A_672 = arith.select %eq3A_669, %squeeze3A_671, %select_n3A_667 : f32
              %eq3A_673 = arith.constant 11 : i32
              %eq3A_674 = arith.cmpi eq, %sub3A, %eq3A_673 : i32
              %slice3A_675 = vector.extract_strided_slice %add3A_615 {offsets = [11], sizes = [1], strides = [1]} : vector<16xf32> to vector<1xf32>
              %squeeze3A_676 = vector.extract %slice3A_675[0] : f32 from vector<1xf32>
              %select_n3A_677 = arith.select %eq3A_674, %squeeze3A_676, %select_n3A_672 : f32
              %eq3A_678 = arith.constant 12 : i32
              %eq3A_679 = arith.cmpi eq, %sub3A, %eq3A_678 : i32
              %slice3A_680 = vector.extract_strided_slice %add3A_615 {offsets = [12], sizes = [1], strides = [1]} : vector<16xf32> to vector<1xf32>
              %squeeze3A_681 = vector.extract %slice3A_680[0] : f32 from vector<1xf32>
              %select_n3A_682 = arith.select %eq3A_679, %squeeze3A_681, %select_n3A_677 : f32
              %eq3A_683 = arith.constant 13 : i32
              %eq3A_684 = arith.cmpi eq, %sub3A, %eq3A_683 : i32
              %slice3A_685 = vector.extract_strided_slice %add3A_615 {offsets = [13], sizes = [1], strides = [1]} : vector<16xf32> to vector<1xf32>
              %squeeze3A_686 = vector.extract %slice3A_685[0] : f32 from vector<1xf32>
              %select_n3A_687 = arith.select %eq3A_684, %squeeze3A_686, %select_n3A_682 : f32
              %eq3A_688 = arith.constant 14 : i32
              %eq3A_689 = arith.cmpi eq, %sub3A, %eq3A_688 : i32
              %slice3A_690 = vector.extract_strided_slice %add3A_615 {offsets = [14], sizes = [1], strides = [1]} : vector<16xf32> to vector<1xf32>
              %squeeze3A_691 = vector.extract %slice3A_690[0] : f32 from vector<1xf32>
              %select_n3A_692 = arith.select %eq3A_689, %squeeze3A_691, %select_n3A_687 : f32
              %eq3A_693 = arith.constant 15 : i32
              %eq3A_694 = arith.cmpi eq, %sub3A, %eq3A_693 : i32
              %slice3A_695 = vector.extract_strided_slice %add3A_615 {offsets = [15], sizes = [1], strides = [1]} : vector<16xf32> to vector<1xf32>
              %squeeze3A_696 = vector.extract %slice3A_695[0] : f32 from vector<1xf32>
              %select_n3A_697 = arith.select %eq3A_694, %squeeze3A_696, %select_n3A_692 : f32
              %slice3A_698 = vector.extract_strided_slice %add3A_617 {offsets = [0], sizes = [1], strides = [1]} : vector<16xf32> to vector<1xf32>
              %squeeze3A_699 = vector.extract %slice3A_698[0] : f32 from vector<1xf32>
              %eq3A_700 = arith.constant 1 : i32
              %eq3A_701 = arith.cmpi eq, %sub3A, %eq3A_700 : i32
              %slice3A_702 = vector.extract_strided_slice %add3A_617 {offsets = [1], sizes = [1], strides = [1]} : vector<16xf32> to vector<1xf32>
              %squeeze3A_703 = vector.extract %slice3A_702[0] : f32 from vector<1xf32>
              %select_n3A_704 = arith.select %eq3A_701, %squeeze3A_703, %squeeze3A_699 : f32
              %eq3A_705 = arith.constant 2 : i32
              %eq3A_706 = arith.cmpi eq, %sub3A, %eq3A_705 : i32
              %slice3A_707 = vector.extract_strided_slice %add3A_617 {offsets = [2], sizes = [1], strides = [1]} : vector<16xf32> to vector<1xf32>
              %squeeze3A_708 = vector.extract %slice3A_707[0] : f32 from vector<1xf32>
              %select_n3A_709 = arith.select %eq3A_706, %squeeze3A_708, %select_n3A_704 : f32
              %eq3A_710 = arith.constant 3 : i32
              %eq3A_711 = arith.cmpi eq, %sub3A, %eq3A_710 : i32
              %slice3A_712 = vector.extract_strided_slice %add3A_617 {offsets = [3], sizes = [1], strides = [1]} : vector<16xf32> to vector<1xf32>
              %squeeze3A_713 = vector.extract %slice3A_712[0] : f32 from vector<1xf32>
              %select_n3A_714 = arith.select %eq3A_711, %squeeze3A_713, %select_n3A_709 : f32
              %eq3A_715 = arith.constant 4 : i32
              %eq3A_716 = arith.cmpi eq, %sub3A, %eq3A_715 : i32
              %slice3A_717 = vector.extract_strided_slice %add3A_617 {offsets = [4], sizes = [1], strides = [1]} : vector<16xf32> to vector<1xf32>
              %squeeze3A_718 = vector.extract %slice3A_717[0] : f32 from vector<1xf32>
              %select_n3A_719 = arith.select %eq3A_716, %squeeze3A_718, %select_n3A_714 : f32
              %eq3A_720 = arith.constant 5 : i32
              %eq3A_721 = arith.cmpi eq, %sub3A, %eq3A_720 : i32
              %slice3A_722 = vector.extract_strided_slice %add3A_617 {offsets = [5], sizes = [1], strides = [1]} : vector<16xf32> to vector<1xf32>
              %squeeze3A_723 = vector.extract %slice3A_722[0] : f32 from vector<1xf32>
              %select_n3A_724 = arith.select %eq3A_721, %squeeze3A_723, %select_n3A_719 : f32
              %eq3A_725 = arith.constant 6 : i32
              %eq3A_726 = arith.cmpi eq, %sub3A, %eq3A_725 : i32
              %slice3A_727 = vector.extract_strided_slice %add3A_617 {offsets = [6], sizes = [1], strides = [1]} : vector<16xf32> to vector<1xf32>
              %squeeze3A_728 = vector.extract %slice3A_727[0] : f32 from vector<1xf32>
              %select_n3A_729 = arith.select %eq3A_726, %squeeze3A_728, %select_n3A_724 : f32
              %eq3A_730 = arith.constant 7 : i32
              %eq3A_731 = arith.cmpi eq, %sub3A, %eq3A_730 : i32
              %slice3A_732 = vector.extract_strided_slice %add3A_617 {offsets = [7], sizes = [1], strides = [1]} : vector<16xf32> to vector<1xf32>
              %squeeze3A_733 = vector.extract %slice3A_732[0] : f32 from vector<1xf32>
              %select_n3A_734 = arith.select %eq3A_731, %squeeze3A_733, %select_n3A_729 : f32
              %eq3A_735 = arith.constant 8 : i32
              %eq3A_736 = arith.cmpi eq, %sub3A, %eq3A_735 : i32
              %slice3A_737 = vector.extract_strided_slice %add3A_617 {offsets = [8], sizes = [1], strides = [1]} : vector<16xf32> to vector<1xf32>
              %squeeze3A_738 = vector.extract %slice3A_737[0] : f32 from vector<1xf32>
              %select_n3A_739 = arith.select %eq3A_736, %squeeze3A_738, %select_n3A_734 : f32
              %eq3A_740 = arith.constant 9 : i32
              %eq3A_741 = arith.cmpi eq, %sub3A, %eq3A_740 : i32
              %slice3A_742 = vector.extract_strided_slice %add3A_617 {offsets = [9], sizes = [1], strides = [1]} : vector<16xf32> to vector<1xf32>
              %squeeze3A_743 = vector.extract %slice3A_742[0] : f32 from vector<1xf32>
              %select_n3A_744 = arith.select %eq3A_741, %squeeze3A_743, %select_n3A_739 : f32
              %eq3A_745 = arith.constant 10 : i32
              %eq3A_746 = arith.cmpi eq, %sub3A, %eq3A_745 : i32
              %slice3A_747 = vector.extract_strided_slice %add3A_617 {offsets = [10], sizes = [1], strides = [1]} : vector<16xf32> to vector<1xf32>
              %squeeze3A_748 = vector.extract %slice3A_747[0] : f32 from vector<1xf32>
              %select_n3A_749 = arith.select %eq3A_746, %squeeze3A_748, %select_n3A_744 : f32
              %eq3A_750 = arith.constant 11 : i32
              %eq3A_751 = arith.cmpi eq, %sub3A, %eq3A_750 : i32
              %slice3A_752 = vector.extract_strided_slice %add3A_617 {offsets = [11], sizes = [1], strides = [1]} : vector<16xf32> to vector<1xf32>
              %squeeze3A_753 = vector.extract %slice3A_752[0] : f32 from vector<1xf32>
              %select_n3A_754 = arith.select %eq3A_751, %squeeze3A_753, %select_n3A_749 : f32
              %eq3A_755 = arith.constant 12 : i32
              %eq3A_756 = arith.cmpi eq, %sub3A, %eq3A_755 : i32
              %slice3A_757 = vector.extract_strided_slice %add3A_617 {offsets = [12], sizes = [1], strides = [1]} : vector<16xf32> to vector<1xf32>
              %squeeze3A_758 = vector.extract %slice3A_757[0] : f32 from vector<1xf32>
              %select_n3A_759 = arith.select %eq3A_756, %squeeze3A_758, %select_n3A_754 : f32
              %eq3A_760 = arith.constant 13 : i32
              %eq3A_761 = arith.cmpi eq, %sub3A, %eq3A_760 : i32
              %slice3A_762 = vector.extract_strided_slice %add3A_617 {offsets = [13], sizes = [1], strides = [1]} : vector<16xf32> to vector<1xf32>
              %squeeze3A_763 = vector.extract %slice3A_762[0] : f32 from vector<1xf32>
              %select_n3A_764 = arith.select %eq3A_761, %squeeze3A_763, %select_n3A_759 : f32
              %eq3A_765 = arith.constant 14 : i32
              %eq3A_766 = arith.cmpi eq, %sub3A, %eq3A_765 : i32
              %slice3A_767 = vector.extract_strided_slice %add3A_617 {offsets = [14], sizes = [1], strides = [1]} : vector<16xf32> to vector<1xf32>
              %squeeze3A_768 = vector.extract %slice3A_767[0] : f32 from vector<1xf32>
              %select_n3A_769 = arith.select %eq3A_766, %squeeze3A_768, %select_n3A_764 : f32
              %eq3A_770 = arith.constant 15 : i32
              %eq3A_771 = arith.cmpi eq, %sub3A, %eq3A_770 : i32
              %slice3A_772 = vector.extract_strided_slice %add3A_617 {offsets = [15], sizes = [1], strides = [1]} : vector<16xf32> to vector<1xf32>
              %squeeze3A_773 = vector.extract %slice3A_772[0] : f32 from vector<1xf32>
              %select_n3A_774 = arith.select %eq3A_771, %squeeze3A_773, %select_n3A_769 : f32
              %slice3A_775 = vector.extract_strided_slice %mul3A_618 {offsets = [0], sizes = [1], strides = [1]} : vector<16xf32> to vector<1xf32>
              %squeeze3A_776 = vector.extract %slice3A_775[0] : f32 from vector<1xf32>
              %eq3A_777 = arith.constant 1 : i32
              %eq3A_778 = arith.cmpi eq, %sub3A, %eq3A_777 : i32
              %slice3A_779 = vector.extract_strided_slice %mul3A_618 {offsets = [1], sizes = [1], strides = [1]} : vector<16xf32> to vector<1xf32>
              %squeeze3A_780 = vector.extract %slice3A_779[0] : f32 from vector<1xf32>
              %select_n3A_781 = arith.select %eq3A_778, %squeeze3A_780, %squeeze3A_776 : f32
              %eq3A_782 = arith.constant 2 : i32
              %eq3A_783 = arith.cmpi eq, %sub3A, %eq3A_782 : i32
              %slice3A_784 = vector.extract_strided_slice %mul3A_618 {offsets = [2], sizes = [1], strides = [1]} : vector<16xf32> to vector<1xf32>
              %squeeze3A_785 = vector.extract %slice3A_784[0] : f32 from vector<1xf32>
              %select_n3A_786 = arith.select %eq3A_783, %squeeze3A_785, %select_n3A_781 : f32
              %eq3A_787 = arith.constant 3 : i32
              %eq3A_788 = arith.cmpi eq, %sub3A, %eq3A_787 : i32
              %slice3A_789 = vector.extract_strided_slice %mul3A_618 {offsets = [3], sizes = [1], strides = [1]} : vector<16xf32> to vector<1xf32>
              %squeeze3A_790 = vector.extract %slice3A_789[0] : f32 from vector<1xf32>
              %select_n3A_791 = arith.select %eq3A_788, %squeeze3A_790, %select_n3A_786 : f32
              %eq3A_792 = arith.constant 4 : i32
              %eq3A_793 = arith.cmpi eq, %sub3A, %eq3A_792 : i32
              %slice3A_794 = vector.extract_strided_slice %mul3A_618 {offsets = [4], sizes = [1], strides = [1]} : vector<16xf32> to vector<1xf32>
              %squeeze3A_795 = vector.extract %slice3A_794[0] : f32 from vector<1xf32>
              %select_n3A_796 = arith.select %eq3A_793, %squeeze3A_795, %select_n3A_791 : f32
              %eq3A_797 = arith.constant 5 : i32
              %eq3A_798 = arith.cmpi eq, %sub3A, %eq3A_797 : i32
              %slice3A_799 = vector.extract_strided_slice %mul3A_618 {offsets = [5], sizes = [1], strides = [1]} : vector<16xf32> to vector<1xf32>
              %squeeze3A_800 = vector.extract %slice3A_799[0] : f32 from vector<1xf32>
              %select_n3A_801 = arith.select %eq3A_798, %squeeze3A_800, %select_n3A_796 : f32
              %eq3A_802 = arith.constant 6 : i32
              %eq3A_803 = arith.cmpi eq, %sub3A, %eq3A_802 : i32
              %slice3A_804 = vector.extract_strided_slice %mul3A_618 {offsets = [6], sizes = [1], strides = [1]} : vector<16xf32> to vector<1xf32>
              %squeeze3A_805 = vector.extract %slice3A_804[0] : f32 from vector<1xf32>
              %select_n3A_806 = arith.select %eq3A_803, %squeeze3A_805, %select_n3A_801 : f32
              %eq3A_807 = arith.constant 7 : i32
              %eq3A_808 = arith.cmpi eq, %sub3A, %eq3A_807 : i32
              %slice3A_809 = vector.extract_strided_slice %mul3A_618 {offsets = [7], sizes = [1], strides = [1]} : vector<16xf32> to vector<1xf32>
              %squeeze3A_810 = vector.extract %slice3A_809[0] : f32 from vector<1xf32>
              %select_n3A_811 = arith.select %eq3A_808, %squeeze3A_810, %select_n3A_806 : f32
              %eq3A_812 = arith.constant 8 : i32
              %eq3A_813 = arith.cmpi eq, %sub3A, %eq3A_812 : i32
              %slice3A_814 = vector.extract_strided_slice %mul3A_618 {offsets = [8], sizes = [1], strides = [1]} : vector<16xf32> to vector<1xf32>
              %squeeze3A_815 = vector.extract %slice3A_814[0] : f32 from vector<1xf32>
              %select_n3A_816 = arith.select %eq3A_813, %squeeze3A_815, %select_n3A_811 : f32
              %eq3A_817 = arith.constant 9 : i32
              %eq3A_818 = arith.cmpi eq, %sub3A, %eq3A_817 : i32
              %slice3A_819 = vector.extract_strided_slice %mul3A_618 {offsets = [9], sizes = [1], strides = [1]} : vector<16xf32> to vector<1xf32>
              %squeeze3A_820 = vector.extract %slice3A_819[0] : f32 from vector<1xf32>
              %select_n3A_821 = arith.select %eq3A_818, %squeeze3A_820, %select_n3A_816 : f32
              %eq3A_822 = arith.constant 10 : i32
              %eq3A_823 = arith.cmpi eq, %sub3A, %eq3A_822 : i32
              %slice3A_824 = vector.extract_strided_slice %mul3A_618 {offsets = [10], sizes = [1], strides = [1]} : vector<16xf32> to vector<1xf32>
              %squeeze3A_825 = vector.extract %slice3A_824[0] : f32 from vector<1xf32>
              %select_n3A_826 = arith.select %eq3A_823, %squeeze3A_825, %select_n3A_821 : f32
              %eq3A_827 = arith.constant 11 : i32
              %eq3A_828 = arith.cmpi eq, %sub3A, %eq3A_827 : i32
              %slice3A_829 = vector.extract_strided_slice %mul3A_618 {offsets = [11], sizes = [1], strides = [1]} : vector<16xf32> to vector<1xf32>
              %squeeze3A_830 = vector.extract %slice3A_829[0] : f32 from vector<1xf32>
              %select_n3A_831 = arith.select %eq3A_828, %squeeze3A_830, %select_n3A_826 : f32
              %eq3A_832 = arith.constant 12 : i32
              %eq3A_833 = arith.cmpi eq, %sub3A, %eq3A_832 : i32
              %slice3A_834 = vector.extract_strided_slice %mul3A_618 {offsets = [12], sizes = [1], strides = [1]} : vector<16xf32> to vector<1xf32>
              %squeeze3A_835 = vector.extract %slice3A_834[0] : f32 from vector<1xf32>
              %select_n3A_836 = arith.select %eq3A_833, %squeeze3A_835, %select_n3A_831 : f32
              %eq3A_837 = arith.constant 13 : i32
              %eq3A_838 = arith.cmpi eq, %sub3A, %eq3A_837 : i32
              %slice3A_839 = vector.extract_strided_slice %mul3A_618 {offsets = [13], sizes = [1], strides = [1]} : vector<16xf32> to vector<1xf32>
              %squeeze3A_840 = vector.extract %slice3A_839[0] : f32 from vector<1xf32>
              %select_n3A_841 = arith.select %eq3A_838, %squeeze3A_840, %select_n3A_836 : f32
              %eq3A_842 = arith.constant 14 : i32
              %eq3A_843 = arith.cmpi eq, %sub3A, %eq3A_842 : i32
              %slice3A_844 = vector.extract_strided_slice %mul3A_618 {offsets = [14], sizes = [1], strides = [1]} : vector<16xf32> to vector<1xf32>
              %squeeze3A_845 = vector.extract %slice3A_844[0] : f32 from vector<1xf32>
              %select_n3A_846 = arith.select %eq3A_843, %squeeze3A_845, %select_n3A_841 : f32
              %eq3A_847 = arith.constant 15 : i32
              %eq3A_848 = arith.cmpi eq, %sub3A, %eq3A_847 : i32
              %slice3A_849 = vector.extract_strided_slice %mul3A_618 {offsets = [15], sizes = [1], strides = [1]} : vector<16xf32> to vector<1xf32>
              %squeeze3A_850 = vector.extract %slice3A_849[0] : f32 from vector<1xf32>
              %select_n3A_851 = arith.select %eq3A_848, %squeeze3A_850, %select_n3A_846 : f32
              %slice3A_852 = vector.extract_strided_slice %mul3A_620 {offsets = [0], sizes = [1], strides = [1]} : vector<16xf32> to vector<1xf32>
              %squeeze3A_853 = vector.extract %slice3A_852[0] : f32 from vector<1xf32>
              %eq3A_854 = arith.constant 1 : i32
              %eq3A_855 = arith.cmpi eq, %sub3A, %eq3A_854 : i32
              %slice3A_856 = vector.extract_strided_slice %mul3A_620 {offsets = [1], sizes = [1], strides = [1]} : vector<16xf32> to vector<1xf32>
              %squeeze3A_857 = vector.extract %slice3A_856[0] : f32 from vector<1xf32>
              %select_n3A_858 = arith.select %eq3A_855, %squeeze3A_857, %squeeze3A_853 : f32
              %eq3A_859 = arith.constant 2 : i32
              %eq3A_860 = arith.cmpi eq, %sub3A, %eq3A_859 : i32
              %slice3A_861 = vector.extract_strided_slice %mul3A_620 {offsets = [2], sizes = [1], strides = [1]} : vector<16xf32> to vector<1xf32>
              %squeeze3A_862 = vector.extract %slice3A_861[0] : f32 from vector<1xf32>
              %select_n3A_863 = arith.select %eq3A_860, %squeeze3A_862, %select_n3A_858 : f32
              %eq3A_864 = arith.constant 3 : i32
              %eq3A_865 = arith.cmpi eq, %sub3A, %eq3A_864 : i32
              %slice3A_866 = vector.extract_strided_slice %mul3A_620 {offsets = [3], sizes = [1], strides = [1]} : vector<16xf32> to vector<1xf32>
              %squeeze3A_867 = vector.extract %slice3A_866[0] : f32 from vector<1xf32>
              %select_n3A_868 = arith.select %eq3A_865, %squeeze3A_867, %select_n3A_863 : f32
              %eq3A_869 = arith.constant 4 : i32
              %eq3A_870 = arith.cmpi eq, %sub3A, %eq3A_869 : i32
              %slice3A_871 = vector.extract_strided_slice %mul3A_620 {offsets = [4], sizes = [1], strides = [1]} : vector<16xf32> to vector<1xf32>
              %squeeze3A_872 = vector.extract %slice3A_871[0] : f32 from vector<1xf32>
              %select_n3A_873 = arith.select %eq3A_870, %squeeze3A_872, %select_n3A_868 : f32
              %eq3A_874 = arith.constant 5 : i32
              %eq3A_875 = arith.cmpi eq, %sub3A, %eq3A_874 : i32
              %slice3A_876 = vector.extract_strided_slice %mul3A_620 {offsets = [5], sizes = [1], strides = [1]} : vector<16xf32> to vector<1xf32>
              %squeeze3A_877 = vector.extract %slice3A_876[0] : f32 from vector<1xf32>
              %select_n3A_878 = arith.select %eq3A_875, %squeeze3A_877, %select_n3A_873 : f32
              %eq3A_879 = arith.constant 6 : i32
              %eq3A_880 = arith.cmpi eq, %sub3A, %eq3A_879 : i32
              %slice3A_881 = vector.extract_strided_slice %mul3A_620 {offsets = [6], sizes = [1], strides = [1]} : vector<16xf32> to vector<1xf32>
              %squeeze3A_882 = vector.extract %slice3A_881[0] : f32 from vector<1xf32>
              %select_n3A_883 = arith.select %eq3A_880, %squeeze3A_882, %select_n3A_878 : f32
              %eq3A_884 = arith.constant 7 : i32
              %eq3A_885 = arith.cmpi eq, %sub3A, %eq3A_884 : i32
              %slice3A_886 = vector.extract_strided_slice %mul3A_620 {offsets = [7], sizes = [1], strides = [1]} : vector<16xf32> to vector<1xf32>
              %squeeze3A_887 = vector.extract %slice3A_886[0] : f32 from vector<1xf32>
              %select_n3A_888 = arith.select %eq3A_885, %squeeze3A_887, %select_n3A_883 : f32
              %eq3A_889 = arith.constant 8 : i32
              %eq3A_890 = arith.cmpi eq, %sub3A, %eq3A_889 : i32
              %slice3A_891 = vector.extract_strided_slice %mul3A_620 {offsets = [8], sizes = [1], strides = [1]} : vector<16xf32> to vector<1xf32>
              %squeeze3A_892 = vector.extract %slice3A_891[0] : f32 from vector<1xf32>
              %select_n3A_893 = arith.select %eq3A_890, %squeeze3A_892, %select_n3A_888 : f32
              %eq3A_894 = arith.constant 9 : i32
              %eq3A_895 = arith.cmpi eq, %sub3A, %eq3A_894 : i32
              %slice3A_896 = vector.extract_strided_slice %mul3A_620 {offsets = [9], sizes = [1], strides = [1]} : vector<16xf32> to vector<1xf32>
              %squeeze3A_897 = vector.extract %slice3A_896[0] : f32 from vector<1xf32>
              %select_n3A_898 = arith.select %eq3A_895, %squeeze3A_897, %select_n3A_893 : f32
              %eq3A_899 = arith.constant 10 : i32
              %eq3A_900 = arith.cmpi eq, %sub3A, %eq3A_899 : i32
              %slice3A_901 = vector.extract_strided_slice %mul3A_620 {offsets = [10], sizes = [1], strides = [1]} : vector<16xf32> to vector<1xf32>
              %squeeze3A_902 = vector.extract %slice3A_901[0] : f32 from vector<1xf32>
              %select_n3A_903 = arith.select %eq3A_900, %squeeze3A_902, %select_n3A_898 : f32
              %eq3A_904 = arith.constant 11 : i32
              %eq3A_905 = arith.cmpi eq, %sub3A, %eq3A_904 : i32
              %slice3A_906 = vector.extract_strided_slice %mul3A_620 {offsets = [11], sizes = [1], strides = [1]} : vector<16xf32> to vector<1xf32>
              %squeeze3A_907 = vector.extract %slice3A_906[0] : f32 from vector<1xf32>
              %select_n3A_908 = arith.select %eq3A_905, %squeeze3A_907, %select_n3A_903 : f32
              %eq3A_909 = arith.constant 12 : i32
              %eq3A_910 = arith.cmpi eq, %sub3A, %eq3A_909 : i32
              %slice3A_911 = vector.extract_strided_slice %mul3A_620 {offsets = [12], sizes = [1], strides = [1]} : vector<16xf32> to vector<1xf32>
              %squeeze3A_912 = vector.extract %slice3A_911[0] : f32 from vector<1xf32>
              %select_n3A_913 = arith.select %eq3A_910, %squeeze3A_912, %select_n3A_908 : f32
              %eq3A_914 = arith.constant 13 : i32
              %eq3A_915 = arith.cmpi eq, %sub3A, %eq3A_914 : i32
              %slice3A_916 = vector.extract_strided_slice %mul3A_620 {offsets = [13], sizes = [1], strides = [1]} : vector<16xf32> to vector<1xf32>
              %squeeze3A_917 = vector.extract %slice3A_916[0] : f32 from vector<1xf32>
              %select_n3A_918 = arith.select %eq3A_915, %squeeze3A_917, %select_n3A_913 : f32
              %eq3A_919 = arith.constant 14 : i32
              %eq3A_920 = arith.cmpi eq, %sub3A, %eq3A_919 : i32
              %slice3A_921 = vector.extract_strided_slice %mul3A_620 {offsets = [14], sizes = [1], strides = [1]} : vector<16xf32> to vector<1xf32>
              %squeeze3A_922 = vector.extract %slice3A_921[0] : f32 from vector<1xf32>
              %select_n3A_923 = arith.select %eq3A_920, %squeeze3A_922, %select_n3A_918 : f32
              %eq3A_924 = arith.constant 15 : i32
              %eq3A_925 = arith.cmpi eq, %sub3A, %eq3A_924 : i32
              %slice3A_926 = vector.extract_strided_slice %mul3A_620 {offsets = [15], sizes = [1], strides = [1]} : vector<16xf32> to vector<1xf32>
              %squeeze3A_927 = vector.extract %slice3A_926[0] : f32 from vector<1xf32>
              %select_n3A_928 = arith.select %eq3A_925, %squeeze3A_927, %select_n3A_923 : f32
              %sub3A_929 = arith.subf %select_n3A_851, %select_n3A_697 : f32
              %sub3A_930 = arith.subf %select_n3A_928, %select_n3A_774 : f32
              %mul3A_931 = arith.mulf %sub3A_929, %sub3A_930 : f32
              %sub3A_932 = arith.subf %select_n3A_851, %select_n3A_697 : f32
              %max3A = arith.maximumf %sub3A_932, %scan3A_236 : f32
              %sub3A_933 = arith.subf %select_n3A_928, %select_n3A_774 : f32
              %max3A_934 = arith.maximumf %sub3A_933, %scan3A_236 : f32
              %mul3A_935 = arith.mulf %max3A, %max3A_934 : f32
              %broadcast_in_dim3A_936 = vector.broadcast %mul3A_935 : f32 to vector<16xf32>
              %swap3A_937 = arith.constant 0 : index
              %swap3A_938 = tpu.vector_load %arg17[%swap3A_937] {strides = array<i32>} : memref<16xf32, #tpu.memory_space<vmem>>, vector<16xf32>,
              %swap3A_939 = vector.shape_cast %swap3A_938 : vector<16xf32> to vector<16xf32>
              %swap3A_940 = vector.shape_cast %broadcast_in_dim3A_936 : vector<16xf32> to vector<16xf32>
              tpu.vector_store %arg17[%swap3A_937], %swap3A_940 {strides = array<i32>} : memref<16xf32, #tpu.memory_space<vmem>>, vector<16xf32>,
              %add3A_941 = arith.addf %mul3A_931, %mul3A_931 : f32
              %sub3A_942 = arith.subf %add3A_941, %mul3A_935 : f32
              %add3A_943 = arith.constant 9.99999971E-10 : f32
              %add3A_944 = arith.addf %sub3A_942, %add3A_943 : f32
              %broadcast_in_dim3A_945 = vector.broadcast %add3A_944 : f32 to vector<16xf32>
              %swap3A_946 = arith.constant 0 : index
              %swap3A_947 = tpu.vector_load %arg18[%swap3A_946] {strides = array<i32>} : memref<16xf32, #tpu.memory_space<vmem>>, vector<16xf32>,
              %swap3A_948 = vector.shape_cast %swap3A_947 : vector<16xf32> to vector<16xf32>
              %swap3A_949 = vector.shape_cast %broadcast_in_dim3A_945 : vector<16xf32> to vector<16xf32>
              tpu.vector_store %arg18[%swap3A_946], %swap3A_949 {strides = array<i32>} : memref<16xf32, #tpu.memory_space<vmem>>, vector<16xf32>,
              %get3A_950 = arith.constant 0 : index
              %get3A_951 = tpu.vector_load %arg17[%get3A_950] {strides = array<i32>} : memref<16xf32, #tpu.memory_space<vmem>>, vector<16xf32>,
              %get3A_952 = vector.shape_cast %get3A_951 : vector<16xf32> to vector<16xf32>
              %get3A_953 = arith.constant 0 : index
              %get3A_954 = tpu.vector_load %arg18[%get3A_953] {strides = array<i32>} : memref<16xf32, #tpu.memory_space<vmem>>, vector<16xf32>,
              %get3A_955 = vector.shape_cast %get3A_954 : vector<16xf32> to vector<16xf32>
              %div3A = arith.divf %get3A_952, %get3A_955 : vector<16xf32>
              %slice3A_956 = vector.extract_strided_slice %div3A {offsets = [0], sizes = [1], strides = [1]} : vector<16xf32> to vector<1xf32>
              %squeeze3A_957 = vector.extract %slice3A_956[0] : f32 from vector<1xf32>
              %gt3A_958 = arith.constant 0.699999988 : f32
              %gt3A_959 = arith.cmpf ogt, %squeeze3A_957, %gt3A_958 : f32
              %not3A_960 = arith.constant true
              %not3A_961 = arith.xori %gt3A_959, %not3A_960 : i1
              %jit3A_962 = arith.constant 16 : i32
              %div3A_963 = arith.divsi %add3A_359, %jit3A_962 : i32
              %sign3A = arith.constant 0 : i32
              %sign3A_964 = arith.cmpi sgt, %add3A_359, %sign3A : i32
              %sign3A_965 = arith.extui %sign3A_964 : i1 to i32
              %sign3A_966 = arith.constant 0 : i32
              %sign3A_967 = arith.cmpi slt, %add3A_359, %sign3A_966 : i32
              %sign3A_968 = arith.extui %sign3A_967 : i1 to i32
              %sign3A_969 = arith.subi %sign3A_965, %sign3A_968 : i32
              %sign3A_970 = arith.constant 0 : i32
              %sign3A_971 = arith.cmpi sgt, %jit3A_962, %sign3A_970 : i32
              %sign3A_972 = arith.extui %sign3A_971 : i1 to i32
              %sign3A_973 = arith.constant 0 : i32
              %sign3A_974 = arith.cmpi slt, %jit3A_962, %sign3A_973 : i32
              %sign3A_975 = arith.extui %sign3A_974 : i1 to i32
              %sign3A_976 = arith.subi %sign3A_972, %sign3A_975 : i32
              %ne3A = arith.cmpi ne, %sign3A_969, %sign3A_976 : i32
              %rem3A = arith.remsi %add3A_359, %jit3A_962 : i32
              %ne3A_977 = arith.constant 0 : i32
              %ne3A_978 = arith.cmpi ne, %rem3A, %ne3A_977 : i32
              %and3A_979 = arith.andi %ne3A, %ne3A_978 : i1
              %sub3A_980 = arith.constant 1 : i32
              %sub3A_981 = arith.subi %div3A_963, %sub3A_980 : i32
              %select_n3A_982 = arith.select %and3A_979, %sub3A_981, %div3A_963 : i32
              %mul3A_983 = arith.constant 16 : i32
              %mul3A_984 = arith.muli %select_n3A_982, %mul3A_983 : i32
              %jit3A_985 = arith.constant 16 : i32
              %eq3A_986 = arith.constant 0 : i32
              %eq3A_987 = arith.cmpi eq, %jit3A_985, %eq3A_986 : i32
              %jit3A_988 = arith.constant 1 : i32
              %select_n3A_989 = arith.select %eq3A_987, %jit3A_988, %jit3A_985 : i32
              %rem3A_990 = arith.remsi %add3A_359, %select_n3A_989 : i32
              %ne3A_991 = arith.constant 0 : i32
              %ne3A_992 = arith.cmpi ne, %rem3A_990, %ne3A_991 : i32
              %lt3A_993 = arith.constant 0 : i32
              %lt3A_994 = arith.cmpi slt, %rem3A_990, %lt3A_993 : i32
              %lt3A_995 = arith.constant 0 : i32
              %lt3A_996 = arith.cmpi slt, %select_n3A_989, %lt3A_995 : i32
              %ne3A_997 = arith.xori %lt3A_994, %lt3A_996 : i1
              %and3A_998 = arith.andi %ne3A_997, %ne3A_992 : i1
              %add3A_999 = arith.addi %rem3A_990, %select_n3A_989 : i32
              %select_n3A_1000 = arith.select %and3A_998, %add3A_999, %rem3A_990 : i32
              %eq3A_1001 = vector.broadcast %select_n3A_1000 : i32 to vector<16xi32>
              %eq3A_1002 = arith.cmpi eq, %iota3A, %eq3A_1001 : vector<16xi32>
              %broadcast_in_dim3A_1003 = vector.broadcast %add3A_439 : i32 to vector<16xi32>
              %get3A_1004 = arith.index_cast %mul3A_984 : i32 to index
              %get3A_1005 = tpu.vector_load %arg19[%get3A_1004] {strides = array<i32>} : memref<384xi32, #tpu.memory_space<vmem>>, vector<16xi32>,
              %get3A_1006 = vector.shape_cast %get3A_1005 : vector<16xi32> to vector<16xi32>
              %select_n3A_1007 = arith.select %eq3A_1002, %broadcast_in_dim3A_1003, %get3A_1006 : vector<16xi1>, vector<16xi32>
              %swap3A_1008 = arith.index_cast %mul3A_984 : i32 to index
              %swap3A_1009 = tpu.vector_load %arg19[%swap3A_1008] {strides = array<i32>} : memref<384xi32, #tpu.memory_space<vmem>>, vector<16xi32>,
              %swap3A_1010 = vector.shape_cast %swap3A_1009 : vector<16xi32> to vector<16xi32>
              %swap3A_1011 = vector.shape_cast %select_n3A_1007 : vector<16xi32> to vector<16xi32>
              tpu.vector_store %arg19[%swap3A_1008], %swap3A_1011 {strides = array<i32>} : memref<384xi32, #tpu.memory_space<vmem>>, vector<16xi32>,
              %mul3A_1012 = arith.constant 4 : i32
              %mul3A_1013 = arith.muli %add3A_359, %mul3A_1012 : i32
              %jit3A_1014 = arith.constant 16 : i32
              %div3A_1015 = arith.divsi %mul3A_1013, %jit3A_1014 : i32
              %sign3A_1016 = arith.constant 0 : i32
              %sign3A_1017 = arith.cmpi sgt, %mul3A_1013, %sign3A_1016 : i32
              %sign3A_1018 = arith.extui %sign3A_1017 : i1 to i32
              %sign3A_1019 = arith.constant 0 : i32
              %sign3A_1020 = arith.cmpi slt, %mul3A_1013, %sign3A_1019 : i32
              %sign3A_1021 = arith.extui %sign3A_1020 : i1 to i32
              %sign3A_1022 = arith.subi %sign3A_1018, %sign3A_1021 : i32
              %sign3A_1023 = arith.constant 0 : i32
              %sign3A_1024 = arith.cmpi sgt, %jit3A_1014, %sign3A_1023 : i32
              %sign3A_1025 = arith.extui %sign3A_1024 : i1 to i32
              %sign3A_1026 = arith.constant 0 : i32
              %sign3A_1027 = arith.cmpi slt, %jit3A_1014, %sign3A_1026 : i32
              %sign3A_1028 = arith.extui %sign3A_1027 : i1 to i32
              %sign3A_1029 = arith.subi %sign3A_1025, %sign3A_1028 : i32
              %ne3A_1030 = arith.cmpi ne, %sign3A_1022, %sign3A_1029 : i32
              %rem3A_1031 = arith.remsi %mul3A_1013, %jit3A_1014 : i32
              %ne3A_1032 = arith.constant 0 : i32
              %ne3A_1033 = arith.cmpi ne, %rem3A_1031, %ne3A_1032 : i32
              %and3A_1034 = arith.andi %ne3A_1030, %ne3A_1033 : i1
              %sub3A_1035 = arith.constant 1 : i32
              %sub3A_1036 = arith.subi %div3A_1015, %sub3A_1035 : i32
              %select_n3A_1037 = arith.select %and3A_1034, %sub3A_1036, %div3A_1015 : i32
              %mul3A_1038 = arith.constant 16 : i32
              %mul3A_1039 = arith.muli %select_n3A_1037, %mul3A_1038 : i32
              %sub3A_1040 = arith.subi %mul3A_1013, %mul3A_1039 : i32
              %eq3A_1041 = vector.broadcast %sub3A_1040 : i32 to vector<16xi32>
              %eq3A_1042 = arith.cmpi eq, %iota3A, %eq3A_1041 : vector<16xi32>
              %add3A_1043 = arith.constant 1 : i32
              %add3A_1044 = arith.addi %sub3A_1040, %add3A_1043 : i32
              %eq3A_1045 = vector.broadcast %add3A_1044 : i32 to vector<16xi32>
              %eq3A_1046 = arith.cmpi eq, %iota3A, %eq3A_1045 : vector<16xi32>
              %add3A_1047 = arith.constant 2 : i32
              %add3A_1048 = arith.addi %sub3A_1040, %add3A_1047 : i32
              %eq3A_1049 = vector.broadcast %add3A_1048 : i32 to vector<16xi32>
              %eq3A_1050 = arith.cmpi eq, %iota3A, %eq3A_1049 : vector<16xi32>
              %broadcast_in_dim3A_1051 = vector.broadcast %select_n3A_851 : f32 to vector<16xf32>
              %broadcast_in_dim3A_1052 = vector.broadcast %select_n3A_928 : f32 to vector<16xf32>
              %select_n3A_1053 = arith.select %eq3A_1050, %broadcast_in_dim3A_1051, %broadcast_in_dim3A_1052 : vector<16xi1>, vector<16xf32>
              %broadcast_in_dim3A_1054 = vector.broadcast %select_n3A_774 : f32 to vector<16xf32>
              %select_n3A_1055 = arith.select %eq3A_1046, %broadcast_in_dim3A_1054, %select_n3A_1053 : vector<16xi1>, vector<16xf32>
              %broadcast_in_dim3A_1056 = vector.broadcast %select_n3A_697 : f32 to vector<16xf32>
              %select_n3A_1057 = arith.select %eq3A_1042, %broadcast_in_dim3A_1056, %select_n3A_1055 : vector<16xi1>, vector<16xf32>
              %ge3A = vector.broadcast %sub3A_1040 : i32 to vector<16xi32>
              %ge3A_1058 = arith.cmpi sge, %iota3A, %ge3A : vector<16xi32>
              %add3A_1059 = arith.constant 4 : i32
              %add3A_1060 = arith.addi %sub3A_1040, %add3A_1059 : i32
              %lt3A_1061 = vector.broadcast %add3A_1060 : i32 to vector<16xi32>
              %lt3A_1062 = arith.cmpi slt, %iota3A, %lt3A_1061 : vector<16xi32>
              %and3A_1063 = arith.andi %ge3A_1058, %lt3A_1062 : vector<16xi1>
              %get3A_1064 = arith.index_cast %mul3A_1039 : i32 to index
              %get3A_1065 = tpu.vector_load %arg20[%get3A_1064] {strides = array<i32>} : memref<1536xf32, #tpu.memory_space<vmem>>, vector<16xf32>,
              %get3A_1066 = vector.shape_cast %get3A_1065 : vector<16xf32> to vector<16xf32>
              %select_n3A_1067 = arith.select %and3A_1063, %select_n3A_1057, %get3A_1066 : vector<16xi1>, vector<16xf32>
              %swap3A_1068 = arith.index_cast %mul3A_1039 : i32 to index
              %swap3A_1069 = tpu.vector_load %arg20[%swap3A_1068] {strides = array<i32>} : memref<1536xf32, #tpu.memory_space<vmem>>, vector<16xf32>,
              %swap3A_1070 = vector.shape_cast %swap3A_1069 : vector<16xf32> to vector<16xf32>
              %swap3A_1071 = vector.shape_cast %select_n3A_1067 : vector<16xf32> to vector<16xf32>
              tpu.vector_store %arg20[%swap3A_1068], %swap3A_1071 {strides = array<i32>} : memref<1536xf32, #tpu.memory_space<vmem>>, vector<16xf32>,
              %swap3A_1072 = arith.constant 3 : i32
              %swap3A_1073 = arith.index_cast %swap3A_1072 : i32 to index
              %swap3A_1074 = memref.load %arg21[%swap3A_1073] : memref<8xi32, #tpu.memory_space<smem>>
              memref.store %add3A_439, %arg21[%swap3A_1073] : memref<8xi32, #tpu.memory_space<smem>>
              %swap3A_1075 = arith.constant 1 : i32
              %swap3A_1076 = arith.index_cast %swap3A_1075 : i32 to index
              %swap3A_1077 = memref.load %arg22[%swap3A_1076] : memref<16xf32, #tpu.memory_space<smem>>
              memref.store %select_n3A_697, %arg22[%swap3A_1076] : memref<16xf32, #tpu.memory_space<smem>>
              %swap3A_1078 = arith.constant 2 : i32
              %swap3A_1079 = arith.index_cast %swap3A_1078 : i32 to index
              %swap3A_1080 = memref.load %arg22[%swap3A_1079] : memref<16xf32, #tpu.memory_space<smem>>
              memref.store %select_n3A_774, %arg22[%swap3A_1079] : memref<16xf32, #tpu.memory_space<smem>>
              %swap3A_1081 = arith.constant 3 : i32
              %swap3A_1082 = arith.index_cast %swap3A_1081 : i32 to index
              %swap3A_1083 = memref.load %arg22[%swap3A_1082] : memref<16xf32, #tpu.memory_space<smem>>
              memref.store %select_n3A_851, %arg22[%swap3A_1082] : memref<16xf32, #tpu.memory_space<smem>>
              %swap3A_1084 = arith.constant 4 : i32
              %swap3A_1085 = arith.index_cast %swap3A_1084 : i32 to index
              %swap3A_1086 = memref.load %arg22[%swap3A_1085] : memref<16xf32, #tpu.memory_space<smem>>
              memref.store %select_n3A_928, %arg22[%swap3A_1085] : memref<16xf32, #tpu.memory_space<smem>>
              %eq3A_1087 = arith.constant 0 : i32
              %eq3A_1088 = arith.cmpi eq, %add3A_359, %eq3A_1087 : i32
              %convert_element_type3A_1089 = arith.extui %eq3A_1088 : i1 to i32
              %cond3A_1090 = arith.constant 0 : i32
              %cond3A_1091 = arith.cmpi ne, %convert_element_type3A_1089, %cond3A_1090 : i32
              scf.if %cond3A_1091 {
                %swap3A_1105 = arith.constant 4 : i32
                %swap3A_1106 = arith.index_cast %swap3A_1105 : i32 to index
                %swap3A_1107 = memref.load %arg21[%swap3A_1106] : memref<8xi32, #tpu.memory_space<smem>>
                memref.store %add3A_439, %arg21[%swap3A_1106] : memref<8xi32, #tpu.memory_space<smem>>
                %swap3A_1108 = arith.constant 5 : i32
                %swap3A_1109 = arith.index_cast %swap3A_1108 : i32 to index
                %swap3A_1110 = memref.load %arg22[%swap3A_1109] : memref<16xf32, #tpu.memory_space<smem>>
                memref.store %select_n3A_697, %arg22[%swap3A_1109] : memref<16xf32, #tpu.memory_space<smem>>
                %swap3A_1111 = arith.constant 6 : i32
                %swap3A_1112 = arith.index_cast %swap3A_1111 : i32 to index
                %swap3A_1113 = memref.load %arg22[%swap3A_1112] : memref<16xf32, #tpu.memory_space<smem>>
                memref.store %select_n3A_774, %arg22[%swap3A_1112] : memref<16xf32, #tpu.memory_space<smem>>
                %swap3A_1114 = arith.constant 7 : i32
                %swap3A_1115 = arith.index_cast %swap3A_1114 : i32 to index
                %swap3A_1116 = memref.load %arg22[%swap3A_1115] : memref<16xf32, #tpu.memory_space<smem>>
                memref.store %select_n3A_851, %arg22[%swap3A_1115] : memref<16xf32, #tpu.memory_space<smem>>
                %swap3A_1117 = arith.constant 8 : i32
                %swap3A_1118 = arith.index_cast %swap3A_1117 : i32 to index
                %swap3A_1119 = memref.load %arg22[%swap3A_1118] : memref<16xf32, #tpu.memory_space<smem>>
                memref.store %select_n3A_928, %arg22[%swap3A_1118] : memref<16xf32, #tpu.memory_space<smem>>
              } else {
              }
              %convert_element_type3A_1092 = arith.extui %not3A_961 : i1 to i32
              %cond3A_1093 = arith.constant 0 : i32
              %cond3A_1094 = arith.cmpi ne, %convert_element_type3A_1092, %cond3A_1093 : i32
              scf.if %cond3A_1094 {
                %swap3A_1105 = arith.constant 1 : i32
                %swap3A_1106 = arith.constant 0 : i32
                %swap3A_1107 = arith.index_cast %swap3A_1106 : i32 to index
                %swap3A_1108 = memref.load %arg21[%swap3A_1107] : memref<8xi32, #tpu.memory_space<smem>>
                memref.store %swap3A_1105, %arg21[%swap3A_1107] : memref<8xi32, #tpu.memory_space<smem>>
              } else {
              }
              %not3A_1095 = arith.constant true
              %not3A_1096 = arith.xori %not3A_961, %not3A_1095 : i1
              %convert_element_type3A_1097 = arith.extui %not3A_1096 : i1 to i32
              %cond3A_1098 = arith.constant 0 : i32
              %cond3A_1099 = arith.cmpi ne, %convert_element_type3A_1097, %cond3A_1098 : i32
              scf.if %cond3A_1099 {
                %eq3A_1105 = arith.constant 0 : i32
                %eq3A_1106 = arith.cmpi eq, %add3A_359, %eq3A_1105 : i32
                %scan3A_1107 = arith.constant 0 : i32
                %scan3A_1108 = arith.constant 10 : i32
                %scan3A_1109 = arith.addi %scan3A_1107, %scan3A_1108 : i32
                %scan3A_1110 = arith.constant 1 : i32
                %scan3A_1111:2 = scf.for %scan3A_1291 = %scan3A_1107 to %scan3A_1109 step %scan3A_1110 iter_args(%scan3A_1292 = %broadcast_in_dim3A_3, %scan3A_1293 = %broadcast_in_dim3A_5) -> (vector<16xf32>, vector<16xi32>)  : i32 {
                  %mul3A_1294 = arith.constant 2000 : i32
                  %mul3A_1295 = arith.muli %scan3A_1291, %mul3A_1294 : i32
                  %mul3A_1296 = arith.constant 4 : i32
                  %mul3A_1297 = arith.muli %add3A, %mul3A_1296 : i32
                  %add3A_1298 = arith.constant 0 : i32
                  %add3A_1299 = arith.addi %mul3A_1297, %add3A_1298 : i32
                  %mul3A_1300 = arith.constant 20000 : i32
                  %mul3A_1301 = arith.muli %add3A_1299, %mul3A_1300 : i32
                  %add3A_1302 = arith.addi %mul3A_1301, %mul3A_1295 : i32
                  %multiple_of3A_1303 = tpu.assume_multiple %add3A_1302, 8 : i32
                  %dma_start3A_1304 = tpu.memref_slice %arg3[%multiple_of3A_1303] : memref<320000xf32, #tpu.memory_space<hbm>> -> memref<2000xf32, #tpu.memory_space<hbm>>
                  %dma_start3A_1305 = tpu.memref_slice %arg3[%multiple_of3A_1303] : memref<320000xf32, #tpu.memory_space<hbm>> -> memref<2000xf32, #tpu.memory_space<hbm>>
                  tpu.enqueue_dma source(%dma_start3A_1305 : memref<2000xf32, #tpu.memory_space<hbm>>) target(%arg9 : memref<2000xf32, #tpu.memory_space<vmem>>) target_semaphore(%arg23 : memref<!tpu.dma_semaphore, #tpu.memory_space<semaphore_mem>>)
                  %add3A_1306 = arith.constant 1 : i32
                  %add3A_1307 = arith.addi %mul3A_1297, %add3A_1306 : i32
                  %mul3A_1308 = arith.constant 20000 : i32
                  %mul3A_1309 = arith.muli %add3A_1307, %mul3A_1308 : i32
                  %add3A_1310 = arith.addi %mul3A_1309, %mul3A_1295 : i32
                  %multiple_of3A_1311 = tpu.assume_multiple %add3A_1310, 8 : i32
                  %dma_start3A_1312 = tpu.memref_slice %arg3[%multiple_of3A_1311] : memref<320000xf32, #tpu.memory_space<hbm>> -> memref<2000xf32, #tpu.memory_space<hbm>>
                  %dma_start3A_1313 = tpu.memref_slice %arg3[%multiple_of3A_1311] : memref<320000xf32, #tpu.memory_space<hbm>> -> memref<2000xf32, #tpu.memory_space<hbm>>
                  tpu.enqueue_dma source(%dma_start3A_1313 : memref<2000xf32, #tpu.memory_space<hbm>>) target(%arg10 : memref<2000xf32, #tpu.memory_space<vmem>>) target_semaphore(%arg23 : memref<!tpu.dma_semaphore, #tpu.memory_space<semaphore_mem>>)
                  %add3A_1314 = arith.constant 2 : i32
                  %add3A_1315 = arith.addi %mul3A_1297, %add3A_1314 : i32
                  %mul3A_1316 = arith.constant 20000 : i32
                  %mul3A_1317 = arith.muli %add3A_1315, %mul3A_1316 : i32
                  %add3A_1318 = arith.addi %mul3A_1317, %mul3A_1295 : i32
                  %multiple_of3A_1319 = tpu.assume_multiple %add3A_1318, 8 : i32
                  %dma_start3A_1320 = tpu.memref_slice %arg3[%multiple_of3A_1319] : memref<320000xf32, #tpu.memory_space<hbm>> -> memref<2000xf32, #tpu.memory_space<hbm>>
                  %dma_start3A_1321 = tpu.memref_slice %arg3[%multiple_of3A_1319] : memref<320000xf32, #tpu.memory_space<hbm>> -> memref<2000xf32, #tpu.memory_space<hbm>>
                  tpu.enqueue_dma source(%dma_start3A_1321 : memref<2000xf32, #tpu.memory_space<hbm>>) target(%arg11 : memref<2000xf32, #tpu.memory_space<vmem>>) target_semaphore(%arg23 : memref<!tpu.dma_semaphore, #tpu.memory_space<semaphore_mem>>)
                  %add3A_1322 = arith.constant 3 : i32
                  %add3A_1323 = arith.addi %mul3A_1297, %add3A_1322 : i32
                  %mul3A_1324 = arith.constant 20000 : i32
                  %mul3A_1325 = arith.muli %add3A_1323, %mul3A_1324 : i32
                  %add3A_1326 = arith.addi %mul3A_1325, %mul3A_1295 : i32
                  %multiple_of3A_1327 = tpu.assume_multiple %add3A_1326, 8 : i32
                  %dma_start3A_1328 = tpu.memref_slice %arg3[%multiple_of3A_1327] : memref<320000xf32, #tpu.memory_space<hbm>> -> memref<2000xf32, #tpu.memory_space<hbm>>
                  %dma_start3A_1329 = tpu.memref_slice %arg3[%multiple_of3A_1327] : memref<320000xf32, #tpu.memory_space<hbm>> -> memref<2000xf32, #tpu.memory_space<hbm>>
                  tpu.enqueue_dma source(%dma_start3A_1329 : memref<2000xf32, #tpu.memory_space<hbm>>) target(%arg12 : memref<2000xf32, #tpu.memory_space<vmem>>) target_semaphore(%arg23 : memref<!tpu.dma_semaphore, #tpu.memory_space<semaphore_mem>>)
                  %add3A_1330 = arith.constant 0 : i32
                  %add3A_1331 = arith.addi %mul3A_1297, %add3A_1330 : i32
                  %mul3A_1332 = arith.constant 20000 : i32
                  %mul3A_1333 = arith.muli %add3A_1331, %mul3A_1332 : i32
                  %add3A_1334 = arith.addi %mul3A_1333, %mul3A_1295 : i32
                  %multiple_of3A_1335 = tpu.assume_multiple %add3A_1334, 8 : i32
                  %dma_start3A_1336 = tpu.memref_slice %arg4[%multiple_of3A_1335] : memref<320000xf32, #tpu.memory_space<hbm>> -> memref<2000xf32, #tpu.memory_space<hbm>>
                  %dma_start3A_1337 = tpu.memref_slice %arg4[%multiple_of3A_1335] : memref<320000xf32, #tpu.memory_space<hbm>> -> memref<2000xf32, #tpu.memory_space<hbm>>
                  tpu.enqueue_dma source(%dma_start3A_1337 : memref<2000xf32, #tpu.memory_space<hbm>>) target(%arg13 : memref<2000xf32, #tpu.memory_space<vmem>>) target_semaphore(%arg23 : memref<!tpu.dma_semaphore, #tpu.memory_space<semaphore_mem>>)
                  %add3A_1338 = arith.constant 1 : i32
                  %add3A_1339 = arith.addi %mul3A_1297, %add3A_1338 : i32
                  %mul3A_1340 = arith.constant 20000 : i32
                  %mul3A_1341 = arith.muli %add3A_1339, %mul3A_1340 : i32
                  %add3A_1342 = arith.addi %mul3A_1341, %mul3A_1295 : i32
                  %multiple_of3A_1343 = tpu.assume_multiple %add3A_1342, 8 : i32
                  %dma_start3A_1344 = tpu.memref_slice %arg4[%multiple_of3A_1343] : memref<320000xf32, #tpu.memory_space<hbm>> -> memref<2000xf32, #tpu.memory_space<hbm>>
                  %dma_start3A_1345 = tpu.memref_slice %arg4[%multiple_of3A_1343] : memref<320000xf32, #tpu.memory_space<hbm>> -> memref<2000xf32, #tpu.memory_space<hbm>>
                  tpu.enqueue_dma source(%dma_start3A_1345 : memref<2000xf32, #tpu.memory_space<hbm>>) target(%arg14 : memref<2000xf32, #tpu.memory_space<vmem>>) target_semaphore(%arg23 : memref<!tpu.dma_semaphore, #tpu.memory_space<semaphore_mem>>)
                  %add3A_1346 = arith.constant 2 : i32
                  %add3A_1347 = arith.addi %mul3A_1297, %add3A_1346 : i32
                  %mul3A_1348 = arith.constant 20000 : i32
                  %mul3A_1349 = arith.muli %add3A_1347, %mul3A_1348 : i32
                  %add3A_1350 = arith.addi %mul3A_1349, %mul3A_1295 : i32
                  %multiple_of3A_1351 = tpu.assume_multiple %add3A_1350, 8 : i32
                  %dma_start3A_1352 = tpu.memref_slice %arg4[%multiple_of3A_1351] : memref<320000xf32, #tpu.memory_space<hbm>> -> memref<2000xf32, #tpu.memory_space<hbm>>
                  %dma_start3A_1353 = tpu.memref_slice %arg4[%multiple_of3A_1351] : memref<320000xf32, #tpu.memory_space<hbm>> -> memref<2000xf32, #tpu.memory_space<hbm>>
                  tpu.enqueue_dma source(%dma_start3A_1353 : memref<2000xf32, #tpu.memory_space<hbm>>) target(%arg15 : memref<2000xf32, #tpu.memory_space<vmem>>) target_semaphore(%arg23 : memref<!tpu.dma_semaphore, #tpu.memory_space<semaphore_mem>>)
                  %add3A_1354 = arith.constant 3 : i32
                  %add3A_1355 = arith.addi %mul3A_1297, %add3A_1354 : i32
                  %mul3A_1356 = arith.constant 20000 : i32
                  %mul3A_1357 = arith.muli %add3A_1355, %mul3A_1356 : i32
                  %add3A_1358 = arith.addi %mul3A_1357, %mul3A_1295 : i32
                  %multiple_of3A_1359 = tpu.assume_multiple %add3A_1358, 8 : i32
                  %dma_start3A_1360 = tpu.memref_slice %arg4[%multiple_of3A_1359] : memref<320000xf32, #tpu.memory_space<hbm>> -> memref<2000xf32, #tpu.memory_space<hbm>>
                  %dma_start3A_1361 = tpu.memref_slice %arg4[%multiple_of3A_1359] : memref<320000xf32, #tpu.memory_space<hbm>> -> memref<2000xf32, #tpu.memory_space<hbm>>
                  tpu.enqueue_dma source(%dma_start3A_1361 : memref<2000xf32, #tpu.memory_space<hbm>>) target(%arg16 : memref<2000xf32, #tpu.memory_space<vmem>>) target_semaphore(%arg23 : memref<!tpu.dma_semaphore, #tpu.memory_space<semaphore_mem>>)
                  %dma_wait3A_1362 = tpu.memref_slice %arg3[%multiple_of3A_1303] : memref<320000xf32, #tpu.memory_space<hbm>> -> memref<2000xf32, #tpu.memory_space<hbm>>
                  %dma_wait3A_1363 = tpu.memref_slice %arg3[%multiple_of3A_1303] : memref<320000xf32, #tpu.memory_space<hbm>> -> memref<2000xf32, #tpu.memory_space<hbm>>
                  tpu.wait_dma2 semaphore(%arg23 : memref<!tpu.dma_semaphore, #tpu.memory_space<semaphore_mem>>) src(%dma_wait3A_1363 : memref<2000xf32, #tpu.memory_space<hbm>>) dst(%arg9 : memref<2000xf32, #tpu.memory_space<vmem>>)
                  %dma_wait3A_1364 = tpu.memref_slice %arg3[%multiple_of3A_1311] : memref<320000xf32, #tpu.memory_space<hbm>> -> memref<2000xf32, #tpu.memory_space<hbm>>
                  %dma_wait3A_1365 = tpu.memref_slice %arg3[%multiple_of3A_1311] : memref<320000xf32, #tpu.memory_space<hbm>> -> memref<2000xf32, #tpu.memory_space<hbm>>
                  tpu.wait_dma2 semaphore(%arg23 : memref<!tpu.dma_semaphore, #tpu.memory_space<semaphore_mem>>) src(%dma_wait3A_1365 : memref<2000xf32, #tpu.memory_space<hbm>>) dst(%arg10 : memref<2000xf32, #tpu.memory_space<vmem>>)
                  %dma_wait3A_1366 = tpu.memref_slice %arg3[%multiple_of3A_1319] : memref<320000xf32, #tpu.memory_space<hbm>> -> memref<2000xf32, #tpu.memory_space<hbm>>
                  %dma_wait3A_1367 = tpu.memref_slice %arg3[%multiple_of3A_1319] : memref<320000xf32, #tpu.memory_space<hbm>> -> memref<2000xf32, #tpu.memory_space<hbm>>
                  tpu.wait_dma2 semaphore(%arg23 : memref<!tpu.dma_semaphore, #tpu.memory_space<semaphore_mem>>) src(%dma_wait3A_1367 : memref<2000xf32, #tpu.memory_space<hbm>>) dst(%arg11 : memref<2000xf32, #tpu.memory_space<vmem>>)
                  %dma_wait3A_1368 = tpu.memref_slice %arg3[%multiple_of3A_1327] : memref<320000xf32, #tpu.memory_space<hbm>> -> memref<2000xf32, #tpu.memory_space<hbm>>
                  %dma_wait3A_1369 = tpu.memref_slice %arg3[%multiple_of3A_1327] : memref<320000xf32, #tpu.memory_space<hbm>> -> memref<2000xf32, #tpu.memory_space<hbm>>
                  tpu.wait_dma2 semaphore(%arg23 : memref<!tpu.dma_semaphore, #tpu.memory_space<semaphore_mem>>) src(%dma_wait3A_1369 : memref<2000xf32, #tpu.memory_space<hbm>>) dst(%arg12 : memref<2000xf32, #tpu.memory_space<vmem>>)
                  %dma_wait3A_1370 = tpu.memref_slice %arg4[%multiple_of3A_1335] : memref<320000xf32, #tpu.memory_space<hbm>> -> memref<2000xf32, #tpu.memory_space<hbm>>
                  %dma_wait3A_1371 = tpu.memref_slice %arg4[%multiple_of3A_1335] : memref<320000xf32, #tpu.memory_space<hbm>> -> memref<2000xf32, #tpu.memory_space<hbm>>
                  tpu.wait_dma2 semaphore(%arg23 : memref<!tpu.dma_semaphore, #tpu.memory_space<semaphore_mem>>) src(%dma_wait3A_1371 : memref<2000xf32, #tpu.memory_space<hbm>>) dst(%arg13 : memref<2000xf32, #tpu.memory_space<vmem>>)
                  %dma_wait3A_1372 = tpu.memref_slice %arg4[%multiple_of3A_1343] : memref<320000xf32, #tpu.memory_space<hbm>> -> memref<2000xf32, #tpu.memory_space<hbm>>
                  %dma_wait3A_1373 = tpu.memref_slice %arg4[%multiple_of3A_1343] : memref<320000xf32, #tpu.memory_space<hbm>> -> memref<2000xf32, #tpu.memory_space<hbm>>
                  tpu.wait_dma2 semaphore(%arg23 : memref<!tpu.dma_semaphore, #tpu.memory_space<semaphore_mem>>) src(%dma_wait3A_1373 : memref<2000xf32, #tpu.memory_space<hbm>>) dst(%arg14 : memref<2000xf32, #tpu.memory_space<vmem>>)
                  %dma_wait3A_1374 = tpu.memref_slice %arg4[%multiple_of3A_1351] : memref<320000xf32, #tpu.memory_space<hbm>> -> memref<2000xf32, #tpu.memory_space<hbm>>
                  %dma_wait3A_1375 = tpu.memref_slice %arg4[%multiple_of3A_1351] : memref<320000xf32, #tpu.memory_space<hbm>> -> memref<2000xf32, #tpu.memory_space<hbm>>
                  tpu.wait_dma2 semaphore(%arg23 : memref<!tpu.dma_semaphore, #tpu.memory_space<semaphore_mem>>) src(%dma_wait3A_1375 : memref<2000xf32, #tpu.memory_space<hbm>>) dst(%arg15 : memref<2000xf32, #tpu.memory_space<vmem>>)
                  %dma_wait3A_1376 = tpu.memref_slice %arg4[%multiple_of3A_1359] : memref<320000xf32, #tpu.memory_space<hbm>> -> memref<2000xf32, #tpu.memory_space<hbm>>
                  %dma_wait3A_1377 = tpu.memref_slice %arg4[%multiple_of3A_1359] : memref<320000xf32, #tpu.memory_space<hbm>> -> memref<2000xf32, #tpu.memory_space<hbm>>
                  tpu.wait_dma2 semaphore(%arg23 : memref<!tpu.dma_semaphore, #tpu.memory_space<semaphore_mem>>) src(%dma_wait3A_1377 : memref<2000xf32, #tpu.memory_space<hbm>>) dst(%arg16 : memref<2000xf32, #tpu.memory_space<vmem>>)
                  %scan3A_1378 = arith.constant 0 : i32
                  %scan3A_1379 = arith.constant 125 : i32
                  %scan3A_1380 = arith.addi %scan3A_1378, %scan3A_1379 : i32
                  %scan3A_1381 = arith.constant 5 : i32
                  %scan3A_1382:2 = scf.for %scan3A_1384 = %scan3A_1378 to %scan3A_1380 step %scan3A_1381 iter_args(%scan3A_1385 = %scan3A_1292, %scan3A_1386 = %scan3A_1293) -> (vector<16xf32>, vector<16xi32>)  : i32 {
                    %mul3A_1387 = arith.constant 16 : i32
                    %mul3A_1388 = arith.muli %scan3A_1384, %mul3A_1387 : i32
                    %get3A_1389 = arith.index_cast %mul3A_1388 : i32 to index
                    %get3A_1390 = tpu.vector_load %arg9[%get3A_1389] {strides = array<i32>} : memref<2000xf32, #tpu.memory_space<vmem>>, vector<16xf32>,
                    %get3A_1391 = vector.shape_cast %get3A_1390 : vector<16xf32> to vector<16xf32>
                    %get3A_1392 = arith.index_cast %mul3A_1388 : i32 to index
                    %get3A_1393 = tpu.vector_load %arg10[%get3A_1392] {strides = array<i32>} : memref<2000xf32, #tpu.memory_space<vmem>>, vector<16xf32>,
                    %get3A_1394 = vector.shape_cast %get3A_1393 : vector<16xf32> to vector<16xf32>
                    %get3A_1395 = arith.index_cast %mul3A_1388 : i32 to index
                    %get3A_1396 = tpu.vector_load %arg11[%get3A_1395] {strides = array<i32>} : memref<2000xf32, #tpu.memory_space<vmem>>, vector<16xf32>,
                    %get3A_1397 = vector.shape_cast %get3A_1396 : vector<16xf32> to vector<16xf32>
                    %get3A_1398 = arith.index_cast %mul3A_1388 : i32 to index
                    %get3A_1399 = tpu.vector_load %arg12[%get3A_1398] {strides = array<i32>} : memref<2000xf32, #tpu.memory_space<vmem>>, vector<16xf32>,
                    %get3A_1400 = vector.shape_cast %get3A_1399 : vector<16xf32> to vector<16xf32>
                    %get3A_1401 = arith.index_cast %mul3A_1388 : i32 to index
                    %get3A_1402 = tpu.vector_load %arg13[%get3A_1401] {strides = array<i32>} : memref<2000xf32, #tpu.memory_space<vmem>>, vector<16xf32>,
                    %get3A_1403 = vector.shape_cast %get3A_1402 : vector<16xf32> to vector<16xf32>
                    %get3A_1404 = arith.index_cast %mul3A_1388 : i32 to index
                    %get3A_1405 = tpu.vector_load %arg14[%get3A_1404] {strides = array<i32>} : memref<2000xf32, #tpu.memory_space<vmem>>, vector<16xf32>,
                    %get3A_1406 = vector.shape_cast %get3A_1405 : vector<16xf32> to vector<16xf32>
                    %get3A_1407 = arith.index_cast %mul3A_1388 : i32 to index
                    %get3A_1408 = tpu.vector_load %arg15[%get3A_1407] {strides = array<i32>} : memref<2000xf32, #tpu.memory_space<vmem>>, vector<16xf32>,
                    %get3A_1409 = vector.shape_cast %get3A_1408 : vector<16xf32> to vector<16xf32>
                    %get3A_1410 = arith.index_cast %mul3A_1388 : i32 to index
                    %get3A_1411 = tpu.vector_load %arg16[%get3A_1410] {strides = array<i32>} : memref<2000xf32, #tpu.memory_space<vmem>>, vector<16xf32>,
                    %get3A_1412 = vector.shape_cast %get3A_1411 : vector<16xf32> to vector<16xf32>
                    %mul3A_1413 = arith.mulf %get3A_1397, %get3A_1403 : vector<16xf32>
                    %add3A_1414 = arith.addf %mul3A_1413, %get3A_1391 : vector<16xf32>
                    %mul3A_1415 = arith.mulf %get3A_1400, %get3A_1406 : vector<16xf32>
                    %add3A_1416 = arith.addf %mul3A_1415, %get3A_1394 : vector<16xf32>
                    %exp3A_1417 = math.exp %get3A_1409 : vector<16xf32>
                    %mul3A_1418 = arith.mulf %get3A_1397, %exp3A_1417 : vector<16xf32>
                    %exp3A_1419 = math.exp %get3A_1412 : vector<16xf32>
                    %mul3A_1420 = arith.mulf %get3A_1400, %exp3A_1419 : vector<16xf32>
                    %sub3A_1421 = arith.subf %mul3A_1418, %add3A_1414 : vector<16xf32>
                    %sub3A_1422 = arith.subf %mul3A_1420, %add3A_1416 : vector<16xf32>
                    %mul3A_1423 = arith.mulf %sub3A_1421, %sub3A_1422 : vector<16xf32>
                    %max3A_1424 = vector.broadcast %select_n3A_697 : f32 to vector<16xf32>
                    %max3A_1425 = arith.maximumf %max3A_1424, %add3A_1414 : vector<16xf32>
                    %max3A_1426 = vector.broadcast %select_n3A_774 : f32 to vector<16xf32>
                    %max3A_1427 = arith.maximumf %max3A_1426, %add3A_1416 : vector<16xf32>
                    %min3A = vector.broadcast %select_n3A_851 : f32 to vector<16xf32>
                    %min3A_1428 = arith.minimumf %min3A, %mul3A_1418 : vector<16xf32>
                    %min3A_1429 = vector.broadcast %select_n3A_928 : f32 to vector<16xf32>
                    %min3A_1430 = arith.minimumf %min3A_1429, %mul3A_1420 : vector<16xf32>
                    %sub3A_1431 = arith.subf %min3A_1428, %max3A_1425 : vector<16xf32>
                    %max3A_1432 = vector.broadcast %scan3A_236 : f32 to vector<16xf32>
                    %max3A_1433 = arith.maximumf %sub3A_1431, %max3A_1432 : vector<16xf32>
                    %sub3A_1434 = arith.subf %min3A_1430, %max3A_1427 : vector<16xf32>
                    %max3A_1435 = vector.broadcast %scan3A_236 : f32 to vector<16xf32>
                    %max3A_1436 = arith.maximumf %sub3A_1434, %max3A_1435 : vector<16xf32>
                    %mul3A_1437 = arith.mulf %max3A_1433, %max3A_1436 : vector<16xf32>
                    %add3A_1438 = vector.broadcast %mul3A_931 : f32 to vector<16xf32>
                    %add3A_1439 = arith.addf %add3A_1438, %mul3A_1423 : vector<16xf32>
                    %sub3A_1440 = arith.subf %add3A_1439, %mul3A_1437 : vector<16xf32>
                    %add3A_1441 = arith.constant 9.99999971E-10 : f32
                    %add3A_1442 = vector.broadcast %add3A_1441 : f32 to vector<16xf32>
                    %add3A_1443 = arith.addf %sub3A_1440, %add3A_1442 : vector<16xf32>
                    %div3A_1444 = arith.divf %mul3A_1437, %add3A_1443 : vector<16xf32>
                    %mul3A_1445 = arith.constant 16 : i32
                    %mul3A_1446 = arith.muli %scan3A_1384, %mul3A_1445 : i32
                    %add3A_1447 = arith.addi %mul3A_1295, %mul3A_1446 : i32
                    %get3A_1448 = arith.index_cast %add3A_1447 : i32 to index
                    %get3A_1449 = tpu.vector_load %arg7[%get3A_1448] {strides = array<i32>} : memref<20000xf32, #tpu.memory_space<vmem>>, vector<16xf32>,
                    %get3A_1450 = vector.shape_cast %get3A_1449 : vector<16xf32> to vector<16xf32>
                    %get3A_1451 = arith.index_cast %add3A_1447 : i32 to index
                    %get3A_1452 = tpu.vector_load %arg8[%get3A_1451] {strides = array<i32>} : memref<20000xf32, #tpu.memory_space<vmem>>, vector<16xf32>,
                    %get3A_1453 = vector.shape_cast %get3A_1452 : vector<16xf32> to vector<16xf32>
                    %select_n3A_1454 = arith.select %eq3A_1106, %get3A_1450, %get3A_1453 : vector<16xf32>
                    %gt3A_1455 = arith.constant 0.699999988 : f32
                    %gt3A_1456 = vector.broadcast %gt3A_1455 : f32 to vector<16xf32>
                    %gt3A_1457 = arith.cmpf ogt, %div3A_1444, %gt3A_1456 : vector<16xf32>
                    %broadcast_in_dim3A_1458 = vector.broadcast %scan3A_235 : f32 to vector<16xf32>
                    %select_n3A_1459 = arith.select %gt3A_1457, %broadcast_in_dim3A_1458, %select_n3A_1454 : vector<16xi1>, vector<16xf32>
                    %swap3A_1460 = arith.index_cast %add3A_1447 : i32 to index
                    %swap3A_1461 = tpu.vector_load %arg8[%swap3A_1460] {strides = array<i32>} : memref<20000xf32, #tpu.memory_space<vmem>>, vector<16xf32>,
                    %swap3A_1462 = vector.shape_cast %swap3A_1461 : vector<16xf32> to vector<16xf32>
                    %swap3A_1463 = vector.shape_cast %select_n3A_1459 : vector<16xf32> to vector<16xf32>
                    tpu.vector_store %arg8[%swap3A_1460], %swap3A_1463 {strides = array<i32>} : memref<20000xf32, #tpu.memory_space<vmem>>, vector<16xf32>,
                    %mul3A_1464 = arith.constant 16 : i32
                    %mul3A_1465 = arith.muli %scan3A_1384, %mul3A_1464 : i32
                    %add3A_1466 = arith.addi %mul3A_1295, %mul3A_1465 : i32
                    %add3A_1467 = vector.broadcast %add3A_1466 : i32 to vector<16xi32>
                    %add3A_1468 = arith.addi %add3A_1467, %iota3A : vector<16xi32>
                    %gt3A_1469 = arith.cmpf ogt, %select_n3A_1459, %scan3A_1385 : vector<16xf32>
                    %eq3A_1470 = arith.cmpf oeq, %select_n3A_1459, %scan3A_1385 : vector<16xf32>
                    %lt3A_1471 = arith.cmpi slt, %add3A_1468, %scan3A_1386 : vector<16xi32>
                    %and3A_1472 = arith.andi %eq3A_1470, %lt3A_1471 : vector<16xi1>
                    %or3A_1473 = arith.ori %gt3A_1469, %and3A_1472 : vector<16xi1>
                    %select_n3A_1474 = arith.select %or3A_1473, %select_n3A_1459, %scan3A_1385 : vector<16xi1>, vector<16xf32>
                    %select_n3A_1475 = arith.select %or3A_1473, %add3A_1468, %scan3A_1386 : vector<16xi1>, vector<16xi32>
                    %scan3A_1476 = arith.constant 1 : i32
                    %scan3A_1477 = arith.addi %scan3A_1384, %scan3A_1476 : i32
                    %mul3A_1478 = arith.constant 16 : i32
                    %mul3A_1479 = arith.muli %scan3A_1477, %mul3A_1478 : i32
                    %get3A_1480 = arith.index_cast %mul3A_1479 : i32 to index
                    %get3A_1481 = tpu.vector_load %arg9[%get3A_1480] {strides = array<i32>} : memref<2000xf32, #tpu.memory_space<vmem>>, vector<16xf32>,
                    %get3A_1482 = vector.shape_cast %get3A_1481 : vector<16xf32> to vector<16xf32>
                    %get3A_1483 = arith.index_cast %mul3A_1479 : i32 to index
                    %get3A_1484 = tpu.vector_load %arg10[%get3A_1483] {strides = array<i32>} : memref<2000xf32, #tpu.memory_space<vmem>>, vector<16xf32>,
                    %get3A_1485 = vector.shape_cast %get3A_1484 : vector<16xf32> to vector<16xf32>
                    %get3A_1486 = arith.index_cast %mul3A_1479 : i32 to index
                    %get3A_1487 = tpu.vector_load %arg11[%get3A_1486] {strides = array<i32>} : memref<2000xf32, #tpu.memory_space<vmem>>, vector<16xf32>,
                    %get3A_1488 = vector.shape_cast %get3A_1487 : vector<16xf32> to vector<16xf32>
                    %get3A_1489 = arith.index_cast %mul3A_1479 : i32 to index
                    %get3A_1490 = tpu.vector_load %arg12[%get3A_1489] {strides = array<i32>} : memref<2000xf32, #tpu.memory_space<vmem>>, vector<16xf32>,
                    %get3A_1491 = vector.shape_cast %get3A_1490 : vector<16xf32> to vector<16xf32>
                    %get3A_1492 = arith.index_cast %mul3A_1479 : i32 to index
                    %get3A_1493 = tpu.vector_load %arg13[%get3A_1492] {strides = array<i32>} : memref<2000xf32, #tpu.memory_space<vmem>>, vector<16xf32>,
                    %get3A_1494 = vector.shape_cast %get3A_1493 : vector<16xf32> to vector<16xf32>
                    %get3A_1495 = arith.index_cast %mul3A_1479 : i32 to index
                    %get3A_1496 = tpu.vector_load %arg14[%get3A_1495] {strides = array<i32>} : memref<2000xf32, #tpu.memory_space<vmem>>, vector<16xf32>,
                    %get3A_1497 = vector.shape_cast %get3A_1496 : vector<16xf32> to vector<16xf32>
                    %get3A_1498 = arith.index_cast %mul3A_1479 : i32 to index
                    %get3A_1499 = tpu.vector_load %arg15[%get3A_1498] {strides = array<i32>} : memref<2000xf32, #tpu.memory_space<vmem>>, vector<16xf32>,
                    %get3A_1500 = vector.shape_cast %get3A_1499 : vector<16xf32> to vector<16xf32>
                    %get3A_1501 = arith.index_cast %mul3A_1479 : i32 to index
                    %get3A_1502 = tpu.vector_load %arg16[%get3A_1501] {strides = array<i32>} : memref<2000xf32, #tpu.memory_space<vmem>>, vector<16xf32>,
                    %get3A_1503 = vector.shape_cast %get3A_1502 : vector<16xf32> to vector<16xf32>
                    %mul3A_1504 = arith.mulf %get3A_1488, %get3A_1494 : vector<16xf32>
                    %add3A_1505 = arith.addf %mul3A_1504, %get3A_1482 : vector<16xf32>
                    %mul3A_1506 = arith.mulf %get3A_1491, %get3A_1497 : vector<16xf32>
                    %add3A_1507 = arith.addf %mul3A_1506, %get3A_1485 : vector<16xf32>
                    %exp3A_1508 = math.exp %get3A_1500 : vector<16xf32>
                    %mul3A_1509 = arith.mulf %get3A_1488, %exp3A_1508 : vector<16xf32>
                    %exp3A_1510 = math.exp %get3A_1503 : vector<16xf32>
                    %mul3A_1511 = arith.mulf %get3A_1491, %exp3A_1510 : vector<16xf32>
                    %sub3A_1512 = arith.subf %mul3A_1509, %add3A_1505 : vector<16xf32>
                    %sub3A_1513 = arith.subf %mul3A_1511, %add3A_1507 : vector<16xf32>
                    %mul3A_1514 = arith.mulf %sub3A_1512, %sub3A_1513 : vector<16xf32>
                    %max3A_1515 = vector.broadcast %select_n3A_697 : f32 to vector<16xf32>
                    %max3A_1516 = arith.maximumf %max3A_1515, %add3A_1505 : vector<16xf32>
                    %max3A_1517 = vector.broadcast %select_n3A_774 : f32 to vector<16xf32>
                    %max3A_1518 = arith.maximumf %max3A_1517, %add3A_1507 : vector<16xf32>
                    %min3A_1519 = vector.broadcast %select_n3A_851 : f32 to vector<16xf32>
                    %min3A_1520 = arith.minimumf %min3A_1519, %mul3A_1509 : vector<16xf32>
                    %min3A_1521 = vector.broadcast %select_n3A_928 : f32 to vector<16xf32>
                    %min3A_1522 = arith.minimumf %min3A_1521, %mul3A_1511 : vector<16xf32>
                    %sub3A_1523 = arith.subf %min3A_1520, %max3A_1516 : vector<16xf32>
                    %max3A_1524 = vector.broadcast %scan3A_236 : f32 to vector<16xf32>
                    %max3A_1525 = arith.maximumf %sub3A_1523, %max3A_1524 : vector<16xf32>
                    %sub3A_1526 = arith.subf %min3A_1522, %max3A_1518 : vector<16xf32>
                    %max3A_1527 = vector.broadcast %scan3A_236 : f32 to vector<16xf32>
                    %max3A_1528 = arith.maximumf %sub3A_1526, %max3A_1527 : vector<16xf32>
                    %mul3A_1529 = arith.mulf %max3A_1525, %max3A_1528 : vector<16xf32>
                    %add3A_1530 = vector.broadcast %mul3A_931 : f32 to vector<16xf32>
                    %add3A_1531 = arith.addf %add3A_1530, %mul3A_1514 : vector<16xf32>
                    %sub3A_1532 = arith.subf %add3A_1531, %mul3A_1529 : vector<16xf32>
                    %add3A_1533 = arith.constant 9.99999971E-10 : f32
                    %add3A_1534 = vector.broadcast %add3A_1533 : f32 to vector<16xf32>
                    %add3A_1535 = arith.addf %sub3A_1532, %add3A_1534 : vector<16xf32>
                    %div3A_1536 = arith.divf %mul3A_1529, %add3A_1535 : vector<16xf32>
                    %mul3A_1537 = arith.constant 16 : i32
                    %mul3A_1538 = arith.muli %scan3A_1477, %mul3A_1537 : i32
                    %add3A_1539 = arith.addi %mul3A_1295, %mul3A_1538 : i32
                    %get3A_1540 = arith.index_cast %add3A_1539 : i32 to index
                    %get3A_1541 = tpu.vector_load %arg7[%get3A_1540] {strides = array<i32>} : memref<20000xf32, #tpu.memory_space<vmem>>, vector<16xf32>,
                    %get3A_1542 = vector.shape_cast %get3A_1541 : vector<16xf32> to vector<16xf32>
                    %get3A_1543 = arith.index_cast %add3A_1539 : i32 to index
                    %get3A_1544 = tpu.vector_load %arg8[%get3A_1543] {strides = array<i32>} : memref<20000xf32, #tpu.memory_space<vmem>>, vector<16xf32>,
                    %get3A_1545 = vector.shape_cast %get3A_1544 : vector<16xf32> to vector<16xf32>
                    %select_n3A_1546 = arith.select %eq3A_1106, %get3A_1542, %get3A_1545 : vector<16xf32>
                    %gt3A_1547 = arith.constant 0.699999988 : f32
                    %gt3A_1548 = vector.broadcast %gt3A_1547 : f32 to vector<16xf32>
                    %gt3A_1549 = arith.cmpf ogt, %div3A_1536, %gt3A_1548 : vector<16xf32>
                    %broadcast_in_dim3A_1550 = vector.broadcast %scan3A_235 : f32 to vector<16xf32>
                    %select_n3A_1551 = arith.select %gt3A_1549, %broadcast_in_dim3A_1550, %select_n3A_1546 : vector<16xi1>, vector<16xf32>
                    %swap3A_1552 = arith.index_cast %add3A_1539 : i32 to index
                    %swap3A_1553 = tpu.vector_load %arg8[%swap3A_1552] {strides = array<i32>} : memref<20000xf32, #tpu.memory_space<vmem>>, vector<16xf32>,
                    %swap3A_1554 = vector.shape_cast %swap3A_1553 : vector<16xf32> to vector<16xf32>
                    %swap3A_1555 = vector.shape_cast %select_n3A_1551 : vector<16xf32> to vector<16xf32>
                    tpu.vector_store %arg8[%swap3A_1552], %swap3A_1555 {strides = array<i32>} : memref<20000xf32, #tpu.memory_space<vmem>>, vector<16xf32>,
                    %mul3A_1556 = arith.constant 16 : i32
                    %mul3A_1557 = arith.muli %scan3A_1477, %mul3A_1556 : i32
                    %add3A_1558 = arith.addi %mul3A_1295, %mul3A_1557 : i32
                    %add3A_1559 = vector.broadcast %add3A_1558 : i32 to vector<16xi32>
                    %add3A_1560 = arith.addi %add3A_1559, %iota3A : vector<16xi32>
                    %gt3A_1561 = arith.cmpf ogt, %select_n3A_1551, %select_n3A_1474 : vector<16xf32>
                    %eq3A_1562 = arith.cmpf oeq, %select_n3A_1551, %select_n3A_1474 : vector<16xf32>
                    %lt3A_1563 = arith.cmpi slt, %add3A_1560, %select_n3A_1475 : vector<16xi32>
                    %and3A_1564 = arith.andi %eq3A_1562, %lt3A_1563 : vector<16xi1>
                    %or3A_1565 = arith.ori %gt3A_1561, %and3A_1564 : vector<16xi1>
                    %select_n3A_1566 = arith.select %or3A_1565, %select_n3A_1551, %select_n3A_1474 : vector<16xi1>, vector<16xf32>
                    %select_n3A_1567 = arith.select %or3A_1565, %add3A_1560, %select_n3A_1475 : vector<16xi1>, vector<16xi32>
                    %scan3A_1568 = arith.constant 2 : i32
                    %scan3A_1569 = arith.addi %scan3A_1384, %scan3A_1568 : i32
                    %mul3A_1570 = arith.constant 16 : i32
                    %mul3A_1571 = arith.muli %scan3A_1569, %mul3A_1570 : i32
                    %get3A_1572 = arith.index_cast %mul3A_1571 : i32 to index
                    %get3A_1573 = tpu.vector_load %arg9[%get3A_1572] {strides = array<i32>} : memref<2000xf32, #tpu.memory_space<vmem>>, vector<16xf32>,
                    %get3A_1574 = vector.shape_cast %get3A_1573 : vector<16xf32> to vector<16xf32>
                    %get3A_1575 = arith.index_cast %mul3A_1571 : i32 to index
                    %get3A_1576 = tpu.vector_load %arg10[%get3A_1575] {strides = array<i32>} : memref<2000xf32, #tpu.memory_space<vmem>>, vector<16xf32>,
                    %get3A_1577 = vector.shape_cast %get3A_1576 : vector<16xf32> to vector<16xf32>
                    %get3A_1578 = arith.index_cast %mul3A_1571 : i32 to index
                    %get3A_1579 = tpu.vector_load %arg11[%get3A_1578] {strides = array<i32>} : memref<2000xf32, #tpu.memory_space<vmem>>, vector<16xf32>,
                    %get3A_1580 = vector.shape_cast %get3A_1579 : vector<16xf32> to vector<16xf32>
                    %get3A_1581 = arith.index_cast %mul3A_1571 : i32 to index
                    %get3A_1582 = tpu.vector_load %arg12[%get3A_1581] {strides = array<i32>} : memref<2000xf32, #tpu.memory_space<vmem>>, vector<16xf32>,
                    %get3A_1583 = vector.shape_cast %get3A_1582 : vector<16xf32> to vector<16xf32>
                    %get3A_1584 = arith.index_cast %mul3A_1571 : i32 to index
                    %get3A_1585 = tpu.vector_load %arg13[%get3A_1584] {strides = array<i32>} : memref<2000xf32, #tpu.memory_space<vmem>>, vector<16xf32>,
                    %get3A_1586 = vector.shape_cast %get3A_1585 : vector<16xf32> to vector<16xf32>
                    %get3A_1587 = arith.index_cast %mul3A_1571 : i32 to index
                    %get3A_1588 = tpu.vector_load %arg14[%get3A_1587] {strides = array<i32>} : memref<2000xf32, #tpu.memory_space<vmem>>, vector<16xf32>,
                    %get3A_1589 = vector.shape_cast %get3A_1588 : vector<16xf32> to vector<16xf32>
                    %get3A_1590 = arith.index_cast %mul3A_1571 : i32 to index
                    %get3A_1591 = tpu.vector_load %arg15[%get3A_1590] {strides = array<i32>} : memref<2000xf32, #tpu.memory_space<vmem>>, vector<16xf32>,
                    %get3A_1592 = vector.shape_cast %get3A_1591 : vector<16xf32> to vector<16xf32>
                    %get3A_1593 = arith.index_cast %mul3A_1571 : i32 to index
                    %get3A_1594 = tpu.vector_load %arg16[%get3A_1593] {strides = array<i32>} : memref<2000xf32, #tpu.memory_space<vmem>>, vector<16xf32>,
                    %get3A_1595 = vector.shape_cast %get3A_1594 : vector<16xf32> to vector<16xf32>
                    %mul3A_1596 = arith.mulf %get3A_1580, %get3A_1586 : vector<16xf32>
                    %add3A_1597 = arith.addf %mul3A_1596, %get3A_1574 : vector<16xf32>
                    %mul3A_1598 = arith.mulf %get3A_1583, %get3A_1589 : vector<16xf32>
                    %add3A_1599 = arith.addf %mul3A_1598, %get3A_1577 : vector<16xf32>
                    %exp3A_1600 = math.exp %get3A_1592 : vector<16xf32>
                    %mul3A_1601 = arith.mulf %get3A_1580, %exp3A_1600 : vector<16xf32>
                    %exp3A_1602 = math.exp %get3A_1595 : vector<16xf32>
                    %mul3A_1603 = arith.mulf %get3A_1583, %exp3A_1602 : vector<16xf32>
                    %sub3A_1604 = arith.subf %mul3A_1601, %add3A_1597 : vector<16xf32>
                    %sub3A_1605 = arith.subf %mul3A_1603, %add3A_1599 : vector<16xf32>
                    %mul3A_1606 = arith.mulf %sub3A_1604, %sub3A_1605 : vector<16xf32>
                    %max3A_1607 = vector.broadcast %select_n3A_697 : f32 to vector<16xf32>
                    %max3A_1608 = arith.maximumf %max3A_1607, %add3A_1597 : vector<16xf32>
                    %max3A_1609 = vector.broadcast %select_n3A_774 : f32 to vector<16xf32>
                    %max3A_1610 = arith.maximumf %max3A_1609, %add3A_1599 : vector<16xf32>
                    %min3A_1611 = vector.broadcast %select_n3A_851 : f32 to vector<16xf32>
                    %min3A_1612 = arith.minimumf %min3A_1611, %mul3A_1601 : vector<16xf32>
                    %min3A_1613 = vector.broadcast %select_n3A_928 : f32 to vector<16xf32>
                    %min3A_1614 = arith.minimumf %min3A_1613, %mul3A_1603 : vector<16xf32>
                    %sub3A_1615 = arith.subf %min3A_1612, %max3A_1608 : vector<16xf32>
                    %max3A_1616 = vector.broadcast %scan3A_236 : f32 to vector<16xf32>
                    %max3A_1617 = arith.maximumf %sub3A_1615, %max3A_1616 : vector<16xf32>
                    %sub3A_1618 = arith.subf %min3A_1614, %max3A_1610 : vector<16xf32>
                    %max3A_1619 = vector.broadcast %scan3A_236 : f32 to vector<16xf32>
                    %max3A_1620 = arith.maximumf %sub3A_1618, %max3A_1619 : vector<16xf32>
                    %mul3A_1621 = arith.mulf %max3A_1617, %max3A_1620 : vector<16xf32>
                    %add3A_1622 = vector.broadcast %mul3A_931 : f32 to vector<16xf32>
                    %add3A_1623 = arith.addf %add3A_1622, %mul3A_1606 : vector<16xf32>
                    %sub3A_1624 = arith.subf %add3A_1623, %mul3A_1621 : vector<16xf32>
                    %add3A_1625 = arith.constant 9.99999971E-10 : f32
                    %add3A_1626 = vector.broadcast %add3A_1625 : f32 to vector<16xf32>
                    %add3A_1627 = arith.addf %sub3A_1624, %add3A_1626 : vector<16xf32>
                    %div3A_1628 = arith.divf %mul3A_1621, %add3A_1627 : vector<16xf32>
                    %mul3A_1629 = arith.constant 16 : i32
                    %mul3A_1630 = arith.muli %scan3A_1569, %mul3A_1629 : i32
                    %add3A_1631 = arith.addi %mul3A_1295, %mul3A_1630 : i32
                    %get3A_1632 = arith.index_cast %add3A_1631 : i32 to index
                    %get3A_1633 = tpu.vector_load %arg7[%get3A_1632] {strides = array<i32>} : memref<20000xf32, #tpu.memory_space<vmem>>, vector<16xf32>,
                    %get3A_1634 = vector.shape_cast %get3A_1633 : vector<16xf32> to vector<16xf32>
                    %get3A_1635 = arith.index_cast %add3A_1631 : i32 to index
                    %get3A_1636 = tpu.vector_load %arg8[%get3A_1635] {strides = array<i32>} : memref<20000xf32, #tpu.memory_space<vmem>>, vector<16xf32>,
                    %get3A_1637 = vector.shape_cast %get3A_1636 : vector<16xf32> to vector<16xf32>
                    %select_n3A_1638 = arith.select %eq3A_1106, %get3A_1634, %get3A_1637 : vector<16xf32>
                    %gt3A_1639 = arith.constant 0.699999988 : f32
                    %gt3A_1640 = vector.broadcast %gt3A_1639 : f32 to vector<16xf32>
                    %gt3A_1641 = arith.cmpf ogt, %div3A_1628, %gt3A_1640 : vector<16xf32>
                    %broadcast_in_dim3A_1642 = vector.broadcast %scan3A_235 : f32 to vector<16xf32>
                    %select_n3A_1643 = arith.select %gt3A_1641, %broadcast_in_dim3A_1642, %select_n3A_1638 : vector<16xi1>, vector<16xf32>
                    %swap3A_1644 = arith.index_cast %add3A_1631 : i32 to index
                    %swap3A_1645 = tpu.vector_load %arg8[%swap3A_1644] {strides = array<i32>} : memref<20000xf32, #tpu.memory_space<vmem>>, vector<16xf32>,
                    %swap3A_1646 = vector.shape_cast %swap3A_1645 : vector<16xf32> to vector<16xf32>
                    %swap3A_1647 = vector.shape_cast %select_n3A_1643 : vector<16xf32> to vector<16xf32>
                    tpu.vector_store %arg8[%swap3A_1644], %swap3A_1647 {strides = array<i32>} : memref<20000xf32, #tpu.memory_space<vmem>>, vector<16xf32>,
                    %mul3A_1648 = arith.constant 16 : i32
                    %mul3A_1649 = arith.muli %scan3A_1569, %mul3A_1648 : i32
                    %add3A_1650 = arith.addi %mul3A_1295, %mul3A_1649 : i32
                    %add3A_1651 = vector.broadcast %add3A_1650 : i32 to vector<16xi32>
                    %add3A_1652 = arith.addi %add3A_1651, %iota3A : vector<16xi32>
                    %gt3A_1653 = arith.cmpf ogt, %select_n3A_1643, %select_n3A_1566 : vector<16xf32>
                    %eq3A_1654 = arith.cmpf oeq, %select_n3A_1643, %select_n3A_1566 : vector<16xf32>
                    %lt3A_1655 = arith.cmpi slt, %add3A_1652, %select_n3A_1567 : vector<16xi32>
                    %and3A_1656 = arith.andi %eq3A_1654, %lt3A_1655 : vector<16xi1>
                    %or3A_1657 = arith.ori %gt3A_1653, %and3A_1656 : vector<16xi1>
                    %select_n3A_1658 = arith.select %or3A_1657, %select_n3A_1643, %select_n3A_1566 : vector<16xi1>, vector<16xf32>
                    %select_n3A_1659 = arith.select %or3A_1657, %add3A_1652, %select_n3A_1567 : vector<16xi1>, vector<16xi32>
                    %scan3A_1660 = arith.constant 3 : i32
                    %scan3A_1661 = arith.addi %scan3A_1384, %scan3A_1660 : i32
                    %mul3A_1662 = arith.constant 16 : i32
                    %mul3A_1663 = arith.muli %scan3A_1661, %mul3A_1662 : i32
                    %get3A_1664 = arith.index_cast %mul3A_1663 : i32 to index
                    %get3A_1665 = tpu.vector_load %arg9[%get3A_1664] {strides = array<i32>} : memref<2000xf32, #tpu.memory_space<vmem>>, vector<16xf32>,
                    %get3A_1666 = vector.shape_cast %get3A_1665 : vector<16xf32> to vector<16xf32>
                    %get3A_1667 = arith.index_cast %mul3A_1663 : i32 to index
                    %get3A_1668 = tpu.vector_load %arg10[%get3A_1667] {strides = array<i32>} : memref<2000xf32, #tpu.memory_space<vmem>>, vector<16xf32>,
                    %get3A_1669 = vector.shape_cast %get3A_1668 : vector<16xf32> to vector<16xf32>
                    %get3A_1670 = arith.index_cast %mul3A_1663 : i32 to index
                    %get3A_1671 = tpu.vector_load %arg11[%get3A_1670] {strides = array<i32>} : memref<2000xf32, #tpu.memory_space<vmem>>, vector<16xf32>,
                    %get3A_1672 = vector.shape_cast %get3A_1671 : vector<16xf32> to vector<16xf32>
                    %get3A_1673 = arith.index_cast %mul3A_1663 : i32 to index
                    %get3A_1674 = tpu.vector_load %arg12[%get3A_1673] {strides = array<i32>} : memref<2000xf32, #tpu.memory_space<vmem>>, vector<16xf32>,
                    %get3A_1675 = vector.shape_cast %get3A_1674 : vector<16xf32> to vector<16xf32>
                    %get3A_1676 = arith.index_cast %mul3A_1663 : i32 to index
                    %get3A_1677 = tpu.vector_load %arg13[%get3A_1676] {strides = array<i32>} : memref<2000xf32, #tpu.memory_space<vmem>>, vector<16xf32>,
                    %get3A_1678 = vector.shape_cast %get3A_1677 : vector<16xf32> to vector<16xf32>
                    %get3A_1679 = arith.index_cast %mul3A_1663 : i32 to index
                    %get3A_1680 = tpu.vector_load %arg14[%get3A_1679] {strides = array<i32>} : memref<2000xf32, #tpu.memory_space<vmem>>, vector<16xf32>,
                    %get3A_1681 = vector.shape_cast %get3A_1680 : vector<16xf32> to vector<16xf32>
                    %get3A_1682 = arith.index_cast %mul3A_1663 : i32 to index
                    %get3A_1683 = tpu.vector_load %arg15[%get3A_1682] {strides = array<i32>} : memref<2000xf32, #tpu.memory_space<vmem>>, vector<16xf32>,
                    %get3A_1684 = vector.shape_cast %get3A_1683 : vector<16xf32> to vector<16xf32>
                    %get3A_1685 = arith.index_cast %mul3A_1663 : i32 to index
                    %get3A_1686 = tpu.vector_load %arg16[%get3A_1685] {strides = array<i32>} : memref<2000xf32, #tpu.memory_space<vmem>>, vector<16xf32>,
                    %get3A_1687 = vector.shape_cast %get3A_1686 : vector<16xf32> to vector<16xf32>
                    %mul3A_1688 = arith.mulf %get3A_1672, %get3A_1678 : vector<16xf32>
                    %add3A_1689 = arith.addf %mul3A_1688, %get3A_1666 : vector<16xf32>
                    %mul3A_1690 = arith.mulf %get3A_1675, %get3A_1681 : vector<16xf32>
                    %add3A_1691 = arith.addf %mul3A_1690, %get3A_1669 : vector<16xf32>
                    %exp3A_1692 = math.exp %get3A_1684 : vector<16xf32>
                    %mul3A_1693 = arith.mulf %get3A_1672, %exp3A_1692 : vector<16xf32>
                    %exp3A_1694 = math.exp %get3A_1687 : vector<16xf32>
                    %mul3A_1695 = arith.mulf %get3A_1675, %exp3A_1694 : vector<16xf32>
                    %sub3A_1696 = arith.subf %mul3A_1693, %add3A_1689 : vector<16xf32>
                    %sub3A_1697 = arith.subf %mul3A_1695, %add3A_1691 : vector<16xf32>
                    %mul3A_1698 = arith.mulf %sub3A_1696, %sub3A_1697 : vector<16xf32>
                    %max3A_1699 = vector.broadcast %select_n3A_697 : f32 to vector<16xf32>
                    %max3A_1700 = arith.maximumf %max3A_1699, %add3A_1689 : vector<16xf32>
                    %max3A_1701 = vector.broadcast %select_n3A_774 : f32 to vector<16xf32>
                    %max3A_1702 = arith.maximumf %max3A_1701, %add3A_1691 : vector<16xf32>
                    %min3A_1703 = vector.broadcast %select_n3A_851 : f32 to vector<16xf32>
                    %min3A_1704 = arith.minimumf %min3A_1703, %mul3A_1693 : vector<16xf32>
                    %min3A_1705 = vector.broadcast %select_n3A_928 : f32 to vector<16xf32>
                    %min3A_1706 = arith.minimumf %min3A_1705, %mul3A_1695 : vector<16xf32>
                    %sub3A_1707 = arith.subf %min3A_1704, %max3A_1700 : vector<16xf32>
                    %max3A_1708 = vector.broadcast %scan3A_236 : f32 to vector<16xf32>
                    %max3A_1709 = arith.maximumf %sub3A_1707, %max3A_1708 : vector<16xf32>
                    %sub3A_1710 = arith.subf %min3A_1706, %max3A_1702 : vector<16xf32>
                    %max3A_1711 = vector.broadcast %scan3A_236 : f32 to vector<16xf32>
                    %max3A_1712 = arith.maximumf %sub3A_1710, %max3A_1711 : vector<16xf32>
                    %mul3A_1713 = arith.mulf %max3A_1709, %max3A_1712 : vector<16xf32>
                    %add3A_1714 = vector.broadcast %mul3A_931 : f32 to vector<16xf32>
                    %add3A_1715 = arith.addf %add3A_1714, %mul3A_1698 : vector<16xf32>
                    %sub3A_1716 = arith.subf %add3A_1715, %mul3A_1713 : vector<16xf32>
                    %add3A_1717 = arith.constant 9.99999971E-10 : f32
                    %add3A_1718 = vector.broadcast %add3A_1717 : f32 to vector<16xf32>
                    %add3A_1719 = arith.addf %sub3A_1716, %add3A_1718 : vector<16xf32>
                    %div3A_1720 = arith.divf %mul3A_1713, %add3A_1719 : vector<16xf32>
                    %mul3A_1721 = arith.constant 16 : i32
                    %mul3A_1722 = arith.muli %scan3A_1661, %mul3A_1721 : i32
                    %add3A_1723 = arith.addi %mul3A_1295, %mul3A_1722 : i32
                    %get3A_1724 = arith.index_cast %add3A_1723 : i32 to index
                    %get3A_1725 = tpu.vector_load %arg7[%get3A_1724] {strides = array<i32>} : memref<20000xf32, #tpu.memory_space<vmem>>, vector<16xf32>,
                    %get3A_1726 = vector.shape_cast %get3A_1725 : vector<16xf32> to vector<16xf32>
                    %get3A_1727 = arith.index_cast %add3A_1723 : i32 to index
                    %get3A_1728 = tpu.vector_load %arg8[%get3A_1727] {strides = array<i32>} : memref<20000xf32, #tpu.memory_space<vmem>>, vector<16xf32>,
                    %get3A_1729 = vector.shape_cast %get3A_1728 : vector<16xf32> to vector<16xf32>
                    %select_n3A_1730 = arith.select %eq3A_1106, %get3A_1726, %get3A_1729 : vector<16xf32>
                    %gt3A_1731 = arith.constant 0.699999988 : f32
                    %gt3A_1732 = vector.broadcast %gt3A_1731 : f32 to vector<16xf32>
                    %gt3A_1733 = arith.cmpf ogt, %div3A_1720, %gt3A_1732 : vector<16xf32>
                    %broadcast_in_dim3A_1734 = vector.broadcast %scan3A_235 : f32 to vector<16xf32>
                    %select_n3A_1735 = arith.select %gt3A_1733, %broadcast_in_dim3A_1734, %select_n3A_1730 : vector<16xi1>, vector<16xf32>
                    %swap3A_1736 = arith.index_cast %add3A_1723 : i32 to index
                    %swap3A_1737 = tpu.vector_load %arg8[%swap3A_1736] {strides = array<i32>} : memref<20000xf32, #tpu.memory_space<vmem>>, vector<16xf32>,
                    %swap3A_1738 = vector.shape_cast %swap3A_1737 : vector<16xf32> to vector<16xf32>
                    %swap3A_1739 = vector.shape_cast %select_n3A_1735 : vector<16xf32> to vector<16xf32>
                    tpu.vector_store %arg8[%swap3A_1736], %swap3A_1739 {strides = array<i32>} : memref<20000xf32, #tpu.memory_space<vmem>>, vector<16xf32>,
                    %mul3A_1740 = arith.constant 16 : i32
                    %mul3A_1741 = arith.muli %scan3A_1661, %mul3A_1740 : i32
                    %add3A_1742 = arith.addi %mul3A_1295, %mul3A_1741 : i32
                    %add3A_1743 = vector.broadcast %add3A_1742 : i32 to vector<16xi32>
                    %add3A_1744 = arith.addi %add3A_1743, %iota3A : vector<16xi32>
                    %gt3A_1745 = arith.cmpf ogt, %select_n3A_1735, %select_n3A_1658 : vector<16xf32>
                    %eq3A_1746 = arith.cmpf oeq, %select_n3A_1735, %select_n3A_1658 : vector<16xf32>
                    %lt3A_1747 = arith.cmpi slt, %add3A_1744, %select_n3A_1659 : vector<16xi32>
                    %and3A_1748 = arith.andi %eq3A_1746, %lt3A_1747 : vector<16xi1>
                    %or3A_1749 = arith.ori %gt3A_1745, %and3A_1748 : vector<16xi1>
                    %select_n3A_1750 = arith.select %or3A_1749, %select_n3A_1735, %select_n3A_1658 : vector<16xi1>, vector<16xf32>
                    %select_n3A_1751 = arith.select %or3A_1749, %add3A_1744, %select_n3A_1659 : vector<16xi1>, vector<16xi32>
                    %scan3A_1752 = arith.constant 4 : i32
                    %scan3A_1753 = arith.addi %scan3A_1384, %scan3A_1752 : i32
                    %mul3A_1754 = arith.constant 16 : i32
                    %mul3A_1755 = arith.muli %scan3A_1753, %mul3A_1754 : i32
                    %get3A_1756 = arith.index_cast %mul3A_1755 : i32 to index
                    %get3A_1757 = tpu.vector_load %arg9[%get3A_1756] {strides = array<i32>} : memref<2000xf32, #tpu.memory_space<vmem>>, vector<16xf32>,
                    %get3A_1758 = vector.shape_cast %get3A_1757 : vector<16xf32> to vector<16xf32>
                    %get3A_1759 = arith.index_cast %mul3A_1755 : i32 to index
                    %get3A_1760 = tpu.vector_load %arg10[%get3A_1759] {strides = array<i32>} : memref<2000xf32, #tpu.memory_space<vmem>>, vector<16xf32>,
                    %get3A_1761 = vector.shape_cast %get3A_1760 : vector<16xf32> to vector<16xf32>
                    %get3A_1762 = arith.index_cast %mul3A_1755 : i32 to index
                    %get3A_1763 = tpu.vector_load %arg11[%get3A_1762] {strides = array<i32>} : memref<2000xf32, #tpu.memory_space<vmem>>, vector<16xf32>,
                    %get3A_1764 = vector.shape_cast %get3A_1763 : vector<16xf32> to vector<16xf32>
                    %get3A_1765 = arith.index_cast %mul3A_1755 : i32 to index
                    %get3A_1766 = tpu.vector_load %arg12[%get3A_1765] {strides = array<i32>} : memref<2000xf32, #tpu.memory_space<vmem>>, vector<16xf32>,
                    %get3A_1767 = vector.shape_cast %get3A_1766 : vector<16xf32> to vector<16xf32>
                    %get3A_1768 = arith.index_cast %mul3A_1755 : i32 to index
                    %get3A_1769 = tpu.vector_load %arg13[%get3A_1768] {strides = array<i32>} : memref<2000xf32, #tpu.memory_space<vmem>>, vector<16xf32>,
                    %get3A_1770 = vector.shape_cast %get3A_1769 : vector<16xf32> to vector<16xf32>
                    %get3A_1771 = arith.index_cast %mul3A_1755 : i32 to index
                    %get3A_1772 = tpu.vector_load %arg14[%get3A_1771] {strides = array<i32>} : memref<2000xf32, #tpu.memory_space<vmem>>, vector<16xf32>,
                    %get3A_1773 = vector.shape_cast %get3A_1772 : vector<16xf32> to vector<16xf32>
                    %get3A_1774 = arith.index_cast %mul3A_1755 : i32 to index
                    %get3A_1775 = tpu.vector_load %arg15[%get3A_1774] {strides = array<i32>} : memref<2000xf32, #tpu.memory_space<vmem>>, vector<16xf32>,
                    %get3A_1776 = vector.shape_cast %get3A_1775 : vector<16xf32> to vector<16xf32>
                    %get3A_1777 = arith.index_cast %mul3A_1755 : i32 to index
                    %get3A_1778 = tpu.vector_load %arg16[%get3A_1777] {strides = array<i32>} : memref<2000xf32, #tpu.memory_space<vmem>>, vector<16xf32>,
                    %get3A_1779 = vector.shape_cast %get3A_1778 : vector<16xf32> to vector<16xf32>
                    %mul3A_1780 = arith.mulf %get3A_1764, %get3A_1770 : vector<16xf32>
                    %add3A_1781 = arith.addf %mul3A_1780, %get3A_1758 : vector<16xf32>
                    %mul3A_1782 = arith.mulf %get3A_1767, %get3A_1773 : vector<16xf32>
                    %add3A_1783 = arith.addf %mul3A_1782, %get3A_1761 : vector<16xf32>
                    %exp3A_1784 = math.exp %get3A_1776 : vector<16xf32>
                    %mul3A_1785 = arith.mulf %get3A_1764, %exp3A_1784 : vector<16xf32>
                    %exp3A_1786 = math.exp %get3A_1779 : vector<16xf32>
                    %mul3A_1787 = arith.mulf %get3A_1767, %exp3A_1786 : vector<16xf32>
                    %sub3A_1788 = arith.subf %mul3A_1785, %add3A_1781 : vector<16xf32>
                    %sub3A_1789 = arith.subf %mul3A_1787, %add3A_1783 : vector<16xf32>
                    %mul3A_1790 = arith.mulf %sub3A_1788, %sub3A_1789 : vector<16xf32>
                    %max3A_1791 = vector.broadcast %select_n3A_697 : f32 to vector<16xf32>
                    %max3A_1792 = arith.maximumf %max3A_1791, %add3A_1781 : vector<16xf32>
                    %max3A_1793 = vector.broadcast %select_n3A_774 : f32 to vector<16xf32>
                    %max3A_1794 = arith.maximumf %max3A_1793, %add3A_1783 : vector<16xf32>
                    %min3A_1795 = vector.broadcast %select_n3A_851 : f32 to vector<16xf32>
                    %min3A_1796 = arith.minimumf %min3A_1795, %mul3A_1785 : vector<16xf32>
                    %min3A_1797 = vector.broadcast %select_n3A_928 : f32 to vector<16xf32>
                    %min3A_1798 = arith.minimumf %min3A_1797, %mul3A_1787 : vector<16xf32>
                    %sub3A_1799 = arith.subf %min3A_1796, %max3A_1792 : vector<16xf32>
                    %max3A_1800 = vector.broadcast %scan3A_236 : f32 to vector<16xf32>
                    %max3A_1801 = arith.maximumf %sub3A_1799, %max3A_1800 : vector<16xf32>
                    %sub3A_1802 = arith.subf %min3A_1798, %max3A_1794 : vector<16xf32>
                    %max3A_1803 = vector.broadcast %scan3A_236 : f32 to vector<16xf32>
                    %max3A_1804 = arith.maximumf %sub3A_1802, %max3A_1803 : vector<16xf32>
                    %mul3A_1805 = arith.mulf %max3A_1801, %max3A_1804 : vector<16xf32>
                    %add3A_1806 = vector.broadcast %mul3A_931 : f32 to vector<16xf32>
                    %add3A_1807 = arith.addf %add3A_1806, %mul3A_1790 : vector<16xf32>
                    %sub3A_1808 = arith.subf %add3A_1807, %mul3A_1805 : vector<16xf32>
                    %add3A_1809 = arith.constant 9.99999971E-10 : f32
                    %add3A_1810 = vector.broadcast %add3A_1809 : f32 to vector<16xf32>
                    %add3A_1811 = arith.addf %sub3A_1808, %add3A_1810 : vector<16xf32>
                    %div3A_1812 = arith.divf %mul3A_1805, %add3A_1811 : vector<16xf32>
                    %mul3A_1813 = arith.constant 16 : i32
                    %mul3A_1814 = arith.muli %scan3A_1753, %mul3A_1813 : i32
                    %add3A_1815 = arith.addi %mul3A_1295, %mul3A_1814 : i32
                    %get3A_1816 = arith.index_cast %add3A_1815 : i32 to index
                    %get3A_1817 = tpu.vector_load %arg7[%get3A_1816] {strides = array<i32>} : memref<20000xf32, #tpu.memory_space<vmem>>, vector<16xf32>,
                    %get3A_1818 = vector.shape_cast %get3A_1817 : vector<16xf32> to vector<16xf32>
                    %get3A_1819 = arith.index_cast %add3A_1815 : i32 to index
                    %get3A_1820 = tpu.vector_load %arg8[%get3A_1819] {strides = array<i32>} : memref<20000xf32, #tpu.memory_space<vmem>>, vector<16xf32>,
                    %get3A_1821 = vector.shape_cast %get3A_1820 : vector<16xf32> to vector<16xf32>
                    %select_n3A_1822 = arith.select %eq3A_1106, %get3A_1818, %get3A_1821 : vector<16xf32>
                    %gt3A_1823 = arith.constant 0.699999988 : f32
                    %gt3A_1824 = vector.broadcast %gt3A_1823 : f32 to vector<16xf32>
                    %gt3A_1825 = arith.cmpf ogt, %div3A_1812, %gt3A_1824 : vector<16xf32>
                    %broadcast_in_dim3A_1826 = vector.broadcast %scan3A_235 : f32 to vector<16xf32>
                    %select_n3A_1827 = arith.select %gt3A_1825, %broadcast_in_dim3A_1826, %select_n3A_1822 : vector<16xi1>, vector<16xf32>
                    %swap3A_1828 = arith.index_cast %add3A_1815 : i32 to index
                    %swap3A_1829 = tpu.vector_load %arg8[%swap3A_1828] {strides = array<i32>} : memref<20000xf32, #tpu.memory_space<vmem>>, vector<16xf32>,
                    %swap3A_1830 = vector.shape_cast %swap3A_1829 : vector<16xf32> to vector<16xf32>
                    %swap3A_1831 = vector.shape_cast %select_n3A_1827 : vector<16xf32> to vector<16xf32>
                    tpu.vector_store %arg8[%swap3A_1828], %swap3A_1831 {strides = array<i32>} : memref<20000xf32, #tpu.memory_space<vmem>>, vector<16xf32>,
                    %mul3A_1832 = arith.constant 16 : i32
                    %mul3A_1833 = arith.muli %scan3A_1753, %mul3A_1832 : i32
                    %add3A_1834 = arith.addi %mul3A_1295, %mul3A_1833 : i32
                    %add3A_1835 = vector.broadcast %add3A_1834 : i32 to vector<16xi32>
                    %add3A_1836 = arith.addi %add3A_1835, %iota3A : vector<16xi32>
                    %gt3A_1837 = arith.cmpf ogt, %select_n3A_1827, %select_n3A_1750 : vector<16xf32>
                    %eq3A_1838 = arith.cmpf oeq, %select_n3A_1827, %select_n3A_1750 : vector<16xf32>
                    %lt3A_1839 = arith.cmpi slt, %add3A_1836, %select_n3A_1751 : vector<16xi32>
                    %and3A_1840 = arith.andi %eq3A_1838, %lt3A_1839 : vector<16xi1>
                    %or3A_1841 = arith.ori %gt3A_1837, %and3A_1840 : vector<16xi1>
                    %select_n3A_1842 = arith.select %or3A_1841, %select_n3A_1827, %select_n3A_1750 : vector<16xi1>, vector<16xf32>
                    %select_n3A_1843 = arith.select %or3A_1841, %add3A_1836, %select_n3A_1751 : vector<16xi1>, vector<16xi32>
                    scf.yield %select_n3A_1842, %select_n3A_1843 : vector<16xf32>, vector<16xi32>
                  }
                  %scan3A_1383 = arith.constant 125 : i32
                  scf.yield %scan3A_1382#0, %scan3A_1382#1 : vector<16xf32>, vector<16xi32>
                }
                %scan3A_1112 = arith.constant 10 : i32
                %slice3A_1113 = vector.extract_strided_slice %scan3A_1111#0 {offsets = [0], sizes = [1], strides = [1]} : vector<16xf32> to vector<1xf32>
                %squeeze3A_1114 = vector.extract %slice3A_1113[0] : f32 from vector<1xf32>
                %slice3A_1115 = vector.extract_strided_slice %scan3A_1111#1 {offsets = [0], sizes = [1], strides = [1]} : vector<16xi32> to vector<1xi32>
                %squeeze3A_1116 = vector.extract %slice3A_1115[0] : i32 from vector<1xi32>
                %slice3A_1117 = vector.extract_strided_slice %scan3A_1111#0 {offsets = [1], sizes = [1], strides = [1]} : vector<16xf32> to vector<1xf32>
                %squeeze3A_1118 = vector.extract %slice3A_1117[0] : f32 from vector<1xf32>
                %slice3A_1119 = vector.extract_strided_slice %scan3A_1111#1 {offsets = [1], sizes = [1], strides = [1]} : vector<16xi32> to vector<1xi32>
                %squeeze3A_1120 = vector.extract %slice3A_1119[0] : i32 from vector<1xi32>
                %gt3A_1121 = arith.cmpf ogt, %squeeze3A_1118, %squeeze3A_1114 : f32
                %eq3A_1122 = arith.cmpf oeq, %squeeze3A_1118, %squeeze3A_1114 : f32
                %lt3A_1123 = arith.cmpi slt, %squeeze3A_1120, %squeeze3A_1116 : i32
                %and3A_1124 = arith.andi %eq3A_1122, %lt3A_1123 : i1
                %or3A_1125 = arith.ori %gt3A_1121, %and3A_1124 : i1
                %select_n3A_1126 = arith.select %or3A_1125, %squeeze3A_1118, %squeeze3A_1114 : f32
                %select_n3A_1127 = arith.select %or3A_1125, %squeeze3A_1120, %squeeze3A_1116 : i32
                %slice3A_1128 = vector.extract_strided_slice %scan3A_1111#0 {offsets = [2], sizes = [1], strides = [1]} : vector<16xf32> to vector<1xf32>
                %squeeze3A_1129 = vector.extract %slice3A_1128[0] : f32 from vector<1xf32>
                %slice3A_1130 = vector.extract_strided_slice %scan3A_1111#1 {offsets = [2], sizes = [1], strides = [1]} : vector<16xi32> to vector<1xi32>
                %squeeze3A_1131 = vector.extract %slice3A_1130[0] : i32 from vector<1xi32>
                %gt3A_1132 = arith.cmpf ogt, %squeeze3A_1129, %select_n3A_1126 : f32
                %eq3A_1133 = arith.cmpf oeq, %squeeze3A_1129, %select_n3A_1126 : f32
                %lt3A_1134 = arith.cmpi slt, %squeeze3A_1131, %select_n3A_1127 : i32
                %and3A_1135 = arith.andi %eq3A_1133, %lt3A_1134 : i1
                %or3A_1136 = arith.ori %gt3A_1132, %and3A_1135 : i1
                %select_n3A_1137 = arith.select %or3A_1136, %squeeze3A_1129, %select_n3A_1126 : f32
                %select_n3A_1138 = arith.select %or3A_1136, %squeeze3A_1131, %select_n3A_1127 : i32
                %slice3A_1139 = vector.extract_strided_slice %scan3A_1111#0 {offsets = [3], sizes = [1], strides = [1]} : vector<16xf32> to vector<1xf32>
                %squeeze3A_1140 = vector.extract %slice3A_1139[0] : f32 from vector<1xf32>
                %slice3A_1141 = vector.extract_strided_slice %scan3A_1111#1 {offsets = [3], sizes = [1], strides = [1]} : vector<16xi32> to vector<1xi32>
                %squeeze3A_1142 = vector.extract %slice3A_1141[0] : i32 from vector<1xi32>
                %gt3A_1143 = arith.cmpf ogt, %squeeze3A_1140, %select_n3A_1137 : f32
                %eq3A_1144 = arith.cmpf oeq, %squeeze3A_1140, %select_n3A_1137 : f32
                %lt3A_1145 = arith.cmpi slt, %squeeze3A_1142, %select_n3A_1138 : i32
                %and3A_1146 = arith.andi %eq3A_1144, %lt3A_1145 : i1
                %or3A_1147 = arith.ori %gt3A_1143, %and3A_1146 : i1
                %select_n3A_1148 = arith.select %or3A_1147, %squeeze3A_1140, %select_n3A_1137 : f32
                %select_n3A_1149 = arith.select %or3A_1147, %squeeze3A_1142, %select_n3A_1138 : i32
                %slice3A_1150 = vector.extract_strided_slice %scan3A_1111#0 {offsets = [4], sizes = [1], strides = [1]} : vector<16xf32> to vector<1xf32>
                %squeeze3A_1151 = vector.extract %slice3A_1150[0] : f32 from vector<1xf32>
                %slice3A_1152 = vector.extract_strided_slice %scan3A_1111#1 {offsets = [4], sizes = [1], strides = [1]} : vector<16xi32> to vector<1xi32>
                %squeeze3A_1153 = vector.extract %slice3A_1152[0] : i32 from vector<1xi32>
                %gt3A_1154 = arith.cmpf ogt, %squeeze3A_1151, %select_n3A_1148 : f32
                %eq3A_1155 = arith.cmpf oeq, %squeeze3A_1151, %select_n3A_1148 : f32
                %lt3A_1156 = arith.cmpi slt, %squeeze3A_1153, %select_n3A_1149 : i32
                %and3A_1157 = arith.andi %eq3A_1155, %lt3A_1156 : i1
                %or3A_1158 = arith.ori %gt3A_1154, %and3A_1157 : i1
                %select_n3A_1159 = arith.select %or3A_1158, %squeeze3A_1151, %select_n3A_1148 : f32
                %select_n3A_1160 = arith.select %or3A_1158, %squeeze3A_1153, %select_n3A_1149 : i32
                %slice3A_1161 = vector.extract_strided_slice %scan3A_1111#0 {offsets = [5], sizes = [1], strides = [1]} : vector<16xf32> to vector<1xf32>
                %squeeze3A_1162 = vector.extract %slice3A_1161[0] : f32 from vector<1xf32>
                %slice3A_1163 = vector.extract_strided_slice %scan3A_1111#1 {offsets = [5], sizes = [1], strides = [1]} : vector<16xi32> to vector<1xi32>
                %squeeze3A_1164 = vector.extract %slice3A_1163[0] : i32 from vector<1xi32>
                %gt3A_1165 = arith.cmpf ogt, %squeeze3A_1162, %select_n3A_1159 : f32
                %eq3A_1166 = arith.cmpf oeq, %squeeze3A_1162, %select_n3A_1159 : f32
                %lt3A_1167 = arith.cmpi slt, %squeeze3A_1164, %select_n3A_1160 : i32
                %and3A_1168 = arith.andi %eq3A_1166, %lt3A_1167 : i1
                %or3A_1169 = arith.ori %gt3A_1165, %and3A_1168 : i1
                %select_n3A_1170 = arith.select %or3A_1169, %squeeze3A_1162, %select_n3A_1159 : f32
                %select_n3A_1171 = arith.select %or3A_1169, %squeeze3A_1164, %select_n3A_1160 : i32
                %slice3A_1172 = vector.extract_strided_slice %scan3A_1111#0 {offsets = [6], sizes = [1], strides = [1]} : vector<16xf32> to vector<1xf32>
                %squeeze3A_1173 = vector.extract %slice3A_1172[0] : f32 from vector<1xf32>
                %slice3A_1174 = vector.extract_strided_slice %scan3A_1111#1 {offsets = [6], sizes = [1], strides = [1]} : vector<16xi32> to vector<1xi32>
                %squeeze3A_1175 = vector.extract %slice3A_1174[0] : i32 from vector<1xi32>
                %gt3A_1176 = arith.cmpf ogt, %squeeze3A_1173, %select_n3A_1170 : f32
                %eq3A_1177 = arith.cmpf oeq, %squeeze3A_1173, %select_n3A_1170 : f32
                %lt3A_1178 = arith.cmpi slt, %squeeze3A_1175, %select_n3A_1171 : i32
                %and3A_1179 = arith.andi %eq3A_1177, %lt3A_1178 : i1
                %or3A_1180 = arith.ori %gt3A_1176, %and3A_1179 : i1
                %select_n3A_1181 = arith.select %or3A_1180, %squeeze3A_1173, %select_n3A_1170 : f32
                %select_n3A_1182 = arith.select %or3A_1180, %squeeze3A_1175, %select_n3A_1171 : i32
                %slice3A_1183 = vector.extract_strided_slice %scan3A_1111#0 {offsets = [7], sizes = [1], strides = [1]} : vector<16xf32> to vector<1xf32>
                %squeeze3A_1184 = vector.extract %slice3A_1183[0] : f32 from vector<1xf32>
                %slice3A_1185 = vector.extract_strided_slice %scan3A_1111#1 {offsets = [7], sizes = [1], strides = [1]} : vector<16xi32> to vector<1xi32>
                %squeeze3A_1186 = vector.extract %slice3A_1185[0] : i32 from vector<1xi32>
                %gt3A_1187 = arith.cmpf ogt, %squeeze3A_1184, %select_n3A_1181 : f32
                %eq3A_1188 = arith.cmpf oeq, %squeeze3A_1184, %select_n3A_1181 : f32
                %lt3A_1189 = arith.cmpi slt, %squeeze3A_1186, %select_n3A_1182 : i32
                %and3A_1190 = arith.andi %eq3A_1188, %lt3A_1189 : i1
                %or3A_1191 = arith.ori %gt3A_1187, %and3A_1190 : i1
                %select_n3A_1192 = arith.select %or3A_1191, %squeeze3A_1184, %select_n3A_1181 : f32
                %select_n3A_1193 = arith.select %or3A_1191, %squeeze3A_1186, %select_n3A_1182 : i32
                %slice3A_1194 = vector.extract_strided_slice %scan3A_1111#0 {offsets = [8], sizes = [1], strides = [1]} : vector<16xf32> to vector<1xf32>
                %squeeze3A_1195 = vector.extract %slice3A_1194[0] : f32 from vector<1xf32>
                %slice3A_1196 = vector.extract_strided_slice %scan3A_1111#1 {offsets = [8], sizes = [1], strides = [1]} : vector<16xi32> to vector<1xi32>
                %squeeze3A_1197 = vector.extract %slice3A_1196[0] : i32 from vector<1xi32>
                %gt3A_1198 = arith.cmpf ogt, %squeeze3A_1195, %select_n3A_1192 : f32
                %eq3A_1199 = arith.cmpf oeq, %squeeze3A_1195, %select_n3A_1192 : f32
                %lt3A_1200 = arith.cmpi slt, %squeeze3A_1197, %select_n3A_1193 : i32
                %and3A_1201 = arith.andi %eq3A_1199, %lt3A_1200 : i1
                %or3A_1202 = arith.ori %gt3A_1198, %and3A_1201 : i1
                %select_n3A_1203 = arith.select %or3A_1202, %squeeze3A_1195, %select_n3A_1192 : f32
                %select_n3A_1204 = arith.select %or3A_1202, %squeeze3A_1197, %select_n3A_1193 : i32
                %slice3A_1205 = vector.extract_strided_slice %scan3A_1111#0 {offsets = [9], sizes = [1], strides = [1]} : vector<16xf32> to vector<1xf32>
                %squeeze3A_1206 = vector.extract %slice3A_1205[0] : f32 from vector<1xf32>
                %slice3A_1207 = vector.extract_strided_slice %scan3A_1111#1 {offsets = [9], sizes = [1], strides = [1]} : vector<16xi32> to vector<1xi32>
                %squeeze3A_1208 = vector.extract %slice3A_1207[0] : i32 from vector<1xi32>
                %gt3A_1209 = arith.cmpf ogt, %squeeze3A_1206, %select_n3A_1203 : f32
                %eq3A_1210 = arith.cmpf oeq, %squeeze3A_1206, %select_n3A_1203 : f32
                %lt3A_1211 = arith.cmpi slt, %squeeze3A_1208, %select_n3A_1204 : i32
                %and3A_1212 = arith.andi %eq3A_1210, %lt3A_1211 : i1
                %or3A_1213 = arith.ori %gt3A_1209, %and3A_1212 : i1
                %select_n3A_1214 = arith.select %or3A_1213, %squeeze3A_1206, %select_n3A_1203 : f32
                %select_n3A_1215 = arith.select %or3A_1213, %squeeze3A_1208, %select_n3A_1204 : i32
                %slice3A_1216 = vector.extract_strided_slice %scan3A_1111#0 {offsets = [10], sizes = [1], strides = [1]} : vector<16xf32> to vector<1xf32>
                %squeeze3A_1217 = vector.extract %slice3A_1216[0] : f32 from vector<1xf32>
                %slice3A_1218 = vector.extract_strided_slice %scan3A_1111#1 {offsets = [10], sizes = [1], strides = [1]} : vector<16xi32> to vector<1xi32>
                %squeeze3A_1219 = vector.extract %slice3A_1218[0] : i32 from vector<1xi32>
                %gt3A_1220 = arith.cmpf ogt, %squeeze3A_1217, %select_n3A_1214 : f32
                %eq3A_1221 = arith.cmpf oeq, %squeeze3A_1217, %select_n3A_1214 : f32
                %lt3A_1222 = arith.cmpi slt, %squeeze3A_1219, %select_n3A_1215 : i32
                %and3A_1223 = arith.andi %eq3A_1221, %lt3A_1222 : i1
                %or3A_1224 = arith.ori %gt3A_1220, %and3A_1223 : i1
                %select_n3A_1225 = arith.select %or3A_1224, %squeeze3A_1217, %select_n3A_1214 : f32
                %select_n3A_1226 = arith.select %or3A_1224, %squeeze3A_1219, %select_n3A_1215 : i32
                %slice3A_1227 = vector.extract_strided_slice %scan3A_1111#0 {offsets = [11], sizes = [1], strides = [1]} : vector<16xf32> to vector<1xf32>
                %squeeze3A_1228 = vector.extract %slice3A_1227[0] : f32 from vector<1xf32>
                %slice3A_1229 = vector.extract_strided_slice %scan3A_1111#1 {offsets = [11], sizes = [1], strides = [1]} : vector<16xi32> to vector<1xi32>
                %squeeze3A_1230 = vector.extract %slice3A_1229[0] : i32 from vector<1xi32>
                %gt3A_1231 = arith.cmpf ogt, %squeeze3A_1228, %select_n3A_1225 : f32
                %eq3A_1232 = arith.cmpf oeq, %squeeze3A_1228, %select_n3A_1225 : f32
                %lt3A_1233 = arith.cmpi slt, %squeeze3A_1230, %select_n3A_1226 : i32
                %and3A_1234 = arith.andi %eq3A_1232, %lt3A_1233 : i1
                %or3A_1235 = arith.ori %gt3A_1231, %and3A_1234 : i1
                %select_n3A_1236 = arith.select %or3A_1235, %squeeze3A_1228, %select_n3A_1225 : f32
                %select_n3A_1237 = arith.select %or3A_1235, %squeeze3A_1230, %select_n3A_1226 : i32
                %slice3A_1238 = vector.extract_strided_slice %scan3A_1111#0 {offsets = [12], sizes = [1], strides = [1]} : vector<16xf32> to vector<1xf32>
                %squeeze3A_1239 = vector.extract %slice3A_1238[0] : f32 from vector<1xf32>
                %slice3A_1240 = vector.extract_strided_slice %scan3A_1111#1 {offsets = [12], sizes = [1], strides = [1]} : vector<16xi32> to vector<1xi32>
                %squeeze3A_1241 = vector.extract %slice3A_1240[0] : i32 from vector<1xi32>
                %gt3A_1242 = arith.cmpf ogt, %squeeze3A_1239, %select_n3A_1236 : f32
                %eq3A_1243 = arith.cmpf oeq, %squeeze3A_1239, %select_n3A_1236 : f32
                %lt3A_1244 = arith.cmpi slt, %squeeze3A_1241, %select_n3A_1237 : i32
                %and3A_1245 = arith.andi %eq3A_1243, %lt3A_1244 : i1
                %or3A_1246 = arith.ori %gt3A_1242, %and3A_1245 : i1
                %select_n3A_1247 = arith.select %or3A_1246, %squeeze3A_1239, %select_n3A_1236 : f32
                %select_n3A_1248 = arith.select %or3A_1246, %squeeze3A_1241, %select_n3A_1237 : i32
                %slice3A_1249 = vector.extract_strided_slice %scan3A_1111#0 {offsets = [13], sizes = [1], strides = [1]} : vector<16xf32> to vector<1xf32>
                %squeeze3A_1250 = vector.extract %slice3A_1249[0] : f32 from vector<1xf32>
                %slice3A_1251 = vector.extract_strided_slice %scan3A_1111#1 {offsets = [13], sizes = [1], strides = [1]} : vector<16xi32> to vector<1xi32>
                %squeeze3A_1252 = vector.extract %slice3A_1251[0] : i32 from vector<1xi32>
                %gt3A_1253 = arith.cmpf ogt, %squeeze3A_1250, %select_n3A_1247 : f32
                %eq3A_1254 = arith.cmpf oeq, %squeeze3A_1250, %select_n3A_1247 : f32
                %lt3A_1255 = arith.cmpi slt, %squeeze3A_1252, %select_n3A_1248 : i32
                %and3A_1256 = arith.andi %eq3A_1254, %lt3A_1255 : i1
                %or3A_1257 = arith.ori %gt3A_1253, %and3A_1256 : i1
                %select_n3A_1258 = arith.select %or3A_1257, %squeeze3A_1250, %select_n3A_1247 : f32
                %select_n3A_1259 = arith.select %or3A_1257, %squeeze3A_1252, %select_n3A_1248 : i32
                %slice3A_1260 = vector.extract_strided_slice %scan3A_1111#0 {offsets = [14], sizes = [1], strides = [1]} : vector<16xf32> to vector<1xf32>
                %squeeze3A_1261 = vector.extract %slice3A_1260[0] : f32 from vector<1xf32>
                %slice3A_1262 = vector.extract_strided_slice %scan3A_1111#1 {offsets = [14], sizes = [1], strides = [1]} : vector<16xi32> to vector<1xi32>
                %squeeze3A_1263 = vector.extract %slice3A_1262[0] : i32 from vector<1xi32>
                %gt3A_1264 = arith.cmpf ogt, %squeeze3A_1261, %select_n3A_1258 : f32
                %eq3A_1265 = arith.cmpf oeq, %squeeze3A_1261, %select_n3A_1258 : f32
                %lt3A_1266 = arith.cmpi slt, %squeeze3A_1263, %select_n3A_1259 : i32
                %and3A_1267 = arith.andi %eq3A_1265, %lt3A_1266 : i1
                %or3A_1268 = arith.ori %gt3A_1264, %and3A_1267 : i1
                %select_n3A_1269 = arith.select %or3A_1268, %squeeze3A_1261, %select_n3A_1258 : f32
                %select_n3A_1270 = arith.select %or3A_1268, %squeeze3A_1263, %select_n3A_1259 : i32
                %slice3A_1271 = vector.extract_strided_slice %scan3A_1111#0 {offsets = [15], sizes = [1], strides = [1]} : vector<16xf32> to vector<1xf32>
                %squeeze3A_1272 = vector.extract %slice3A_1271[0] : f32 from vector<1xf32>
                %slice3A_1273 = vector.extract_strided_slice %scan3A_1111#1 {offsets = [15], sizes = [1], strides = [1]} : vector<16xi32> to vector<1xi32>
                %squeeze3A_1274 = vector.extract %slice3A_1273[0] : i32 from vector<1xi32>
                %gt3A_1275 = arith.cmpf ogt, %squeeze3A_1272, %select_n3A_1269 : f32
                %eq3A_1276 = arith.cmpf oeq, %squeeze3A_1272, %select_n3A_1269 : f32
                %lt3A_1277 = arith.cmpi slt, %squeeze3A_1274, %select_n3A_1270 : i32
                %and3A_1278 = arith.andi %eq3A_1276, %lt3A_1277 : i1
                %or3A_1279 = arith.ori %gt3A_1275, %and3A_1278 : i1
                %select_n3A_1280 = arith.select %or3A_1279, %squeeze3A_1272, %select_n3A_1269 : f32
                %select_n3A_1281 = arith.select %or3A_1279, %squeeze3A_1274, %select_n3A_1270 : i32
                %swap3A_1282 = arith.constant 0 : i32
                %swap3A_1283 = arith.index_cast %swap3A_1282 : i32 to index
                %swap3A_1284 = memref.load %arg22[%swap3A_1283] : memref<16xf32, #tpu.memory_space<smem>>
                memref.store %select_n3A_1280, %arg22[%swap3A_1283] : memref<16xf32, #tpu.memory_space<smem>>
                %swap3A_1285 = arith.constant 1 : i32
                %swap3A_1286 = arith.index_cast %swap3A_1285 : i32 to index
                %swap3A_1287 = memref.load %arg21[%swap3A_1286] : memref<8xi32, #tpu.memory_space<smem>>
                memref.store %select_n3A_1281, %arg21[%swap3A_1286] : memref<8xi32, #tpu.memory_space<smem>>
                %le3A = arith.cmpf ole, %select_n3A_1280, %scan3A_235 : f32
                %convert_element_type3A_1288 = arith.extui %le3A : i1 to i32
                %cond3A_1289 = arith.constant 0 : i32
                %cond3A_1290 = arith.cmpi ne, %convert_element_type3A_1288, %cond3A_1289 : i32
                scf.if %cond3A_1290 {
                  %swap3A_1291 = arith.constant 2 : i32
                  %swap3A_1292 = arith.constant 0 : i32
                  %swap3A_1293 = arith.index_cast %swap3A_1292 : i32 to index
                  %swap3A_1294 = memref.load %arg21[%swap3A_1293] : memref<8xi32, #tpu.memory_space<smem>>
                  memref.store %swap3A_1291, %arg21[%swap3A_1293] : memref<8xi32, #tpu.memory_space<smem>>
                } else {
                }
              } else {
              }
              %add3A_1100 = arith.constant 1 : i32
              %add3A_1101 = arith.addi %add3A_359, %add3A_1100 : i32
              %swap3A_1102 = arith.constant 2 : i32
              %swap3A_1103 = arith.index_cast %swap3A_1102 : i32 to index
              %swap3A_1104 = memref.load %arg21[%swap3A_1103] : memref<8xi32, #tpu.memory_space<smem>>
              memref.store %add3A_1101, %arg21[%swap3A_1103] : memref<8xi32, #tpu.memory_space<smem>>
            } else {
            }
          }
          %scan3A_355 = arith.constant 10 : i32
        } else {
        }
      }
      %scan3A_241 = arith.constant 30 : i32
      %get3A_242 = arith.constant 0 : i32
      %get3A_243 = arith.index_cast %get3A_242 : i32 to index
      %get3A_244 = memref.load %arg21[%get3A_243] : memref<8xi32, #tpu.memory_space<smem>>
      %eq3A_245 = arith.constant 2 : i32
      %eq3A_246 = arith.cmpi eq, %get3A_244, %eq3A_245 : i32
      %get3A_247 = arith.constant 2 : i32
      %get3A_248 = arith.index_cast %get3A_247 : i32 to index
      %get3A_249 = memref.load %arg21[%get3A_248] : memref<8xi32, #tpu.memory_space<smem>>
      %get3A_250 = arith.constant 4 : i32
      %get3A_251 = arith.index_cast %get3A_250 : i32 to index
      %get3A_252 = memref.load %arg21[%get3A_251] : memref<8xi32, #tpu.memory_space<smem>>
      %get3A_253 = arith.constant 3 : i32
      %get3A_254 = arith.index_cast %get3A_253 : i32 to index
      %get3A_255 = memref.load %arg21[%get3A_254] : memref<8xi32, #tpu.memory_space<smem>>
      %select_n3A_256 = arith.select %eq3A_246, %get3A_252, %get3A_255 : i32
      %broadcast_in_dim3A_257 = vector.broadcast %select_n3A_256 : i32 to vector<16xi32>
      %get3A_258 = arith.constant 5 : i32
      %get3A_259 = arith.index_cast %get3A_258 : i32 to index
      %get3A_260 = memref.load %arg22[%get3A_259] : memref<16xf32, #tpu.memory_space<smem>>
      %get3A_261 = arith.constant 1 : i32
      %get3A_262 = arith.index_cast %get3A_261 : i32 to index
      %get3A_263 = memref.load %arg22[%get3A_262] : memref<16xf32, #tpu.memory_space<smem>>
      %select_n3A_264 = arith.select %eq3A_246, %get3A_260, %get3A_263 : f32
      %get3A_265 = arith.constant 6 : i32
      %get3A_266 = arith.index_cast %get3A_265 : i32 to index
      %get3A_267 = memref.load %arg22[%get3A_266] : memref<16xf32, #tpu.memory_space<smem>>
      %get3A_268 = arith.constant 2 : i32
      %get3A_269 = arith.index_cast %get3A_268 : i32 to index
      %get3A_270 = memref.load %arg22[%get3A_269] : memref<16xf32, #tpu.memory_space<smem>>
      %select_n3A_271 = arith.select %eq3A_246, %get3A_267, %get3A_270 : f32
      %get3A_272 = arith.constant 7 : i32
      %get3A_273 = arith.index_cast %get3A_272 : i32 to index
      %get3A_274 = memref.load %arg22[%get3A_273] : memref<16xf32, #tpu.memory_space<smem>>
      %get3A_275 = arith.constant 3 : i32
      %get3A_276 = arith.index_cast %get3A_275 : i32 to index
      %get3A_277 = memref.load %arg22[%get3A_276] : memref<16xf32, #tpu.memory_space<smem>>
      %select_n3A_278 = arith.select %eq3A_246, %get3A_274, %get3A_277 : f32
      %get3A_279 = arith.constant 8 : i32
      %get3A_280 = arith.index_cast %get3A_279 : i32 to index
      %get3A_281 = memref.load %arg22[%get3A_280] : memref<16xf32, #tpu.memory_space<smem>>
      %get3A_282 = arith.constant 4 : i32
      %get3A_283 = arith.index_cast %get3A_282 : i32 to index
      %get3A_284 = memref.load %arg22[%get3A_283] : memref<16xf32, #tpu.memory_space<smem>>
      %select_n3A_285 = arith.select %eq3A_246, %get3A_281, %get3A_284 : f32
      %and3A_286 = arith.constant 3 : i32
      %and3A_287 = vector.broadcast %and3A_286 : i32 to vector<16xi32>
      %and3A_288 = arith.andi %iota3A, %and3A_287 : vector<16xi32>
      %eq3A_289 = arith.constant 0 : i32
      %eq3A_290 = vector.broadcast %eq3A_289 : i32 to vector<16xi32>
      %eq3A_291 = arith.cmpi eq, %and3A_288, %eq3A_290 : vector<16xi32>
      %eq3A_292 = arith.constant 1 : i32
      %eq3A_293 = vector.broadcast %eq3A_292 : i32 to vector<16xi32>
      %eq3A_294 = arith.cmpi eq, %and3A_288, %eq3A_293 : vector<16xi32>
      %eq3A_295 = arith.constant 2 : i32
      %eq3A_296 = vector.broadcast %eq3A_295 : i32 to vector<16xi32>
      %eq3A_297 = arith.cmpi eq, %and3A_288, %eq3A_296 : vector<16xi32>
      %broadcast_in_dim3A_298 = vector.broadcast %select_n3A_278 : f32 to vector<16xf32>
      %broadcast_in_dim3A_299 = vector.broadcast %select_n3A_285 : f32 to vector<16xf32>
      %select_n3A_300 = arith.select %eq3A_297, %broadcast_in_dim3A_298, %broadcast_in_dim3A_299 : vector<16xi1>, vector<16xf32>
      %broadcast_in_dim3A_301 = vector.broadcast %select_n3A_271 : f32 to vector<16xf32>
      %select_n3A_302 = arith.select %eq3A_294, %broadcast_in_dim3A_301, %select_n3A_300 : vector<16xi1>, vector<16xf32>
      %broadcast_in_dim3A_303 = vector.broadcast %select_n3A_264 : f32 to vector<16xf32>
      %select_n3A_304 = arith.select %eq3A_291, %broadcast_in_dim3A_303, %select_n3A_302 : vector<16xi1>, vector<16xf32>
      %shift_right_arithmetic3A = arith.constant 4 : i32
      %shift_right_arithmetic3A_305 = arith.shrsi %get3A_249, %shift_right_arithmetic3A : i32
      %while3A = arith.constant 0 : i32
      %while3A_306 = arith.constant 24 : i32
      %while3A_307 = arith.subi %while3A_306, %shift_right_arithmetic3A_305 : i32
      %while3A_308 = arith.addi %shift_right_arithmetic3A_305, %while3A_307 : i32
      %while3A_309 = arith.constant 1 : i32
      %while3A_310 = arith.divsi %while3A_307, %while3A_309 : i32
      %while3A_311 = arith.muli %while3A_310, %while3A_309 : i32
      %while3A_312 = arith.addi %shift_right_arithmetic3A_305, %while3A_311 : i32
      %while3A_313 = arith.constant 1 : i32
      scf.for %while3A_341 = %shift_right_arithmetic3A_305 to %while3A_312 step %while3A_313  : i32 {
        %mul3A_342 = arith.constant 16 : i32
        %mul3A_343 = arith.muli %while3A_341, %mul3A_342 : i32
        %mul3A_344 = arith.constant 16 : i32
        %mul3A_345 = arith.muli %while3A_341, %mul3A_344 : i32
        %add3A_346 = vector.broadcast %mul3A_345 : i32 to vector<16xi32>
        %add3A_347 = arith.addi %add3A_346, %iota3A : vector<16xi32>
        %ge3A = vector.broadcast %get3A_249 : i32 to vector<16xi32>
        %ge3A_348 = arith.cmpi sge, %add3A_347, %ge3A : vector<16xi32>
        %get3A_349 = arith.index_cast %mul3A_343 : i32 to index
        %get3A_350 = tpu.vector_load %arg19[%get3A_349] {strides = array<i32>} : memref<384xi32, #tpu.memory_space<vmem>>, vector<16xi32>,
        %get3A_351 = vector.shape_cast %get3A_350 : vector<16xi32> to vector<16xi32>
        %select_n3A_352 = arith.select %ge3A_348, %broadcast_in_dim3A_257, %get3A_351 : vector<16xi1>, vector<16xi32>
        %swap3A_353 = arith.index_cast %mul3A_343 : i32 to index
        %swap3A_354 = tpu.vector_load %arg19[%swap3A_353] {strides = array<i32>} : memref<384xi32, #tpu.memory_space<vmem>>, vector<16xi32>,
        %swap3A_355 = vector.shape_cast %swap3A_354 : vector<16xi32> to vector<16xi32>
        %swap3A_356 = vector.shape_cast %select_n3A_352 : vector<16xi32> to vector<16xi32>
        tpu.vector_store %arg19[%swap3A_353], %swap3A_356 {strides = array<i32>} : memref<384xi32, #tpu.memory_space<vmem>>, vector<16xi32>,
      }
      %while3A_314 = arith.constant 1 : i32
      scf.for %while3A_341 = %while3A_312 to %while3A_308 step %while3A_314  : i32 {
        %mul3A_342 = arith.constant 16 : i32
        %mul3A_343 = arith.muli %while3A_341, %mul3A_342 : i32
        %mul3A_344 = arith.constant 16 : i32
        %mul3A_345 = arith.muli %while3A_341, %mul3A_344 : i32
        %add3A_346 = vector.broadcast %mul3A_345 : i32 to vector<16xi32>
        %add3A_347 = arith.addi %add3A_346, %iota3A : vector<16xi32>
        %ge3A = vector.broadcast %get3A_249 : i32 to vector<16xi32>
        %ge3A_348 = arith.cmpi sge, %add3A_347, %ge3A : vector<16xi32>
        %get3A_349 = arith.index_cast %mul3A_343 : i32 to index
        %get3A_350 = tpu.vector_load %arg19[%get3A_349] {strides = array<i32>} : memref<384xi32, #tpu.memory_space<vmem>>, vector<16xi32>,
        %get3A_351 = vector.shape_cast %get3A_350 : vector<16xi32> to vector<16xi32>
        %select_n3A_352 = arith.select %ge3A_348, %broadcast_in_dim3A_257, %get3A_351 : vector<16xi1>, vector<16xi32>
        %swap3A_353 = arith.index_cast %mul3A_343 : i32 to index
        %swap3A_354 = tpu.vector_load %arg19[%swap3A_353] {strides = array<i32>} : memref<384xi32, #tpu.memory_space<vmem>>, vector<16xi32>,
        %swap3A_355 = vector.shape_cast %swap3A_354 : vector<16xi32> to vector<16xi32>
        %swap3A_356 = vector.shape_cast %select_n3A_352 : vector<16xi32> to vector<16xi32>
        tpu.vector_store %arg19[%swap3A_353], %swap3A_356 {strides = array<i32>} : memref<384xi32, #tpu.memory_space<vmem>>, vector<16xi32>,
      }
      %shift_right_arithmetic3A_315 = arith.constant 2 : i32
      %shift_right_arithmetic3A_316 = arith.shrsi %get3A_249, %shift_right_arithmetic3A_315 : i32
      %while3A_317 = arith.constant 0 : i32
      %while3A_318 = arith.constant 96 : i32
      %while3A_319 = arith.subi %while3A_318, %shift_right_arithmetic3A_316 : i32
      %while3A_320 = arith.addi %shift_right_arithmetic3A_316, %while3A_319 : i32
      %while3A_321 = arith.constant 1 : i32
      %while3A_322 = arith.divsi %while3A_319, %while3A_321 : i32
      %while3A_323 = arith.muli %while3A_322, %while3A_321 : i32
      %while3A_324 = arith.addi %shift_right_arithmetic3A_316, %while3A_323 : i32
      %while3A_325 = arith.constant 1 : i32
      scf.for %while3A_341 = %shift_right_arithmetic3A_316 to %while3A_324 step %while3A_325  : i32 {
        %mul3A_342 = arith.constant 16 : i32
        %mul3A_343 = arith.muli %while3A_341, %mul3A_342 : i32
        %mul3A_344 = arith.constant 16 : i32
        %mul3A_345 = arith.muli %while3A_341, %mul3A_344 : i32
        %add3A_346 = vector.broadcast %mul3A_345 : i32 to vector<16xi32>
        %add3A_347 = arith.addi %add3A_346, %iota3A : vector<16xi32>
        %shift_right_arithmetic3A_348 = arith.constant 2 : i32
        %shift_right_arithmetic3A_349 = vector.broadcast %shift_right_arithmetic3A_348 : i32 to vector<16xi32>
        %shift_right_arithmetic3A_350 = arith.shrsi %add3A_347, %shift_right_arithmetic3A_349 : vector<16xi32>
        %ge3A = vector.broadcast %get3A_249 : i32 to vector<16xi32>
        %ge3A_351 = arith.cmpi sge, %shift_right_arithmetic3A_350, %ge3A : vector<16xi32>
        %get3A_352 = arith.index_cast %mul3A_343 : i32 to index
        %get3A_353 = tpu.vector_load %arg20[%get3A_352] {strides = array<i32>} : memref<1536xf32, #tpu.memory_space<vmem>>, vector<16xf32>,
        %get3A_354 = vector.shape_cast %get3A_353 : vector<16xf32> to vector<16xf32>
        %select_n3A_355 = arith.select %ge3A_351, %select_n3A_304, %get3A_354 : vector<16xi1>, vector<16xf32>
        %swap3A_356 = arith.index_cast %mul3A_343 : i32 to index
        %swap3A_357 = tpu.vector_load %arg20[%swap3A_356] {strides = array<i32>} : memref<1536xf32, #tpu.memory_space<vmem>>, vector<16xf32>,
        %swap3A_358 = vector.shape_cast %swap3A_357 : vector<16xf32> to vector<16xf32>
        %swap3A_359 = vector.shape_cast %select_n3A_355 : vector<16xf32> to vector<16xf32>
        tpu.vector_store %arg20[%swap3A_356], %swap3A_359 {strides = array<i32>} : memref<1536xf32, #tpu.memory_space<vmem>>, vector<16xf32>,
      }
      %while3A_326 = arith.constant 1 : i32
      scf.for %while3A_341 = %while3A_324 to %while3A_320 step %while3A_326  : i32 {
        %mul3A_342 = arith.constant 16 : i32
        %mul3A_343 = arith.muli %while3A_341, %mul3A_342 : i32
        %mul3A_344 = arith.constant 16 : i32
        %mul3A_345 = arith.muli %while3A_341, %mul3A_344 : i32
        %add3A_346 = vector.broadcast %mul3A_345 : i32 to vector<16xi32>
        %add3A_347 = arith.addi %add3A_346, %iota3A : vector<16xi32>
        %shift_right_arithmetic3A_348 = arith.constant 2 : i32
        %shift_right_arithmetic3A_349 = vector.broadcast %shift_right_arithmetic3A_348 : i32 to vector<16xi32>
        %shift_right_arithmetic3A_350 = arith.shrsi %add3A_347, %shift_right_arithmetic3A_349 : vector<16xi32>
        %ge3A = vector.broadcast %get3A_249 : i32 to vector<16xi32>
        %ge3A_351 = arith.cmpi sge, %shift_right_arithmetic3A_350, %ge3A : vector<16xi32>
        %get3A_352 = arith.index_cast %mul3A_343 : i32 to index
        %get3A_353 = tpu.vector_load %arg20[%get3A_352] {strides = array<i32>} : memref<1536xf32, #tpu.memory_space<vmem>>, vector<16xf32>,
        %get3A_354 = vector.shape_cast %get3A_353 : vector<16xf32> to vector<16xf32>
        %select_n3A_355 = arith.select %ge3A_351, %select_n3A_304, %get3A_354 : vector<16xi1>, vector<16xf32>
        %swap3A_356 = arith.index_cast %mul3A_343 : i32 to index
        %swap3A_357 = tpu.vector_load %arg20[%swap3A_356] {strides = array<i32>} : memref<1536xf32, #tpu.memory_space<vmem>>, vector<16xf32>,
        %swap3A_358 = vector.shape_cast %swap3A_357 : vector<16xf32> to vector<16xf32>
        %swap3A_359 = vector.shape_cast %select_n3A_355 : vector<16xf32> to vector<16xf32>
        tpu.vector_store %arg20[%swap3A_356], %swap3A_359 {strides = array<i32>} : memref<1536xf32, #tpu.memory_space<vmem>>, vector<16xf32>,
      }
      %mul3A_327 = arith.constant 384 : i32
      %mul3A_328 = arith.muli %add3A, %mul3A_327 : i32
      %multiple_of3A_329 = tpu.assume_multiple %mul3A_328, 8 : i32
      %mul3A_330 = arith.constant 384 : i32
      %mul3A_331 = arith.muli %add3A, %mul3A_330 : i32
      %mul3A_332 = arith.constant 4 : i32
      %mul3A_333 = arith.muli %mul3A_331, %mul3A_332 : i32
      %multiple_of3A_334 = tpu.assume_multiple %mul3A_333, 8 : i32
      %dma_start3A = tpu.memref_slice %arg5[%multiple_of3A_329] : memref<1536xi32, #tpu.memory_space<hbm>> -> memref<384xi32, #tpu.memory_space<hbm>>
      %dma_start3A_335 = tpu.memref_slice %arg5[%multiple_of3A_329] : memref<1536xi32, #tpu.memory_space<hbm>> -> memref<384xi32, #tpu.memory_space<hbm>>
      tpu.enqueue_dma source(%arg19 : memref<384xi32, #tpu.memory_space<vmem>>) target(%dma_start3A_335 : memref<384xi32, #tpu.memory_space<hbm>>) target_semaphore(%arg23 : memref<!tpu.dma_semaphore, #tpu.memory_space<semaphore_mem>>)
      %dma_start3A_336 = tpu.memref_slice %arg6[%multiple_of3A_334] : memref<6144xf32, #tpu.memory_space<hbm>> -> memref<1536xf32, #tpu.memory_space<hbm>>
      %dma_start3A_337 = tpu.memref_slice %arg6[%multiple_of3A_334] : memref<6144xf32, #tpu.memory_space<hbm>> -> memref<1536xf32, #tpu.memory_space<hbm>>
      tpu.enqueue_dma source(%arg20 : memref<1536xf32, #tpu.memory_space<vmem>>) target(%dma_start3A_337 : memref<1536xf32, #tpu.memory_space<hbm>>) target_semaphore(%arg23 : memref<!tpu.dma_semaphore, #tpu.memory_space<semaphore_mem>>)
      %dma_wait3A = tpu.memref_slice %arg5[%multiple_of3A_329] : memref<1536xi32, #tpu.memory_space<hbm>> -> memref<384xi32, #tpu.memory_space<hbm>>
      %dma_wait3A_338 = tpu.memref_slice %arg5[%multiple_of3A_329] : memref<1536xi32, #tpu.memory_space<hbm>> -> memref<384xi32, #tpu.memory_space<hbm>>
      tpu.wait_dma2 semaphore(%arg23 : memref<!tpu.dma_semaphore, #tpu.memory_space<semaphore_mem>>) src(%arg19 : memref<384xi32, #tpu.memory_space<vmem>>) dst(%dma_wait3A_338 : memref<384xi32, #tpu.memory_space<hbm>>)
      %dma_wait3A_339 = tpu.memref_slice %arg6[%multiple_of3A_334] : memref<6144xf32, #tpu.memory_space<hbm>> -> memref<1536xf32, #tpu.memory_space<hbm>>
      %dma_wait3A_340 = tpu.memref_slice %arg6[%multiple_of3A_334] : memref<6144xf32, #tpu.memory_space<hbm>> -> memref<1536xf32, #tpu.memory_space<hbm>>
      tpu.wait_dma2 semaphore(%arg23 : memref<!tpu.dma_semaphore, #tpu.memory_space<semaphore_mem>>) src(%arg20 : memref<1536xf32, #tpu.memory_space<vmem>>) dst(%dma_wait3A_340 : memref<1536xf32, #tpu.memory_space<hbm>>)
    } else {
    }
    return
  }
}

</mosaic_0001>

<sc_bundles>
// kernel: kernel.3.cloned.1.call-start
scs
__scs_entry_jumppad:
0x0: {  	(pc) =	sbr.rel $0x88, $3  }
0x1: {  	(tag) =	ssettag $0x0;
	lr =	simm.s32 $0x1  }
0x2: {  	[smem:$0x3F9E] =	sst lr;
	_ =	strace $0xD0000000  }
0x3: {  	_ = 	snop  }
0x4: {  	_ = 	snop  }
0x5: {  	_ = 	snop  }
0x6: {  	_ = 	snop  }
0x7: {  	_ = 	snop  }
__scs_overlays_trampoline_lowered:
0x8: {  	[smem:$0x3FAD] =	sst s0  }
0x9: {  	[smem:$0x3FAE] =	sst s1  }
0xa: {  	[smem:$0x3FAF] =	sst s2  }
0xb: {  	[smem:$0x3FB0] =	sst s3  }
0xc: {  	[smem:$0x3FB1] =	sst s4  }
0xd: {  	[smem:$0x3FB2] =	sst s5  }
0xe: {  	[smem:$0x3FB3] =	sst s6  }
0xf: {  	[smem:$0x3FB4] =	sst s7  }
0x10: {  	[smem:$0x3FB5] =	sst s8  }
0x11: {  	[smem:$0x3FB6] =	sst s9;
	s0 =	simm.s32 @!p0 $0x0  }
0x12: {  	s1 =	sld [smem:$0x3F9C];
	s0 =	simm.s32 @p0 $0x1  }
0x13: {  	[smem:$0x3FB7] =	sst s0;
	s0 =	simm.s32 @!p1 $0x0  }
0x14: {  	s2 =	sld [smem:$0x3F9B];
	s0 =	simm.s32 @p1 $0x1  }
0x15: {  	[smem:$0x3FB8] =	sst s0;
	s0 =	simm.s32 @!p2 $0x0  }
0x16: {  	s3 =	sld [smem:$0x3FDB];
	s0 =	simm.s32 @p2 $0x1  }
0x17: {  	s4 =	simm.s32 $0x1BF5;
	[smem:$0x3FBA] =	sst s0  }
0x18: {  	s0 =	sld [smem:$0x3F9D];
	_ =	swait.ge [sflag:s4], $0x0  }
0x19: {  	s7 =	sld [smem:$0x3F9E]  }
0x1a: {  	s8 =	sadd.s32 $0xFFFFE003, lr  }
0x1b: {  	s9 =	sadd.s32 $0xFFFFFEF7, lr;
	s5 =	simm.s32 $0xFFFFFFFF;
	p2 =	slt.u32 s8, $0xFFFFF086  }
0x1c: {  	p1 =	slt.u32 s9, $0xF7A;
	s5 =	simm.s32 @!p2 $0x0  }
0x1d: {  	s5 =	simm.s32 @p1 $0x1;
	p0 =	seq.s32 s7, s2  }
0x1e: {  	s7 =	smul.u32 @!p0 $0xF7A, s2;
	p2 =	seq.s32 @!p0 s5, $0x0  }
0x1f: {  	s9 =	smul.u32 $0xF7A, s1;
	s8 =	simm.s32 @!p0 $0x1BF5;
	p2 =	por !p2, p0  }
0x20: {  	[sflag:s8] =	ssyncset.s32 @!p0 $0xFFFFF086;
	s6 =	sadd.s32 @!p0 s3, s7;
	s7 =	simm.s32 @!p0 $0x108  }
0x21: {  	s3 =	sadd.s32 s3, s9;
	s6 =	sadd.s32 @!p0 $0x88, s6;
	s7 =	simm.s32 @p2 $0x1082  }
0x22: {  	[simem:s7], [sflag:s8] =	dma.local @!p0 [hbm:s6], $0xF7A  }
0x23: {  	s9 =	sor.u32 $0xD0000000, s2;
	s6 =	simm.s32 $0x108;
	_ =	swait.ge @!p0 [sflag:s8], $0x0  }
0x24: {  	s3 =	sadd.s32 $0x88, s3;
	s6 =	simm.s32 @!p1 $0x1082;
	[sflag:s4] =	ssyncset.s32 $0xFFFFF086  }
0x25: {  	[simem:s6], [sflag:s4] =	dma.local [hbm:s3], $0xF7A  }
0x26: {  	[smem:$0x3F9E] =	sst s1;
	(tag) =	ssettag s2;
	_ =	strace s9  }
0x27: {  	s1 =	sld [smem:$0x3FAE]  }
0x28: {  	s2 =	sld [smem:$0x3FAF]  }
0x29: {  	s4 =	sld [smem:$0x3FB1]  }
0x2a: {  	p0 =	seq.s32 s5, $0x0;
	s5 =	sld [smem:$0x3FB2]  }
0x2b: {  	s6 =	sld [smem:$0x3FB3]  }
0x2c: {  	s7 =	sld [smem:$0x3FB4]  }
0x2d: {  	s3 =	simm.s32 $0x108;
	s8 =	sld [smem:$0x3FB5]  }
0x2e: {  	s3 =	simm.s32 @!p0 $0x1082;
	s9 =	sld [smem:$0x3FB6]  }
0x2f: {  	lr =	sadd.s32 s0, s3;
	s0 =	sld [smem:$0x3FAD]  }
0x30: {  	s3 =	sld [smem:$0x3FB0]  }
0x31: {  	[smem:$0x3FB9] =	sst s10  }
0x32: {  	s10 =	sld [smem:$0x3FB7];
	_ =	sdelay $0x3  }
0x33: {  	p0 =	seq.s32 s10, $0x1;
	s10 =	sld [smem:$0x3FB9];
	_ =	sdelay $0x3  }
0x34: {  	[smem:$0x3FB9] =	sst s10  }
0x35: {  	s10 =	sld [smem:$0x3FB8];
	_ =	sdelay $0x3  }
0x36: {  	p1 =	seq.s32 s10, $0x1;
	s10 =	sld [smem:$0x3FB9];
	_ =	sdelay $0x3  }
0x37: {  	[smem:$0x3FB9] =	sst s10  }
0x38: {  	s10 =	sld [smem:$0x3FBA]  }
0x39: {  	_ = 	snop;
	(pc) =	sbr.ind lr, $3  }
0x3a: {  	_ = 	snop  }
0x3b: {  	_ = 	snop  }
0x3c: {  	p2 =	seq.s32 s10, $0x1;
	s10 =	sld [smem:$0x3FB9]  }
0x3d: {  	_ =	shalt  }
0x3e: {  	_ =	shalt  }
0x3f: {  	_ =	shalt  }
0x40: {  	_ =	shalt  }
0x41: {  	_ =	shalt  }
0x42: {  	_ =	shalt  }
0x43: {  	_ =	shalt  }
0x44: {  	_ =	shalt  }
0x45: {  	_ =	shalt  }
0x46: {  	_ =	shalt  }
0x47: {  	_ =	shalt  }
0x48: {  	_ =	shalt  }
0x49: {  	_ =	shalt  }
0x4a: {  	_ =	shalt  }
0x4b: {  	_ =	shalt  }
0x4c: {  	_ =	shalt  }
0x4d: {  	_ =	shalt  }
0x4e: {  	_ =	shalt  }
0x4f: {  	_ =	shalt  }
0x50: {  	_ =	shalt  }
0x51: {  	_ =	shalt  }
0x52: {  	_ =	shalt  }
0x53: {  	_ =	shalt  }
0x54: {  	_ =	shalt  }
0x55: {  	_ =	shalt  }
0x56: {  	_ =	shalt  }
0x57: {  	_ =	shalt  }
0x58: {  	_ =	shalt  }
0x59: {  	_ =	shalt  }
0x5a: {  	_ =	shalt  }
0x5b: {  	_ =	shalt  }
0x5c: {  	_ =	shalt  }
0x5d: {  	_ =	shalt  }
0x5e: {  	_ =	shalt  }
0x5f: {  	_ =	shalt  }
0x60: {  	_ =	shalt  }
0x61: {  	_ =	shalt  }
0x62: {  	_ =	shalt  }
0x63: {  	_ =	shalt  }
0x64: {  	_ =	shalt  }
0x65: {  	_ =	shalt  }
0x66: {  	_ =	shalt  }
0x67: {  	_ =	shalt  }
0x68: {  	_ =	shalt  }
0x69: {  	_ =	shalt  }
0x6a: {  	_ =	shalt  }
0x6b: {  	_ =	shalt  }
0x6c: {  	_ =	shalt  }
0x6d: {  	_ =	shalt  }
0x6e: {  	_ =	shalt  }
0x6f: {  	_ =	shalt  }
0x70: {  	_ =	shalt  }
0x71: {  	_ =	shalt  }
0x72: {  	_ =	shalt  }
0x73: {  	_ =	shalt  }
0x74: {  	_ =	shalt  }
0x75: {  	_ =	shalt  }
0x76: {  	_ =	shalt  }
0x77: {  	_ =	shalt  }
0x78: {  	_ =	shalt  }
0x79: {  	_ =	shalt  }
0x7a: {  	_ =	shalt  }
0x7b: {  	_ =	shalt  }
0x7c: {  	_ =	shalt  }
0x7d: {  	_ =	shalt  }
0x7e: {  	_ =	shalt  }
0x7f: {  	_ =	shalt  }
0x80: {  	_ =	shalt  }
0x81: {  	_ =	shalt  }
0x82: {  	_ =	shalt  }
0x83: {  	_ =	shalt  }
0x84: {  	_ =	shalt  }
0x85: {  	_ =	shalt  }
0x86: {  	_ =	shalt  }
0x87: {  	_ =	shalt  }
.Lfunc_end0:
.L_simem_size_0:
called_computation_lowered:
.L_overlay_start_0:
0x88: {  	s2 =	sld [smem:$0x3FD9]  }
0x89: {  	s3 =	sld [smem:$0x3FFE];
	_ =	sdelay $0x1  }
0x8a: {  	s1 =	srdreg.scid  }
0x8b: {  	s0 =	sand.u32 $0x1, s1  }
0x8c: {  	s14 =	sshll.u32 s0, $0xA;
	s2 =	sadd.s32 s3, s2  }
0x8d: {  	s2 =	sadd.s32 s2, s14  }
0x8e: {  	[smem:$0x3FC5] =	sst s2  }
0x8f: {  	_ = 	snop  }
0x90: {  	s2 =	sld [smem:$0x3FD0];
	_ =	sdelay $0x2  }
0x91: {  	s15 =	simm.s32 $0xA;
	s4 =	simm.s32 $0x10  }
0x92: {  	[smem:s4], [sflag:s15] =	dma.local [hbm:s2], $0x1  }
0x93: {  	_ =	swait.eq [sflag:s15], $0x1  }
0x94: {  	[sflag:s15] =	ssyncset.done $0x0  }
0x95: {  	[sflag:s15] =	ssyncadd.s32 $0xFFFFFFFF  }
0x96: {  	s16 =	sld [smem:$0x10];
	(tm) =	ssettm $0x1  }
0x97: {  	s17 =	sld [smem:$0x3FFB];
	_ =	sdelay $0x3  }
0x98: {  	_ =	strace s17  }
0x99: {  	s3 =	sld [smem:$0x3FFC];
	_ =	sdelay $0x3  }
0x9a: {  	_ =	strace s3  }
0x9b: {  	s3 =	sld [smem:$0x3FFD];
	_ =	sdelay $0x3  }
0x9c: {  	_ =	strace s3  }
0x9d: {  	_ =	strace $0x8FFFFFFF  }
0x9e: {  	s18 =	sld [smem:$0x3FDB];
	_ =	sdelay $0x1  }
0x9f: {  	s19 =	simm.s32 $_scs_section_size  }
0xa0: {  	s5 =	simm.s32 $_size__tile_overlayer_lowered;
	s6 =	simm.s32 $_tile_overlayer_lowered  }
0xa1: {  	s22 =	simm.s32 $0x1BFF;
	s21 =	sshll.u32 s6, $0x1;
	s3 =	sadd.s32 s19, s18  }
0xa2: {  	s7 =	simm.s32 $0x0;
	s20 =	sshll.u32 s5, $0x1;
	s5 =	sadd.s32 s21, s3  }
0xa3: {  	[timem:s7], [sflag:s22] =	dma.local [hbm:s5], s20  }
0xa4: {  	_ =	swait.ge [sflag:s22], s20  }
0xa5: {  	s4 =	ssub.s32 $0x0, s20;
	[sflag:s22] =	ssyncset.done $0x0  }
0xa6: {  	[sflag:s22] =	ssyncadd.s32 s4;
	_ =	sdelay $0x1  }
0xa7: {  	s23 =	simm.s32 $0x1B8B  }
0xa8: {  	_ =	swait.ge [sflag:s23], $0x1  }
0xa9: {  	[sflag:s23] =	ssyncset.done $0x0  }
0xaa: {  	s25 =	simm.s32 $0x1B8E;
	s24 =	sld [smem:$0x3FFE];
	[sflag:s23] =	ssyncadd.s32 $0xFFFFFFFF  }
0xab: {  	s26 =	simm.s32 $execute0_lowered;
	[smem:$0x3FD2] =	sst s25  }
0xac: {  	s5 =	sshll.u32 s26, $0x1;
	_ =	strace $0x80000046;
	[dreg:$0x1] =	wrdreg $0xFFFFFFFF  }
0xad: {  	s28 =	simm.s32 $_size_execute0_lowered;
	s3 =	sadd.s32 s3, s5;
	[dreg:$0x0] =	wrdreg $0x0  }
0xae: {  	s5 =	sshll.u32 s28, $0x1;
	[dreg:$0x2] =	wrdreg s3  }
0xaf: {  	[dreg:$0x3] =	wrdreg s5  }
0xb0: {  	[dreg:$0x4] =	wrdreg $0xC0  }
0xb1: {  	_ =	task [dreg:s7], $0x5FFFF  }
0xb2: {  	[dreg:$0x1] =	wrdreg $0xFFFFFFFF  }
0xb3: {  	[dreg:$0x0] =	wrdreg $0x60  }
0xb4: {  	[dreg:$0x2] =	wrdreg s24  }
0xb5: {  	[dreg:$0x3] =	wrdreg s16  }
0xb6: {  	[dreg:$0x4] =	wrdreg $0x9  }
0xb7: {  	_ =	task.clear_ibuf [dreg:s7], $0x5FFFF;
	_ =	strace $0x90000046  }
0xb8: {  	s29 =	simm.s32 $0x9;
	_ =	strace $0x80000048  }
0xb9: {  	_ =	swait.ge [sflag:s29], $0x1  }
0xba: {  	[sflag:s29] =	ssyncadd.s32 $0xFFFFFFFF  }
0xbb: {  	_ =	strace $0x90000048  }
0xbc: {  	_ =	sfence  }
0xbd: {  	s30 =	sld [smem:$0x0];
	_ =	sdelay $0x2  }
0xbe: {  	s31 =	sshll.u32 s1, $0xD;
	s1 =	sshrl.u32 s1, $0x2  }
0xbf: {  	s3 =	sand.u32 $0x4000, s31;
	s1 =	sadd.s32 s1, s30  }
0xc0: {  	s0 =	sor.u32 s3, s0;
	s1 =	sshll.u32 s1, $0x11  }
0xc1: {  	s0 =	sor.u32 s1, s0  }
0xc2: {  	s0 =	sadd.s32 $0x8F2B, s0  }
0xc3: {  	[sflag:s0] =	ssyncadd.remote.s32 $0x1  }
0xc4: {  	_ =	sfence.sel $0xFFFF  }
0xc5: {  	[dreg:$0x0] =	wrdreg $0xFFFFFFFF;
	(pc) =	sbr.abs _section_cstart, $3  }
0xc6: {  	[dreg:$0x1] =	wrdreg $0xFFFFFFFF  }
0xc7: {  	_ =	task.clear_ibuf [dreg:s7], $0x2FFFF;
	_ =	strace $0x9FFFFFFF  }
0xc8: {  	(tm) =	ssettm $0x7FFFFFFF  }
0xc9: {  	_ =	shalt  }
tec
execute0_lowered:
.L_overlay_start_1:
0x0: {  	(tag) =	ssettag $0x1  }
0x1: {  	s2 =	stileid.u32  }
0x2: {  	p0 =	sgt.u32 s2, $0x1  }
.Ltmp0:
0x3: {  	_ = 	snop;
	(pc) =	sbr.rel @p0 .LBB2_38-.Ltmp0, $4  }
0x4: {  	_ = 	snop  }
0x5: {  	s1 =	rddreg [dreg:$0x0];
	s3 =	simm.s32 $0x0  }
0x6: {  	[smem:$0x7FF] =	sst s3  }
0x7: {  	s0 =	rddreg [dreg:$0x1];
	_ =	strace $0x80000047  }
0x8: {  	s2 =	srdreg.scid;
	s3 =	stileid.u32  }
0x9: {  	s2 =	sand.u32 $0x1, s2;
	s3 =	sshll.u32 s3, $0x1  }
0xa: {  	vm0 =	vcmask $0x1F1C;
	vm1 =	vcmask $0xF0C;
	s9 =	sor.u32 s2, s3  }
0xb: {  	vm6 =	vcmask $0x2F2C;
	vm7 =	vcmask $0x3F3C;
	vm2 =	vcmask $0x1F18;
	s6 =	smul.u32 $0x30, s9  }
0xc: {  	s10 =	sadd.s32 $0xA00, s1;
	s21 =	sadd.s32 $0xD000, s1;
	vm3 =	vcmask $0xF08;
	v0 =	vimm.s32 $0x0;
	vm9 =	vcmask $0x2F28;
	s8 =	smul.u32 $0x13880, s9  }
0xd: {  	s22 =	sadd.s32 $0x3200, s1;
	s7 =	simm.s32 $0xBD00;
	vm10 =	vcmask $0x1F14;
	vm11 =	vcmask $0xF04;
	vm0 =	vmor vm1, vm0;
	s11 =	smul.u32 $0xC0, s9  }
0xe: {  	s20 =	simm.s32 $0xA500;
	vm12 =	vcmask $0x3F38;
	vm13 =	vcmask $0x2F24;
	s2 =	ssub.s32 $0x2, s2;
	vm0 =	vmor vm0, vm6;
	s9 =	smul.u32 $0x9C4, s9  }
0xf: {  	s5 =	simm.s32 $0x1;
	vm15 =	vcmask $0x3F34;
	vm8 =	vmor vm3, vm2;
	s12 =	sshrl.u32 s2, $0x1;
	vm0 =	vmor vm0, vm7;
	s0 =	sadd.s32 s0, s11  }
.Ltmp1:
0x10: {  	vm1 =	vmor vm11, vm10;
	v0 =	vsel vm0, $0xFFFFFFFF, v0;
	vm0 =	vmor vm8, vm9;
	s31 =	sadd.s32 s10, s9;
	[dreg:$0x5] =	wrdreg s0;
	(pc) =	sbr.rel .LBB2_2-.Ltmp1, $4  }
0x11: {  	vm14 =	vmor vm1, vm13;
	s26 =	sadd.s32 s6, s1;
	s16 =	sadd.s32 $0xEA60, s8;
	[tilespmem:$0x1FFD0] =	vst v0;
	vm0 =	vmor vm0, vm12;
	v0 =	vimm.s32 $0x0;
	[dreg:$0x6] =	wrdreg s31  }
0x12: {  	v2 =	vimm.s32 $0x0;
	s28 =	ssub.s32 s2, s12;
	s1 =	sadd.s32 $0x16E00, s26;
	v0 =	vsel vm0, $0xFFFFFFFF, v0;
	vm0 =	vmor vm14, vm15;
	[dreg:$0x3] =	wrdreg s16  }
0x13: {  	s3 =	simm.s32 $0x0;
	s0 =	smax.u32 s28, $0x1;
	[dreg:$0x4] =	wrdreg s1;
	[tilespmem:$0x1FFE0] =	vst v0;
	v2 =	vsel vm0, $0xFFFFFFFF, v2  }
0x14: {  	v1 =	vimm.s32 $0x0;
	s29 =	sadd.s32 $0x4E20, s8;
	s30 =	sadd.s32 $0x9C40, s8;
	[dreg:$0x7] =	wrdreg s0;
	v0 =	vlaneseq.u32;
	[tilespmem:$0x1FFF0] =	vst v2  }
.LBB2_32:
0x15: {  	s2 =	smov.u32 s0  }
.LBB2_36:
0x16: {  	s2 =	sadd.s32 @p0 $0x10, s2  }
0x17: {  	s0 =	smov.u32 @p0 s2  }
0x18: {  	v5 =	vor.u32 s0, v0  }
0x19: {  	v5 =	vshra.s32 v5, $0x2  }
0x1a: {  	vm0 =	vlt.s32 v5, v2  }
0x1b: {  	v2 =	vsel vm0, v4, v3  }
0x1c: {  	s3 =	rddreg [dreg:$0x8];
	[tilespmem:s1+$0x0] =	vst v2  }
.LBB2_37:
0x1d: {  	s0 =	simm.s32 $0x0;
	s1 =	rddreg [dreg:$0x4];
	s2 =	simm.s32 $0xDE00  }
0x1e: {  	[hbm4b:s1+s0] =	stream.linear.scatter [tilespmem:s2], [sflag:$0x1], $0x180, $0x38;
	[tilespmem:$0xE580] =	vst v63  }
0x1f: {  	s26 =	rddreg [dreg:$0x5];
	s28 =	simm.s32 $0xDF80  }
0x20: {  	[hbm4b:s26+s0] =	stream.linear.scatter [tilespmem:s28], [sflag:$0x1], $0x600, $0x38;
	[tilespmem:$0xE580] =	vst v63  }
0x21: {  	_ =	swait.ge [sflag:s5], $0x180  }
0x22: {  	[sflag:s5] =	ssyncset.done $0x0  }
0x23: {  	[sflag:s5] =	ssyncadd.s32 $0xFFFFFE80  }
0x24: {  	_ =	swait.ge [sflag:s5], $0x600  }
0x25: {  	s3 =	sadd.s32 $0x1, s3;
	s31 =	rddreg [dreg:$0x7]  }
0x26: {  	p0 =	sne.s32 s3, s31  }
.Ltmp2:
0x27: {  	_ = 	snop;
	(pc) =	sbr.rel @!p0 .LBB2_38-.Ltmp2, $3  }
0x28: {  	_ =	sdelay $0x1  }
0x29: {  	[sflag:s5] =	ssyncset.done $0x0  }
0x2a: {  	[sflag:s5] =	ssyncadd.s32 $0xFFFFFA00  }
.LBB2_2:
0x2b: {  	[dreg:$0x8] =	wrdreg s3  }
0x2c: {  	s0 =	simm.s32 $0x0;
	s1 =	rddreg [dreg:$0x6];
	s2 =	simm.s32 $0x2  }
0x2d: {  	[tilespmem:s0], [sflag:$0x2] =	stream.linear.gather [hbm4b:s1+s0], $0x4E20, $0x38;
	[tilespmem:$0xE580] =	vst v63  }
0x2e: {  	_ =	swait.ge [sflag:s2], $0x4E20  }
0x2f: {  	[sflag:s2] =	ssyncset.done $0x0  }
0x30: {  	[sflag:s2] =	ssyncadd.s32 $0xFFFFB1E0  }
0x31: {  	s3 =	simm.s32 $0x3AB0;
	s9 =	simm.s32 $0x13B0;
	s10 =	simm.s32 $0x2730;
	v6 =	vld [tilespmem:s0+$0x0]  }
0x32: {  	v9 =	vimm.f32 $-Inf;
	s11 =	simm.s32 $0x20;
	s12 =	simm.s32 $0x13A0;
	s13 =	simm.s32 $0x2720  }
0x33: {  	v10 =	vimm.s32 $0x40000000;
	s14 =	simm.s32 $0x0;
	s15 =	simm.s32 $0x1380;
	s16 =	simm.s32 $0x3AA0;
	v2 =	vor.u32 s3, v0;
	v7 =	vor.u32 s11, v0  }
0x34: {  	s17 =	simm.s32 $0x2700;
	s18 =	simm.s32 $0x3A80;
	s24 =	simm.s32 $0x10;
	v4 =	vor.u32 s9, v0;
	v3 =	vor.u32 s10, v0;
	v8 =	vor.u32 s14, v0  }
0x35: {  	s26 =	simm.s32 $0x1390;
	s4 =	sand.u32 $0x3F80, s15;
	s6 =	sand.u32 $0x40, s14;
	v12 =	vor.u32 s12, v0;
	v13 =	vor.u32 s13, v0;
	v16 =	vor.u32 s16, v0;
	v11 =	vld [tilespmem:s0+$0x10]  }
0x36: {  	s28 =	simm.s32 $0x2710;
	s14 =	sand.u32 $0x7F80, s17;
	v17 =	vor.u32 s24, v0;
	s1 =	sor.u32 s6, s4;
	vm1 =	vlt.s32 v8, v10;
	vm0 =	veq.f32 v6, v9  }
0x37: {  	s31 =	simm.s32 $0x3A90;
	s23 =	sand.u32 $0x7F80, s18;
	v19 =	vor.u32 s26, v0;
	s19 =	sor.u32 s6, s14;
	v14 =	vld [tilespmem:s1+$0x0];
	vm2 =	vgt.f32 v6, v9;
	vm0 =	vmand vm1, vm0  }
0x38: {  	v20 =	vor.u32 s28, v0;
	v21 =	vor.u32 s31, v0;
	s25 =	sor.u32 s6, s23;
	v15 =	vld [tilespmem:s19+$0x0];
	vm0 =	vmor vm2, vm0  }
0x39: {  	v22 =	vor.u32 s15, v0;
	v18 =	vld [tilespmem:s25+$0x0];
	v6 =	vsel vm0, v6, v9;
	v8 =	vsel vm0, v8, v10  }
0x3a: {  	v24 =	vor.u32 s17, v0;
	v23 =	vld [tilespmem:s0+$0x20];
	vm0 =	veq.f32 v11, v6;
	vm1 =	vlt.s32 v17, v8  }
0x3b: {  	v25 =	vor.u32 s18, v0;
	s2 =	simm.s32 $0x30;
	vm2 =	vgt.f32 v11, v6;
	vm0 =	vmand vm0, vm1  }
0x3c: {  	vm5 =	vlt.s32 v22, v10;
	v5 =	vor.u32 s2, v0;
	vm2 =	vmor vm2, vm0  }
0x3d: {  	vm3 =	vgt.f32 v14, v9;
	vm4 =	veq.f32 v14, v9;
	v6 =	vsel vm2, v11, v6;
	v11 =	vld [tilespmem:s0+$0x1390]  }
0x3e: {  	vm1 =	vgt.f32 v15, v9;
	vm0 =	vgt.f32 v18, v9;
	v8 =	vsel vm2, v17, v8  }
0x3f: {  	vm2 =	vmand vm5, vm4;
	v17 =	vld [tilespmem:s0+$0x30];
	vm4 =	veq.f32 v23, v6;
	vm5 =	vlt.s32 v7, v8  }
0x40: {  	vm2 =	vmor vm3, vm2;
	vm3 =	vgt.f32 v23, v6;
	vm4 =	vmand vm4, vm5  }
0x41: {  	v26 =	vld [tilespmem:s0+$0x13A0];
	v14 =	vsel vm2, v14, v9;
	v22 =	vsel vm2, v22, v10;
	vm2 =	vmor vm3, vm4  }
0x42: {  	vm4 =	vlt.s32 v19, v22;
	v6 =	vsel vm2, v23, v6;
	vm3 =	veq.f32 v11, v14  }
0x43: {  	v7 =	vsel vm2, v7, v8;
	vm5 =	vgt.f32 v11, v14;
	vm3 =	vmand vm3, vm4  }
0x44: {  	vm4 =	veq.f32 v17, v6;
	vm2 =	vmor vm5, vm3;
	vm3 =	vgt.f32 v17, v6  }
0x45: {  	v8 =	vsel vm2, v11, v14;
	v11 =	vsel vm2, v19, v22;
	vm2 =	vlt.s32 v5, v7  }
0x46: {  	v60 =	vld [tilespmem:s0+$0x13B0];
	vm5 =	veq.f32 v26, v8;
	vm6 =	vlt.s32 v12, v11;
	vm2 =	vmand vm4, vm2  }
0x47: {  	v14 =	vld [tilespmem:s0+$0x2710];
	vm4 =	vgt.f32 v26, v8;
	vm5 =	vmand vm5, vm6;
	vm3 =	vmor vm3, vm2  }
0x48: {  	vm2 =	veq.f32 v15, v9;
	vm6 =	vlt.s32 v24, v10;
	vm4 =	vmor vm4, vm5  }
0x49: {  	vm2 =	vmand vm6, vm2;
	v6 =	vsel vm3, v17, v6;
	vm6 =	vlt.s32 v25, v10  }
0x4a: {  	v61 =	vsel vm4, v26, v8;
	vm1 =	vmor vm1, vm2;
	v8 =	vsel vm4, v12, v11  }
0x4b: {  	vm2 =	vgt.f32 v60, v61;
	v11 =	vsel vm1, v15, v9;
	vm4 =	veq.f32 v60, v61  }
0x4c: {  	vm5 =	vlt.s32 v4, v8;
	v12 =	vsel vm1, v24, v10;
	v15 =	vld [tilespmem:s0+$0x3A90];
	vm1 =	veq.f32 v14, v11  }
0x4d: {  	vm4 =	vmand vm4, vm5;
	vm5 =	veq.f32 v18, v9;
	vm7 =	vlt.s32 v20, v12  }
0x4e: {  	v17 =	vld [tilespmem:s0+$0x2720];
	vm5 =	vmand vm6, vm5;
	vm6 =	vgt.f32 v14, v11;
	vm1 =	vmand vm1, vm7  }
0x4f: {  	vm4 =	vmor vm2, vm4;
	vm0 =	vmor vm0, vm5;
	vm1 =	vmor vm6, vm1  }
0x50: {  	v63 =	vld [tilespmem:s0+$0x3AA0];
	v9 =	vsel vm0, v18, v9;
	v62 =	vsel vm0, v25, v10;
	v14 =	vsel vm1, v14, v11  }
0x51: {  	v12 =	vsel vm1, v20, v12;
	vm0 =	veq.f32 v15, v9;
	vm1 =	vlt.s32 v21, v62  }
0x52: {  	v10 =	vld [tilespmem:s0+$0x2730];
	vm2 =	vgt.f32 v15, v9;
	vm5 =	vlt.s32 v13, v12;
	vm0 =	vmand vm0, vm1  }
0x53: {  	vm1 =	vgt.f32 v17, v14;
	vm0 =	vmor vm2, vm0;
	vm2 =	veq.f32 v17, v14  }
0x54: {  	v11 =	vld [tilespmem:s0+$0x3AB0];
	v15 =	vsel vm0, v15, v9;
	v18 =	vsel vm0, v21, v62;
	vm0 =	vmand vm2, vm5  }
0x55: {  	vm0 =	vmor vm1, vm0;
	vm1 =	veq.f32 v63, v15;
	vm2 =	vlt.s32 v16, v18  }
0x56: {  	vm5 =	vgt.f32 v63, v15;
	v14 =	vsel vm0, v17, v14;
	vm1 =	vmand vm1, vm2  }
0x57: {  	v9 =	vsel vm0, v13, v12;
	vm0 =	vmor vm5, vm1;
	vm1 =	vgt.f32 v10, v14  }
0x58: {  	vm2 =	vlt.s32 v3, v9;
	v15 =	vsel vm0, v63, v15;
	v12 =	vsel vm0, v16, v18  }
0x59: {  	vm0 =	veq.f32 v10, v14;
	vm5 =	veq.f32 v11, v15;
	vm6 =	vlt.s32 v2, v12  }
0x5a: {  	vm0 =	vmand vm0, vm2;
	vm2 =	vgt.f32 v11, v15;
	vm5 =	vmand vm5, vm6  }
0x5b: {  	s9 =	simm.s32 $0x40;
	s1 =	simm.s32 $0x3AF0;
	s0 =	simm.s32 $0x0;
	v13 =	vsel vm4, v60, v61;
	vm0 =	vmor vm1, vm0;
	vm1 =	vmor vm2, vm5  }
.LBB2_3:
0x5c: {  	v16 =	vld [tilespmem:s9+$0x0];
	s2 =	sadd.s32 $0xFFFFC580, s1;
	s10 =	sadd.s32 $0xFFFFD900, s1;
	s11 =	sadd.s32 $0xFFFFEC80, s1;
	v14 =	vsel vm0, v10, v14;
	v10 =	vsel vm1, v11, v15;
	v11 =	vsel vm1, v2, v12  }
0x5d: {  	s12 =	sadd.s32 $0xFFFFC570, s1;
	s13 =	sadd.s32 $0xFFFFD8F0, s1;
	s14 =	sadd.s32 $0xFFFFEC70, s1;
	v7 =	vsel vm3, v5, v7;
	v8 =	vsel vm4, v4, v8;
	v15 =	vsel vm0, v3, v9  }
0x5e: {  	s15 =	sadd.s32 $0xFFFFC550, s1;
	s16 =	sadd.s32 $0xFFFFD8D0, s1;
	s17 =	sadd.s32 $0xFFFFFFF0, s1;
	v2 =	vor.u32 s1, v0;
	v5 =	vor.u32 s2, v0  }
0x5f: {  	s19 =	sadd.s32 $0xFFFFEC50, s1;
	s2 =	sand.u32 $0x3F80, s16;
	s18 =	sand.u32 $0x40, s15;
	v17 =	vor.u32 s12, v0;
	v4 =	vor.u32 s10, v0;
	v3 =	vor.u32 s11, v0  }
0x60: {  	v18 =	vor.u32 s15, v0;
	s10 =	sand.u32 $0x7F80, s19;
	s11 =	sadd.s32 $0xFFFFFFD0, s1;
	v20 =	vor.u32 s13, v0;
	v9 =	vor.u32 s14, v0;
	s2 =	sor.u32 s18, s2;
	v19 =	vld [tilespmem:s9+$0x10]  }
0x61: {  	s12 =	sadd.s32 $0xFFFFC560, s1;
	v12 =	vor.u32 s17, v0;
	vm1 =	vlt.s32 v18, v7;
	vm0 =	veq.f32 v16, v6;
	v21 =	vld [tilespmem:s2+$0x0];
	s2 =	sor.u32 s18, s10;
	s10 =	sand.u32 $0x7F80, s11  }
0x62: {  	v23 =	vor.u32 s12, v0;
	s12 =	sadd.s32 $0xFFFFEC60, s1;
	vm2 =	vgt.f32 v16, v6;
	vm0 =	vmand vm1, vm0;
	v22 =	vld [tilespmem:s2+$0x0];
	s2 =	sor.u32 s18, s10;
	s10 =	sadd.s32 $0xFFFFD8E0, s1  }
0x63: {  	v26 =	vor.u32 s12, v0;
	vm0 =	vmor vm2, vm0;
	v24 =	vld [tilespmem:s2+$0x0];
	v25 =	vor.u32 s10, v0;
	s2 =	sadd.s32 $0xFFFFFFE0, s1  }
0x64: {  	v6 =	vsel vm0, v16, v6;
	v7 =	vsel vm0, v18, v7;
	v16 =	vor.u32 s2, v0  }
0x65: {  	v18 =	vor.u32 s16, v0;
	vm0 =	veq.f32 v19, v6;
	vm1 =	vlt.s32 v23, v7;
	v27 =	vld [tilespmem:s9+$0x20]  }
0x66: {  	v28 =	vor.u32 s19, v0;
	vm2 =	vgt.f32 v19, v6;
	vm0 =	vmand vm0, vm1  }
0x67: {  	v29 =	vor.u32 s11, v0;
	vm1 =	vgt.f32 v21, v13;
	vm2 =	vmor vm2, vm0  }
0x68: {  	vm0 =	vgt.f32 v22, v14;
	vm4 =	vgt.f32 v24, v10;
	v6 =	vsel vm2, v19, v6;
	v19 =	vld [tilespmem:s9+$0x1390]  }
0x69: {  	vm5 =	vlt.s32 v18, v8;
	vm3 =	veq.f32 v21, v13;
	v7 =	vsel vm2, v23, v7  }
0x6a: {  	vm2 =	vmand vm5, vm3;
	vm5 =	vlt.s32 v17, v7;
	vm3 =	veq.f32 v27, v6;
	v23 =	vld [tilespmem:s9+$0x30]  }
0x6b: {  	vm1 =	vmor vm1, vm2;
	vm2 =	vgt.f32 v27, v6;
	vm3 =	vmand vm3, vm5  }
0x6c: {  	v13 =	vsel vm1, v21, v13;
	v8 =	vsel vm1, v18, v8;
	vm1 =	vmor vm2, vm3;
	v18 =	vld [tilespmem:s9+$0x13A0]  }
0x6d: {  	vm3 =	vlt.s32 v25, v8;
	vm2 =	veq.f32 v19, v13;
	v6 =	vsel vm1, v27, v6  }
0x6e: {  	vm5 =	vgt.f32 v19, v13;
	v7 =	vsel vm1, v17, v7;
	vm2 =	vmand vm2, vm3  }
0x6f: {  	vm1 =	vmor vm5, vm2;
	vm2 =	vgt.f32 v23, v6;
	vm3 =	veq.f32 v23, v6  }
0x70: {  	s0 =	sadd.s32 $0x4, s0;
	v13 =	vsel vm1, v19, v13;
	v8 =	vsel vm1, v25, v8;
	vm1 =	vlt.s32 v5, v7;
	v17 =	vld [tilespmem:s9+$0x13B0]  }
0x71: {  	p0 =	slt.u32 s0, $0x134;
	vm5 =	veq.f32 v18, v13;
	vm6 =	vlt.s32 v20, v8;
	vm1 =	vmand vm3, vm1  }
0x72: {  	vm7 =	vgt.f32 v18, v13;
	v19 =	vld [tilespmem:s9+$0x2710];
	vm5 =	vmand vm5, vm6;
	vm3 =	vmor vm2, vm1  }
0x73: {  	vm1 =	veq.f32 v22, v14;
	vm2 =	vlt.s32 v28, v15;
	vm5 =	vmor vm7, vm5  }
0x74: {  	vm1 =	vmand vm2, vm1;
	v6 =	vsel vm3, v23, v6;
	v13 =	vsel vm5, v18, v13  }
0x75: {  	vm0 =	vmor vm0, vm1;
	v8 =	vsel vm5, v20, v8;
	vm1 =	vgt.f32 v17, v13  }
0x76: {  	v14 =	vsel vm0, v22, v14;
	vm2 =	veq.f32 v17, v13;
	vm5 =	vlt.s32 v4, v8  }
0x77: {  	v15 =	vsel vm0, v28, v15;
	vm2 =	vmand vm2, vm5;
	vm0 =	veq.f32 v19, v14;
	v18 =	vld [tilespmem:s9+$0x3A90]  }
0x78: {  	vm6 =	vlt.s32 v29, v11;
	vm5 =	veq.f32 v24, v10;
	vm7 =	vlt.s32 v26, v15;
	v20 =	vld [tilespmem:s9+$0x2720]  }
0x79: {  	vm5 =	vmand vm6, vm5;
	vm6 =	vgt.f32 v19, v14;
	vm0 =	vmand vm0, vm7  }
0x7a: {  	vm5 =	vmor vm4, vm5;
	vm4 =	vmor vm1, vm2;
	vm0 =	vmor vm6, vm0  }
0x7b: {  	v21 =	vsel vm5, v24, v10;
	v11 =	vsel vm5, v29, v11;
	v14 =	vsel vm0, v19, v14;
	v19 =	vld [tilespmem:s9+$0x3AA0]  }
0x7c: {  	v15 =	vsel vm0, v26, v15;
	vm1 =	vlt.s32 v16, v11;
	vm0 =	veq.f32 v18, v21  }
0x7d: {  	vm2 =	vgt.f32 v18, v21;
	vm0 =	vmand vm0, vm1;
	vm1 =	vgt.f32 v20, v14;
	v10 =	vld [tilespmem:s9+$0x2730]  }
0x7e: {  	vm5 =	vlt.s32 v9, v15;
	vm0 =	vmor vm2, vm0;
	vm2 =	veq.f32 v20, v14  }
0x7f: {  	v18 =	vsel vm0, v18, v21;
	v16 =	vsel vm0, v16, v11;
	vm0 =	vmand vm2, vm5;
	v11 =	vld [tilespmem:s9+$0x3AB0]  }
0x80: {  	vm0 =	vmor vm1, vm0;
	vm1 =	veq.f32 v19, v18;
	vm2 =	vlt.s32 v12, v16  }
0x81: {  	vm5 =	vgt.f32 v19, v18;
	v14 =	vsel vm0, v20, v14;
	vm1 =	vmand vm1, vm2  }
.Ltmp3:
0x82: {  	v9 =	vsel vm0, v9, v15;
	vm0 =	vmor vm5, vm1;
	vm1 =	vgt.f32 v10, v14;
	(pc) =	sbr.rel @p0 .LBB2_3-.Ltmp3, $4  }
0x83: {  	v15 =	vsel vm0, v19, v18;
	v12 =	vsel vm0, v12, v16;
	vm0 =	veq.f32 v10, v14  }
0x84: {  	vm2 =	vlt.s32 v3, v9;
	vm5 =	veq.f32 v11, v15;
	vm6 =	vlt.s32 v2, v12  }
0x85: {  	vm0 =	vmand vm0, vm2;
	vm2 =	vgt.f32 v11, v15;
	vm5 =	vmand vm5, vm6  }
0x86: {  	s1 =	sadd.s32 $0x40, s1;
	v13 =	vsel vm4, v17, v13;
	s9 =	sadd.s32 $0x40, s9;
	vm0 =	vmor vm1, vm0;
	vm1 =	vmor vm2, vm5  }
0x87: {  	v16 =	vld [tilespmem:$0x4E00];
	_ =	sdelay $0x3  }
0x88: {  	v5 =	vsel vm3, v5, v7;
	v60 =	vor.u32 $0x4E00, v0;
	v17 =	vld [tilespmem:$0x4E10]  }
0x89: {  	vm3 =	vgt.s32 v5, v60;
	vm2 =	veq.f32 v16, v6  }
0x8a: {  	vm13 =	vgt.f32 v16, v6;
	vm2 =	vmand vm3, vm2  }
0x8b: {  	vm2 =	vmor vm13, vm2  }
0x8c: {  	v62 =	vor.u32 $0x4E10, v0;
	v61 =	vsel vm2, v16, v6;
	v5 =	vsel vm2, v60, v5  }
0x8d: {  	v11 =	vsel vm1, v11, v15;
	vm14 =	veq.f32 v17, v61;
	vm15 =	vgt.s32 v5, v62  }
0x8e: {  	v2 =	vsel vm1, v2, v12;
	vm7 =	vgt.f32 v17, v61;
	vm6 =	vmand vm14, vm15  }
0x8f: {  	v10 =	vsel vm0, v10, v14;
	v4 =	vsel vm4, v4, v8;
	vm1 =	vmor vm7, vm6  }
0x90: {  	v3 =	vsel vm0, v3, v9;
	v6 =	vsel vm1, v17, v61;
	v5 =	vsel vm1, v62, v5  }
0x91: {  	vm11 =	veq.f32 v10, v11;
	vm9 =	veq.f32 v13, v6;
	vm10 =	vlt.s32 v4, v5  }
0x92: {  	vm12 =	vlt.s32 v3, v2;
	vm8 =	vgt.f32 v13, v6;
	vm1 =	vmand vm9, vm10  }
0x93: {  	vm13 =	vgt.f32 v10, v11;
	vm2 =	vmand vm11, vm12;
	vm0 =	vmor vm8, vm1  }
0x94: {  	vm1 =	vmor vm13, vm2;
	v6 =	vsel vm0, v13, v6  }
0x95: {  	v4 =	vsel vm0, v4, v5;
	v63 =	vsel vm1, v10, v11;
	v2 =	vsel vm1, v3, v2  }
0x96: {  	vm14 =	veq.f32 v63, v6;
	vm1 =	vlt.s32 v2, v4  }
0x97: {  	vm15 =	vgt.f32 v63, v6;
	vm0 =	vmand vm14, vm1  }
0x98: {  	vm0 =	vmor vm15, vm0  }
0x99: {  	v3 =	vsel vm0, v63, v6  }
0x9a: {  	v2 =	vsel vm0, v2, v4;
	(v2sf) =	vpush v3, $0x0  }
0x9b: {  	(v2sf) =	vpush v2, $0x0;
	_ =	sdelay $0x1  }
0x9c: {  	(v2sf) =	vpush v3, $0x1  }
0x9d: {  	(v2sf) =	vpush v2, $0x1;
	_ =	sdelay $0x4  }
0x9e: {  	(v2sf) =	vpush v3, $0x2  }
0x9f: {  	(v2sf) =	vpush v2, $0x2;
	_ =	sdelay $0x4  }
0xa0: {  	s0 =	spop (v2sf);
	(v2sf) =	vpush v3, $0x3  }
0xa1: {  	s1 =	spop (v2sf);
	(v2sf) =	vpush v2, $0x3;
	_ =	sdelay $0x1  }
0xa2: {  	s2 =	spop (v2sf)  }
0xa3: {  	s9 =	spop (v2sf);
	p0 =	seq.f32 s2, s0  }
0xa4: {  	p1 =	slt.s32 s9, s1  }
0xa5: {  	(v2sf) =	vpush v3, $0x4;
	p2 =	sgt.f32 s2, s0;
	p0 =	por !p0, !p1  }
0xa6: {  	p0 =	por !p0, !p0  }
0xa7: {  	p0 =	por p2, p0  }
0xa8: {  	(v2sf) =	vpush v2, $0x4;
	s0 =	smov.u32 @p0 s2;
	s2 =	spop (v2sf)  }
0xa9: {  	s1 =	smov.u32 @p0 s9;
	s9 =	spop (v2sf);
	p1 =	seq.f32 s2, s0  }
0xaa: {  	p2 =	slt.s32 s9, s1  }
0xab: {  	p3 =	sgt.f32 s2, s0;
	p0 =	por !p1, !p2  }
0xac: {  	p0 =	por !p0, !p0  }
0xad: {  	(v2sf) =	vpush v3, $0x5;
	p0 =	por p3, p0  }
0xae: {  	(v2sf) =	vpush v2, $0x5;
	s0 =	smov.u32 @p0 s2;
	s2 =	spop (v2sf)  }
0xaf: {  	s1 =	smov.u32 @p0 s9;
	s9 =	spop (v2sf);
	p4 =	seq.f32 s2, s0  }
0xb0: {  	p5 =	slt.s32 s9, s1  }
0xb1: {  	p6 =	sgt.f32 s2, s0;
	p0 =	por !p4, !p5  }
0xb2: {  	p0 =	por !p0, !p0  }
0xb3: {  	(v2sf) =	vpush v3, $0x6;
	p0 =	por p6, p0  }
0xb4: {  	s0 =	smov.u32 @p0 s2;
	s2 =	spop (v2sf);
	(v2sf) =	vpush v2, $0x6;
	_ =	sdelay $0x2  }
0xb5: {  	s1 =	smov.u32 @p0 s9;
	s9 =	spop (v2sf);
	p1 =	seq.f32 s2, s0  }
0xb6: {  	p2 =	slt.s32 s9, s1  }
0xb7: {  	p3 =	sgt.f32 s2, s0;
	(v2sf) =	vpush v3, $0x7;
	p0 =	por !p1, !p2  }
0xb8: {  	p0 =	por !p0, !p0  }
0xb9: {  	p0 =	por p3, p0  }
0xba: {  	s0 =	smov.u32 @p0 s2;
	s2 =	spop (v2sf);
	(v2sf) =	vpush v2, $0x7  }
0xbb: {  	s1 =	smov.u32 @p0 s9;
	s9 =	spop (v2sf);
	p4 =	seq.f32 s2, s0  }
0xbc: {  	p5 =	slt.s32 s9, s1  }
0xbd: {  	p6 =	sgt.f32 s2, s0;
	p0 =	por !p4, !p5  }
0xbe: {  	p0 =	por !p0, !p0  }
0xbf: {  	(v2sf) =	vpush v3, $0x8;
	p0 =	por p6, p0  }
0xc0: {  	s0 =	smov.u32 @p0 s2;
	s2 =	spop (v2sf);
	(v2sf) =	vpush v2, $0x8  }
0xc1: {  	s1 =	smov.u32 @p0 s9;
	p1 =	seq.f32 s2, s0;
	s9 =	spop (v2sf)  }
0xc2: {  	p2 =	slt.s32 s9, s1  }
0xc3: {  	p3 =	sgt.f32 s2, s0;
	p0 =	por !p1, !p2  }
0xc4: {  	p0 =	por !p0, !p0  }
0xc5: {  	(v2sf) =	vpush v3, $0x9;
	p0 =	por p3, p0  }
0xc6: {  	s0 =	smov.u32 @p0 s2;
	s2 =	spop (v2sf);
	(v2sf) =	vpush v2, $0x9;
	_ =	sdelay $0x2  }
0xc7: {  	s1 =	smov.u32 @p0 s9;
	s9 =	spop (v2sf);
	p4 =	seq.f32 s2, s0  }
0xc8: {  	p5 =	slt.s32 s9, s1  }
0xc9: {  	p6 =	sgt.f32 s2, s0;
	(v2sf) =	vpush v3, $0xA;
	p0 =	por !p4, !p5  }
0xca: {  	p0 =	por !p0, !p0  }
0xcb: {  	p0 =	por p6, p0  }
0xcc: {  	s0 =	smov.u32 @p0 s2;
	s2 =	spop (v2sf);
	(v2sf) =	vpush v2, $0xA  }
0xcd: {  	s1 =	smov.u32 @p0 s9;
	s9 =	spop (v2sf);
	p1 =	seq.f32 s2, s0  }
0xce: {  	p2 =	slt.s32 s9, s1  }
0xcf: {  	p3 =	sgt.f32 s2, s0;
	p0 =	por !p1, !p2  }
0xd0: {  	p0 =	por !p0, !p0  }
0xd1: {  	(v2sf) =	vpush v3, $0xB;
	p0 =	por p3, p0  }
0xd2: {  	s0 =	smov.u32 @p0 s2;
	s2 =	spop (v2sf);
	(v2sf) =	vpush v2, $0xB  }
0xd3: {  	s1 =	smov.u32 @p0 s9;
	p4 =	seq.f32 s2, s0;
	s9 =	spop (v2sf)  }
0xd4: {  	p5 =	slt.s32 s9, s1  }
0xd5: {  	p6 =	sgt.f32 s2, s0;
	p0 =	por !p4, !p5  }
0xd6: {  	p0 =	por !p0, !p0  }
0xd7: {  	(v2sf) =	vpush v3, $0xC;
	p0 =	por p6, p0  }
0xd8: {  	s0 =	smov.u32 @p0 s2;
	s2 =	spop (v2sf);
	(v2sf) =	vpush v2, $0xC;
	_ =	sdelay $0x2  }
0xd9: {  	s1 =	smov.u32 @p0 s9;
	s9 =	spop (v2sf);
	p1 =	seq.f32 s2, s0  }
0xda: {  	p2 =	slt.s32 s9, s1  }
0xdb: {  	p3 =	sgt.f32 s2, s0;
	(v2sf) =	vpush v3, $0xD;
	p0 =	por !p1, !p2  }
0xdc: {  	(v2sf) =	vpush v2, $0xD;
	p0 =	por !p0, !p0  }
0xdd: {  	p0 =	por p3, p0  }
0xde: {  	s0 =	smov.u32 @p0 s2;
	s2 =	spop (v2sf)  }
0xdf: {  	s1 =	smov.u32 @p0 s9;
	s9 =	spop (v2sf);
	p4 =	seq.f32 s2, s0  }
0xe0: {  	p5 =	slt.s32 s9, s1  }
0xe1: {  	(v2sf) =	vpush v3, $0xE;
	p6 =	sgt.f32 s2, s0;
	p0 =	por !p4, !p5  }
0xe2: {  	(v2sf) =	vpush v2, $0xE;
	p0 =	por !p0, !p0  }
0xe3: {  	p0 =	por p6, p0  }
0xe4: {  	s0 =	smov.u32 @p0 s2;
	s2 =	spop (v2sf)  }
0xe5: {  	s1 =	smov.u32 @p0 s9;
	p1 =	seq.f32 s2, s0;
	s9 =	spop (v2sf)  }
0xe6: {  	p2 =	slt.s32 s9, s1  }
0xe7: {  	(v2sf) =	vpush v3, $0xF;
	p3 =	sgt.f32 s2, s0;
	p0 =	por !p1, !p2  }
0xe8: {  	(v2sf) =	vpush v2, $0xF;
	p0 =	por !p0, !p0  }
0xe9: {  	p0 =	por p3, p0  }
0xea: {  	s10 =	spop (v2sf);
	s0 =	smov.u32 @p0 s2  }
0xeb: {  	s2 =	spop (v2sf);
	s1 =	smov.u32 @p0 s9;
	p4 =	seq.f32 s10, s0  }
0xec: {  	p5 =	slt.s32 s2, s1  }
0xed: {  	p6 =	sgt.f32 s10, s0;
	p0 =	por !p4, !p5  }
0xee: {  	p0 =	por !p0, !p0  }
0xef: {  	p0 =	por p6, p0  }
0xf0: {  	s9 =	spop (v2sf);
	s0 =	smov.u32 @p0 s10  }
0xf1: {  	s10 =	spop (v2sf);
	s1 =	smov.u32 @p0 s2;
	p1 =	seq.f32 s9, s0  }
0xf2: {  	p2 =	slt.s32 s10, s1  }
0xf3: {  	p3 =	sgt.f32 s9, s0;
	p0 =	por !p1, !p2  }
0xf4: {  	p0 =	por !p0, !p0  }
0xf5: {  	p0 =	por p3, p0  }
0xf6: {  	s2 =	spop (v2sf);
	s0 =	smov.u32 @p0 s9  }
0xf7: {  	s1 =	smov.u32 @p0 s10;
	s9 =	spop (v2sf);
	p4 =	seq.f32 s2, s0  }
0xf8: {  	p5 =	slt.s32 s9, s1  }
0xf9: {  	s3 =	simm.s32 $0x0;
	p6 =	sgt.f32 s2, s0;
	p0 =	por !p4, !p5  }
0xfa: {  	s31 =	simm.s32 $0x0;
	s16 =	rddreg [dreg:$0x3];
	p0 =	por !p0, !p0  }
.Ltmp4:
0xfb: {  	[smem:$0x0] =	sst s3;
	p0 =	por p6, p0;
	(pc) =	sbr.rel .LBB2_5-.Ltmp4, $4  }
0xfc: {  	[dreg:$0x9] =	wrdreg s31;
	s1 =	smov.u32 @p0 s9  }
0xfd: {  	[smem:$0x1] =	sst s1  }
0xfe: {  	s0 =	smov.u32 @p0 s2;
	[smem:$0x2] =	sst s3  }
0xff: {  	s19 =	simm.s32 $0x9D00;
	[smem:$0x80] =	sst s0  }
.LBB2_22:
0x100: {  	s0 =	rddreg [dreg:$0x9]  }
0x101: {  	s0 =	sadd.s32 $0x1, s0  }
0x102: {  	p0 =	sne.s32 s0, $0x1E  }
.Ltmp5:
0x103: {  	_ = 	snop;
	(pc) =	sbr.rel @!p0 .LBB2_23-.Ltmp5, $2  }
0x104: {  	_ =	sdelay $0x2  }
0x105: {  	[dreg:$0x9] =	wrdreg s0  }
.LBB2_5:
0x106: {  	s0 =	sld [smem:$0x0];
	_ =	sdelay $0x2  }
0x107: {  	p0 =	sne.s32 s0, $0x0  }
.Ltmp6:
0x108: {  	_ = 	snop;
	(pc) =	sbr.rel @p0 .LBB2_22-.Ltmp6, $1  }
0x109: {  	_ =	sdelay $0x3  }
.Ltmp7:
0x10a: {  	(pc) =	sbr.rel .LBB2_7-.Ltmp7, $3  }
0x10b: {  	s0 =	rddreg [dreg:$0x9]  }
0x10c: {  	s0 =	smul.u32 $0xA, s0;
	_ =	sdelay $0x1  }
0x10d: {  	s1 =	simm.s32 $0x0;
	[dreg:$0xa] =	wrdreg s0  }
.LBB2_19:
0x10e: {  	[smem:$0x0] =	sst s1  }
.LBB2_20:
0x10f: {  	s0 =	rddreg [dreg:$0xc]  }
0x110: {  	s1 =	rddreg [dreg:$0xb];
	s0 =	sadd.s32 $0x1, s0  }
0x111: {  	s7 =	simm.s32 $0xBD00;
	s20 =	simm.s32 $0xA500;
	[smem:$0x2] =	sst s0  }
.LBB2_21:
0x112: {  	s1 =	sadd.s32 $0x1, s1  }
0x113: {  	p0 =	sne.s32 s1, $0xA  }
.Ltmp8:
0x114: {  	_ = 	snop;
	(pc) =	sbr.rel @!p0 .LBB2_22-.Ltmp8, $1  }
0x115: {  	_ =	sdelay $0x3  }
.LBB2_7:
0x116: {  	s0 =	sld [smem:$0x0]  }
0x117: {  	s2 =	sld [smem:$0x80];
	_ =	sdelay $0x1  }
0x118: {  	p0 =	sne.s32 s0, $0x0  }
0x119: {  	p1 =	slt.f32 @!p0 s2, $-Inf;
	p2 =	sgt.f32 @!p0 s2, $-Inf  }
0x11a: {  	_ = 	snop  }
0x11b: {  	p1 =	por @!p0 p2, p1  }
0x11c: {  	p1 =	por @!p0 !p1, !p1  }
0x11d: {  	p0 =	por p0, p1  }
.Ltmp9:
0x11e: {  	_ = 	snop;
	(pc) =	sbr.rel @p0 .LBB2_21-.Ltmp9, $1  }
0x11f: {  	_ =	sdelay $0x3  }
0x120: {  	s0 =	rddreg [dreg:$0xa]  }
0x121: {  	s0 =	sadd.s32 s0, s1  }
0x122: {  	p0 =	seq.s32 s0, $0x0  }
.Ltmp10:
0x123: {  	_ = 	snop;
	(pc) =	sbr.rel @p0 .LBB2_9-.Ltmp10, $4  }
0x124: {  	_ = 	snop  }
0x125: {  	[dreg:$0xb] =	wrdreg s1  }
0x126: {  	[dreg:$0xc] =	wrdreg s0  }
0x127: {  	s0 =	sld [smem:$0x1]  }
0x128: {  	s9 =	simm.s32 $0x90;
	s1 =	simm.s32 $0x50;
	v2 =	vmov s2;
	s10 =	simm.s32 $0x70  }
0x129: {  	v4 =	vimm.s32 $0x0;
	s11 =	simm.s32 $0x30;
	s12 =	simm.s32 $0x40;
	s13 =	simm.s32 $0x50;
	v5 =	vor.u32 s9, v0;
	v6 =	vor.u32 s10, v0  }
0x12a: {  	s31 =	simm.s32 $0x10;
	s14 =	simm.s32 $0x20;
	v9 =	vld [tilespmem:s1+$0x20];
	v12 =	vor.u32 s11, v0;
	v13 =	vor.u32 s12, v0;
	v14 =	vor.u32 s13, v0  }
0x12b: {  	s9 =	simm.s32 $0x80;
	s10 =	simm.s32 $0x0;
	v17 =	vor.u32 s31, v0;
	v18 =	vor.u32 s14, v0;
	v3 =	vmov s0  }
0x12c: {  	s28 =	simm.s32 $0x60;
	v8 =	vld [tilespmem:s1+$0x40];
	v10 =	vor.u32 s9, v0;
	v16 =	vor.u32 s10, v0;
	vm7 =	vlt.s32 v5, v3  }
0x12d: {  	v5 =	vor.u32 s28, v0;
	vm15 =	vlt.s32 v6, v3;
	vm11 =	vlt.s32 v10, v3  }
0x12e: {  	v7 =	vld [tilespmem:s1+$0xFFFFFFF0];
	vm1 =	vlt.s32 v12, v3;
	vm0 =	vlt.s32 v5, v3;
	v5 =	vimm.s32 $0x0  }
0x12f: {  	v15 =	vld [tilespmem:s1+$0x0];
	v10 =	vimm.s32 $0x0;
	v5 =	vsel vm1, $0xFFFFFFFF, v5;
	vm1 =	vgt.f32 v9, v2  }
0x130: {  	v11 =	vld [tilespmem:s1+$0x10];
	vm8 =	vlt.s32 v13, v3;
	vm9 =	vlt.s32 v14, v3;
	v10 =	vsel vm1, $0xFFFFFFFF, v10  }
0x131: {  	vm14 =	vlt.s32 v16, v3;
	vm1 =	vgt.f32 v8, v2;
	[tilespmem:$0x1FFA0] =	vst v10;
	v10 =	vimm.s32 $0x0  }
0x132: {  	vm10 =	vlt.s32 v17, v3;
	vm13 =	vlt.s32 v18, v3;
	v6 =	vld [tilespmem:s1+$0xFFFFFFD0];
	[tilespmem:$0x1FF90] =	vst v5;
	v10 =	vsel vm1, $0xFFFFFFFF, v10  }
0x133: {  	v5 =	vld [tilespmem:s1+$0xFFFFFFE0];
	vm2 =	veq.f32 v8, v2;
	vm4 =	vgt.f32 v7, v2;
	[tilespmem:$0x1FFB0] =	vst v10;
	v10 =	vimm.s32 $0x0  }
0x134: {  	vm12 =	vgt.f32 v15, v2;
	vm3 =	veq.f32 v9, v2;
	v9 =	vld [tilespmem:s1+$0xFFFFFFB0];
	v10 =	vsel vm4, $0xFFFFFFFF, v10  }
0x135: {  	s2 =	simm.s32 $0x130;
	vm6 =	veq.f32 v11, v2;
	v8 =	vld [tilespmem:s1+$0xFFFFFFC0];
	vm1 =	vgt.f32 v11, v2;
	vm4 =	veq.f32 v15, v2;
	[tilespmem:$0x1FFC0] =	vst v10  }
.LBB2_11:
0x136: {  	v10 =	vimm.s32 $0x0  }
0x137: {  	v10 =	vsel vm1, $0xFFFFFFFF, v10;
	vm1 =	veq.f32 v7, v2;
	v7 =	vimm.s32 $0x0  }
0x138: {  	v7 =	vsel vm1, $0xFFFFFFFF, v7  }
0x139: {  	vm5 =	vgt.f32 v6, v2;
	vm1 =	veq.f32 v6, v2;
	v6 =	vimm.s32 $0x0  }
0x13a: {  	v6 =	vsel vm1, $0xFFFFFFFF, v6  }
0x13b: {  	[tilespmem:$0x1FF20] =	vst v6;
	v6 =	vld [tilespmem:$0x1FF90];
	_ =	sdelay $0x3  }
0x13c: {  	[tilespmem:$0x1FF10] =	vst v7  }
0x13d: {  	vm6 =	vmand vm0, vm6;
	vm0 =	vnez.u8 v6;
	v6 =	vld [tilespmem:$0x1FF10]  }
0x13e: {  	[tilespmem:$0x1FF30] =	vst v10;
	v10 =	vimm.s32 $0x0  }
0x13f: {  	v10 =	vsel vm11, $0xFFFFFFFF, v10  }
0x140: {  	vm3 =	vmand vm15, vm3;
	vm15 =	vmand vm7, vm2;
	[tilespmem:$0x1FF80] =	vst v10;
	v10 =	vimm.s32 $0x0  }
0x141: {  	v10 =	vsel vm12, $0xFFFFFFFF, v10;
	vm1 =	vmmov vm9;
	vm9 =	veq.f32 v5, v2  }
0x142: {  	[tilespmem:$0x1FF70] =	vst v10;
	v10 =	vimm.s32 $0x0;
	vm2 =	vmand vm0, vm9;
	vm0 =	vnez.u8 v6;
	v6 =	vld [tilespmem:$0x1FF20]  }
0x143: {  	v10 =	vsel vm5, $0xFFFFFFFF, v10  }
0x144: {  	vm5 =	vgt.f32 v5, v2;
	[tilespmem:$0x1FF50] =	vst v10;
	v10 =	vimm.s32 $0x0  }
0x145: {  	v7 =	vimm.s32 $0x0;
	v10 =	vsel vm5, $0xFFFFFFFF, v10;
	vm5 =	vgt.f32 v8, v2  }
0x146: {  	v7 =	vsel vm5, $0xFFFFFFFF, v7  }
0x147: {  	[tilespmem:$0x1FF40] =	vst v7;
	vm7 =	vmand vm8, vm0;
	vm0 =	vnez.u8 v6;
	v6 =	vld [tilespmem:$0x1FF30]  }
0x148: {  	v7 =	vld [tilespmem:$0x1FF40];
	_ =	sdelay $0x2  }
0x149: {  	vm5 =	vmmov vm13  }
0x14a: {  	vm8 =	vmand vm5, vm0;
	vm0 =	vnez.u8 v6;
	v6 =	vld [tilespmem:$0x1FFA0]  }
0x14b: {  	vm4 =	vmand vm1, vm4;
	vm1 =	vmor vm0, vm6;
	vm0 =	vnez.u8 v7;
	v7 =	vld [tilespmem:$0x1FF50];
	_ =	sdelay $0x1  }
0x14c: {  	vm13 =	vmmov vm10;
	vm10 =	veq.f32 v9, v2  }
0x14d: {  	vm11 =	veq.f32 v8, v2;
	vm12 =	vgt.f32 v9, v2;
	vm9 =	vmand vm14, vm10  }
0x14e: {  	[tilespmem:$0x1FF60] =	vst v10;
	vm10 =	vmand vm13, vm11;
	vm5 =	vmor vm12, vm9;
	vm6 =	vnez.u8 v6  }
0x14f: {  	v6 =	vsel vm5, $0x1, v1;
	vm5 =	vmor vm0, vm10;
	vm0 =	vnez.u8 v7;
	v7 =	vld [tilespmem:$0x1FF60];
	_ =	sdelay $0x3  }
0x150: {  	v4 =	vadd.s32 v6, v4  }
0x151: {  	v6 =	vsel vm5, $0x1, v1;
	vm5 =	vmor vm0, vm8;
	vm0 =	vnez.u8 v7;
	v7 =	vld [tilespmem:$0x1FFC0];
	_ =	sdelay $0x3  }
0x152: {  	v4 =	vadd.s32 v6, v4;
	v6 =	vsel vm5, $0x1, v1;
	vm0 =	vmor vm0, vm2  }
0x153: {  	v4 =	vadd.s32 v6, v4;
	v6 =	vsel vm0, $0x1, v1;
	vm0 =	vnez.u8 v7;
	v7 =	vld [tilespmem:$0x1FF70];
	_ =	sdelay $0x3  }
0x154: {  	vm0 =	vmor vm0, vm7  }
0x155: {  	s9 =	sand.u32 $0xFF80, s9;
	s10 =	sand.u32 $0x60, s10;
	v4 =	vadd.s32 v6, v4;
	v6 =	vsel vm0, $0x1, v1;
	vm0 =	vnez.u8 v7  }
0x156: {  	s9 =	sor.u32 s10, s9;
	vm0 =	vmor vm0, vm4  }
0x157: {  	s1 =	sadd.s32 $0xA0, s1;
	v5 =	vld [tilespmem:s9+$0x0];
	v4 =	vadd.s32 v6, v4;
	v6 =	vsel vm0, $0x1, v1  }
0x158: {  	s12 =	sadd.s32 $0xFFFFFFA0, s2;
	s13 =	sadd.s32 $0xFFFFFFB0, s2;
	s14 =	sadd.s32 $0xFFFFFFC0, s2;
	v62 =	vimm.s32 $0x0;
	v63 =	vimm.s32 $0x0;
	v4 =	vadd.s32 v6, v4;
	v6 =	vld [tilespmem:$0x1FF80]  }
0x159: {  	s31 =	sadd.s32 $0xFFFFFF80, s2;
	s15 =	sadd.s32 $0xFFFFFF90, s2;
	v13 =	vor.u32 s12, v0;
	v14 =	vor.u32 s13, v0;
	v15 =	vld [tilespmem:s1+$0x0];
	v16 =	vor.u32 s14, v0;
	s9 =	sadd.s32 $0xFFFFFFF0, s2  }
0x15a: {  	s11 =	sadd.s32 $0xFFFFFFE0, s2;
	s10 =	sadd.s32 $0xFFFFFF70, s2;
	v18 =	vor.u32 s31, v0;
	v19 =	vor.u32 s15, v0;
	v10 =	vld [tilespmem:s1+$0x40];
	v9 =	vor.u32 s9, v0  }
0x15b: {  	v17 =	vor.u32 s10, v0;
	v8 =	vor.u32 s11, v0;
	vm11 =	vlt.s32 v9, v3  }
0x15c: {  	vm14 =	vlt.s32 v17, v3;
	vm3 =	vmor vm6, vm3;
	vm6 =	vgt.f32 v5, v2;
	v7 =	vld [tilespmem:s1+$0xFFFFFFF0]  }
0x15d: {  	vm0 =	veq.f32 v5, v2;
	v5 =	vsel vm1, $0x1, v1;
	vm1 =	vnez.u8 v6;
	v6 =	vld [tilespmem:$0x1FFB0]  }
0x15e: {  	vm13 =	vlt.s32 v19, v3;
	vm9 =	vlt.s32 v16, v3;
	vm12 =	vgt.f32 v15, v2  }
0x15f: {  	vm10 =	vlt.s32 v18, v3;
	vm8 =	vlt.s32 v14, v3;
	vm2 =	veq.f32 v10, v2  }
0x160: {  	v11 =	vld [tilespmem:s1+$0x20];
	v4 =	vadd.s32 v5, v4;
	v5 =	vsel vm3, $0x1, v1;
	vm0 =	vmand vm1, vm0  }
0x161: {  	v4 =	vadd.s32 v5, v4;
	vm4 =	vgt.f32 v7, v2;
	vm0 =	vmor vm6, vm0  }
0x162: {  	vm1 =	vlt.s32 v13, v3;
	v5 =	vsel vm0, $0x1, v1;
	vm0 =	vnez.u8 v6  }
0x163: {  	v4 =	vadd.s32 v5, v4;
	v6 =	vor.u32 s2, v0;
	vm0 =	vmor vm0, vm15  }
0x164: {  	p1 =	sne.s32 s2, $0x4E10;
	s28 =	sadd.s32 $0xFFFFFFD0, s2;
	v12 =	vld [tilespmem:s1+$0x10];
	vm7 =	vlt.s32 v6, v3;
	vm15 =	vlt.s32 v8, v3;
	v8 =	vimm.s32 $0x0  }
.Ltmp11:
0x165: {  	v6 =	vor.u32 s28, v0;
	v8 =	vsel vm1, $0xFFFFFFFF, v8;
	vm1 =	vgt.f32 v11, v2;
	(pc) =	sbr.rel @p1 .LBB2_11-.Ltmp11, $4  }
0x166: {  	v9 =	vld [tilespmem:s1+$0xFFFFFFB0];
	v5 =	vsel vm0, $0x1, v1;
	[tilespmem:$0x1FF90] =	vst v8;
	v13 =	vsel vm1, $0xFFFFFFFF, v62;
	vm1 =	vgt.f32 v10, v2  }
0x167: {  	vm0 =	vlt.s32 v6, v3;
	v6 =	vld [tilespmem:s1+$0xFFFFFFD0];
	v10 =	vimm.s32 $0x0;
	[tilespmem:$0x1FFA0] =	vst v13;
	v13 =	vsel vm1, $0xFFFFFFFF, v63  }
0x168: {  	vm3 =	veq.f32 v11, v2;
	v4 =	vadd.s32 v5, v4;
	v5 =	vld [tilespmem:s1+$0xFFFFFFE0];
	v10 =	vsel vm4, $0xFFFFFFFF, v10;
	[tilespmem:$0x1FFB0] =	vst v13  }
0x169: {  	vm6 =	veq.f32 v12, v2;
	s2 =	sadd.s32 $0xA0, s2;
	v8 =	vld [tilespmem:s1+$0xFFFFFFC0];
	vm1 =	vgt.f32 v12, v2;
	vm4 =	veq.f32 v15, v2;
	[tilespmem:$0x1FFC0] =	vst v10  }
0x16a: {  	v3 =	vld [tilespmem:$0x1FF90];
	_ =	sdelay $0x1  }
0x16b: {  	vm5 =	vmand vm0, vm6  }
0x16c: {  	vm3 =	vmand vm15, vm3;
	vm2 =	vmand vm7, vm2;
	vm4 =	vmand vm9, vm4;
	v58 =	vld [tilespmem:$0x1FFC0]  }
0x16d: {  	vm9 =	veq.f32 v9, v2;
	vm1 =	vmor vm1, vm5;
	vm4 =	vmor vm12, vm4  }
0x16e: {  	v60 =	vsel vm4, $0x1, v1;
	vm15 =	veq.f32 v5, v2;
	vm7 =	vnez.u8 v3  }
0x16f: {  	v61 =	vsel vm1, $0x1, v1;
	v3 =	vld [tilespmem:$0x1FFA0];
	vm0 =	vmand vm7, vm15;
	vm15 =	veq.f32 v7, v2  }
0x170: {  	vm7 =	vmand vm14, vm9;
	vm14 =	veq.f32 v8, v2;
	vm6 =	vmand vm8, vm15  }
0x171: {  	s1 =	sand.u32 $0xFF80, s9;
	s2 =	sand.u32 $0x60, s10;
	vm15 =	veq.f32 v6, v2;
	vm9 =	vmand vm10, vm14;
	vm10 =	vnez.u8 v58  }
0x172: {  	s1 =	sor.u32 s2, s1;
	vm8 =	vmand vm13, vm15;
	vm15 =	vgt.f32 v9, v2;
	vm13 =	vgt.f32 v8, v2  }
0x173: {  	v55 =	vld [tilespmem:s1+$0x0];
	vm7 =	vmor vm15, vm7;
	vm5 =	vmor vm13, vm9;
	vm15 =	vgt.f32 v6, v2  }
0x174: {  	v63 =	vld [tilespmem:$0x1FFB0];
	vm9 =	vgt.f32 v5, v2;
	vm14 =	vnez.u8 v3;
	v3 =	vsel vm7, $0x1, v1  }
0x175: {  	v54 =	vsel vm5, $0x1, v1;
	vm7 =	vmor vm15, vm8;
	v3 =	vadd.s32 v3, v4  }
0x176: {  	vm0 =	vmor vm9, vm0;
	v56 =	vsel vm7, $0x1, v1;
	v3 =	vadd.s32 v54, v3  }
0x177: {  	v57 =	vsel vm0, $0x1, v1;
	vm0 =	vmor vm10, vm6;
	v3 =	vadd.s32 v56, v3  }
0x178: {  	vm13 =	veq.f32 v55, v2;
	v59 =	vsel vm0, $0x1, v1;
	v3 =	vadd.s32 v57, v3  }
0x179: {  	vm15 =	vnez.u8 v63;
	vm3 =	vmor vm14, vm3;
	v3 =	vadd.s32 v59, v3  }
.Ltmp12:
0x17a: {  	vm14 =	vgt.f32 v55, v2;
	vm0 =	vmand vm11, vm13;
	v2 =	vadd.s32 v60, v3;
	(pc) =	sbr.rel .LBB2_13-.Ltmp12, $4  }
0x17b: {  	vm0 =	vmor vm14, vm0;
	v3 =	vsel vm3, $0x1, v1;
	v2 =	vadd.s32 v61, v2  }
0x17c: {  	v62 =	vsel vm0, $0x1, v1;
	vm0 =	vmor vm15, vm2;
	v2 =	vadd.s32 v3, v2  }
0x17d: {  	v3 =	vsel vm0, $0x1, v1;
	v2 =	vadd.s32 v62, v2  }
0x17e: {  	v2 =	vadd.s32 v3, v2  }
.LBB2_9:
0x17f: {  	v2 =	vimm.s32 $0x0  }
.LBB2_13:
0x180: {  	(v2sf) =	vpush v2, $0x0  }
0x181: {  	(v2sf) =	vpush v2, $0x1  }
0x182: {  	(v2sf) =	vpush v2, $0x2;
	_ =	sdelay $0x1  }
0x183: {  	(v2sf) =	vpush v2, $0x3  }
0x184: {  	(v2sf) =	vpush v2, $0x4;
	_ =	sdelay $0x1  }
0x185: {  	(v2sf) =	vpush v2, $0x5  }
0x186: {  	(v2sf) =	vpush v2, $0x6;
	_ =	sdelay $0x1  }
0x187: {  	(v2sf) =	vpush v2, $0x7  }
0x188: {  	(v2sf) =	vpush v2, $0x8;
	_ =	sdelay $0x1  }
0x189: {  	(v2sf) =	vpush v2, $0x9  }
0x18a: {  	(v2sf) =	vpush v2, $0xA  }
0x18b: {  	s2 =	sadd.s32 s8, s0;
	s1 =	spop (v2sf)  }
0x18c: {  	s13 =	simm.s32 $0x0;
	s2 =	sshrl.u32 s2, $0x3;
	(v2sf) =	vpush v2, $0xB;
	s11 =	spop (v2sf)  }
0x18d: {  	(v2sf) =	vpush v2, $0xC;
	[dreg:$0xe] =	wrdreg s11;
	s12 =	spop (v2sf);
	s11 =	sadd.s32 s21, s2  }
0x18e: {  	[tilespmem:s19], [sflag:$0x1] =	stream.linear.gather [hbm4b:s11+s13], $0x10, $0x38;
	[tilespmem:$0xE580] =	vst v63  }
0x18f: {  	s26 =	simm.s32 $0xC500;
	s4 =	simm.s32 $0xAD00;
	(v2sf) =	vpush v2, $0xD;
	s3 =	spop (v2sf)  }
0x190: {  	(v2sf) =	vpush v2, $0xE;
	s2 =	sadd.s32 s22, s2;
	s19 =	sadd.s32 s29, s0;
	s18 =	spop (v2sf)  }
0x191: {  	[tilespmem:s7], [sflag:$0x1] =	stream.linear.gather [hbm4b:s2+s13], $0x10, $0x38;
	[tilespmem:$0xE580] =	vst v63  }
0x192: {  	s6 =	simm.s32 $0xCD00;
	(v2sf) =	vpush v2, $0xF;
	s23 =	spop (v2sf);
	s2 =	sshrl.u32 s19, $0x3  }
0x193: {  	s9 =	simm.s32 $0xB500;
	s24 =	spop (v2sf);
	s14 =	sadd.s32 s21, s2  }
0x194: {  	[tilespmem:s20], [sflag:$0x1] =	stream.linear.gather [hbm4b:s14+s13], $0x10, $0x38;
	[tilespmem:$0xE580] =	vst v63  }
0x195: {  	s10 =	simm.s32 $0xD500;
	s31 =	sadd.s32 s30, s0;
	s25 =	spop (v2sf)  }
0x196: {  	[dreg:$0xd] =	wrdreg s1;
	s2 =	sadd.s32 s22, s2;
	s28 =	spop (v2sf)  }
0x197: {  	[tilespmem:s26], [sflag:$0x1] =	stream.linear.gather [hbm4b:s2+s13], $0x10, $0x38;
	[tilespmem:$0xE580] =	vst v63  }
0x198: {  	[dreg:$0x10] =	wrdreg s3;
	s26 =	spop (v2sf);
	s2 =	sshrl.u32 s31, $0x3  }
0x199: {  	[dreg:$0x15] =	wrdreg s28;
	s28 =	spop (v2sf);
	s3 =	sadd.s32 s21, s2  }
0x19a: {  	[tilespmem:s4], [sflag:$0x1] =	stream.linear.gather [hbm4b:s3+s13], $0x10, $0x38;
	[tilespmem:$0xE580] =	vst v63  }
0x19b: {  	s15 =	sadd.s32 s16, s0;
	[dreg:$0xf] =	wrdreg s12;
	s31 =	spop (v2sf)  }
0x19c: {  	[dreg:$0x14] =	wrdreg s25;
	s2 =	sadd.s32 s22, s2;
	s25 =	spop (v2sf)  }
0x19d: {  	[tilespmem:s6], [sflag:$0x1] =	stream.linear.gather [hbm4b:s2+s13], $0x10, $0x38;
	[tilespmem:$0xE580] =	vst v63  }
0x19e: {  	s17 =	sshrl.u32 s15, $0x3;
	[dreg:$0x13] =	wrdreg s24;
	s24 =	spop (v2sf)  }
0x19f: {  	s7 =	sadd.s32 s21, s17;
	[dreg:$0x11] =	wrdreg s23;
	s23 =	spop (v2sf)  }
0x1a0: {  	[tilespmem:s9], [sflag:$0x1] =	stream.linear.gather [hbm4b:s7+s13], $0x10, $0x38;
	[tilespmem:$0xE580] =	vst v63  }
0x1a1: {  	[dreg:$0x12] =	wrdreg s18;
	s17 =	sadd.s32 s22, s17;
	s16 =	spop (v2sf)  }
0x1a2: {  	[tilespmem:s10], [sflag:$0x1] =	stream.linear.gather [hbm4b:s17+s13], $0x10, $0x38;
	[tilespmem:$0xE580] =	vst v63  }
0x1a3: {  	_ =	swait.ge [sflag:s5], $0x10  }
0x1a4: {  	[sflag:s5] =	ssyncset.done $0x0  }
0x1a5: {  	[sflag:s5] =	ssyncadd.s32 $0xFFFFFFF0  }
0x1a6: {  	_ =	swait.ge [sflag:s5], $0x10  }
0x1a7: {  	[sflag:s5] =	ssyncset.done $0x0  }
0x1a8: {  	[sflag:s5] =	ssyncadd.s32 $0xFFFFFFF0  }
0x1a9: {  	_ =	swait.ge [sflag:s5], $0x10  }
0x1aa: {  	[sflag:s5] =	ssyncset.done $0x0  }
0x1ab: {  	[sflag:s5] =	ssyncadd.s32 $0xFFFFFFF0  }
0x1ac: {  	_ =	swait.ge [sflag:s5], $0x10  }
0x1ad: {  	[sflag:s5] =	ssyncset.done $0x0  }
0x1ae: {  	[sflag:s5] =	ssyncadd.s32 $0xFFFFFFF0  }
0x1af: {  	_ =	swait.ge [sflag:s5], $0x10  }
0x1b0: {  	[sflag:s5] =	ssyncset.done $0x0  }
0x1b1: {  	[sflag:s5] =	ssyncadd.s32 $0xFFFFFFF0  }
0x1b2: {  	_ =	swait.ge [sflag:s5], $0x10  }
0x1b3: {  	[sflag:s5] =	ssyncset.done $0x0  }
0x1b4: {  	[sflag:s5] =	ssyncadd.s32 $0xFFFFFFF0  }
0x1b5: {  	_ =	swait.ge [sflag:s5], $0x10  }
0x1b6: {  	[sflag:s5] =	ssyncset.done $0x0  }
0x1b7: {  	[sflag:s5] =	ssyncadd.s32 $0xFFFFFFF0  }
0x1b8: {  	_ =	swait.ge [sflag:s5], $0x10  }
0x1b9: {  	[sflag:s5] =	ssyncset.done $0x0  }
0x1ba: {  	[sflag:s5] =	ssyncadd.s32 $0xFFFFFFF0  }
0x1bb: {  	v2 =	vld [tilespmem:$0xBD00]  }
0x1bc: {  	v3 =	vld [tilespmem:$0xAD00];
	_ =	sdelay $0x1  }
0x1bd: {  	v4 =	vld [tilespmem:$0x9D00];
	_ =	sdelay $0x2  }
0x1be: {  	v2 =	vmul.f32 v3, v2  }
0x1bf: {  	v5 =	vld [tilespmem:$0xCD00]  }
0x1c0: {  	v6 =	vld [tilespmem:$0xC500];
	v2 =	vadd.f32 v2, v4  }
0x1c1: {  	v56 =	vld [tilespmem:$0xB500]  }
0x1c2: {  	(v2sf) =	vpush v2, $0x0  }
0x1c3: {  	v7 =	vld [tilespmem:$0xA500];
	(v2sf) =	vpush v2, $0x1  }
0x1c4: {  	v5 =	vmul.f32 $1.442695020e+00, v5;
	(v2sf) =	vpush v2, $0x2  }
0x1c5: {  	(v2sf) =	vpush v2, $0x3  }
0x1c6: {  	v57 =	vld [tilespmem:$0xD500];
	v6 =	vmul.f32 v56, v6;
	(erf) = vpow2.f32 v5;
	(v2sf) =	vpush v2, $0x4  }
0x1c7: {  	(v2sf) =	vpush v2, $0x5  }
0x1c8: {  	v6 =	vadd.f32 v6, v7;
	(v2sf) =	vpush v2, $0x6  }
0x1c9: {  	(v2sf) =	vpush v2, $0x7  }
0x1ca: {  	(v2sf) =	vpush v6, $0x0  }
0x1cb: {  	v2 =	vmul.f32 $1.442695020e+00, v57;
	(v2sf) =	vpush v6, $0x1  }
0x1cc: {  	(v2sf) =	vpush v6, $0x2  }
0x1cd: {  	(v2sf) =	vpush v6, $0x3  }
0x1ce: {  	(v2sf) =	vpush v6, $0x4  }
0x1cf: {  	(erf) = vpow2.f32 v2;
	v2 =	vpop (erf);
	(v2sf) =	vpush v6, $0x5  }
0x1d0: {  	v2 =	vmul.f32 v2, v3;
	(v2sf) =	vpush v6, $0x6  }
0x1d1: {  	s17 =	spop (v2sf);
	(v2sf) =	vpush v6, $0x7  }
0x1d2: {  	s1 =	spop (v2sf);
	(v2sf) =	vpush v2, $0x0  }
0x1d3: {  	s20 =	spop (v2sf);
	(v2sf) =	vpush v2, $0x1  }
0x1d4: {  	s14 =	smov.u32 s21;
	s21 =	spop (v2sf);
	(v2sf) =	vpush v2, $0x2  }
0x1d5: {  	s15 =	smov.u32 s30;
	s30 =	spop (v2sf)  }
0x1d6: {  	s3 =	spop (v2sf)  }
0x1d7: {  	(v2sf) =	vpush v2, $0x3;
	s6 =	spop (v2sf)  }
0x1d8: {  	(v2sf) =	vpush v2, $0x4;
	s7 =	spop (v2sf)  }
0x1d9: {  	v3 =	vpop (erf);
	(v2sf) =	vpush v2, $0x5;
	s18 =	spop (v2sf)  }
0x1da: {  	s10 =	smov.u32 s8;
	v3 =	vmul.f32 v3, v56;
	(v2sf) =	vpush v2, $0x6;
	s8 =	spop (v2sf)  }
0x1db: {  	s2 =	smov.u32 s29;
	(v2sf) =	vpush v2, $0x7;
	s29 =	spop (v2sf)  }
0x1dc: {  	(v2sf) =	vpush v3, $0x0;
	s4 =	spop (v2sf)  }
0x1dd: {  	(v2sf) =	vpush v3, $0x1;
	s9 =	spop (v2sf)  }
0x1de: {  	s19 =	smov.u32 s22;
	s22 =	sand.u32 $0x7, s0;
	(v2sf) =	vpush v3, $0x2;
	s11 =	spop (v2sf)  }
0x1df: {  	p6 =	seq.s32 s22, $0x1;
	p1 =	seq.s32 s22, $0x2;
	(v2sf) =	vpush v3, $0x3;
	s12 =	spop (v2sf)  }
0x1e0: {  	p4 =	seq.s32 s22, $0x3;
	s17 =	smov.u32 @p6 s1;
	s13 =	spop (v2sf);
	(v2sf) =	vpush v3, $0x4  }
0x1e1: {  	p5 =	seq.s32 s22, $0x4;
	s17 =	smov.u32 @p1 s20;
	s0 =	spop (v2sf);
	(v2sf) =	vpush v3, $0x5  }
0x1e2: {  	p2 =	seq.s32 s22, $0x5;
	s17 =	smov.u32 @p4 s21;
	s1 =	spop (v2sf);
	(v2sf) =	vpush v3, $0x6  }
0x1e3: {  	p3 =	seq.s32 s22, $0x6;
	s17 =	smov.u32 @p5 s30;
	s20 =	spop (v2sf);
	(v2sf) =	vpush v3, $0x7  }
0x1e4: {  	s17 =	smov.u32 @p2 s3;
	s3 =	simm.s32 @!p3 $0x0  }
0x1e5: {  	s3 =	simm.s32 @p3 $0x1  }
0x1e6: {  	s17 =	smov.u32 @p3 s6;
	p3 =	seq.s32 s22, $0x7;
	s21 =	spop (v2sf)  }
0x1e7: {  	s22 =	smov.u32 s19;
	s18 =	smov.u32 @p6 s8;
	s30 =	spop (v2sf)  }
0x1e8: {  	[smem:$0x7FD] =	sst s3;
	s18 =	smov.u32 @p1 s29;
	s3 =	spop (v2sf)  }
0x1e9: {  	s17 =	smov.u32 @p3 s7;
	s18 =	smov.u32 @p4 s4;
	s6 =	spop (v2sf)  }
0x1ea: {  	s18 =	smov.u32 @p5 s9;
	s0 =	smov.u32 @p6 s1;
	s7 =	spop (v2sf)  }
0x1eb: {  	s18 =	smov.u32 @p2 s11;
	s0 =	smov.u32 @p1 s20;
	s19 =	spop (v2sf)  }
0x1ec: {  	s11 =	sld [smem:$0x7FD];
	s0 =	smov.u32 @p4 s21;
	s8 =	spop (v2sf)  }
0x1ed: {  	s0 =	smov.u32 @p5 s30;
	s19 =	smov.u32 @p6 s8;
	s1 =	spop (v2sf)  }
0x1ee: {  	s0 =	smov.u32 @p2 s3;
	s19 =	smov.u32 @p1 s1;
	s1 =	spop (v2sf)  }
0x1ef: {  	p1 =	seq.s32 s11, $0x1;
	s19 =	smov.u32 @p4 s1;
	s1 =	spop (v2sf)  }
0x1f0: {  	s18 =	smov.u32 @p1 s12;
	s19 =	smov.u32 @p5 s1;
	s1 =	spop (v2sf)  }
0x1f1: {  	s0 =	smov.u32 @p1 s6;
	s19 =	smov.u32 @p2 s1;
	s1 =	spop (v2sf)  }
0x1f2: {  	s0 =	smov.u32 @p3 s7;
	s19 =	smov.u32 @p1 s1;
	s1 =	spop (v2sf)  }
0x1f3: {  	s18 =	smov.u32 @p3 s13;
	s13 =	ssub.f32 s0, s17;
	s19 =	smov.u32 @p3 s1  }
0x1f4: {  	s21 =	smov.u32 s14;
	s14 =	ssub.f32 s19, s18;
	_ =	sdelay $0x1  }
0x1f5: {  	s20 =	smul.f32 s14, s13  }
0x1f6: {  	s29 =	smov.u32 s2;
	s1 =	smax.f32 s13, $0.0e+00;
	s2 =	smax.f32 s14, $0.0e+00  }
0x1f7: {  	s30 =	smov.u32 s15;
	s1 =	smul.f32 s2, s1;
	s15 =	sadd.f32 s20, s20  }
0x1f8: {  	_ = 	snop  }
0x1f9: {  	s2 =	ssub.f32 s15, s1;
	_ =	sdelay $0x1  }
0x1fa: {  	s2 =	sadd.f32 $9.999999710e-10, s2;
	_ =	sdelay $0x1  }
0x1fb: {  	v2 =	vmov s2  }
0x1fc: {  	(erf) = vrcp.f32 v2;
	_ =	sdelay $0x1  }
0x1fd: {  	v3 =	vmov s1  }
0x1fe: {  	[tilespmem:$0xDD00] =	vst v3  }
0x1ff: {  	v3 =	vld [tilespmem:$0xDD00];
	_ =	sdelay $0x2  }
0x200: {  	s3 =	rddreg [dreg:$0xe]  }
0x201: {  	s2 =	rddreg [dreg:$0xd]  }
0x202: {  	s4 =	rddreg [dreg:$0xf];
	s1 =	sadd.s32 s3, s2;
	(v2sf) =	vpush v3, $0x0;
	v58 =	vpop (erf)  }
0x203: {  	s6 =	rddreg [dreg:$0x10];
	s1 =	sadd.s32 s4, s1;
	(v2sf) =	vpush v58, $0x0  }
0x204: {  	s7 =	rddreg [dreg:$0x12];
	s1 =	sadd.s32 s6, s1  }
0x205: {  	s9 =	rddreg [dreg:$0x11];
	s1 =	sadd.s32 s7, s1  }
0x206: {  	s8 =	smov.u32 s10;
	s10 =	rddreg [dreg:$0x13];
	s1 =	sadd.s32 s9, s1  }
0x207: {  	s11 =	rddreg [dreg:$0x14];
	s1 =	sadd.s32 s10, s1  }
0x208: {  	s12 =	rddreg [dreg:$0x15];
	s1 =	sadd.s32 s11, s1  }
0x209: {  	s1 =	sadd.s32 s12, s1  }
0x20a: {  	s1 =	sadd.s32 s26, s1  }
0x20b: {  	s13 =	rddreg [dreg:$0xc];
	s1 =	sadd.s32 s28, s1  }
0x20c: {  	s14 =	sand.u32 $0x3F0, s13;
	[tilespmem:$0xDD80] =	vst v2;
	s1 =	sadd.s32 s31, s1  }
0x20d: {  	v2 =	vld [tilespmem:s14+$0xDE00];
	s1 =	sadd.s32 s25, s1  }
0x20e: {  	s1 =	sadd.s32 s24, s1  }
0x20f: {  	s15 =	sand.u32 $0xF, s13;
	s1 =	sadd.s32 s23, s1;
	s23 =	sshll.u32 s13, $0x2  }
0x210: {  	v3 =	vmov s15;
	s1 =	sadd.s32 s16, s1;
	s16 =	rddreg [dreg:$0x3];
	s24 =	sand.u32 $0xC, s23  }
0x211: {  	vm0 =	veq.s32 v3, v0;
	s3 =	sand.u32 $0xFF0, s23;
	[smem:$0x3] =	sst s1;
	s28 =	spop (v2sf)  }
0x212: {  	v2 =	vsel vm0, s1, v2;
	s25 =	sor.u32 $0x1, s24;
	[smem:$0x81] =	sst s17;
	s31 =	spop (v2sf)  }
0x213: {  	v63 =	vadd.s32 $0x1, v0;
	s26 =	sor.u32 $0x2, s24;
	[tilespmem:s14+$0xDE00] =	vst v2;
	[smem:$0x82] =	sst s18;
	s2 =	smul.f32 s31, s28  }
0x214: {  	v3 =	vmov s24;
	s4 =	sadd.s32 $0x4, s24;
	v59 =	vmov s25;
	v2 =	vmov s26;
	v61 =	vld [tilespmem:s3+$0xDF80];
	[smem:$0x83] =	sst s0  }
0x215: {  	p1 =	sne.s32 s13, $0x0;
	v60 =	vmov s4;
	vm1 =	veq.s32 v2, v0;
	v2 =	vmov s19;
	[smem:$0x84] =	sst s19;
	p2 =	sgt.f32 s2, $6.999999880e-01  }
.Ltmp13:
0x216: {  	vm12 =	veq.s32 v3, v0;
	vm2 =	veq.s32 v59, v0;
	v62 =	vsel vm1, s0, v2;
	[smem:$0x4] =	sst @!p1 s1;
	(pc) =	sbr.rel @!p2 .LBB2_19-.Ltmp13, $4  }
0x217: {  	vm13 =	vlt.u32 v3, v63;
	vm14 =	vgt.u32 v60, v0;
	v4 =	vsel vm2, s18, v62;
	[smem:$0x85] =	sst @!p1 s17  }
0x218: {  	vm15 =	vmand vm13, vm14;
	v3 =	vsel vm12, s17, v4;
	[smem:$0x86] =	sst @!p1 s18  }
0x219: {  	v3 =	vsel vm15, v3, v61;
	[smem:$0x87] =	sst @!p1 s0  }
0x21a: {  	s1 =	simm.s32 $0x1;
	[tilespmem:s3+$0xDF80] =	vst v3;
	[smem:$0x88] =	sst @!p1 s19;
	s19 =	simm.s32 $0x9D00  }
0x21b: {  	v3 =	vmov s0;
	s31 =	simm.s32 $0x0;
	s0 =	simm.s32 $0x40;
	s1 =	simm.s32 $0x4EC0  }
0x21c: {  	v4 =	vmov s18;
	v5 =	vmov s17;
	s12 =	simm.s32 $0x0;
	s24 =	simm.s32 $0x0;
	s15 =	simm.s32 $0xBD00  }
0x21d: {  	v6 =	vmov s20;
	v8 =	vimm.f32 $-Inf;
	v9 =	vimm.s32 $0x40000000;
	s17 =	simm.s32 $0xA500;
	s18 =	simm.s32 $0xC500;
	s20 =	simm.s32 $0xAD00  }
.LBB2_15:
0x21e: {  	s2 =	smul.u32 $0x7D0, s24;
	_ =	sdelay $0x1  }
0x21f: {  	s3 =	sadd.s32 s8, s2  }
0x220: {  	s3 =	sshrl.u32 s3, $0x3  }
0x221: {  	s7 =	sadd.s32 s29, s2;
	s4 =	sadd.s32 s21, s3  }
0x222: {  	[tilespmem:s19], [sflag:$0x1] =	stream.linear.gather [hbm4b:s4+s31], $0x7D0, $0x38;
	[tilespmem:$0xE580] =	vst v63  }
0x223: {  	s4 =	sshrl.u32 s7, $0x3  }
0x224: {  	s9 =	sadd.s32 s30, s2;
	s6 =	sadd.s32 s21, s4  }
0x225: {  	[tilespmem:s17], [sflag:$0x1] =	stream.linear.gather [hbm4b:s6+s31], $0x7D0, $0x38;
	[tilespmem:$0xE580] =	vst v63  }
0x226: {  	s2 =	sadd.s32 s16, s2;
	s6 =	sshrl.u32 s9, $0x3  }
0x227: {  	s2 =	sshrl.u32 s2, $0x3;
	s7 =	sadd.s32 s21, s6  }
0x228: {  	[tilespmem:s20], [sflag:$0x1] =	stream.linear.gather [hbm4b:s7+s31], $0x7D0, $0x38;
	[tilespmem:$0xE580] =	vst v63  }
0x229: {  	s10 =	sadd.s32 s21, s2;
	s9 =	simm.s32 $0xB500  }
0x22a: {  	[tilespmem:s9], [sflag:$0x1] =	stream.linear.gather [hbm4b:s10+s31], $0x7D0, $0x38;
	[tilespmem:$0xE580] =	vst v63  }
0x22b: {  	s3 =	sadd.s32 s22, s3  }
0x22c: {  	[tilespmem:s15], [sflag:$0x1] =	stream.linear.gather [hbm4b:s3+s31], $0x7D0, $0x38;
	[tilespmem:$0xE580] =	vst v63  }
0x22d: {  	s11 =	sadd.s32 s22, s4  }
0x22e: {  	[tilespmem:s18], [sflag:$0x1] =	stream.linear.gather [hbm4b:s11+s31], $0x7D0, $0x38;
	[tilespmem:$0xE580] =	vst v63  }
0x22f: {  	s14 =	simm.s32 $0xCD00;
	s13 =	sadd.s32 s22, s6  }
0x230: {  	[tilespmem:s14], [sflag:$0x1] =	stream.linear.gather [hbm4b:s13+s31], $0x7D0, $0x38;
	[tilespmem:$0xE580] =	vst v63  }
0x231: {  	s23 =	simm.s32 $0xD500;
	s2 =	sadd.s32 s22, s2  }
0x232: {  	[tilespmem:s23], [sflag:$0x1] =	stream.linear.gather [hbm4b:s2+s31], $0x7D0, $0x38;
	[tilespmem:$0xE580] =	vst v63  }
0x233: {  	_ =	swait.ge [sflag:s5], $0x7D0  }
0x234: {  	[sflag:s5] =	ssyncset.done $0x0  }
0x235: {  	[sflag:s5] =	ssyncadd.s32 $0xFFFFF830  }
0x236: {  	_ =	swait.ge [sflag:s5], $0x7D0  }
0x237: {  	[sflag:s5] =	ssyncset.done $0x0  }
0x238: {  	[sflag:s5] =	ssyncadd.s32 $0xFFFFF830  }
0x239: {  	_ =	swait.ge [sflag:s5], $0x7D0  }
0x23a: {  	[sflag:s5] =	ssyncset.done $0x0  }
0x23b: {  	[sflag:s5] =	ssyncadd.s32 $0xFFFFF830  }
0x23c: {  	_ =	swait.ge [sflag:s5], $0x7D0  }
0x23d: {  	[sflag:s5] =	ssyncset.done $0x0  }
0x23e: {  	[sflag:s5] =	ssyncadd.s32 $0xFFFFF830  }
0x23f: {  	_ =	swait.ge [sflag:s5], $0x7D0  }
0x240: {  	[sflag:s5] =	ssyncset.done $0x0  }
0x241: {  	[sflag:s5] =	ssyncadd.s32 $0xFFFFF830  }
0x242: {  	_ =	swait.ge [sflag:s5], $0x7D0  }
0x243: {  	[sflag:s5] =	ssyncset.done $0x0  }
0x244: {  	[sflag:s5] =	ssyncadd.s32 $0xFFFFF830  }
0x245: {  	_ =	swait.ge [sflag:s5], $0x7D0  }
0x246: {  	[sflag:s5] =	ssyncset.done $0x0  }
0x247: {  	[sflag:s5] =	ssyncadd.s32 $0xFFFFF830  }
0x248: {  	_ =	swait.ge [sflag:s5], $0x7D0  }
0x249: {  	[sflag:s5] =	ssyncset.done $0x0  }
0x24a: {  	s9 =	simm.s32 $0x0;
	[sflag:s5] =	ssyncadd.s32 $0xFFFFF830  }
0x24b: {  	v7 =	vld [tilespmem:s9+$0xCD00]  }
0x24c: {  	v10 =	vld [tilespmem:s9+$0xD500];
	_ =	sdelay $0x3  }
0x24d: {  	v7 =	vmul.f32 $1.442695020e+00, v7  }
0x24e: {  	v10 =	vmul.f32 $1.442695020e+00, v10  }
0x24f: {  	(erf) = vpow2.f32 v7  }
0x250: {  	v11 =	vld [tilespmem:s9+$0xAD00];
	(erf) = vpow2.f32 v10  }
0x251: {  	v12 =	vld [tilespmem:s9+$0xB500]  }
0x252: {  	v10 =	vld [tilespmem:s9+$0xBD00]  }
0x253: {  	v7 =	vld [tilespmem:s9+$0xC500]  }
0x254: {  	v13 =	vld [tilespmem:s9+$0x9D00]  }
0x255: {  	v14 =	vld [tilespmem:s9+$0xA500];
	_ =	sdelay $0x1  }
0x256: {  	v10 =	vmul.f32 v10, v11  }
0x257: {  	v7 =	vmul.f32 v7, v12;
	v15 =	vpop (erf)  }
0x258: {  	v10 =	vadd.f32 v10, v13;
	v11 =	vmul.f32 v15, v11;
	v13 =	vpop (erf)  }
0x259: {  	v7 =	vadd.f32 v7, v14;
	v12 =	vmul.f32 v13, v12  }
0x25a: {  	v13 =	vsub.f32 v11, v10;
	v10 =	vmax.f32 v5, v10;
	v11 =	vmin.f32 v3, v11  }
0x25b: {  	v14 =	vsub.f32 v12, v7;
	v12 =	vmin.f32 v2, v12;
	v7 =	vmax.f32 v4, v7  }
0x25c: {  	v10 =	vsub.f32 v11, v10;
	v7 =	vsub.f32 v12, v7  }
0x25d: {  	v11 =	vmul.f32 v14, v13  }
0x25e: {  	v10 =	vmax.f32 v10, $0.0e+00;
	v7 =	vmax.f32 v7, $0.0e+00  }
0x25f: {  	v11 =	vadd.f32 v11, v6;
	v10 =	vmul.f32 v7, v10;
	_ =	sdelay $0x1  }
0x260: {  	v7 =	vsub.f32 v11, v10;
	_ =	sdelay $0x1  }
0x261: {  	v7 =	vadd.f32 $9.999999710e-10, v7;
	_ =	sdelay $0x1  }
0x262: {  	(erf) = vrcp.f32 v7;
	_ =	sdelay $0x4  }
0x263: {  	s10 =	sadd.s32 $0x0, s0;
	s13 =	sadd.s32 $0x0, s1  }
0x264: {  	s3 =	sadd.s32 $0xFFFFFFC0, s13;
	s2 =	sadd.s32 $0xFFFFFFC0, s10  }
0x265: {  	s3 =	smov.u32 @p0 s2  }
0x266: {  	v11 =	vld [tilespmem:s3+$0x0]  }
0x267: {  	v7 =	vmov s1;
	v12 =	vpop (erf)  }
0x268: {  	v10 =	vmul.f32 v12, v10;
	_ =	sdelay $0x1  }
0x269: {  	vm0 =	vgt.f32 v10, $6.999999880e-01  }
0x26a: {  	v11 =	vsel vm0, $0xFF800000, v11  }
0x26b: {  	[tilespmem:v7+s9+$0xFFFFFFC0 ss:$0x1] =	vst.idx.msk $0xffff, v11  }
0x26c: {  	v10 =	vld [tilespmem:s9+$0xCD10]  }
0x26d: {  	v12 =	vld [tilespmem:s9+$0xD510];
	_ =	sdelay $0x3  }
0x26e: {  	v10 =	vmul.f32 $1.442695020e+00, v10  }
0x26f: {  	v12 =	vmul.f32 $1.442695020e+00, v12  }
0x270: {  	(erf) = vpow2.f32 v10  }
0x271: {  	v13 =	vld [tilespmem:s9+$0xAD10];
	(erf) = vpow2.f32 v12  }
0x272: {  	v14 =	vld [tilespmem:s9+$0xB510]  }
0x273: {  	v12 =	vld [tilespmem:s9+$0xBD10]  }
0x274: {  	v10 =	vld [tilespmem:s9+$0xC510]  }
0x275: {  	v15 =	vld [tilespmem:s9+$0x9D10]  }
0x276: {  	v16 =	vld [tilespmem:s9+$0xA510];
	_ =	sdelay $0x1  }
0x277: {  	v12 =	vmul.f32 v12, v13  }
0x278: {  	v10 =	vmul.f32 v10, v14;
	v17 =	vpop (erf)  }
0x279: {  	v12 =	vadd.f32 v12, v15;
	v13 =	vmul.f32 v17, v13;
	v15 =	vpop (erf)  }
0x27a: {  	v10 =	vadd.f32 v10, v16;
	v14 =	vmul.f32 v15, v14  }
0x27b: {  	v15 =	vsub.f32 v13, v12;
	v12 =	vmax.f32 v5, v12;
	v13 =	vmin.f32 v3, v13  }
0x27c: {  	v16 =	vsub.f32 v14, v10;
	v10 =	vmax.f32 v4, v10;
	v14 =	vmin.f32 v2, v14  }
0x27d: {  	v12 =	vsub.f32 v13, v12;
	v10 =	vsub.f32 v14, v10  }
0x27e: {  	v13 =	vmul.f32 v16, v15  }
0x27f: {  	v12 =	vmax.f32 v12, $0.0e+00;
	v10 =	vmax.f32 v10, $0.0e+00  }
0x280: {  	v10 =	vmul.f32 v10, v12;
	v12 =	vadd.f32 v13, v6;
	_ =	sdelay $0x1  }
0x281: {  	v12 =	vsub.f32 v12, v10;
	_ =	sdelay $0x1  }
0x282: {  	v12 =	vadd.f32 $9.999999710e-10, v12;
	_ =	sdelay $0x1  }
0x283: {  	(erf) = vrcp.f32 v12;
	_ =	sdelay $0x5  }
0x284: {  	s2 =	sadd.s32 $0xFFFFFFD0, s10;
	s3 =	sadd.s32 $0xFFFFFFD0, s13  }
0x285: {  	s3 =	smov.u32 @p0 s2  }
0x286: {  	v12 =	vld [tilespmem:s3+$0x0]  }
0x287: {  	v13 =	vpop (erf)  }
0x288: {  	v10 =	vmul.f32 v13, v10;
	_ =	sdelay $0x1  }
0x289: {  	vm0 =	vgt.f32 v10, $6.999999880e-01  }
0x28a: {  	v12 =	vsel vm0, $0xFF800000, v12  }
0x28b: {  	[tilespmem:v7+s9+$0xFFFFFFD0 ss:$0x1] =	vst.idx.msk $0xffff, v12  }
0x28c: {  	v10 =	vld [tilespmem:s9+$0xCD20]  }
0x28d: {  	v13 =	vld [tilespmem:s9+$0xD520];
	_ =	sdelay $0x3  }
0x28e: {  	v10 =	vmul.f32 $1.442695020e+00, v10  }
0x28f: {  	v13 =	vmul.f32 $1.442695020e+00, v13  }
0x290: {  	(erf) = vpow2.f32 v10  }
0x291: {  	v14 =	vld [tilespmem:s9+$0xB520];
	(erf) = vpow2.f32 v13  }
0x292: {  	v15 =	vld [tilespmem:s9+$0xAD20]  }
0x293: {  	v13 =	vld [tilespmem:s9+$0xBD20]  }
0x294: {  	v10 =	vld [tilespmem:s9+$0xC520]  }
0x295: {  	v46 =	vld [tilespmem:s9+$0x9D20]  }
0x296: {  	v45 =	vld [tilespmem:s9+$0xA520];
	_ =	sdelay $0x1  }
0x297: {  	v13 =	vmul.f32 v13, v15  }
0x298: {  	v10 =	vmul.f32 v10, v14;
	v18 =	vpop (erf)  }
0x299: {  	v13 =	vadd.f32 v13, v46;
	v19 =	vpop (erf);
	v15 =	vmul.f32 v18, v15  }
0x29a: {  	v10 =	vadd.f32 v10, v45;
	v14 =	vmul.f32 v19, v14  }
0x29b: {  	v47 =	vmin.f32 v3, v15;
	v15 =	vsub.f32 v15, v13;
	v13 =	vmax.f32 v5, v13  }
0x29c: {  	v48 =	vsub.f32 v14, v10;
	v10 =	vmax.f32 v4, v10;
	v14 =	vmin.f32 v2, v14  }
0x29d: {  	v13 =	vsub.f32 v47, v13;
	v10 =	vsub.f32 v14, v10  }
0x29e: {  	v14 =	vmul.f32 v48, v15  }
0x29f: {  	v13 =	vmax.f32 v13, $0.0e+00;
	v10 =	vmax.f32 v10, $0.0e+00  }
0x2a0: {  	v10 =	vmul.f32 v10, v13;
	v13 =	vadd.f32 v14, v6;
	_ =	sdelay $0x1  }
0x2a1: {  	v13 =	vsub.f32 v13, v10;
	_ =	sdelay $0x1  }
0x2a2: {  	v13 =	vadd.f32 $9.999999710e-10, v13;
	_ =	sdelay $0x1  }
0x2a3: {  	(erf) = vrcp.f32 v13;
	_ =	sdelay $0x5  }
0x2a4: {  	s2 =	sadd.s32 $0xFFFFFFE0, s10;
	s3 =	sadd.s32 $0xFFFFFFE0, s13  }
0x2a5: {  	s3 =	smov.u32 @p0 s2  }
0x2a6: {  	v13 =	vld [tilespmem:s3+$0x0]  }
0x2a7: {  	v14 =	vpop (erf)  }
0x2a8: {  	v10 =	vmul.f32 v14, v10;
	_ =	sdelay $0x1  }
0x2a9: {  	vm0 =	vgt.f32 v10, $6.999999880e-01  }
0x2aa: {  	v14 =	vsel vm0, $0xFF800000, v13  }
0x2ab: {  	[tilespmem:v7+s9+$0xFFFFFFE0 ss:$0x1] =	vst.idx.msk $0xffff, v14  }
0x2ac: {  	v10 =	vld [tilespmem:s9+$0xCD30]  }
0x2ad: {  	v13 =	vld [tilespmem:s9+$0xD530];
	_ =	sdelay $0x3  }
0x2ae: {  	v10 =	vmul.f32 $1.442695020e+00, v10  }
0x2af: {  	v13 =	vmul.f32 $1.442695020e+00, v13  }
0x2b0: {  	(erf) = vpow2.f32 v10  }
0x2b1: {  	v15 =	vld [tilespmem:s9+$0xB530];
	(erf) = vpow2.f32 v13  }
0x2b2: {  	v10 =	vld [tilespmem:s9+$0xAD30]  }
0x2b3: {  	v13 =	vld [tilespmem:s9+$0xBD30]  }
0x2b4: {  	v49 =	vld [tilespmem:s9+$0xC530]  }
0x2b5: {  	v50 =	vld [tilespmem:s9+$0x9D30]  }
0x2b6: {  	v51 =	vld [tilespmem:s9+$0xA530];
	_ =	sdelay $0x1  }
0x2b7: {  	v13 =	vmul.f32 v13, v10  }
0x2b8: {  	v16 =	vmul.f32 v49, v15;
	v52 =	vpop (erf)  }
0x2b9: {  	v13 =	vadd.f32 v13, v50;
	v10 =	vmul.f32 v52, v10;
	v53 =	vpop (erf)  }
0x2ba: {  	v16 =	vadd.f32 v16, v51;
	v15 =	vmul.f32 v53, v15  }
0x2bb: {  	v54 =	vsub.f32 v10, v13;
	v13 =	vmax.f32 v5, v13;
	v10 =	vmin.f32 v3, v10  }
0x2bc: {  	v18 =	vsub.f32 v15, v16;
	v16 =	vmax.f32 v4, v16;
	v15 =	vmin.f32 v2, v15  }
0x2bd: {  	v10 =	vsub.f32 v10, v13;
	v13 =	vsub.f32 v15, v16  }
0x2be: {  	v15 =	vmul.f32 v18, v54  }
0x2bf: {  	v10 =	vmax.f32 v10, $0.0e+00;
	v13 =	vmax.f32 v13, $0.0e+00  }
0x2c0: {  	v10 =	vmul.f32 v13, v10;
	v13 =	vadd.f32 v15, v6;
	_ =	sdelay $0x1  }
0x2c1: {  	v13 =	vsub.f32 v13, v10;
	_ =	sdelay $0x1  }
0x2c2: {  	v13 =	vadd.f32 $9.999999710e-10, v13;
	_ =	sdelay $0x1  }
0x2c3: {  	(erf) = vrcp.f32 v13;
	_ =	sdelay $0x5  }
0x2c4: {  	s2 =	sadd.s32 $0xFFFFFFF0, s10;
	s3 =	sadd.s32 $0xFFFFFFF0, s13  }
0x2c5: {  	s3 =	smov.u32 @p0 s2  }
0x2c6: {  	v13 =	vld [tilespmem:s3+$0x0]  }
0x2c7: {  	v15 =	vpop (erf)  }
0x2c8: {  	v10 =	vmul.f32 v15, v10;
	_ =	sdelay $0x1  }
0x2c9: {  	vm0 =	vgt.f32 v10, $6.999999880e-01  }
0x2ca: {  	v10 =	vsel vm0, $0xFF800000, v13  }
0x2cb: {  	[tilespmem:v7+s9+$0xFFFFFFF0 ss:$0x1] =	vst.idx.msk $0xffff, v10  }
0x2cc: {  	v13 =	vld [tilespmem:s9+$0xCD40]  }
0x2cd: {  	v15 =	vld [tilespmem:s9+$0xD540];
	_ =	sdelay $0x3  }
0x2ce: {  	v13 =	vmul.f32 $1.442695020e+00, v13  }
0x2cf: {  	v56 =	vld [tilespmem:s9+$0xB540];
	v15 =	vmul.f32 $1.442695020e+00, v15  }
0x2d0: {  	v57 =	vld [tilespmem:s9+$0xC540];
	(erf) = vpow2.f32 v13  }
0x2d1: {  	v55 =	vld [tilespmem:s9+$0xBD40];
	(erf) = vpow2.f32 v15  }
0x2d2: {  	v20 =	vld [tilespmem:s9+$0xA540]  }
0x2d3: {  	v13 =	vld [tilespmem:s9+$0xAD40];
	v15 =	vor.u32 s12, v0  }
0x2d4: {  	vm0 =	veq.f32 v11, v8;
	vm1 =	vlt.s32 v15, v9  }
0x2d5: {  	vm2 =	vgt.f32 v11, v8;
	v58 =	vld [tilespmem:s9+$0x9D40];
	v59 =	vmul.f32 v57, v56;
	vm0 =	vmand vm1, vm0  }
0x2d6: {  	vm0 =	vmor vm2, vm0  }
0x2d7: {  	s25 =	sadd.s32 $0x10, s12;
	v16 =	vadd.f32 v59, v20;
	v9 =	vsel vm0, v15, v9  }
0x2d8: {  	v8 =	vsel vm0, v11, v8;
	v11 =	vor.u32 s25, v0;
	v15 =	vmul.f32 v55, v13  }
0x2d9: {  	v63 =	vmax.f32 v4, v16;
	vm0 =	vlt.s32 v11, v9;
	v60 =	vpop (erf)  }
0x2da: {  	vm1 =	veq.f32 v12, v8;
	v15 =	vadd.f32 v15, v58;
	v13 =	vmul.f32 v60, v13;
	v61 =	vpop (erf)  }
0x2db: {  	vm0 =	vmand vm0, vm1;
	vm1 =	vgt.f32 v12, v8;
	v17 =	vmul.f32 v61, v56  }
0x2dc: {  	vm0 =	vmor vm1, vm0;
	v62 =	vsub.f32 v13, v15;
	v15 =	vmax.f32 v5, v15  }
0x2dd: {  	v13 =	vmin.f32 v3, v13;
	v16 =	vsub.f32 v17, v16;
	v17 =	vmin.f32 v2, v17  }
0x2de: {  	s26 =	sadd.s32 $0x20, s12;
	v9 =	vsel vm0, v11, v9;
	v11 =	vsub.f32 v13, v15;
	v13 =	vsub.f32 v17, v63  }
0x2df: {  	v12 =	vsel vm0, v12, v8;
	v8 =	vor.u32 s26, v0;
	v15 =	vmul.f32 v16, v62  }
0x2e0: {  	vm0 =	vlt.s32 v8, v9;
	v11 =	vmax.f32 v11, $0.0e+00;
	v13 =	vmax.f32 v13, $0.0e+00  }
0x2e1: {  	vm1 =	veq.f32 v14, v12;
	v13 =	vmul.f32 v13, v11;
	v11 =	vadd.f32 v15, v6  }
0x2e2: {  	vm2 =	vgt.f32 v14, v12;
	vm0 =	vmand vm0, vm1  }
0x2e3: {  	s28 =	sadd.s32 $0x30, s12;
	vm0 =	vmor vm2, vm0;
	v15 =	vsub.f32 v11, v13  }
0x2e4: {  	v8 =	vsel vm0, v8, v9;
	v9 =	vsel vm0, v14, v12;
	v11 =	vor.u32 s28, v0  }
0x2e5: {  	vm0 =	veq.f32 v10, v9;
	vm1 =	vlt.s32 v11, v8;
	v14 =	vadd.f32 $9.999999710e-10, v15  }
0x2e6: {  	s11 =	simm.s32 $0x0;
	s13 =	smov.u32 @p0 s10;
	vm2 =	vgt.f32 v10, v9;
	vm0 =	vmand vm1, vm0  }
0x2e7: {  	s23 =	smov.u32 s12;
	s10 =	sadd.s32 $0x40, s12;
	v12 =	vld [tilespmem:s13+$0x0];
	s13 =	simm.s32 $0x0;
	vm3 =	vmor vm2, vm0;
	(erf) = vrcp.f32 v14  }
.LBB2_16:
0x2e8: {  	_ =	sdelay $0x7  }
0x2e9: {  	s11 =	sadd.s32 $0x5, s11;
	s23 =	sadd.s32 $0x50, s23;
	s13 =	sadd.s32 $0x140, s13;
	v14 =	vpop (erf)  }
0x2ea: {  	s2 =	sadd.s32 $0x40, s23;
	p1 =	slt.u32 s11, $0x78;
	v13 =	vmul.f32 v14, v13;
	_ =	sdelay $0x1  }
0x2eb: {  	vm0 =	vgt.f32 v13, $6.999999880e-01;
	v13 =	vor.u32 s10, v0;
	s10 =	smov.u32 s2  }
0x2ec: {  	v9 =	vsel vm3, v10, v9;
	v10 =	vsel vm3, v11, v8;
	v8 =	vsel vm0, $0xFF800000, v12  }
0x2ed: {  	vm1 =	vlt.s32 v13, v10;
	[tilespmem:v7+s9+$0x0 ss:$0x1] =	vst.idx.msk $0xffff, v8;
	s9 =	sshra.s32 s13, $0x2;
	vm0 =	veq.f32 v8, v9  }
0x2ee: {  	vm2 =	vgt.f32 v8, v9;
	v11 =	vld [tilespmem:s9+$0xCD00];
	s3 =	sadd.s32 s9, s0;
	s25 =	sadd.s32 s9, s1;
	vm0 =	vmand vm1, vm0  }
0x2ef: {  	v12 =	vld [tilespmem:s9+$0xD500];
	s2 =	sadd.s32 $0xFFFFFFC0, s3;
	s14 =	sadd.s32 $0xFFFFFFC0, s25;
	s4 =	sadd.s32 $0xFFFFFFD0, s3;
	vm0 =	vmor vm2, vm0  }
0x2f0: {  	s6 =	sadd.s32 $0xFFFFFFE0, s3;
	s14 =	smov.u32 @p0 s2;
	s2 =	sadd.s32 $0xFFFFFFD0, s25;
	v8 =	vsel vm0, v8, v9;
	v9 =	vsel vm0, v13, v10  }
0x2f1: {  	s28 =	sadd.s32 $0xFFFFFFE0, s25;
	s2 =	smov.u32 @p0 s4;
	s4 =	sadd.s32 $0xFFFFFFF0, s3  }
0x2f2: {  	s26 =	sadd.s32 $0xFFFFFFF0, s25;
	s28 =	smov.u32 @p0 s6;
	s25 =	smov.u32 @p0 s3  }
0x2f3: {  	s26 =	smov.u32 @p0 s4;
	v10 =	vmul.f32 $1.442695020e+00, v11  }
0x2f4: {  	v11 =	vmul.f32 $1.442695020e+00, v12  }
0x2f5: {  	v12 =	vld [tilespmem:s9+$0xC500];
	(erf) = vpow2.f32 v10  }
0x2f6: {  	v10 =	vld [tilespmem:s9+$0xBD00];
	(erf) = vpow2.f32 v11  }
0x2f7: {  	v11 =	vld [tilespmem:s9+$0xB500]  }
0x2f8: {  	v13 =	vld [tilespmem:s9+$0xAD00]  }
0x2f9: {  	v14 =	vld [tilespmem:s9+$0xA500]  }
0x2fa: {  	v15 =	vld [tilespmem:s9+$0x9D00];
	_ =	sdelay $0x1  }
0x2fb: {  	v12 =	vmul.f32 v12, v11  }
0x2fc: {  	v10 =	vmul.f32 v10, v13  }
0x2fd: {  	v16 =	vpop (erf)  }
0x2fe: {  	v12 =	vadd.f32 v12, v14;
	v10 =	vadd.f32 v10, v15;
	v13 =	vmul.f32 v16, v13;
	v14 =	vpop (erf)  }
0x2ff: {  	v11 =	vmul.f32 v14, v11  }
0x300: {  	v14 =	vsub.f32 v13, v10;
	v10 =	vmax.f32 v5, v10;
	v13 =	vmin.f32 v3, v13  }
0x301: {  	v15 =	vsub.f32 v11, v12;
	v11 =	vmin.f32 v2, v11;
	v10 =	vsub.f32 v13, v10  }
0x302: {  	v12 =	vmax.f32 v4, v12  }
0x303: {  	v11 =	vsub.f32 v11, v12;
	v13 =	vmul.f32 v15, v14;
	v10 =	vmax.f32 v10, $0.0e+00;
	_ =	sdelay $0x1  }
0x304: {  	v11 =	vmax.f32 v11, $0.0e+00;
	v12 =	vadd.f32 v13, v6  }
0x305: {  	v10 =	vmul.f32 v11, v10;
	_ =	sdelay $0x1  }
0x306: {  	v11 =	vsub.f32 v12, v10;
	_ =	sdelay $0x1  }
0x307: {  	v11 =	vadd.f32 $9.999999710e-10, v11;
	_ =	sdelay $0x1  }
0x308: {  	(erf) = vrcp.f32 v11;
	_ =	sdelay $0x7  }
0x309: {  	v11 =	vld [tilespmem:s14+$0x0]  }
0x30a: {  	v12 =	vpop (erf)  }
0x30b: {  	v10 =	vmul.f32 v12, v10;
	_ =	sdelay $0x1  }
0x30c: {  	vm0 =	vgt.f32 v10, $6.999999880e-01  }
0x30d: {  	v10 =	vsel vm0, $0xFF800000, v11;
	v11 =	vor.u32 s23, v0  }
0x30e: {  	[tilespmem:v7+s9+$0xFFFFFFC0 ss:$0x1] =	vst.idx.msk $0xffff, v10;
	vm0 =	veq.f32 v10, v8;
	vm1 =	vlt.s32 v11, v9  }
0x30f: {  	vm2 =	vgt.f32 v10, v8;
	vm0 =	vmand vm1, vm0;
	v12 =	vld [tilespmem:s9+$0xCD10]  }
0x310: {  	s3 =	sadd.s32 $0x10, s23;
	vm3 =	vmor vm2, vm0;
	v13 =	vld [tilespmem:s9+$0xD510]  }
0x311: {  	v9 =	vsel vm3, v11, v9;
	v11 =	vor.u32 s3, v0  }
0x312: {  	vm4 =	vlt.s32 v11, v9;
	_ =	sdelay $0x1  }
0x313: {  	v12 =	vmul.f32 $1.442695020e+00, v12  }
0x314: {  	v13 =	vmul.f32 $1.442695020e+00, v13  }
0x315: {  	(erf) = vpow2.f32 v12  }
0x316: {  	v12 =	vld [tilespmem:s9+$0xC510];
	(erf) = vpow2.f32 v13  }
0x317: {  	v13 =	vld [tilespmem:s9+$0xBD10]  }
0x318: {  	v14 =	vld [tilespmem:s9+$0xAD10]  }
0x319: {  	v15 =	vld [tilespmem:s9+$0xB510]  }
0x31a: {  	v16 =	vld [tilespmem:s9+$0x9D10]  }
0x31b: {  	v17 =	vld [tilespmem:s9+$0xA510];
	_ =	sdelay $0x1  }
0x31c: {  	v13 =	vmul.f32 v13, v14  }
0x31d: {  	v12 =	vmul.f32 v12, v15;
	v18 =	vpop (erf)  }
0x31e: {  	v13 =	vadd.f32 v13, v16;
	v14 =	vmul.f32 v18, v14;
	v16 =	vpop (erf)  }
0x31f: {  	v12 =	vadd.f32 v12, v17;
	v15 =	vmul.f32 v16, v15  }
0x320: {  	v16 =	vsub.f32 v14, v13;
	v13 =	vmax.f32 v5, v13;
	v14 =	vmin.f32 v3, v14  }
0x321: {  	v17 =	vsub.f32 v15, v12;
	v12 =	vmax.f32 v4, v12;
	v15 =	vmin.f32 v2, v15  }
0x322: {  	v13 =	vsub.f32 v14, v13;
	v12 =	vsub.f32 v15, v12  }
0x323: {  	v14 =	vmul.f32 v17, v16  }
0x324: {  	v13 =	vmax.f32 v13, $0.0e+00;
	v12 =	vmax.f32 v12, $0.0e+00  }
0x325: {  	v12 =	vmul.f32 v12, v13;
	v13 =	vadd.f32 v14, v6;
	_ =	sdelay $0x1  }
0x326: {  	v13 =	vsub.f32 v13, v12;
	_ =	sdelay $0x1  }
0x327: {  	v13 =	vadd.f32 $9.999999710e-10, v13;
	_ =	sdelay $0x1  }
0x328: {  	(erf) = vrcp.f32 v13;
	_ =	sdelay $0x7  }
0x329: {  	v13 =	vld [tilespmem:s2+$0x0]  }
0x32a: {  	v14 =	vpop (erf)  }
0x32b: {  	v12 =	vmul.f32 v14, v12;
	_ =	sdelay $0x1  }
0x32c: {  	vm0 =	vgt.f32 v12, $6.999999880e-01  }
0x32d: {  	v8 =	vsel vm3, v10, v8;
	v10 =	vsel vm0, $0xFF800000, v13  }
0x32e: {  	[tilespmem:v7+s9+$0xFFFFFFD0 ss:$0x1] =	vst.idx.msk $0xffff, v10;
	vm0 =	veq.f32 v10, v8  }
0x32f: {  	vm1 =	vgt.f32 v10, v8;
	vm0 =	vmand vm4, vm0;
	v12 =	vld [tilespmem:s9+$0xCD20]  }
0x330: {  	vm3 =	vmor vm1, vm0;
	v13 =	vld [tilespmem:s9+$0xD520]  }
0x331: {  	v9 =	vsel vm3, v11, v9;
	_ =	sdelay $0x2  }
0x332: {  	v11 =	vmul.f32 $1.442695020e+00, v12  }
0x333: {  	v12 =	vmul.f32 $1.442695020e+00, v13  }
0x334: {  	(erf) = vpow2.f32 v11  }
0x335: {  	v11 =	vld [tilespmem:s9+$0xC520];
	(erf) = vpow2.f32 v12  }
0x336: {  	v12 =	vld [tilespmem:s9+$0xBD20]  }
0x337: {  	v13 =	vld [tilespmem:s9+$0xB520]  }
0x338: {  	v14 =	vld [tilespmem:s9+$0xAD20]  }
0x339: {  	v15 =	vld [tilespmem:s9+$0xA520]  }
0x33a: {  	v16 =	vld [tilespmem:s9+$0x9D20];
	_ =	sdelay $0x1  }
0x33b: {  	v11 =	vmul.f32 v11, v13  }
0x33c: {  	v12 =	vmul.f32 v12, v14;
	v17 =	vpop (erf)  }
0x33d: {  	v14 =	vmul.f32 v17, v14;
	v17 =	vpop (erf)  }
0x33e: {  	v11 =	vadd.f32 v11, v15;
	v12 =	vadd.f32 v12, v16;
	v13 =	vmul.f32 v17, v13  }
0x33f: {  	v15 =	vmin.f32 v3, v14  }
0x340: {  	v16 =	vsub.f32 v13, v11;
	v11 =	vmax.f32 v4, v11;
	v13 =	vmin.f32 v2, v13  }
0x341: {  	v14 =	vsub.f32 v14, v12;
	v12 =	vmax.f32 v5, v12;
	v11 =	vsub.f32 v13, v11  }
0x342: {  	v12 =	vsub.f32 v15, v12  }
0x343: {  	v13 =	vmul.f32 v16, v14;
	v11 =	vmax.f32 v11, $0.0e+00  }
0x344: {  	v12 =	vmax.f32 v12, $0.0e+00  }
0x345: {  	v11 =	vmul.f32 v11, v12;
	v12 =	vadd.f32 v13, v6;
	_ =	sdelay $0x1  }
0x346: {  	v12 =	vsub.f32 v12, v11;
	_ =	sdelay $0x1  }
0x347: {  	v12 =	vadd.f32 $9.999999710e-10, v12;
	_ =	sdelay $0x1  }
0x348: {  	(erf) = vrcp.f32 v12;
	_ =	sdelay $0x7  }
0x349: {  	v12 =	vld [tilespmem:s28+$0x0]  }
0x34a: {  	v13 =	vpop (erf)  }
0x34b: {  	v11 =	vmul.f32 v13, v11;
	_ =	sdelay $0x1  }
0x34c: {  	s2 =	sadd.s32 $0x20, s23;
	vm0 =	vgt.f32 v11, $6.999999880e-01  }
0x34d: {  	v10 =	vsel vm3, v10, v8;
	v8 =	vor.u32 s2, v0;
	v11 =	vsel vm0, $0xFF800000, v12  }
0x34e: {  	vm1 =	vlt.s32 v8, v9;
	[tilespmem:v7+s9+$0xFFFFFFE0 ss:$0x1] =	vst.idx.msk $0xffff, v11;
	vm0 =	vgt.f32 v11, v10  }
0x34f: {  	vm2 =	veq.f32 v11, v10;
	v12 =	vld [tilespmem:s9+$0xCD30]  }
0x350: {  	vm1 =	vmand vm1, vm2;
	v13 =	vld [tilespmem:s9+$0xD530]  }
0x351: {  	vm3 =	vmor vm0, vm1;
	v14 =	vld [tilespmem:s9+$0xAD30]  }
0x352: {  	v8 =	vsel vm3, v8, v9;
	v9 =	vld [tilespmem:s9+$0xBD30]  }
0x353: {  	v15 =	vld [tilespmem:s9+$0xB530]  }
0x354: {  	v16 =	vld [tilespmem:s9+$0xC530];
	v12 =	vmul.f32 $1.442695020e+00, v12  }
0x355: {  	v17 =	vld [tilespmem:s9+$0x9D30];
	v13 =	vmul.f32 $1.442695020e+00, v13  }
0x356: {  	v18 =	vld [tilespmem:s9+$0xA530];
	(erf) = vpow2.f32 v12  }
0x357: {  	v9 =	vmul.f32 v9, v14;
	(erf) = vpow2.f32 v13;
	_ =	sdelay $0x1  }
0x358: {  	v12 =	vmul.f32 v16, v15;
	_ =	sdelay $0x5  }
0x359: {  	v13 =	vpop (erf)  }
0x35a: {  	v9 =	vadd.f32 v9, v17;
	v13 =	vmul.f32 v13, v14;
	v14 =	vpop (erf)  }
0x35b: {  	v12 =	vadd.f32 v12, v18;
	v14 =	vmul.f32 v14, v15  }
0x35c: {  	v15 =	vsub.f32 v13, v9;
	v9 =	vmax.f32 v5, v9;
	v13 =	vmin.f32 v3, v13  }
0x35d: {  	v16 =	vsub.f32 v14, v12;
	v12 =	vmax.f32 v4, v12;
	v14 =	vmin.f32 v2, v14  }
0x35e: {  	v9 =	vsub.f32 v13, v9;
	v12 =	vsub.f32 v14, v12  }
0x35f: {  	v13 =	vmul.f32 v16, v15  }
0x360: {  	v9 =	vmax.f32 v9, $0.0e+00;
	v12 =	vmax.f32 v12, $0.0e+00  }
0x361: {  	v9 =	vmul.f32 v12, v9;
	v12 =	vadd.f32 v13, v6;
	_ =	sdelay $0x1  }
0x362: {  	v12 =	vsub.f32 v12, v9;
	_ =	sdelay $0x1  }
0x363: {  	v12 =	vadd.f32 $9.999999710e-10, v12;
	_ =	sdelay $0x1  }
0x364: {  	(erf) = vrcp.f32 v12;
	_ =	sdelay $0x7  }
0x365: {  	v12 =	vld [tilespmem:s26+$0x0]  }
0x366: {  	v13 =	vpop (erf)  }
0x367: {  	v9 =	vmul.f32 v13, v9;
	_ =	sdelay $0x1  }
0x368: {  	s2 =	sadd.s32 $0x30, s23;
	vm0 =	vgt.f32 v9, $6.999999880e-01  }
0x369: {  	v9 =	vsel vm3, v11, v10;
	v11 =	vor.u32 s2, v0;
	v10 =	vsel vm0, $0xFF800000, v12  }
0x36a: {  	vm1 =	vlt.s32 v11, v8;
	[tilespmem:v7+s9+$0xFFFFFFF0 ss:$0x1] =	vst.idx.msk $0xffff, v10;
	vm0 =	veq.f32 v10, v9  }
0x36b: {  	vm2 =	vgt.f32 v10, v9;
	vm0 =	vmand vm1, vm0;
	v12 =	vld [tilespmem:s9+$0xCD40]  }
0x36c: {  	vm3 =	vmor vm2, vm0;
	v13 =	vld [tilespmem:s9+$0xBD40]  }
0x36d: {  	v14 =	vld [tilespmem:s9+$0xD540]  }
0x36e: {  	v15 =	vld [tilespmem:s9+$0xAD40]  }
0x36f: {  	v16 =	vld [tilespmem:s9+$0xB540]  }
0x370: {  	v17 =	vld [tilespmem:s9+$0xC540];
	v12 =	vmul.f32 $1.442695020e+00, v12  }
0x371: {  	v18 =	vld [tilespmem:s9+$0x9D40]  }
0x372: {  	v19 =	vld [tilespmem:s9+$0xA540];
	v14 =	vmul.f32 $1.442695020e+00, v14;
	(erf) = vpow2.f32 v12  }
0x373: {  	v12 =	vld [tilespmem:s25+$0x0]  }
0x374: {  	(erf) = vpow2.f32 v14  }
0x375: {  	v14 =	vmul.f32 v17, v16;
	_ =	sdelay $0x4  }
0x376: {  	v13 =	vmul.f32 v13, v15  }
0x377: {  	v17 =	vpop (erf)  }
0x378: {  	v13 =	vadd.f32 v13, v18;
	v15 =	vmul.f32 v17, v15  }
0x379: {  	v14 =	vadd.f32 v14, v19;
	v17 =	vpop (erf)  }
0x37a: {  	v16 =	vmul.f32 v17, v16;
	v17 =	vsub.f32 v15, v13;
	v13 =	vmax.f32 v5, v13  }
0x37b: {  	v18 =	vmax.f32 v4, v14;
	v15 =	vmin.f32 v3, v15  }
0x37c: {  	v13 =	vsub.f32 v15, v13;
	v14 =	vsub.f32 v16, v14;
	v16 =	vmin.f32 v2, v16  }
0x37d: {  	v15 =	vsub.f32 v16, v18  }
0x37e: {  	v13 =	vmax.f32 v13, $0.0e+00;
	v14 =	vmul.f32 v14, v17  }
0x37f: {  	v15 =	vmax.f32 v15, $0.0e+00  }
0x380: {  	v13 =	vmul.f32 v15, v13;
	v14 =	vadd.f32 v14, v6;
	_ =	sdelay $0x1  }
.Ltmp14:
0x381: {  	v14 =	vsub.f32 v14, v13;
	(pc) =	sbr.rel @p1 .LBB2_16-.Ltmp14, $3  }
0x382: {  	_ = 	snop  }
0x383: {  	v14 =	vadd.f32 $9.999999710e-10, v14;
	_ =	sdelay $0x1  }
0x384: {  	(erf) = vrcp.f32 v14  }
0x385: {  	_ =	sdelay $0x7  }
0x386: {  	v14 =	vpop (erf)  }
0x387: {  	v13 =	vmul.f32 v14, v13  }
0x388: {  	s24 =	sadd.s32 $0x1, s24  }
0x389: {  	v63 =	vor.u32 s10, v0;
	p1 =	sne.s32 s24, $0xA;
	vm0 =	vgt.f32 v13, $6.999999880e-01  }
.Ltmp15:
0x38a: {  	v9 =	vsel vm3, v10, v9;
	v10 =	vsel vm3, v11, v8;
	v8 =	vsel vm0, $0xFF800000, v12;
	(pc) =	sbr.rel @p1 .LBB2_15-.Ltmp15, $4  }
0x38b: {  	vm1 =	vlt.s32 v63, v10;
	vm0 =	veq.f32 v8, v9  }
0x38c: {  	vm2 =	vgt.f32 v8, v9;
	vm0 =	vmand vm1, vm0  }
0x38d: {  	vm0 =	vmor vm2, vm0  }
0x38e: {  	s12 =	sadd.s32 $0x7D0, s12;
	s0 =	sadd.s32 $0x7D0, s0;
	s1 =	sadd.s32 $0x7D0, s1;
	[tilespmem:v7+s9+$0x0 ss:$0x1] =	vst.idx.msk $0xffff, v8;
	v8 =	vsel vm0, v8, v9;
	v9 =	vsel vm0, v63, v10  }
0x38f: {  	(v2sf) =	vpush v8, $0x0  }
0x390: {  	(v2sf) =	vpush v9, $0x0;
	_ =	sdelay $0x1  }
0x391: {  	(v2sf) =	vpush v8, $0x1  }
0x392: {  	(v2sf) =	vpush v9, $0x1;
	_ =	sdelay $0x4  }
0x393: {  	(v2sf) =	vpush v8, $0x2  }
0x394: {  	(v2sf) =	vpush v9, $0x2;
	_ =	sdelay $0x4  }
0x395: {  	s0 =	spop (v2sf);
	(v2sf) =	vpush v8, $0x3  }
0x396: {  	s1 =	spop (v2sf);
	(v2sf) =	vpush v9, $0x3;
	_ =	sdelay $0x1  }
0x397: {  	s2 =	spop (v2sf)  }
0x398: {  	s3 =	spop (v2sf);
	p0 =	seq.f32 s2, s0  }
0x399: {  	p1 =	slt.s32 s3, s1  }
0x39a: {  	(v2sf) =	vpush v8, $0x4;
	p2 =	sgt.f32 s2, s0;
	p0 =	por !p0, !p1  }
0x39b: {  	p0 =	por !p0, !p0  }
0x39c: {  	p0 =	por p2, p0  }
0x39d: {  	(v2sf) =	vpush v9, $0x4;
	s0 =	smov.u32 @p0 s2;
	s2 =	spop (v2sf)  }
0x39e: {  	s1 =	smov.u32 @p0 s3;
	s3 =	spop (v2sf);
	p1 =	seq.f32 s2, s0  }
0x39f: {  	p2 =	slt.s32 s3, s1  }
0x3a0: {  	p3 =	sgt.f32 s2, s0;
	p0 =	por !p1, !p2  }
0x3a1: {  	p0 =	por !p0, !p0  }
0x3a2: {  	(v2sf) =	vpush v8, $0x5;
	p0 =	por p3, p0  }
0x3a3: {  	s0 =	smov.u32 @p0 s2;
	s2 =	spop (v2sf);
	(v2sf) =	vpush v9, $0x5  }
0x3a4: {  	s1 =	smov.u32 @p0 s3;
	s3 =	spop (v2sf);
	p4 =	seq.f32 s2, s0  }
0x3a5: {  	p5 =	slt.s32 s3, s1  }
0x3a6: {  	p6 =	sgt.f32 s2, s0;
	p0 =	por !p4, !p5  }
0x3a7: {  	p0 =	por !p0, !p0  }
0x3a8: {  	(v2sf) =	vpush v8, $0x6;
	p0 =	por p6, p0  }
0x3a9: {  	s0 =	smov.u32 @p0 s2;
	s2 =	spop (v2sf);
	(v2sf) =	vpush v9, $0x6;
	_ =	sdelay $0x2  }
0x3aa: {  	s1 =	smov.u32 @p0 s3;
	s3 =	spop (v2sf);
	p1 =	seq.f32 s2, s0  }
0x3ab: {  	p2 =	slt.s32 s3, s1  }
0x3ac: {  	p3 =	sgt.f32 s2, s0;
	(v2sf) =	vpush v8, $0x7;
	p0 =	por !p1, !p2  }
0x3ad: {  	p0 =	por !p0, !p0  }
0x3ae: {  	p0 =	por p3, p0  }
0x3af: {  	s0 =	smov.u32 @p0 s2;
	s2 =	spop (v2sf);
	(v2sf) =	vpush v9, $0x7  }
0x3b0: {  	s1 =	smov.u32 @p0 s3;
	p4 =	seq.f32 s2, s0;
	s3 =	spop (v2sf)  }
0x3b1: {  	p5 =	slt.s32 s3, s1  }
0x3b2: {  	p6 =	sgt.f32 s2, s0;
	p0 =	por !p4, !p5  }
0x3b3: {  	p0 =	por !p0, !p0  }
0x3b4: {  	(v2sf) =	vpush v8, $0x8;
	p0 =	por p6, p0  }
0x3b5: {  	s0 =	smov.u32 @p0 s2;
	s2 =	spop (v2sf);
	(v2sf) =	vpush v9, $0x8  }
0x3b6: {  	s1 =	smov.u32 @p0 s3;
	s3 =	spop (v2sf);
	p1 =	seq.f32 s2, s0  }
0x3b7: {  	p2 =	slt.s32 s3, s1  }
0x3b8: {  	p3 =	sgt.f32 s2, s0;
	p0 =	por !p1, !p2  }
0x3b9: {  	p0 =	por !p0, !p0  }
0x3ba: {  	(v2sf) =	vpush v8, $0x9;
	p0 =	por p3, p0  }
0x3bb: {  	s0 =	smov.u32 @p0 s2;
	s2 =	spop (v2sf);
	(v2sf) =	vpush v9, $0x9;
	_ =	sdelay $0x2  }
0x3bc: {  	s1 =	smov.u32 @p0 s3;
	s3 =	spop (v2sf);
	p4 =	seq.f32 s2, s0  }
0x3bd: {  	p5 =	slt.s32 s3, s1  }
0x3be: {  	p6 =	sgt.f32 s2, s0;
	(v2sf) =	vpush v8, $0xA;
	p0 =	por !p4, !p5  }
0x3bf: {  	p0 =	por !p0, !p0  }
0x3c0: {  	p0 =	por p6, p0  }
0x3c1: {  	s0 =	smov.u32 @p0 s2;
	s2 =	spop (v2sf);
	(v2sf) =	vpush v9, $0xA  }
0x3c2: {  	s1 =	smov.u32 @p0 s3;
	p1 =	seq.f32 s2, s0;
	s3 =	spop (v2sf)  }
0x3c3: {  	p2 =	slt.s32 s3, s1  }
0x3c4: {  	p3 =	sgt.f32 s2, s0;
	p0 =	por !p1, !p2  }
0x3c5: {  	p0 =	por !p0, !p0  }
0x3c6: {  	(v2sf) =	vpush v8, $0xB;
	p0 =	por p3, p0  }
0x3c7: {  	s0 =	smov.u32 @p0 s2;
	s2 =	spop (v2sf);
	(v2sf) =	vpush v9, $0xB  }
0x3c8: {  	s1 =	smov.u32 @p0 s3;
	s3 =	spop (v2sf);
	p4 =	seq.f32 s2, s0  }
0x3c9: {  	p5 =	slt.s32 s3, s1  }
0x3ca: {  	p6 =	sgt.f32 s2, s0;
	p0 =	por !p4, !p5  }
0x3cb: {  	p0 =	por !p0, !p0  }
0x3cc: {  	(v2sf) =	vpush v8, $0xC;
	p0 =	por p6, p0  }
0x3cd: {  	s0 =	smov.u32 @p0 s2;
	s2 =	spop (v2sf);
	(v2sf) =	vpush v9, $0xC;
	_ =	sdelay $0x2  }
0x3ce: {  	s1 =	smov.u32 @p0 s3;
	s3 =	spop (v2sf);
	p1 =	seq.f32 s2, s0  }
0x3cf: {  	p2 =	slt.s32 s3, s1  }
0x3d0: {  	p3 =	sgt.f32 s2, s0;
	(v2sf) =	vpush v8, $0xD;
	p0 =	por !p1, !p2  }
0x3d1: {  	p0 =	por !p0, !p0  }
0x3d2: {  	p0 =	por p3, p0  }
0x3d3: {  	s0 =	smov.u32 @p0 s2;
	s2 =	spop (v2sf);
	(v2sf) =	vpush v9, $0xD  }
0x3d4: {  	s1 =	smov.u32 @p0 s3;
	p4 =	seq.f32 s2, s0;
	s3 =	spop (v2sf)  }
0x3d5: {  	p5 =	slt.s32 s3, s1  }
0x3d6: {  	p6 =	sgt.f32 s2, s0;
	p0 =	por !p4, !p5  }
0x3d7: {  	p0 =	por !p0, !p0  }
0x3d8: {  	(v2sf) =	vpush v8, $0xE;
	p0 =	por p6, p0  }
0x3d9: {  	s0 =	smov.u32 @p0 s2;
	s2 =	spop (v2sf);
	(v2sf) =	vpush v9, $0xE  }
0x3da: {  	s1 =	smov.u32 @p0 s3;
	s3 =	spop (v2sf);
	p1 =	seq.f32 s2, s0  }
0x3db: {  	p2 =	slt.s32 s3, s1  }
0x3dc: {  	p3 =	sgt.f32 s2, s0;
	p0 =	por !p1, !p2  }
0x3dd: {  	p0 =	por !p0, !p0  }
0x3de: {  	(v2sf) =	vpush v8, $0xF;
	p0 =	por p3, p0  }
0x3df: {  	s0 =	smov.u32 @p0 s2;
	s2 =	spop (v2sf);
	(v2sf) =	vpush v9, $0xF;
	_ =	sdelay $0x2  }
0x3e0: {  	s1 =	smov.u32 @p0 s3;
	s3 =	spop (v2sf);
	p4 =	seq.f32 s2, s0  }
0x3e1: {  	p5 =	slt.s32 s3, s1  }
0x3e2: {  	p6 =	sgt.f32 s2, s0;
	p0 =	por !p4, !p5  }
0x3e3: {  	p0 =	por !p0, !p0  }
0x3e4: {  	p0 =	por p6, p0  }
0x3e5: {  	s0 =	smov.u32 @p0 s2;
	s2 =	spop (v2sf)  }
0x3e6: {  	s1 =	smov.u32 @p0 s3;
	p1 =	seq.f32 s2, s0;
	s3 =	spop (v2sf)  }
0x3e7: {  	p2 =	slt.s32 s3, s1  }
0x3e8: {  	p3 =	sgt.f32 s2, s0;
	p0 =	por !p1, !p2  }
0x3e9: {  	p0 =	por !p0, !p0  }
0x3ea: {  	p0 =	por p3, p0  }
0x3eb: {  	s0 =	smov.u32 @p0 s2;
	s2 =	spop (v2sf)  }
0x3ec: {  	s1 =	smov.u32 @p0 s3;
	s3 =	spop (v2sf);
	p4 =	seq.f32 s2, s0  }
0x3ed: {  	p5 =	slt.s32 s3, s1  }
0x3ee: {  	p6 =	sgt.f32 s2, s0;
	p0 =	por !p4, !p5  }
0x3ef: {  	p0 =	por !p0, !p0  }
0x3f0: {  	p0 =	por p6, p0  }
0x3f1: {  	s0 =	smov.u32 @p0 s2  }
0x3f2: {  	p1 =	sne.f32 s0, $-Inf  }
.Ltmp16:
0x3f3: {  	_ = 	snop;
	(pc) =	sbr.rel @!p1 .LBB2_19-.Ltmp16, $4  }
.Ltmp17:
0x3f4: {  	_ = 	snop;
	(pc) =	sbr.rel @p1 .LBB2_20-.Ltmp17, $4  }
0x3f5: {  	_ = 	snop  }
0x3f6: {  	s1 =	smov.u32 @p0 s3;
	[smem:$0x80] =	sst s0  }
0x3f7: {  	[smem:$0x1] =	sst s1;
	s1 =	simm.s32 $0x2  }
0x3f8: {  	_ = 	snop  }
.LBB2_23:
0x3f9: {  	s2 =	sld [smem:$0x2]  }
0x3fa: {  	s0 =	sld [smem:$0x0];
	_ =	sdelay $0x1  }
0x3fb: {  	s12 =	sshra.s32 s2, $0x4  }
0x3fc: {  	p0 =	seq.s32 s0, $0x2;
	s0 =	simm.s32 $0x85;
	p1 =	sgt.s32 s12, $0x17  }
.Ltmp18:
0x3fd: {  	s1 =	simm.s32 $0x86;
	s0 =	simm.s32 @!p0 $0x81;
	(pc) =	sbr.rel @p1 .LBB2_30-.Ltmp18, $4  }
0x3fe: {  	s3 =	simm.s32 $0x87;
	s1 =	simm.s32 @!p0 $0x82;
	s0 =	sld [smem:s0+$0x0]  }
0x3ff: {  	s4 =	simm.s32 $0x88;
	s3 =	simm.s32 @!p0 $0x83;
	s1 =	sld [smem:s1+$0x0]  }
0x400: {  	s4 =	simm.s32 @!p0 $0x84;
	s9 =	sld [smem:s3+$0x0]  }
0x401: {  	v2 =	vmov s2;
	s10 =	sld [smem:s4+$0x0]  }
0x402: {  	s6 =	ssub.s32 $0x18, s12  }
0x403: {  	s3 =	simm.s32 $0x4;
	p1 =	sne.s32 s6, $0x1  }
.Ltmp19:
0x404: {  	s3 =	simm.s32 @!p0 $0x3;
	(pc) =	sbr.rel @!p1 .LBB2_25-.Ltmp19, $4  }
0x405: {  	s4 =	sshll.u32 s12, $0x6;
	s3 =	sld [smem:s3+$0x0]  }
0x406: {  	s4 =	sshra.s32 s4, $0x2  }
0x407: {  	s11 =	sadd.s32 $0xDE00, s4  }
0x408: {  	s12 =	sshll.u32 s12, $0x4;
	s13 =	sadd.s32 $0xFFFFFFFF, s6;
	p0 =	por $0x0, $0x0;
	v4 =	vld [tilespmem:s11+$0x0];
	v3 =	vmov s3  }
0x409: {  	_ = 	snop  }
0x40a: {  	p1 =	sne.s32 s13, $0x1  }
.Ltmp20:
0x40b: {  	v5 =	vor.u32 s12, v0;
	(pc) =	sbr.rel @!p1 .LBB2_27-.Ltmp20, $4  }
0x40c: {  	vm0 =	vlt.s32 v5, v2  }
0x40d: {  	v4 =	vsel vm0, v4, v3  }
0x40e: {  	[tilespmem:s11+$0x0] =	vst v4;
	s11 =	sadd.s32 $0x10, s11  }
0x40f: {  	s14 =	sadd.s32 $0xFFFFFFFF, s13;
	p0 =	por $0x1, $0x1;
	s13 =	smov.u32 s12;
	v4 =	vld [tilespmem:s11+$0x0]  }
.LBB2_28:
0x410: {  	p1 =	sne.s32 s14, $0x1  }
0x411: {  	s13 =	sadd.s32 $0x10, s13  }
.Ltmp21:
0x412: {  	v5 =	vor.u32 s13, v0;
	(pc) =	sbr.rel @p1 .LBB2_28-.Ltmp21, $4  }
0x413: {  	vm0 =	vlt.s32 v5, v2  }
0x414: {  	v4 =	vsel vm0, v4, v3  }
0x415: {  	[tilespmem:s11+$0x0] =	vst v4;
	s11 =	sadd.s32 $0x10, s11  }
0x416: {  	s14 =	sadd.s32 $0xFFFFFFFF, s14;
	v4 =	vld [tilespmem:s11+$0x0]  }
.LBB2_29:
0x417: {  	s3 =	sadd.s32 @p0 $0x10, s13  }
0x418: {  	s12 =	smov.u32 @p0 s3  }
0x419: {  	v5 =	vor.u32 s12, v0  }
0x41a: {  	vm0 =	vlt.s32 v5, v2  }
0x41b: {  	v3 =	vsel vm0, v4, v3  }
0x41c: {  	[tilespmem:s11+$0x0] =	vst v3  }
.LBB2_30:
0x41d: {  	s2 =	sshra.s32 s2, $0x2  }
0x41e: {  	p0 =	sgt.s32 s2, $0x5F  }
.Ltmp22:
0x41f: {  	_ = 	snop;
	(pc) =	sbr.rel @p0 .LBB2_37-.Ltmp22, $2  }
0x420: {  	_ =	sdelay $0x2  }
0x421: {  	s3 =	rddreg [dreg:$0x8]  }
0x422: {  	v4 =	vld [tilespmem:$0x1FFD0];
	_ =	sdelay $0x4  }
0x423: {  	vm0 =	vnez.u8 v4;
	v4 =	vld [tilespmem:$0x1FFE0];
	_ =	sdelay $0x4  }
0x424: {  	s4 =	ssub.s32 $0x60, s2;
	vm14 =	vnez.u8 v4;
	v4 =	vld [tilespmem:$0x1FFF0]  }
0x425: {  	p1 =	sne.s32 s4, $0x1  }
.Ltmp23:
0x426: {  	_ = 	snop;
	(pc) =	sbr.rel @!p1 .LBB2_32-.Ltmp23, $4  }
0x427: {  	v3 =	vmov s9;
	s3 =	sshll.u32 s2, $0x6  }
0x428: {  	s3 =	sshra.s32 s3, $0x2;
	v3 =	vsel vm0, s10, v3  }
0x429: {  	v3 =	vnsel vm14, s1, v3;
	s1 =	sadd.s32 $0xDF80, s3;
	vm15 =	vnez.u8 v4  }
0x42a: {  	p0 =	por $0x0, $0x0;
	v4 =	vld [tilespmem:s1+$0x0];
	v3 =	vnsel vm15, s0, v3;
	s0 =	sshll.u32 s2, $0x4;
	s2 =	sadd.s32 $0xFFFFFFFF, s4  }
0x42b: {  	_ = 	snop  }
0x42c: {  	v5 =	vor.u32 s0, v0;
	p1 =	sne.s32 s2, $0x1  }
.Ltmp24:
0x42d: {  	v5 =	vshra.s32 v5, $0x2;
	(pc) =	sbr.rel @!p1 .LBB2_34-.Ltmp24, $4  }
0x42e: {  	vm0 =	vlt.s32 v5, v2  }
0x42f: {  	v4 =	vsel vm0, v4, v3  }
0x430: {  	[tilespmem:s1+$0x0] =	vst v4;
	s1 =	sadd.s32 $0x10, s1  }
0x431: {  	s9 =	sadd.s32 $0xFFFFFFFF, s2;
	p0 =	por $0x1, $0x1;
	s2 =	smov.u32 s0;
	v4 =	vld [tilespmem:s1+$0x0]  }
.LBB2_35:
0x432: {  	p1 =	sne.s32 s9, $0x1;
	s2 =	sadd.s32 $0x10, s2  }
0x433: {  	v5 =	vor.u32 s2, v0  }
.Ltmp25:
0x434: {  	v5 =	vshra.s32 v5, $0x2;
	(pc) =	sbr.rel @p1 .LBB2_35-.Ltmp25, $4  }
0x435: {  	vm0 =	vlt.s32 v5, v2  }
0x436: {  	v4 =	vsel vm0, v4, v3  }
0x437: {  	[tilespmem:s1+$0x0] =	vst v4;
	s1 =	sadd.s32 $0x10, s1  }
0x438: {  	s9 =	sadd.s32 $0xFFFFFFFF, s9;
	v4 =	vld [tilespmem:s1+$0x0]  }
.Ltmp26:
0x439: {  	_ = 	snop;
	(pc) =	sbr.rel .LBB2_36-.Ltmp26, $1  }
0x43a: {  	_ =	sdelay $0x3  }
.LBB2_25:
.Ltmp27:
0x43b: {  	(pc) =	sbr.rel .LBB2_29-.Ltmp27, $2  }
0x43c: {  	_ =	sdelay $0x2  }
0x43d: {  	s13 =	smov.u32 s12  }
.LBB2_27:
.Ltmp28:
0x43e: {  	(pc) =	sbr.rel .LBB2_29-.Ltmp28, $2  }
0x43f: {  	_ =	sdelay $0x2  }
0x440: {  	s13 =	smov.u32 s12  }
.LBB2_34:
.Ltmp29:
0x441: {  	(pc) =	sbr.rel .LBB2_36-.Ltmp29, $2  }
0x442: {  	_ =	sdelay $0x2  }
0x443: {  	s2 =	smov.u32 s0  }
.LBB2_38:
0x444: {  	_ =	sfence.sel $0x180000  }
0x445: {  	[bflag:$0x0] =	sbarrier.arrive $0xFFFF  }
0x446: {  	_ =	strace $0x90000047  }
0x447: {  	s0 =	stileid.u32;
	[bflag:$0x2] =	sbarrier.arrive $0xFFFF  }
0x448: {  	p0 =	sne.s32 s0, $0x0;
	s0 =	rddreg [dreg:$0x2]  }
0x449: {  	s0 =	sadd.s32 @!p0 $0x100000, s0  }
0x44a: {  	[sflag:s0] =	ssyncadd.tile.s32 @!p0 $0x1;
	_ =	shalt  }
.Lfunc_end2:
_tile_overlayer_lowered:
.L_overlay_start_2:
0x44b: {  	(tag) =	ssettag $0x2  }
0x44c: {  	s0 =	rddreg [dreg:$0x0];
	s2 =	stileid.u32  }
0x44d: {  	s1 =	rddreg [dreg:$0x1];
	p0 =	sne.s32 s2, $0x0  }
0x44e: {  	s3 =	rddreg [dreg:$0x2];
	[bflag:$0x3] =	sbarrier.arrive $0xFFFF;
	s2 =	simm.s32 @!p0 $0x1C02  }
0x44f: {  	[timem:s3], [sflag:s2] =	dma.local @!p0 [hbm:s0], s1  }
0x450: {  	s0 =	simm.s32 @!p0 $0x2  }
0x451: {  	_ =	swait.ge @!p0 [sflag:s0], s1  }
0x452: {  	s1 =	ssub.s32 @!p0 $0x0, s1;
	[sflag:s0] =	ssyncset.done @!p0 $0x0  }
0x453: {  	[sflag:s0] =	ssyncadd.s32 @!p0 s1  }
0x454: {  	[bflag:$0x3] =	sbarrier.arrive $0xFFFF  }
0x455: {  	_ =	shalt  }

</sc_bundles>
